<compile_context>
chip_gen: v7x
topology: tpu7x:2x2x1
jax: 0.10.2.dev20260603
libtpu: 0.0.44.dev20260713+nightly
codegen_flags: <defaults>
</compile_context>

<pallas_src>
import functools

import jax
import jax.numpy as jnp
from jax import lax
from jax.experimental import pallas as pl
from jax.experimental.pallas import tpu as pltpu
from jax.experimental.pallas import tpu_sc as plsc

N = 10000
E = 320000
SVG = 128
PCAP = 64
H = 128
NPROC = 128
NIPS = 1024
G = 64

NC = 2
NS = 16
NW = NC * NS

C = 128
EPW = E // NW
NCHF = EPW // C
CT = EPW - NCHF * C

NP = 10240
RPT = NP // NS



def _mesh():
  return plsc.VectorSubcoreMesh(
      core_axis_name="c", subcore_axis_name="s", num_cores=NC, num_subcores=NS
  )


def _deg_body(dst_hbm, out_hbm, didx_all, ones_v, zeros_v, acc, sem):
  cid = lax.axis_index("c")
  sid = lax.axis_index("s")
  wid = cid * NS + sid
  ebase = wid * EPW
  pltpu.async_copy(dst_hbm.at[pl.ds(ebase, EPW)], didx_all, sem)

  def fill(i, carry):
    zeros_v[pl.ds(i * 16, 16)] = jnp.zeros((16,), jnp.float32)
    return carry

  lax.fori_loop(0, RPT // 16, fill, 0)

  def fill1(i, carry):
    ones_v[pl.ds(i * 16, 16)] = jnp.ones((16,), jnp.float32)
    return carry

  lax.fori_loop(0, C // 16, fill1, 0)

  pltpu.sync_copy(zeros_v, acc.at[pl.ds(sid * RPT, RPT)])
  pltpu.make_async_copy(dst_hbm.at[pl.ds(0, EPW)], didx_all, sem).wait()
  plsc.subcore_barrier()

  def body(i, carry):
    pltpu.sync_copy(ones_v, acc.at[didx_all.at[pl.ds(i * C, C)]], add=True)
    return carry

  lax.fori_loop(0, NCHF, body, 0)
  pltpu.sync_copy(ones_v.at[pl.ds(0, CT)],
                  acc.at[didx_all.at[pl.ds(NCHF * C, CT)]], add=True)

  plsc.subcore_barrier()
  pltpu.sync_copy(acc.at[pl.ds(sid * RPT, RPT)],
                  out_hbm.at[pl.ds(cid * NP + sid * RPT, RPT)])


@functools.cache
def _deg_call():
  return pl.kernel(
      _deg_body,
      out_type=jax.ShapeDtypeStruct((NC * NP,), jnp.float32),
      mesh=_mesh(),
      scratch_types=[
          pltpu.VMEM((EPW,), jnp.int32),
          pltpu.VMEM((C,), jnp.float32),
          pltpu.VMEM((RPT,), jnp.float32),
          pltpu.VMEM_SHARED((NP,), jnp.float32),
          pltpu.SemaphoreType.DMA,
      ],
  )


def _scat_body(src_hbm, dst_hbm, table_hbm, out_hbm,
               sidx0, sidx1, sidxt, didx_all, rows0, rows1, rowst, zbuf, acc,
               semi0, semi1, sem0, sem1):
  cid = lax.axis_index("c")
  sid = lax.axis_index("s")
  wid = cid * NS + sid
  ebase = wid * EPW

  def load_sidx(j, sidx, semi):
    pltpu.async_copy(src_hbm.at[pl.ds(ebase + j * C, C)], sidx, semi)

  def wait_sidx(sidx, semi):
    pltpu.make_async_copy(src_hbm.at[pl.ds(ebase, C)], sidx, semi).wait()

  def didx(j):
    return didx_all.at[pl.ds(j * C, C)]

  pltpu.async_copy(dst_hbm.at[pl.ds(ebase, EPW)], didx_all, semi0)
  load_sidx(0, sidx0, semi0)
  load_sidx(1, sidx1, semi1)
  for r in range(16):
    for g in range(H // 16):
      zbuf[r, pl.ds(g * 16, 16)] = jnp.zeros((16,), jnp.float32)
  for q in range(RPT // 16):
    pltpu.sync_copy(zbuf, acc.at[pl.ds(sid * RPT + q * 16, 16)])
  pltpu.make_async_copy(dst_hbm.at[pl.ds(0, EPW)], didx_all, semi0).wait()
  wait_sidx(sidx0, semi0)
  plsc.subcore_barrier()
  pltpu.async_copy(table_hbm.at[sidx0], rows0, sem0)

  def half(j, sidx_a, semi_a, rows_a, sem_a, sidx_b, semi_b, rows_b, sem_b):
    wait_sidx(sidx_b, semi_b)
    pltpu.async_copy(table_hbm.at[sidx_b], rows_b, sem_b)
    pltpu.make_async_copy(table_hbm.at[sidx_a], rows_a, sem_a).wait()
    pltpu.sync_copy(rows_a, acc.at[didx(j)], add=True)
    load_sidx(j + 2, sidx_a, semi_a)

  def body(i, carry):
    j = 2 * i
    half(j, sidx0, semi0, rows0, sem0, sidx1, semi1, rows1, sem1)
    half(j + 1, sidx1, semi1, rows1, sem1, sidx0, semi0, rows0, sem0)
    return carry

  lax.fori_loop(0, NCHF // 2 - 1, body, 0)
  wait_sidx(sidx1, semi1)
  pltpu.async_copy(table_hbm.at[sidx1], rows1, sem1)
  pltpu.async_copy(src_hbm.at[pl.ds(ebase + NCHF * C, CT)], sidxt, semi0)
  pltpu.make_async_copy(table_hbm.at[sidx0], rows0, sem0).wait()
  pltpu.sync_copy(rows0, acc.at[didx(NCHF - 2)], add=True)
  pltpu.make_async_copy(src_hbm.at[pl.ds(ebase, CT)], sidxt, semi0).wait()
  pltpu.async_copy(table_hbm.at[sidxt], rowst, sem0)
  pltpu.make_async_copy(table_hbm.at[sidx1], rows1, sem1).wait()
  pltpu.sync_copy(rows1, acc.at[didx(NCHF - 1)], add=True)
  pltpu.make_async_copy(table_hbm.at[sidxt], rowst, sem0).wait()
  pltpu.sync_copy(rowst, acc.at[didx_all.at[pl.ds(NCHF * C, CT)]], add=True)

  plsc.subcore_barrier()
  pltpu.sync_copy(acc.at[pl.ds(sid * RPT, RPT)],
                  out_hbm.at[cid, pl.ds(sid * RPT, RPT)])


@functools.cache
def _scat_call():
  return pl.kernel(
      _scat_body,
      out_type=jax.ShapeDtypeStruct((NC, NP, H), jnp.float32),
      mesh=_mesh(),
      scratch_types=[
          pltpu.VMEM((C,), jnp.int32),
          pltpu.VMEM((C,), jnp.int32),
          pltpu.VMEM((CT,), jnp.int32),
          pltpu.VMEM((EPW,), jnp.int32),
          pltpu.VMEM((C, H), jnp.float32),
          pltpu.VMEM((C, H), jnp.float32),
          pltpu.VMEM((CT, H), jnp.float32),
          pltpu.VMEM((16, H), jnp.float32),
          pltpu.VMEM_SHARED((NP, H), jnp.float32),
          pltpu.SemaphoreType.DMA,
          pltpu.SemaphoreType.DMA,
          pltpu.SemaphoreType.DMA,
          pltpu.SemaphoreType.DMA,
      ],
  )




def _dinv(d_ref):
  return lax.rsqrt(d_ref[...] + 1.0)


def _tc1_body(x_ref, w1_ref, d_ref, hs1_ref):
  h = jnp.dot(x_ref[...], w1_ref[...], preferred_element_type=jnp.float32)
  hs1_ref[...] = h * _dinv(d_ref)


def _tc1_call(x, w1, d):
  return pl.pallas_call(
      _tc1_body,
      out_shape=jax.ShapeDtypeStruct((N, H), jnp.float32),
  )(x, w1, d)


def _tc2_body(agg_ref, hs1_ref, d_ref, w2_ref, b1_ref, hs2_ref):
  dinv = _dinv(d_ref)
  agg = agg_ref[0, :N, :] + agg_ref[1, :N, :]
  out1 = (agg + hs1_ref[...]) * dinv + b1_ref[...]
  h1 = jnp.maximum(out1, 0.0)
  hs2_ref[...] = jnp.dot(h1, w2_ref[...],
                         preferred_element_type=jnp.float32) * dinv


def _tc2_call(agg1, hs1, d, w2, b1r):
  return pl.pallas_call(
      _tc2_body,
      out_shape=jax.ShapeDtypeStruct((N, H), jnp.float32),
  )(agg1, hs1, d, w2, b1r)


def _tc3_body(agg_ref, hs2_ref, d_ref, b2_ref, batch_ref, pcap_ref,
              wc_ref, bc_ref, wot_ref, bo_ref, wpt_ref, bp_ref,
              orig_ref, proc_ref):
  dinv = _dinv(d_ref)
  agg = agg_ref[0, :N, :] + agg_ref[1, :N, :]
  h2 = (agg + hs2_ref[...]) * dinv + b2_ref[...]
  ids = lax.broadcasted_iota(jnp.int32, (G, N), 0)
  oh = jnp.where(batch_ref[...] == ids, 1.0, 0.0)
  sums = jnp.dot(oh, h2, preferred_element_type=jnp.float32)
  counts = jnp.sum(oh, axis=1, keepdims=True)
  ge = sums / jnp.maximum(counts, 1.0)
  pe = jnp.dot(pcap_ref[...], wc_ref[...],
               preferred_element_type=jnp.float32) + bc_ref[...]
  comb = jnp.concatenate([ge, pe], axis=1)
  orig_ref[...] = jnp.dot(comb, wot_ref[...],
                          preferred_element_type=jnp.float32) + bo_ref[...]
  proc_ref[...] = jnp.dot(comb, wpt_ref[...],
                          preferred_element_type=jnp.float32) + bp_ref[...]


def _tc3_call(agg2, hs2, d, b2r, batch_r, pcap, wc, bcr, wot, bor, wpt,
              bpr):
  return pl.pallas_call(
      _tc3_body,
      out_shape=[
          jax.ShapeDtypeStruct((G, NIPS), jnp.float32),
          jax.ShapeDtypeStruct((G, NPROC), jnp.float32),
      ],
  )(agg2, hs2, d, b2r, batch_r, pcap, wc, bcr, wot, bor, wpt, bpr)




@jax.jit
def kernel(x, edge_index, batch, pcap_features, W1, b1, W2, b2, Wc, bc,
           Wo, bo, Wp, bp):
  src = edge_index[0]
  dst = edge_index[1]
  degf = _deg_call()(dst)
  d = (degf[:N] + degf[NP:NP + N]).reshape(N, 1)
  hs1 = _tc1_call(x, W1, d)
  agg1 = _scat_call()(src, dst, hs1)
  hs2 = _tc2_call(agg1, hs1, d, W2, b1[None, :])
  agg2 = _scat_call()(src, dst, hs2)
  origin, process = _tc3_call(
      agg2, hs2, d, b2[None, :], batch.reshape(1, N), pcap_features,
      Wc[:, :, 1].T, bc[None, :], Wo.T, bo[None, :], Wp.T, bp[None, :])
  return (origin, process)

# --- scband reference (transcript-rebuilt; emitter-appended) ---
"""Pipeline reference for scband-gnnmodel-47115791238000 (READ-ONLY COPY).

The authoritative reference and input builder live on the scoring server;
editing this copy changes nothing except your own understanding.
"""

import jax, jax.numpy as jnp
import numpy as np

N = 10000
E = 320000
SVG = 128
PCAP = 64
H = 128
NPROC = 128
NIPS = 1024
G = 64


def setup_inputs(seed: int = 0) -> dict:
    key = jax.random.key(seed)
    ks = jax.random.split(key, 14)
    x = jax.random.normal(ks[0], (N, SVG), dtype=jnp.float32)
    edge_index = jax.random.randint(ks[1], (2, E), 0, N, dtype=jnp.int32)
    batch = jnp.sort(jax.random.randint(ks[2], (N,), 0, G, dtype=jnp.int32))
    pcap_features = jax.random.normal(ks[3], (G, PCAP), dtype=jnp.float32)
    # GCNConv weights (glorot-ish scaling)
    W1 = jax.random.normal(ks[4], (SVG, H), dtype=jnp.float32) / np.sqrt(SVG)
    b1 = jnp.zeros((H,), dtype=jnp.float32)
    W2 = jax.random.normal(ks[5], (H, H), dtype=jnp.float32) / np.sqrt(H)
    b2 = jnp.zeros((H,), dtype=jnp.float32)
    # Conv1d(pcap_dim, hidden, k=3, pad=1): weight [out_ch, in_ch, k]
    Wc = jax.random.normal(ks[6], (H, PCAP, 3), dtype=jnp.float32) / np.sqrt(PCAP * 3)
    bc = jnp.zeros((H,), dtype=jnp.float32)
    # Linear heads: weight [out, in]
    Wo = jax.random.normal(ks[7], (NIPS, 2 * H), dtype=jnp.float32) / np.sqrt(2 * H)
    bo = jnp.zeros((NIPS,), dtype=jnp.float32)
    Wp = jax.random.normal(ks[8], (NPROC, 2 * H), dtype=jnp.float32) / np.sqrt(2 * H)
    bp = jnp.zeros((NPROC,), dtype=jnp.float32)
    return {"x": x, "edge_index": edge_index, "batch": batch,
            "pcap_features": pcap_features,
            "W1": W1, "b1": b1, "W2": W2, "b2": b2,
            "Wc": Wc, "bc": bc, "Wo": Wo, "bo": bo, "Wp": Wp, "bp": bp}


def _pad_features(x, target_dim):
    if x.shape[1] < target_dim:
        pad = jnp.zeros((x.shape[0], target_dim - x.shape[1]), dtype=x.dtype)
        x = jnp.concatenate([x, pad], axis=1)
    return x


def _gcn_conv(x, edge_index, W, b):
    src = edge_index[0]
    dst = edge_index[1]
    loop = jnp.arange(N, dtype=src.dtype)
    src = jnp.concatenate([src, loop])
    dst = jnp.concatenate([dst, loop])
    deg = jnp.zeros((N,), dtype=x.dtype).at[dst].add(1.0)
    dinv = jnp.where(deg > 0, 1.0 / jnp.sqrt(deg), 0.0)
    norm = dinv[src] * dinv[dst]
    h = x @ W
    msg = h[src] * norm[:, None]
    out = jnp.zeros((N, W.shape[1]), dtype=x.dtype).at[dst].add(msg)
    return out + b


def reference(x, edge_index, batch, pcap_features, W1, b1, W2, b2, Wc, bc, Wo, bo, Wp, bp):
    x = _pad_features(x, SVG)
    h = jax.nn.relu(_gcn_conv(x, edge_index, W1, b1))
    # dropout is identity in eval mode
    h = _gcn_conv(h, edge_index, W2, b2)
    # global_mean_pool over graph assignment
    sums = jax.ops.segment_sum(h, batch, num_segments=G)
    counts = jax.ops.segment_sum(jnp.ones((N,), dtype=h.dtype), batch, num_segments=G)
    graph_embed = sums / jnp.clip(counts, 1.0)[:, None]
    # pcap branch: [G, PCAP] -> unsqueeze(2) -> Conv1d(k=3, pad=1) -> MaxPool1d(1) -> mean(dim=2)
    inp = pcap_features[:, :, None]
    conv = jax.lax.conv_general_dilated(inp, Wc, window_strides=(1,), padding=((1, 1),),
                                        dimension_numbers=("NCH", "OIH", "NCH"))
    conv = conv + bc[None, :, None]
    pcap_embed = conv.mean(axis=2)
    combined = jnp.concatenate([graph_embed, pcap_embed], axis=1)
    origin = combined @ Wo.T + bo
    process = combined @ Wp.T + bp
    return (origin, process)

if __name__ == "__main__":
    import jax
    _d = setup_inputs()
    print(jax.jit(kernel)(*tuple(_d.values())))

</pallas_src>

<mosaic_0001>
#map = affine_map<(d0, d1) -> (0)>
#map1 = affine_map<(d0, d1) -> (0, 0)>
#map2 = affine_map<(d0, d1) -> (0, 0, 0)>
module attributes {stable_mosaic.version = 14 : i64} {
  func.func @_scat_body(%arg0: i32, %arg1: i32, %arg2: memref<320000xi32, #tpu.memory_space<hbm>>, %arg3: memref<320000xi32, #tpu.memory_space<hbm>>, %arg4: memref<10000x128xf32, #tpu.memory_space<hbm>>, %arg5: memref<2x10240x128xf32, #tpu.memory_space<hbm>>, %arg6: memref<128xi32, #tpu.memory_space<vmem>>, %arg7: memref<128xi32, #tpu.memory_space<vmem>>, %arg8: memref<16xi32, #tpu.memory_space<vmem>>, %arg9: memref<10000xi32, #tpu.memory_space<vmem>>, %arg10: memref<128x128xf32, #tpu.memory_space<vmem>>, %arg11: memref<128x128xf32, #tpu.memory_space<vmem>>, %arg12: memref<16x128xf32, #tpu.memory_space<vmem>>, %arg13: memref<16x128xf32, #tpu.memory_space<vmem>>, %arg14: memref<10240x128xf32, #tpu.memory_space<vmem_shared>>, %arg15: memref<!tpu.dma_semaphore, #tpu.memory_space<semaphore_mem>>, %arg16: memref<!tpu.dma_semaphore, #tpu.memory_space<semaphore_mem>>, %arg17: memref<!tpu.dma_semaphore, #tpu.memory_space<semaphore_mem>>, %arg18: memref<!tpu.dma_semaphore, #tpu.memory_space<semaphore_mem>>) attributes {dimension_semantics = [#tpu.dimension_semantics<core_parallel>, #tpu.dimension_semantics<subcore_parallel>], iteration_bounds = array<i64: 2, 16>, scalar_prefetch = 0 : i64, scratch_operands = 13 : i64, tpu.core_type = #tpu.core_type<sc_vector_subcore>, window_params = [{transform_indices = #map}, {transform_indices = #map}, {transform_indices = #map1}, {transform_indices = #map2}]} {
    %mul3A = arith.constant 16 : i32
    %mul3A_0 = arith.muli %arg0, %mul3A : i32
    %add3A = arith.addi %mul3A_0, %arg1 : i32
    %mul3A_1 = arith.constant 10000 : i32
    %mul3A_2 = arith.muli %add3A, %mul3A_1 : i32
    %dma_start3A = tpu.memref_slice %arg3[%mul3A_2] : memref<320000xi32, #tpu.memory_space<hbm>> -> memref<10000xi32, #tpu.memory_space<hbm>>
    %dma_start3A_3 = tpu.memref_slice %arg3[%mul3A_2] : memref<320000xi32, #tpu.memory_space<hbm>> -> memref<10000xi32, #tpu.memory_space<hbm>>
    tpu.enqueue_dma source(%dma_start3A_3 : memref<10000xi32, #tpu.memory_space<hbm>>) target(%arg9 : memref<10000xi32, #tpu.memory_space<vmem>>) target_semaphore(%arg15 : memref<!tpu.dma_semaphore, #tpu.memory_space<semaphore_mem>>)
    %add3A_4 = arith.constant 0 : i32
    %add3A_5 = arith.addi %mul3A_2, %add3A_4 : i32
    %dma_start3A_6 = tpu.memref_slice %arg2[%add3A_5] : memref<320000xi32, #tpu.memory_space<hbm>> -> memref<128xi32, #tpu.memory_space<hbm>>
    %dma_start3A_7 = tpu.memref_slice %arg2[%add3A_5] : memref<320000xi32, #tpu.memory_space<hbm>> -> memref<128xi32, #tpu.memory_space<hbm>>
    tpu.enqueue_dma source(%dma_start3A_7 : memref<128xi32, #tpu.memory_space<hbm>>) target(%arg6 : memref<128xi32, #tpu.memory_space<vmem>>) target_semaphore(%arg15 : memref<!tpu.dma_semaphore, #tpu.memory_space<semaphore_mem>>)
    %add3A_8 = arith.constant 128 : i32
    %add3A_9 = arith.addi %mul3A_2, %add3A_8 : i32
    %dma_start3A_10 = tpu.memref_slice %arg2[%add3A_9] : memref<320000xi32, #tpu.memory_space<hbm>> -> memref<128xi32, #tpu.memory_space<hbm>>
    %dma_start3A_11 = tpu.memref_slice %arg2[%add3A_9] : memref<320000xi32, #tpu.memory_space<hbm>> -> memref<128xi32, #tpu.memory_space<hbm>>
    tpu.enqueue_dma source(%dma_start3A_11 : memref<128xi32, #tpu.memory_space<hbm>>) target(%arg7 : memref<128xi32, #tpu.memory_space<vmem>>) target_semaphore(%arg16 : memref<!tpu.dma_semaphore, #tpu.memory_space<semaphore_mem>>)
    %broadcast_in_dim3A = arith.constant 0.000000e+00 : f32
    %broadcast_in_dim3A_12 = vector.broadcast %broadcast_in_dim3A : f32 to vector<16xf32>
    %swap3A = arith.constant 0 : i32
    %swap3A_13 = arith.index_cast %swap3A : i32 to index
    %swap3A_14 = arith.constant 0 : index
    %swap3A_15 = tpu.vector_load %arg13[%swap3A_13, %swap3A_14] {strides = array<i32>} : memref<16x128xf32, #tpu.memory_space<vmem>>, vector<1x16xf32>,
    %swap3A_16 = vector.shape_cast %swap3A_15 : vector<1x16xf32> to vector<16xf32>
    %swap3A_17 = vector.shape_cast %broadcast_in_dim3A_12 : vector<16xf32> to vector<1x16xf32>
    tpu.vector_store %arg13[%swap3A_13, %swap3A_14], %swap3A_17 {strides = array<i32>} : memref<16x128xf32, #tpu.memory_space<vmem>>, vector<1x16xf32>,
    %broadcast_in_dim3A_18 = arith.constant 0.000000e+00 : f32
    %broadcast_in_dim3A_19 = vector.broadcast %broadcast_in_dim3A_18 : f32 to vector<16xf32>
    %swap3A_20 = arith.constant 0 : i32
    %swap3A_21 = arith.index_cast %swap3A_20 : i32 to index
    %swap3A_22 = arith.constant 16 : index
    %swap3A_23 = tpu.vector_load %arg13[%swap3A_21, %swap3A_22] {strides = array<i32>} : memref<16x128xf32, #tpu.memory_space<vmem>>, vector<1x16xf32>,
    %swap3A_24 = vector.shape_cast %swap3A_23 : vector<1x16xf32> to vector<16xf32>
    %swap3A_25 = vector.shape_cast %broadcast_in_dim3A_19 : vector<16xf32> to vector<1x16xf32>
    tpu.vector_store %arg13[%swap3A_21, %swap3A_22], %swap3A_25 {strides = array<i32>} : memref<16x128xf32, #tpu.memory_space<vmem>>, vector<1x16xf32>,
    %broadcast_in_dim3A_26 = arith.constant 0.000000e+00 : f32
    %broadcast_in_dim3A_27 = vector.broadcast %broadcast_in_dim3A_26 : f32 to vector<16xf32>
    %swap3A_28 = arith.constant 0 : i32
    %swap3A_29 = arith.index_cast %swap3A_28 : i32 to index
    %swap3A_30 = arith.constant 32 : index
    %swap3A_31 = tpu.vector_load %arg13[%swap3A_29, %swap3A_30] {strides = array<i32>} : memref<16x128xf32, #tpu.memory_space<vmem>>, vector<1x16xf32>,
    %swap3A_32 = vector.shape_cast %swap3A_31 : vector<1x16xf32> to vector<16xf32>
    %swap3A_33 = vector.shape_cast %broadcast_in_dim3A_27 : vector<16xf32> to vector<1x16xf32>
    tpu.vector_store %arg13[%swap3A_29, %swap3A_30], %swap3A_33 {strides = array<i32>} : memref<16x128xf32, #tpu.memory_space<vmem>>, vector<1x16xf32>,
    %broadcast_in_dim3A_34 = arith.constant 0.000000e+00 : f32
    %broadcast_in_dim3A_35 = vector.broadcast %broadcast_in_dim3A_34 : f32 to vector<16xf32>
    %swap3A_36 = arith.constant 0 : i32
    %swap3A_37 = arith.index_cast %swap3A_36 : i32 to index
    %swap3A_38 = arith.constant 48 : index
    %swap3A_39 = tpu.vector_load %arg13[%swap3A_37, %swap3A_38] {strides = array<i32>} : memref<16x128xf32, #tpu.memory_space<vmem>>, vector<1x16xf32>,
    %swap3A_40 = vector.shape_cast %swap3A_39 : vector<1x16xf32> to vector<16xf32>
    %swap3A_41 = vector.shape_cast %broadcast_in_dim3A_35 : vector<16xf32> to vector<1x16xf32>
    tpu.vector_store %arg13[%swap3A_37, %swap3A_38], %swap3A_41 {strides = array<i32>} : memref<16x128xf32, #tpu.memory_space<vmem>>, vector<1x16xf32>,
    %broadcast_in_dim3A_42 = arith.constant 0.000000e+00 : f32
    %broadcast_in_dim3A_43 = vector.broadcast %broadcast_in_dim3A_42 : f32 to vector<16xf32>
    %swap3A_44 = arith.constant 0 : i32
    %swap3A_45 = arith.index_cast %swap3A_44 : i32 to index
    %swap3A_46 = arith.constant 64 : index
    %swap3A_47 = tpu.vector_load %arg13[%swap3A_45, %swap3A_46] {strides = array<i32>} : memref<16x128xf32, #tpu.memory_space<vmem>>, vector<1x16xf32>,
    %swap3A_48 = vector.shape_cast %swap3A_47 : vector<1x16xf32> to vector<16xf32>
    %swap3A_49 = vector.shape_cast %broadcast_in_dim3A_43 : vector<16xf32> to vector<1x16xf32>
    tpu.vector_store %arg13[%swap3A_45, %swap3A_46], %swap3A_49 {strides = array<i32>} : memref<16x128xf32, #tpu.memory_space<vmem>>, vector<1x16xf32>,
    %broadcast_in_dim3A_50 = arith.constant 0.000000e+00 : f32
    %broadcast_in_dim3A_51 = vector.broadcast %broadcast_in_dim3A_50 : f32 to vector<16xf32>
    %swap3A_52 = arith.constant 0 : i32
    %swap3A_53 = arith.index_cast %swap3A_52 : i32 to index
    %swap3A_54 = arith.constant 80 : index
    %swap3A_55 = tpu.vector_load %arg13[%swap3A_53, %swap3A_54] {strides = array<i32>} : memref<16x128xf32, #tpu.memory_space<vmem>>, vector<1x16xf32>,
    %swap3A_56 = vector.shape_cast %swap3A_55 : vector<1x16xf32> to vector<16xf32>
    %swap3A_57 = vector.shape_cast %broadcast_in_dim3A_51 : vector<16xf32> to vector<1x16xf32>
    tpu.vector_store %arg13[%swap3A_53, %swap3A_54], %swap3A_57 {strides = array<i32>} : memref<16x128xf32, #tpu.memory_space<vmem>>, vector<1x16xf32>,
    %broadcast_in_dim3A_58 = arith.constant 0.000000e+00 : f32
    %broadcast_in_dim3A_59 = vector.broadcast %broadcast_in_dim3A_58 : f32 to vector<16xf32>
    %swap3A_60 = arith.constant 0 : i32
    %swap3A_61 = arith.index_cast %swap3A_60 : i32 to index
    %swap3A_62 = arith.constant 96 : index
    %swap3A_63 = tpu.vector_load %arg13[%swap3A_61, %swap3A_62] {strides = array<i32>} : memref<16x128xf32, #tpu.memory_space<vmem>>, vector<1x16xf32>,
    %swap3A_64 = vector.shape_cast %swap3A_63 : vector<1x16xf32> to vector<16xf32>
    %swap3A_65 = vector.shape_cast %broadcast_in_dim3A_59 : vector<16xf32> to vector<1x16xf32>
    tpu.vector_store %arg13[%swap3A_61, %swap3A_62], %swap3A_65 {strides = array<i32>} : memref<16x128xf32, #tpu.memory_space<vmem>>, vector<1x16xf32>,
    %broadcast_in_dim3A_66 = arith.constant 0.000000e+00 : f32
    %broadcast_in_dim3A_67 = vector.broadcast %broadcast_in_dim3A_66 : f32 to vector<16xf32>
    %swap3A_68 = arith.constant 0 : i32
    %swap3A_69 = arith.index_cast %swap3A_68 : i32 to index
    %swap3A_70 = arith.constant 112 : index
    %swap3A_71 = tpu.vector_load %arg13[%swap3A_69, %swap3A_70] {strides = array<i32>} : memref<16x128xf32, #tpu.memory_space<vmem>>, vector<1x16xf32>,
    %swap3A_72 = vector.shape_cast %swap3A_71 : vector<1x16xf32> to vector<16xf32>
    %swap3A_73 = vector.shape_cast %broadcast_in_dim3A_67 : vector<16xf32> to vector<1x16xf32>
    tpu.vector_store %arg13[%swap3A_69, %swap3A_70], %swap3A_73 {strides = array<i32>} : memref<16x128xf32, #tpu.memory_space<vmem>>, vector<1x16xf32>,
    %broadcast_in_dim3A_74 = arith.constant 0.000000e+00 : f32
    %broadcast_in_dim3A_75 = vector.broadcast %broadcast_in_dim3A_74 : f32 to vector<16xf32>
    %swap3A_76 = arith.constant 1 : i32
    %swap3A_77 = arith.index_cast %swap3A_76 : i32 to index
    %swap3A_78 = arith.constant 0 : index
    %swap3A_79 = tpu.vector_load %arg13[%swap3A_77, %swap3A_78] {strides = array<i32>} : memref<16x128xf32, #tpu.memory_space<vmem>>, vector<1x16xf32>,
    %swap3A_80 = vector.shape_cast %swap3A_79 : vector<1x16xf32> to vector<16xf32>
    %swap3A_81 = vector.shape_cast %broadcast_in_dim3A_75 : vector<16xf32> to vector<1x16xf32>
    tpu.vector_store %arg13[%swap3A_77, %swap3A_78], %swap3A_81 {strides = array<i32>} : memref<16x128xf32, #tpu.memory_space<vmem>>, vector<1x16xf32>,
    %broadcast_in_dim3A_82 = arith.constant 0.000000e+00 : f32
    %broadcast_in_dim3A_83 = vector.broadcast %broadcast_in_dim3A_82 : f32 to vector<16xf32>
    %swap3A_84 = arith.constant 1 : i32
    %swap3A_85 = arith.index_cast %swap3A_84 : i32 to index
    %swap3A_86 = arith.constant 16 : index
    %swap3A_87 = tpu.vector_load %arg13[%swap3A_85, %swap3A_86] {strides = array<i32>} : memref<16x128xf32, #tpu.memory_space<vmem>>, vector<1x16xf32>,
    %swap3A_88 = vector.shape_cast %swap3A_87 : vector<1x16xf32> to vector<16xf32>
    %swap3A_89 = vector.shape_cast %broadcast_in_dim3A_83 : vector<16xf32> to vector<1x16xf32>
    tpu.vector_store %arg13[%swap3A_85, %swap3A_86], %swap3A_89 {strides = array<i32>} : memref<16x128xf32, #tpu.memory_space<vmem>>, vector<1x16xf32>,
    %broadcast_in_dim3A_90 = arith.constant 0.000000e+00 : f32
    %broadcast_in_dim3A_91 = vector.broadcast %broadcast_in_dim3A_90 : f32 to vector<16xf32>
    %swap3A_92 = arith.constant 1 : i32
    %swap3A_93 = arith.index_cast %swap3A_92 : i32 to index
    %swap3A_94 = arith.constant 32 : index
    %swap3A_95 = tpu.vector_load %arg13[%swap3A_93, %swap3A_94] {strides = array<i32>} : memref<16x128xf32, #tpu.memory_space<vmem>>, vector<1x16xf32>,
    %swap3A_96 = vector.shape_cast %swap3A_95 : vector<1x16xf32> to vector<16xf32>
    %swap3A_97 = vector.shape_cast %broadcast_in_dim3A_91 : vector<16xf32> to vector<1x16xf32>
    tpu.vector_store %arg13[%swap3A_93, %swap3A_94], %swap3A_97 {strides = array<i32>} : memref<16x128xf32, #tpu.memory_space<vmem>>, vector<1x16xf32>,
    %broadcast_in_dim3A_98 = arith.constant 0.000000e+00 : f32
    %broadcast_in_dim3A_99 = vector.broadcast %broadcast_in_dim3A_98 : f32 to vector<16xf32>
    %swap3A_100 = arith.constant 1 : i32
    %swap3A_101 = arith.index_cast %swap3A_100 : i32 to index
    %swap3A_102 = arith.constant 48 : index
    %swap3A_103 = tpu.vector_load %arg13[%swap3A_101, %swap3A_102] {strides = array<i32>} : memref<16x128xf32, #tpu.memory_space<vmem>>, vector<1x16xf32>,
    %swap3A_104 = vector.shape_cast %swap3A_103 : vector<1x16xf32> to vector<16xf32>
    %swap3A_105 = vector.shape_cast %broadcast_in_dim3A_99 : vector<16xf32> to vector<1x16xf32>
    tpu.vector_store %arg13[%swap3A_101, %swap3A_102], %swap3A_105 {strides = array<i32>} : memref<16x128xf32, #tpu.memory_space<vmem>>, vector<1x16xf32>,
    %broadcast_in_dim3A_106 = arith.constant 0.000000e+00 : f32
    %broadcast_in_dim3A_107 = vector.broadcast %broadcast_in_dim3A_106 : f32 to vector<16xf32>
    %swap3A_108 = arith.constant 1 : i32
    %swap3A_109 = arith.index_cast %swap3A_108 : i32 to index
    %swap3A_110 = arith.constant 64 : index
    %swap3A_111 = tpu.vector_load %arg13[%swap3A_109, %swap3A_110] {strides = array<i32>} : memref<16x128xf32, #tpu.memory_space<vmem>>, vector<1x16xf32>,
    %swap3A_112 = vector.shape_cast %swap3A_111 : vector<1x16xf32> to vector<16xf32>
    %swap3A_113 = vector.shape_cast %broadcast_in_dim3A_107 : vector<16xf32> to vector<1x16xf32>
    tpu.vector_store %arg13[%swap3A_109, %swap3A_110], %swap3A_113 {strides = array<i32>} : memref<16x128xf32, #tpu.memory_space<vmem>>, vector<1x16xf32>,
    %broadcast_in_dim3A_114 = arith.constant 0.000000e+00 : f32
    %broadcast_in_dim3A_115 = vector.broadcast %broadcast_in_dim3A_114 : f32 to vector<16xf32>
    %swap3A_116 = arith.constant 1 : i32
    %swap3A_117 = arith.index_cast %swap3A_116 : i32 to index
    %swap3A_118 = arith.constant 80 : index
    %swap3A_119 = tpu.vector_load %arg13[%swap3A_117, %swap3A_118] {strides = array<i32>} : memref<16x128xf32, #tpu.memory_space<vmem>>, vector<1x16xf32>,
    %swap3A_120 = vector.shape_cast %swap3A_119 : vector<1x16xf32> to vector<16xf32>
    %swap3A_121 = vector.shape_cast %broadcast_in_dim3A_115 : vector<16xf32> to vector<1x16xf32>
    tpu.vector_store %arg13[%swap3A_117, %swap3A_118], %swap3A_121 {strides = array<i32>} : memref<16x128xf32, #tpu.memory_space<vmem>>, vector<1x16xf32>,
    %broadcast_in_dim3A_122 = arith.constant 0.000000e+00 : f32
    %broadcast_in_dim3A_123 = vector.broadcast %broadcast_in_dim3A_122 : f32 to vector<16xf32>
    %swap3A_124 = arith.constant 1 : i32
    %swap3A_125 = arith.index_cast %swap3A_124 : i32 to index
    %swap3A_126 = arith.constant 96 : index
    %swap3A_127 = tpu.vector_load %arg13[%swap3A_125, %swap3A_126] {strides = array<i32>} : memref<16x128xf32, #tpu.memory_space<vmem>>, vector<1x16xf32>,
    %swap3A_128 = vector.shape_cast %swap3A_127 : vector<1x16xf32> to vector<16xf32>
    %swap3A_129 = vector.shape_cast %broadcast_in_dim3A_123 : vector<16xf32> to vector<1x16xf32>
    tpu.vector_store %arg13[%swap3A_125, %swap3A_126], %swap3A_129 {strides = array<i32>} : memref<16x128xf32, #tpu.memory_space<vmem>>, vector<1x16xf32>,
    %broadcast_in_dim3A_130 = arith.constant 0.000000e+00 : f32
    %broadcast_in_dim3A_131 = vector.broadcast %broadcast_in_dim3A_130 : f32 to vector<16xf32>
    %swap3A_132 = arith.constant 1 : i32
    %swap3A_133 = arith.index_cast %swap3A_132 : i32 to index
    %swap3A_134 = arith.constant 112 : index
    %swap3A_135 = tpu.vector_load %arg13[%swap3A_133, %swap3A_134] {strides = array<i32>} : memref<16x128xf32, #tpu.memory_space<vmem>>, vector<1x16xf32>,
    %swap3A_136 = vector.shape_cast %swap3A_135 : vector<1x16xf32> to vector<16xf32>
    %swap3A_137 = vector.shape_cast %broadcast_in_dim3A_131 : vector<16xf32> to vector<1x16xf32>
    tpu.vector_store %arg13[%swap3A_133, %swap3A_134], %swap3A_137 {strides = array<i32>} : memref<16x128xf32, #tpu.memory_space<vmem>>, vector<1x16xf32>,
    %broadcast_in_dim3A_138 = arith.constant 0.000000e+00 : f32
    %broadcast_in_dim3A_139 = vector.broadcast %broadcast_in_dim3A_138 : f32 to vector<16xf32>
    %swap3A_140 = arith.constant 2 : i32
    %swap3A_141 = arith.index_cast %swap3A_140 : i32 to index
    %swap3A_142 = arith.constant 0 : index
    %swap3A_143 = tpu.vector_load %arg13[%swap3A_141, %swap3A_142] {strides = array<i32>} : memref<16x128xf32, #tpu.memory_space<vmem>>, vector<1x16xf32>,
    %swap3A_144 = vector.shape_cast %swap3A_143 : vector<1x16xf32> to vector<16xf32>
    %swap3A_145 = vector.shape_cast %broadcast_in_dim3A_139 : vector<16xf32> to vector<1x16xf32>
    tpu.vector_store %arg13[%swap3A_141, %swap3A_142], %swap3A_145 {strides = array<i32>} : memref<16x128xf32, #tpu.memory_space<vmem>>, vector<1x16xf32>,
    %broadcast_in_dim3A_146 = arith.constant 0.000000e+00 : f32
    %broadcast_in_dim3A_147 = vector.broadcast %broadcast_in_dim3A_146 : f32 to vector<16xf32>
    %swap3A_148 = arith.constant 2 : i32
    %swap3A_149 = arith.index_cast %swap3A_148 : i32 to index
    %swap3A_150 = arith.constant 16 : index
    %swap3A_151 = tpu.vector_load %arg13[%swap3A_149, %swap3A_150] {strides = array<i32>} : memref<16x128xf32, #tpu.memory_space<vmem>>, vector<1x16xf32>,
    %swap3A_152 = vector.shape_cast %swap3A_151 : vector<1x16xf32> to vector<16xf32>
    %swap3A_153 = vector.shape_cast %broadcast_in_dim3A_147 : vector<16xf32> to vector<1x16xf32>
    tpu.vector_store %arg13[%swap3A_149, %swap3A_150], %swap3A_153 {strides = array<i32>} : memref<16x128xf32, #tpu.memory_space<vmem>>, vector<1x16xf32>,
    %broadcast_in_dim3A_154 = arith.constant 0.000000e+00 : f32
    %broadcast_in_dim3A_155 = vector.broadcast %broadcast_in_dim3A_154 : f32 to vector<16xf32>
    %swap3A_156 = arith.constant 2 : i32
    %swap3A_157 = arith.index_cast %swap3A_156 : i32 to index
    %swap3A_158 = arith.constant 32 : index
    %swap3A_159 = tpu.vector_load %arg13[%swap3A_157, %swap3A_158] {strides = array<i32>} : memref<16x128xf32, #tpu.memory_space<vmem>>, vector<1x16xf32>,
    %swap3A_160 = vector.shape_cast %swap3A_159 : vector<1x16xf32> to vector<16xf32>
    %swap3A_161 = vector.shape_cast %broadcast_in_dim3A_155 : vector<16xf32> to vector<1x16xf32>
    tpu.vector_store %arg13[%swap3A_157, %swap3A_158], %swap3A_161 {strides = array<i32>} : memref<16x128xf32, #tpu.memory_space<vmem>>, vector<1x16xf32>,
    %broadcast_in_dim3A_162 = arith.constant 0.000000e+00 : f32
    %broadcast_in_dim3A_163 = vector.broadcast %broadcast_in_dim3A_162 : f32 to vector<16xf32>
    %swap3A_164 = arith.constant 2 : i32
    %swap3A_165 = arith.index_cast %swap3A_164 : i32 to index
    %swap3A_166 = arith.constant 48 : index
    %swap3A_167 = tpu.vector_load %arg13[%swap3A_165, %swap3A_166] {strides = array<i32>} : memref<16x128xf32, #tpu.memory_space<vmem>>, vector<1x16xf32>,
    %swap3A_168 = vector.shape_cast %swap3A_167 : vector<1x16xf32> to vector<16xf32>
    %swap3A_169 = vector.shape_cast %broadcast_in_dim3A_163 : vector<16xf32> to vector<1x16xf32>
    tpu.vector_store %arg13[%swap3A_165, %swap3A_166], %swap3A_169 {strides = array<i32>} : memref<16x128xf32, #tpu.memory_space<vmem>>, vector<1x16xf32>,
    %broadcast_in_dim3A_170 = arith.constant 0.000000e+00 : f32
    %broadcast_in_dim3A_171 = vector.broadcast %broadcast_in_dim3A_170 : f32 to vector<16xf32>
    %swap3A_172 = arith.constant 2 : i32
    %swap3A_173 = arith.index_cast %swap3A_172 : i32 to index
    %swap3A_174 = arith.constant 64 : index
    %swap3A_175 = tpu.vector_load %arg13[%swap3A_173, %swap3A_174] {strides = array<i32>} : memref<16x128xf32, #tpu.memory_space<vmem>>, vector<1x16xf32>,
    %swap3A_176 = vector.shape_cast %swap3A_175 : vector<1x16xf32> to vector<16xf32>
    %swap3A_177 = vector.shape_cast %broadcast_in_dim3A_171 : vector<16xf32> to vector<1x16xf32>
    tpu.vector_store %arg13[%swap3A_173, %swap3A_174], %swap3A_177 {strides = array<i32>} : memref<16x128xf32, #tpu.memory_space<vmem>>, vector<1x16xf32>,
    %broadcast_in_dim3A_178 = arith.constant 0.000000e+00 : f32
    %broadcast_in_dim3A_179 = vector.broadcast %broadcast_in_dim3A_178 : f32 to vector<16xf32>
    %swap3A_180 = arith.constant 2 : i32
    %swap3A_181 = arith.index_cast %swap3A_180 : i32 to index
    %swap3A_182 = arith.constant 80 : index
    %swap3A_183 = tpu.vector_load %arg13[%swap3A_181, %swap3A_182] {strides = array<i32>} : memref<16x128xf32, #tpu.memory_space<vmem>>, vector<1x16xf32>,
    %swap3A_184 = vector.shape_cast %swap3A_183 : vector<1x16xf32> to vector<16xf32>
    %swap3A_185 = vector.shape_cast %broadcast_in_dim3A_179 : vector<16xf32> to vector<1x16xf32>
    tpu.vector_store %arg13[%swap3A_181, %swap3A_182], %swap3A_185 {strides = array<i32>} : memref<16x128xf32, #tpu.memory_space<vmem>>, vector<1x16xf32>,
    %broadcast_in_dim3A_186 = arith.constant 0.000000e+00 : f32
    %broadcast_in_dim3A_187 = vector.broadcast %broadcast_in_dim3A_186 : f32 to vector<16xf32>
    %swap3A_188 = arith.constant 2 : i32
    %swap3A_189 = arith.index_cast %swap3A_188 : i32 to index
    %swap3A_190 = arith.constant 96 : index
    %swap3A_191 = tpu.vector_load %arg13[%swap3A_189, %swap3A_190] {strides = array<i32>} : memref<16x128xf32, #tpu.memory_space<vmem>>, vector<1x16xf32>,
    %swap3A_192 = vector.shape_cast %swap3A_191 : vector<1x16xf32> to vector<16xf32>
    %swap3A_193 = vector.shape_cast %broadcast_in_dim3A_187 : vector<16xf32> to vector<1x16xf32>
    tpu.vector_store %arg13[%swap3A_189, %swap3A_190], %swap3A_193 {strides = array<i32>} : memref<16x128xf32, #tpu.memory_space<vmem>>, vector<1x16xf32>,
    %broadcast_in_dim3A_194 = arith.constant 0.000000e+00 : f32
    %broadcast_in_dim3A_195 = vector.broadcast %broadcast_in_dim3A_194 : f32 to vector<16xf32>
    %swap3A_196 = arith.constant 2 : i32
    %swap3A_197 = arith.index_cast %swap3A_196 : i32 to index
    %swap3A_198 = arith.constant 112 : index
    %swap3A_199 = tpu.vector_load %arg13[%swap3A_197, %swap3A_198] {strides = array<i32>} : memref<16x128xf32, #tpu.memory_space<vmem>>, vector<1x16xf32>,
    %swap3A_200 = vector.shape_cast %swap3A_199 : vector<1x16xf32> to vector<16xf32>
    %swap3A_201 = vector.shape_cast %broadcast_in_dim3A_195 : vector<16xf32> to vector<1x16xf32>
    tpu.vector_store %arg13[%swap3A_197, %swap3A_198], %swap3A_201 {strides = array<i32>} : memref<16x128xf32, #tpu.memory_space<vmem>>, vector<1x16xf32>,
    %broadcast_in_dim3A_202 = arith.constant 0.000000e+00 : f32
    %broadcast_in_dim3A_203 = vector.broadcast %broadcast_in_dim3A_202 : f32 to vector<16xf32>
    %swap3A_204 = arith.constant 3 : i32
    %swap3A_205 = arith.index_cast %swap3A_204 : i32 to index
    %swap3A_206 = arith.constant 0 : index
    %swap3A_207 = tpu.vector_load %arg13[%swap3A_205, %swap3A_206] {strides = array<i32>} : memref<16x128xf32, #tpu.memory_space<vmem>>, vector<1x16xf32>,
    %swap3A_208 = vector.shape_cast %swap3A_207 : vector<1x16xf32> to vector<16xf32>
    %swap3A_209 = vector.shape_cast %broadcast_in_dim3A_203 : vector<16xf32> to vector<1x16xf32>
    tpu.vector_store %arg13[%swap3A_205, %swap3A_206], %swap3A_209 {strides = array<i32>} : memref<16x128xf32, #tpu.memory_space<vmem>>, vector<1x16xf32>,
    %broadcast_in_dim3A_210 = arith.constant 0.000000e+00 : f32
    %broadcast_in_dim3A_211 = vector.broadcast %broadcast_in_dim3A_210 : f32 to vector<16xf32>
    %swap3A_212 = arith.constant 3 : i32
    %swap3A_213 = arith.index_cast %swap3A_212 : i32 to index
    %swap3A_214 = arith.constant 16 : index
    %swap3A_215 = tpu.vector_load %arg13[%swap3A_213, %swap3A_214] {strides = array<i32>} : memref<16x128xf32, #tpu.memory_space<vmem>>, vector<1x16xf32>,
    %swap3A_216 = vector.shape_cast %swap3A_215 : vector<1x16xf32> to vector<16xf32>
    %swap3A_217 = vector.shape_cast %broadcast_in_dim3A_211 : vector<16xf32> to vector<1x16xf32>
    tpu.vector_store %arg13[%swap3A_213, %swap3A_214], %swap3A_217 {strides = array<i32>} : memref<16x128xf32, #tpu.memory_space<vmem>>, vector<1x16xf32>,
    %broadcast_in_dim3A_218 = arith.constant 0.000000e+00 : f32
    %broadcast_in_dim3A_219 = vector.broadcast %broadcast_in_dim3A_218 : f32 to vector<16xf32>
    %swap3A_220 = arith.constant 3 : i32
    %swap3A_221 = arith.index_cast %swap3A_220 : i32 to index
    %swap3A_222 = arith.constant 32 : index
    %swap3A_223 = tpu.vector_load %arg13[%swap3A_221, %swap3A_222] {strides = array<i32>} : memref<16x128xf32, #tpu.memory_space<vmem>>, vector<1x16xf32>,
    %swap3A_224 = vector.shape_cast %swap3A_223 : vector<1x16xf32> to vector<16xf32>
    %swap3A_225 = vector.shape_cast %broadcast_in_dim3A_219 : vector<16xf32> to vector<1x16xf32>
    tpu.vector_store %arg13[%swap3A_221, %swap3A_222], %swap3A_225 {strides = array<i32>} : memref<16x128xf32, #tpu.memory_space<vmem>>, vector<1x16xf32>,
    %broadcast_in_dim3A_226 = arith.constant 0.000000e+00 : f32
    %broadcast_in_dim3A_227 = vector.broadcast %broadcast_in_dim3A_226 : f32 to vector<16xf32>
    %swap3A_228 = arith.constant 3 : i32
    %swap3A_229 = arith.index_cast %swap3A_228 : i32 to index
    %swap3A_230 = arith.constant 48 : index
    %swap3A_231 = tpu.vector_load %arg13[%swap3A_229, %swap3A_230] {strides = array<i32>} : memref<16x128xf32, #tpu.memory_space<vmem>>, vector<1x16xf32>,
    %swap3A_232 = vector.shape_cast %swap3A_231 : vector<1x16xf32> to vector<16xf32>
    %swap3A_233 = vector.shape_cast %broadcast_in_dim3A_227 : vector<16xf32> to vector<1x16xf32>
    tpu.vector_store %arg13[%swap3A_229, %swap3A_230], %swap3A_233 {strides = array<i32>} : memref<16x128xf32, #tpu.memory_space<vmem>>, vector<1x16xf32>,
    %broadcast_in_dim3A_234 = arith.constant 0.000000e+00 : f32
    %broadcast_in_dim3A_235 = vector.broadcast %broadcast_in_dim3A_234 : f32 to vector<16xf32>
    %swap3A_236 = arith.constant 3 : i32
    %swap3A_237 = arith.index_cast %swap3A_236 : i32 to index
    %swap3A_238 = arith.constant 64 : index
    %swap3A_239 = tpu.vector_load %arg13[%swap3A_237, %swap3A_238] {strides = array<i32>} : memref<16x128xf32, #tpu.memory_space<vmem>>, vector<1x16xf32>,
    %swap3A_240 = vector.shape_cast %swap3A_239 : vector<1x16xf32> to vector<16xf32>
    %swap3A_241 = vector.shape_cast %broadcast_in_dim3A_235 : vector<16xf32> to vector<1x16xf32>
    tpu.vector_store %arg13[%swap3A_237, %swap3A_238], %swap3A_241 {strides = array<i32>} : memref<16x128xf32, #tpu.memory_space<vmem>>, vector<1x16xf32>,
    %broadcast_in_dim3A_242 = arith.constant 0.000000e+00 : f32
    %broadcast_in_dim3A_243 = vector.broadcast %broadcast_in_dim3A_242 : f32 to vector<16xf32>
    %swap3A_244 = arith.constant 3 : i32
    %swap3A_245 = arith.index_cast %swap3A_244 : i32 to index
    %swap3A_246 = arith.constant 80 : index
    %swap3A_247 = tpu.vector_load %arg13[%swap3A_245, %swap3A_246] {strides = array<i32>} : memref<16x128xf32, #tpu.memory_space<vmem>>, vector<1x16xf32>,
    %swap3A_248 = vector.shape_cast %swap3A_247 : vector<1x16xf32> to vector<16xf32>
    %swap3A_249 = vector.shape_cast %broadcast_in_dim3A_243 : vector<16xf32> to vector<1x16xf32>
    tpu.vector_store %arg13[%swap3A_245, %swap3A_246], %swap3A_249 {strides = array<i32>} : memref<16x128xf32, #tpu.memory_space<vmem>>, vector<1x16xf32>,
    %broadcast_in_dim3A_250 = arith.constant 0.000000e+00 : f32
    %broadcast_in_dim3A_251 = vector.broadcast %broadcast_in_dim3A_250 : f32 to vector<16xf32>
    %swap3A_252 = arith.constant 3 : i32
    %swap3A_253 = arith.index_cast %swap3A_252 : i32 to index
    %swap3A_254 = arith.constant 96 : index
    %swap3A_255 = tpu.vector_load %arg13[%swap3A_253, %swap3A_254] {strides = array<i32>} : memref<16x128xf32, #tpu.memory_space<vmem>>, vector<1x16xf32>,
    %swap3A_256 = vector.shape_cast %swap3A_255 : vector<1x16xf32> to vector<16xf32>
    %swap3A_257 = vector.shape_cast %broadcast_in_dim3A_251 : vector<16xf32> to vector<1x16xf32>
    tpu.vector_store %arg13[%swap3A_253, %swap3A_254], %swap3A_257 {strides = array<i32>} : memref<16x128xf32, #tpu.memory_space<vmem>>, vector<1x16xf32>,
    %broadcast_in_dim3A_258 = arith.constant 0.000000e+00 : f32
    %broadcast_in_dim3A_259 = vector.broadcast %broadcast_in_dim3A_258 : f32 to vector<16xf32>
    %swap3A_260 = arith.constant 3 : i32
    %swap3A_261 = arith.index_cast %swap3A_260 : i32 to index
    %swap3A_262 = arith.constant 112 : index
    %swap3A_263 = tpu.vector_load %arg13[%swap3A_261, %swap3A_262] {strides = array<i32>} : memref<16x128xf32, #tpu.memory_space<vmem>>, vector<1x16xf32>,
    %swap3A_264 = vector.shape_cast %swap3A_263 : vector<1x16xf32> to vector<16xf32>
    %swap3A_265 = vector.shape_cast %broadcast_in_dim3A_259 : vector<16xf32> to vector<1x16xf32>
    tpu.vector_store %arg13[%swap3A_261, %swap3A_262], %swap3A_265 {strides = array<i32>} : memref<16x128xf32, #tpu.memory_space<vmem>>, vector<1x16xf32>,
    %broadcast_in_dim3A_266 = arith.constant 0.000000e+00 : f32
    %broadcast_in_dim3A_267 = vector.broadcast %broadcast_in_dim3A_266 : f32 to vector<16xf32>
    %swap3A_268 = arith.constant 4 : i32
    %swap3A_269 = arith.index_cast %swap3A_268 : i32 to index
    %swap3A_270 = arith.constant 0 : index
    %swap3A_271 = tpu.vector_load %arg13[%swap3A_269, %swap3A_270] {strides = array<i32>} : memref<16x128xf32, #tpu.memory_space<vmem>>, vector<1x16xf32>,
    %swap3A_272 = vector.shape_cast %swap3A_271 : vector<1x16xf32> to vector<16xf32>
    %swap3A_273 = vector.shape_cast %broadcast_in_dim3A_267 : vector<16xf32> to vector<1x16xf32>
    tpu.vector_store %arg13[%swap3A_269, %swap3A_270], %swap3A_273 {strides = array<i32>} : memref<16x128xf32, #tpu.memory_space<vmem>>, vector<1x16xf32>,
    %broadcast_in_dim3A_274 = arith.constant 0.000000e+00 : f32
    %broadcast_in_dim3A_275 = vector.broadcast %broadcast_in_dim3A_274 : f32 to vector<16xf32>
    %swap3A_276 = arith.constant 4 : i32
    %swap3A_277 = arith.index_cast %swap3A_276 : i32 to index
    %swap3A_278 = arith.constant 16 : index
    %swap3A_279 = tpu.vector_load %arg13[%swap3A_277, %swap3A_278] {strides = array<i32>} : memref<16x128xf32, #tpu.memory_space<vmem>>, vector<1x16xf32>,
    %swap3A_280 = vector.shape_cast %swap3A_279 : vector<1x16xf32> to vector<16xf32>
    %swap3A_281 = vector.shape_cast %broadcast_in_dim3A_275 : vector<16xf32> to vector<1x16xf32>
    tpu.vector_store %arg13[%swap3A_277, %swap3A_278], %swap3A_281 {strides = array<i32>} : memref<16x128xf32, #tpu.memory_space<vmem>>, vector<1x16xf32>,
    %broadcast_in_dim3A_282 = arith.constant 0.000000e+00 : f32
    %broadcast_in_dim3A_283 = vector.broadcast %broadcast_in_dim3A_282 : f32 to vector<16xf32>
    %swap3A_284 = arith.constant 4 : i32
    %swap3A_285 = arith.index_cast %swap3A_284 : i32 to index
    %swap3A_286 = arith.constant 32 : index
    %swap3A_287 = tpu.vector_load %arg13[%swap3A_285, %swap3A_286] {strides = array<i32>} : memref<16x128xf32, #tpu.memory_space<vmem>>, vector<1x16xf32>,
    %swap3A_288 = vector.shape_cast %swap3A_287 : vector<1x16xf32> to vector<16xf32>
    %swap3A_289 = vector.shape_cast %broadcast_in_dim3A_283 : vector<16xf32> to vector<1x16xf32>
    tpu.vector_store %arg13[%swap3A_285, %swap3A_286], %swap3A_289 {strides = array<i32>} : memref<16x128xf32, #tpu.memory_space<vmem>>, vector<1x16xf32>,
    %broadcast_in_dim3A_290 = arith.constant 0.000000e+00 : f32
    %broadcast_in_dim3A_291 = vector.broadcast %broadcast_in_dim3A_290 : f32 to vector<16xf32>
    %swap3A_292 = arith.constant 4 : i32
    %swap3A_293 = arith.index_cast %swap3A_292 : i32 to index
    %swap3A_294 = arith.constant 48 : index
    %swap3A_295 = tpu.vector_load %arg13[%swap3A_293, %swap3A_294] {strides = array<i32>} : memref<16x128xf32, #tpu.memory_space<vmem>>, vector<1x16xf32>,
    %swap3A_296 = vector.shape_cast %swap3A_295 : vector<1x16xf32> to vector<16xf32>
    %swap3A_297 = vector.shape_cast %broadcast_in_dim3A_291 : vector<16xf32> to vector<1x16xf32>
    tpu.vector_store %arg13[%swap3A_293, %swap3A_294], %swap3A_297 {strides = array<i32>} : memref<16x128xf32, #tpu.memory_space<vmem>>, vector<1x16xf32>,
    %broadcast_in_dim3A_298 = arith.constant 0.000000e+00 : f32
    %broadcast_in_dim3A_299 = vector.broadcast %broadcast_in_dim3A_298 : f32 to vector<16xf32>
    %swap3A_300 = arith.constant 4 : i32
    %swap3A_301 = arith.index_cast %swap3A_300 : i32 to index
    %swap3A_302 = arith.constant 64 : index
    %swap3A_303 = tpu.vector_load %arg13[%swap3A_301, %swap3A_302] {strides = array<i32>} : memref<16x128xf32, #tpu.memory_space<vmem>>, vector<1x16xf32>,
    %swap3A_304 = vector.shape_cast %swap3A_303 : vector<1x16xf32> to vector<16xf32>
    %swap3A_305 = vector.shape_cast %broadcast_in_dim3A_299 : vector<16xf32> to vector<1x16xf32>
    tpu.vector_store %arg13[%swap3A_301, %swap3A_302], %swap3A_305 {strides = array<i32>} : memref<16x128xf32, #tpu.memory_space<vmem>>, vector<1x16xf32>,
    %broadcast_in_dim3A_306 = arith.constant 0.000000e+00 : f32
    %broadcast_in_dim3A_307 = vector.broadcast %broadcast_in_dim3A_306 : f32 to vector<16xf32>
    %swap3A_308 = arith.constant 4 : i32
    %swap3A_309 = arith.index_cast %swap3A_308 : i32 to index
    %swap3A_310 = arith.constant 80 : index
    %swap3A_311 = tpu.vector_load %arg13[%swap3A_309, %swap3A_310] {strides = array<i32>} : memref<16x128xf32, #tpu.memory_space<vmem>>, vector<1x16xf32>,
    %swap3A_312 = vector.shape_cast %swap3A_311 : vector<1x16xf32> to vector<16xf32>
    %swap3A_313 = vector.shape_cast %broadcast_in_dim3A_307 : vector<16xf32> to vector<1x16xf32>
    tpu.vector_store %arg13[%swap3A_309, %swap3A_310], %swap3A_313 {strides = array<i32>} : memref<16x128xf32, #tpu.memory_space<vmem>>, vector<1x16xf32>,
    %broadcast_in_dim3A_314 = arith.constant 0.000000e+00 : f32
    %broadcast_in_dim3A_315 = vector.broadcast %broadcast_in_dim3A_314 : f32 to vector<16xf32>
    %swap3A_316 = arith.constant 4 : i32
    %swap3A_317 = arith.index_cast %swap3A_316 : i32 to index
    %swap3A_318 = arith.constant 96 : index
    %swap3A_319 = tpu.vector_load %arg13[%swap3A_317, %swap3A_318] {strides = array<i32>} : memref<16x128xf32, #tpu.memory_space<vmem>>, vector<1x16xf32>,
    %swap3A_320 = vector.shape_cast %swap3A_319 : vector<1x16xf32> to vector<16xf32>
    %swap3A_321 = vector.shape_cast %broadcast_in_dim3A_315 : vector<16xf32> to vector<1x16xf32>
    tpu.vector_store %arg13[%swap3A_317, %swap3A_318], %swap3A_321 {strides = array<i32>} : memref<16x128xf32, #tpu.memory_space<vmem>>, vector<1x16xf32>,
    %broadcast_in_dim3A_322 = arith.constant 0.000000e+00 : f32
    %broadcast_in_dim3A_323 = vector.broadcast %broadcast_in_dim3A_322 : f32 to vector<16xf32>
    %swap3A_324 = arith.constant 4 : i32
    %swap3A_325 = arith.index_cast %swap3A_324 : i32 to index
    %swap3A_326 = arith.constant 112 : index
    %swap3A_327 = tpu.vector_load %arg13[%swap3A_325, %swap3A_326] {strides = array<i32>} : memref<16x128xf32, #tpu.memory_space<vmem>>, vector<1x16xf32>,
    %swap3A_328 = vector.shape_cast %swap3A_327 : vector<1x16xf32> to vector<16xf32>
    %swap3A_329 = vector.shape_cast %broadcast_in_dim3A_323 : vector<16xf32> to vector<1x16xf32>
    tpu.vector_store %arg13[%swap3A_325, %swap3A_326], %swap3A_329 {strides = array<i32>} : memref<16x128xf32, #tpu.memory_space<vmem>>, vector<1x16xf32>,
    %broadcast_in_dim3A_330 = arith.constant 0.000000e+00 : f32
    %broadcast_in_dim3A_331 = vector.broadcast %broadcast_in_dim3A_330 : f32 to vector<16xf32>
    %swap3A_332 = arith.constant 5 : i32
    %swap3A_333 = arith.index_cast %swap3A_332 : i32 to index
    %swap3A_334 = arith.constant 0 : index
    %swap3A_335 = tpu.vector_load %arg13[%swap3A_333, %swap3A_334] {strides = array<i32>} : memref<16x128xf32, #tpu.memory_space<vmem>>, vector<1x16xf32>,
    %swap3A_336 = vector.shape_cast %swap3A_335 : vector<1x16xf32> to vector<16xf32>
    %swap3A_337 = vector.shape_cast %broadcast_in_dim3A_331 : vector<16xf32> to vector<1x16xf32>
    tpu.vector_store %arg13[%swap3A_333, %swap3A_334], %swap3A_337 {strides = array<i32>} : memref<16x128xf32, #tpu.memory_space<vmem>>, vector<1x16xf32>,
    %broadcast_in_dim3A_338 = arith.constant 0.000000e+00 : f32
    %broadcast_in_dim3A_339 = vector.broadcast %broadcast_in_dim3A_338 : f32 to vector<16xf32>
    %swap3A_340 = arith.constant 5 : i32
    %swap3A_341 = arith.index_cast %swap3A_340 : i32 to index
    %swap3A_342 = arith.constant 16 : index
    %swap3A_343 = tpu.vector_load %arg13[%swap3A_341, %swap3A_342] {strides = array<i32>} : memref<16x128xf32, #tpu.memory_space<vmem>>, vector<1x16xf32>,
    %swap3A_344 = vector.shape_cast %swap3A_343 : vector<1x16xf32> to vector<16xf32>
    %swap3A_345 = vector.shape_cast %broadcast_in_dim3A_339 : vector<16xf32> to vector<1x16xf32>
    tpu.vector_store %arg13[%swap3A_341, %swap3A_342], %swap3A_345 {strides = array<i32>} : memref<16x128xf32, #tpu.memory_space<vmem>>, vector<1x16xf32>,
    %broadcast_in_dim3A_346 = arith.constant 0.000000e+00 : f32
    %broadcast_in_dim3A_347 = vector.broadcast %broadcast_in_dim3A_346 : f32 to vector<16xf32>
    %swap3A_348 = arith.constant 5 : i32
    %swap3A_349 = arith.index_cast %swap3A_348 : i32 to index
    %swap3A_350 = arith.constant 32 : index
    %swap3A_351 = tpu.vector_load %arg13[%swap3A_349, %swap3A_350] {strides = array<i32>} : memref<16x128xf32, #tpu.memory_space<vmem>>, vector<1x16xf32>,
    %swap3A_352 = vector.shape_cast %swap3A_351 : vector<1x16xf32> to vector<16xf32>
    %swap3A_353 = vector.shape_cast %broadcast_in_dim3A_347 : vector<16xf32> to vector<1x16xf32>
    tpu.vector_store %arg13[%swap3A_349, %swap3A_350], %swap3A_353 {strides = array<i32>} : memref<16x128xf32, #tpu.memory_space<vmem>>, vector<1x16xf32>,
    %broadcast_in_dim3A_354 = arith.constant 0.000000e+00 : f32
    %broadcast_in_dim3A_355 = vector.broadcast %broadcast_in_dim3A_354 : f32 to vector<16xf32>
    %swap3A_356 = arith.constant 5 : i32
    %swap3A_357 = arith.index_cast %swap3A_356 : i32 to index
    %swap3A_358 = arith.constant 48 : index
    %swap3A_359 = tpu.vector_load %arg13[%swap3A_357, %swap3A_358] {strides = array<i32>} : memref<16x128xf32, #tpu.memory_space<vmem>>, vector<1x16xf32>,
    %swap3A_360 = vector.shape_cast %swap3A_359 : vector<1x16xf32> to vector<16xf32>
    %swap3A_361 = vector.shape_cast %broadcast_in_dim3A_355 : vector<16xf32> to vector<1x16xf32>
    tpu.vector_store %arg13[%swap3A_357, %swap3A_358], %swap3A_361 {strides = array<i32>} : memref<16x128xf32, #tpu.memory_space<vmem>>, vector<1x16xf32>,
    %broadcast_in_dim3A_362 = arith.constant 0.000000e+00 : f32
    %broadcast_in_dim3A_363 = vector.broadcast %broadcast_in_dim3A_362 : f32 to vector<16xf32>
    %swap3A_364 = arith.constant 5 : i32
    %swap3A_365 = arith.index_cast %swap3A_364 : i32 to index
    %swap3A_366 = arith.constant 64 : index
    %swap3A_367 = tpu.vector_load %arg13[%swap3A_365, %swap3A_366] {strides = array<i32>} : memref<16x128xf32, #tpu.memory_space<vmem>>, vector<1x16xf32>,
    %swap3A_368 = vector.shape_cast %swap3A_367 : vector<1x16xf32> to vector<16xf32>
    %swap3A_369 = vector.shape_cast %broadcast_in_dim3A_363 : vector<16xf32> to vector<1x16xf32>
    tpu.vector_store %arg13[%swap3A_365, %swap3A_366], %swap3A_369 {strides = array<i32>} : memref<16x128xf32, #tpu.memory_space<vmem>>, vector<1x16xf32>,
    %broadcast_in_dim3A_370 = arith.constant 0.000000e+00 : f32
    %broadcast_in_dim3A_371 = vector.broadcast %broadcast_in_dim3A_370 : f32 to vector<16xf32>
    %swap3A_372 = arith.constant 5 : i32
    %swap3A_373 = arith.index_cast %swap3A_372 : i32 to index
    %swap3A_374 = arith.constant 80 : index
    %swap3A_375 = tpu.vector_load %arg13[%swap3A_373, %swap3A_374] {strides = array<i32>} : memref<16x128xf32, #tpu.memory_space<vmem>>, vector<1x16xf32>,
    %swap3A_376 = vector.shape_cast %swap3A_375 : vector<1x16xf32> to vector<16xf32>
    %swap3A_377 = vector.shape_cast %broadcast_in_dim3A_371 : vector<16xf32> to vector<1x16xf32>
    tpu.vector_store %arg13[%swap3A_373, %swap3A_374], %swap3A_377 {strides = array<i32>} : memref<16x128xf32, #tpu.memory_space<vmem>>, vector<1x16xf32>,
    %broadcast_in_dim3A_378 = arith.constant 0.000000e+00 : f32
    %broadcast_in_dim3A_379 = vector.broadcast %broadcast_in_dim3A_378 : f32 to vector<16xf32>
    %swap3A_380 = arith.constant 5 : i32
    %swap3A_381 = arith.index_cast %swap3A_380 : i32 to index
    %swap3A_382 = arith.constant 96 : index
    %swap3A_383 = tpu.vector_load %arg13[%swap3A_381, %swap3A_382] {strides = array<i32>} : memref<16x128xf32, #tpu.memory_space<vmem>>, vector<1x16xf32>,
    %swap3A_384 = vector.shape_cast %swap3A_383 : vector<1x16xf32> to vector<16xf32>
    %swap3A_385 = vector.shape_cast %broadcast_in_dim3A_379 : vector<16xf32> to vector<1x16xf32>
    tpu.vector_store %arg13[%swap3A_381, %swap3A_382], %swap3A_385 {strides = array<i32>} : memref<16x128xf32, #tpu.memory_space<vmem>>, vector<1x16xf32>,
    %broadcast_in_dim3A_386 = arith.constant 0.000000e+00 : f32
    %broadcast_in_dim3A_387 = vector.broadcast %broadcast_in_dim3A_386 : f32 to vector<16xf32>
    %swap3A_388 = arith.constant 5 : i32
    %swap3A_389 = arith.index_cast %swap3A_388 : i32 to index
    %swap3A_390 = arith.constant 112 : index
    %swap3A_391 = tpu.vector_load %arg13[%swap3A_389, %swap3A_390] {strides = array<i32>} : memref<16x128xf32, #tpu.memory_space<vmem>>, vector<1x16xf32>,
    %swap3A_392 = vector.shape_cast %swap3A_391 : vector<1x16xf32> to vector<16xf32>
    %swap3A_393 = vector.shape_cast %broadcast_in_dim3A_387 : vector<16xf32> to vector<1x16xf32>
    tpu.vector_store %arg13[%swap3A_389, %swap3A_390], %swap3A_393 {strides = array<i32>} : memref<16x128xf32, #tpu.memory_space<vmem>>, vector<1x16xf32>,
    %broadcast_in_dim3A_394 = arith.constant 0.000000e+00 : f32
    %broadcast_in_dim3A_395 = vector.broadcast %broadcast_in_dim3A_394 : f32 to vector<16xf32>
    %swap3A_396 = arith.constant 6 : i32
    %swap3A_397 = arith.index_cast %swap3A_396 : i32 to index
    %swap3A_398 = arith.constant 0 : index
    %swap3A_399 = tpu.vector_load %arg13[%swap3A_397, %swap3A_398] {strides = array<i32>} : memref<16x128xf32, #tpu.memory_space<vmem>>, vector<1x16xf32>,
    %swap3A_400 = vector.shape_cast %swap3A_399 : vector<1x16xf32> to vector<16xf32>
    %swap3A_401 = vector.shape_cast %broadcast_in_dim3A_395 : vector<16xf32> to vector<1x16xf32>
    tpu.vector_store %arg13[%swap3A_397, %swap3A_398], %swap3A_401 {strides = array<i32>} : memref<16x128xf32, #tpu.memory_space<vmem>>, vector<1x16xf32>,
    %broadcast_in_dim3A_402 = arith.constant 0.000000e+00 : f32
    %broadcast_in_dim3A_403 = vector.broadcast %broadcast_in_dim3A_402 : f32 to vector<16xf32>
    %swap3A_404 = arith.constant 6 : i32
    %swap3A_405 = arith.index_cast %swap3A_404 : i32 to index
    %swap3A_406 = arith.constant 16 : index
    %swap3A_407 = tpu.vector_load %arg13[%swap3A_405, %swap3A_406] {strides = array<i32>} : memref<16x128xf32, #tpu.memory_space<vmem>>, vector<1x16xf32>,
    %swap3A_408 = vector.shape_cast %swap3A_407 : vector<1x16xf32> to vector<16xf32>
    %swap3A_409 = vector.shape_cast %broadcast_in_dim3A_403 : vector<16xf32> to vector<1x16xf32>
    tpu.vector_store %arg13[%swap3A_405, %swap3A_406], %swap3A_409 {strides = array<i32>} : memref<16x128xf32, #tpu.memory_space<vmem>>, vector<1x16xf32>,
    %broadcast_in_dim3A_410 = arith.constant 0.000000e+00 : f32
    %broadcast_in_dim3A_411 = vector.broadcast %broadcast_in_dim3A_410 : f32 to vector<16xf32>
    %swap3A_412 = arith.constant 6 : i32
    %swap3A_413 = arith.index_cast %swap3A_412 : i32 to index
    %swap3A_414 = arith.constant 32 : index
    %swap3A_415 = tpu.vector_load %arg13[%swap3A_413, %swap3A_414] {strides = array<i32>} : memref<16x128xf32, #tpu.memory_space<vmem>>, vector<1x16xf32>,
    %swap3A_416 = vector.shape_cast %swap3A_415 : vector<1x16xf32> to vector<16xf32>
    %swap3A_417 = vector.shape_cast %broadcast_in_dim3A_411 : vector<16xf32> to vector<1x16xf32>
    tpu.vector_store %arg13[%swap3A_413, %swap3A_414], %swap3A_417 {strides = array<i32>} : memref<16x128xf32, #tpu.memory_space<vmem>>, vector<1x16xf32>,
    %broadcast_in_dim3A_418 = arith.constant 0.000000e+00 : f32
    %broadcast_in_dim3A_419 = vector.broadcast %broadcast_in_dim3A_418 : f32 to vector<16xf32>
    %swap3A_420 = arith.constant 6 : i32
    %swap3A_421 = arith.index_cast %swap3A_420 : i32 to index
    %swap3A_422 = arith.constant 48 : index
    %swap3A_423 = tpu.vector_load %arg13[%swap3A_421, %swap3A_422] {strides = array<i32>} : memref<16x128xf32, #tpu.memory_space<vmem>>, vector<1x16xf32>,
    %swap3A_424 = vector.shape_cast %swap3A_423 : vector<1x16xf32> to vector<16xf32>
    %swap3A_425 = vector.shape_cast %broadcast_in_dim3A_419 : vector<16xf32> to vector<1x16xf32>
    tpu.vector_store %arg13[%swap3A_421, %swap3A_422], %swap3A_425 {strides = array<i32>} : memref<16x128xf32, #tpu.memory_space<vmem>>, vector<1x16xf32>,
    %broadcast_in_dim3A_426 = arith.constant 0.000000e+00 : f32
    %broadcast_in_dim3A_427 = vector.broadcast %broadcast_in_dim3A_426 : f32 to vector<16xf32>
    %swap3A_428 = arith.constant 6 : i32
    %swap3A_429 = arith.index_cast %swap3A_428 : i32 to index
    %swap3A_430 = arith.constant 64 : index
    %swap3A_431 = tpu.vector_load %arg13[%swap3A_429, %swap3A_430] {strides = array<i32>} : memref<16x128xf32, #tpu.memory_space<vmem>>, vector<1x16xf32>,
    %swap3A_432 = vector.shape_cast %swap3A_431 : vector<1x16xf32> to vector<16xf32>
    %swap3A_433 = vector.shape_cast %broadcast_in_dim3A_427 : vector<16xf32> to vector<1x16xf32>
    tpu.vector_store %arg13[%swap3A_429, %swap3A_430], %swap3A_433 {strides = array<i32>} : memref<16x128xf32, #tpu.memory_space<vmem>>, vector<1x16xf32>,
    %broadcast_in_dim3A_434 = arith.constant 0.000000e+00 : f32
    %broadcast_in_dim3A_435 = vector.broadcast %broadcast_in_dim3A_434 : f32 to vector<16xf32>
    %swap3A_436 = arith.constant 6 : i32
    %swap3A_437 = arith.index_cast %swap3A_436 : i32 to index
    %swap3A_438 = arith.constant 80 : index
    %swap3A_439 = tpu.vector_load %arg13[%swap3A_437, %swap3A_438] {strides = array<i32>} : memref<16x128xf32, #tpu.memory_space<vmem>>, vector<1x16xf32>,
    %swap3A_440 = vector.shape_cast %swap3A_439 : vector<1x16xf32> to vector<16xf32>
    %swap3A_441 = vector.shape_cast %broadcast_in_dim3A_435 : vector<16xf32> to vector<1x16xf32>
    tpu.vector_store %arg13[%swap3A_437, %swap3A_438], %swap3A_441 {strides = array<i32>} : memref<16x128xf32, #tpu.memory_space<vmem>>, vector<1x16xf32>,
    %broadcast_in_dim3A_442 = arith.constant 0.000000e+00 : f32
    %broadcast_in_dim3A_443 = vector.broadcast %broadcast_in_dim3A_442 : f32 to vector<16xf32>
    %swap3A_444 = arith.constant 6 : i32
    %swap3A_445 = arith.index_cast %swap3A_444 : i32 to index
    %swap3A_446 = arith.constant 96 : index
    %swap3A_447 = tpu.vector_load %arg13[%swap3A_445, %swap3A_446] {strides = array<i32>} : memref<16x128xf32, #tpu.memory_space<vmem>>, vector<1x16xf32>,
    %swap3A_448 = vector.shape_cast %swap3A_447 : vector<1x16xf32> to vector<16xf32>
    %swap3A_449 = vector.shape_cast %broadcast_in_dim3A_443 : vector<16xf32> to vector<1x16xf32>
    tpu.vector_store %arg13[%swap3A_445, %swap3A_446], %swap3A_449 {strides = array<i32>} : memref<16x128xf32, #tpu.memory_space<vmem>>, vector<1x16xf32>,
    %broadcast_in_dim3A_450 = arith.constant 0.000000e+00 : f32
    %broadcast_in_dim3A_451 = vector.broadcast %broadcast_in_dim3A_450 : f32 to vector<16xf32>
    %swap3A_452 = arith.constant 6 : i32
    %swap3A_453 = arith.index_cast %swap3A_452 : i32 to index
    %swap3A_454 = arith.constant 112 : index
    %swap3A_455 = tpu.vector_load %arg13[%swap3A_453, %swap3A_454] {strides = array<i32>} : memref<16x128xf32, #tpu.memory_space<vmem>>, vector<1x16xf32>,
    %swap3A_456 = vector.shape_cast %swap3A_455 : vector<1x16xf32> to vector<16xf32>
    %swap3A_457 = vector.shape_cast %broadcast_in_dim3A_451 : vector<16xf32> to vector<1x16xf32>
    tpu.vector_store %arg13[%swap3A_453, %swap3A_454], %swap3A_457 {strides = array<i32>} : memref<16x128xf32, #tpu.memory_space<vmem>>, vector<1x16xf32>,
    %broadcast_in_dim3A_458 = arith.constant 0.000000e+00 : f32
    %broadcast_in_dim3A_459 = vector.broadcast %broadcast_in_dim3A_458 : f32 to vector<16xf32>
    %swap3A_460 = arith.constant 7 : i32
    %swap3A_461 = arith.index_cast %swap3A_460 : i32 to index
    %swap3A_462 = arith.constant 0 : index
    %swap3A_463 = tpu.vector_load %arg13[%swap3A_461, %swap3A_462] {strides = array<i32>} : memref<16x128xf32, #tpu.memory_space<vmem>>, vector<1x16xf32>,
    %swap3A_464 = vector.shape_cast %swap3A_463 : vector<1x16xf32> to vector<16xf32>
    %swap3A_465 = vector.shape_cast %broadcast_in_dim3A_459 : vector<16xf32> to vector<1x16xf32>
    tpu.vector_store %arg13[%swap3A_461, %swap3A_462], %swap3A_465 {strides = array<i32>} : memref<16x128xf32, #tpu.memory_space<vmem>>, vector<1x16xf32>,
    %broadcast_in_dim3A_466 = arith.constant 0.000000e+00 : f32
    %broadcast_in_dim3A_467 = vector.broadcast %broadcast_in_dim3A_466 : f32 to vector<16xf32>
    %swap3A_468 = arith.constant 7 : i32
    %swap3A_469 = arith.index_cast %swap3A_468 : i32 to index
    %swap3A_470 = arith.constant 16 : index
    %swap3A_471 = tpu.vector_load %arg13[%swap3A_469, %swap3A_470] {strides = array<i32>} : memref<16x128xf32, #tpu.memory_space<vmem>>, vector<1x16xf32>,
    %swap3A_472 = vector.shape_cast %swap3A_471 : vector<1x16xf32> to vector<16xf32>
    %swap3A_473 = vector.shape_cast %broadcast_in_dim3A_467 : vector<16xf32> to vector<1x16xf32>
    tpu.vector_store %arg13[%swap3A_469, %swap3A_470], %swap3A_473 {strides = array<i32>} : memref<16x128xf32, #tpu.memory_space<vmem>>, vector<1x16xf32>,
    %broadcast_in_dim3A_474 = arith.constant 0.000000e+00 : f32
    %broadcast_in_dim3A_475 = vector.broadcast %broadcast_in_dim3A_474 : f32 to vector<16xf32>
    %swap3A_476 = arith.constant 7 : i32
    %swap3A_477 = arith.index_cast %swap3A_476 : i32 to index
    %swap3A_478 = arith.constant 32 : index
    %swap3A_479 = tpu.vector_load %arg13[%swap3A_477, %swap3A_478] {strides = array<i32>} : memref<16x128xf32, #tpu.memory_space<vmem>>, vector<1x16xf32>,
    %swap3A_480 = vector.shape_cast %swap3A_479 : vector<1x16xf32> to vector<16xf32>
    %swap3A_481 = vector.shape_cast %broadcast_in_dim3A_475 : vector<16xf32> to vector<1x16xf32>
    tpu.vector_store %arg13[%swap3A_477, %swap3A_478], %swap3A_481 {strides = array<i32>} : memref<16x128xf32, #tpu.memory_space<vmem>>, vector<1x16xf32>,
    %broadcast_in_dim3A_482 = arith.constant 0.000000e+00 : f32
    %broadcast_in_dim3A_483 = vector.broadcast %broadcast_in_dim3A_482 : f32 to vector<16xf32>
    %swap3A_484 = arith.constant 7 : i32
    %swap3A_485 = arith.index_cast %swap3A_484 : i32 to index
    %swap3A_486 = arith.constant 48 : index
    %swap3A_487 = tpu.vector_load %arg13[%swap3A_485, %swap3A_486] {strides = array<i32>} : memref<16x128xf32, #tpu.memory_space<vmem>>, vector<1x16xf32>,
    %swap3A_488 = vector.shape_cast %swap3A_487 : vector<1x16xf32> to vector<16xf32>
    %swap3A_489 = vector.shape_cast %broadcast_in_dim3A_483 : vector<16xf32> to vector<1x16xf32>
    tpu.vector_store %arg13[%swap3A_485, %swap3A_486], %swap3A_489 {strides = array<i32>} : memref<16x128xf32, #tpu.memory_space<vmem>>, vector<1x16xf32>,
    %broadcast_in_dim3A_490 = arith.constant 0.000000e+00 : f32
    %broadcast_in_dim3A_491 = vector.broadcast %broadcast_in_dim3A_490 : f32 to vector<16xf32>
    %swap3A_492 = arith.constant 7 : i32
    %swap3A_493 = arith.index_cast %swap3A_492 : i32 to index
    %swap3A_494 = arith.constant 64 : index
    %swap3A_495 = tpu.vector_load %arg13[%swap3A_493, %swap3A_494] {strides = array<i32>} : memref<16x128xf32, #tpu.memory_space<vmem>>, vector<1x16xf32>,
    %swap3A_496 = vector.shape_cast %swap3A_495 : vector<1x16xf32> to vector<16xf32>
    %swap3A_497 = vector.shape_cast %broadcast_in_dim3A_491 : vector<16xf32> to vector<1x16xf32>
    tpu.vector_store %arg13[%swap3A_493, %swap3A_494], %swap3A_497 {strides = array<i32>} : memref<16x128xf32, #tpu.memory_space<vmem>>, vector<1x16xf32>,
    %broadcast_in_dim3A_498 = arith.constant 0.000000e+00 : f32
    %broadcast_in_dim3A_499 = vector.broadcast %broadcast_in_dim3A_498 : f32 to vector<16xf32>
    %swap3A_500 = arith.constant 7 : i32
    %swap3A_501 = arith.index_cast %swap3A_500 : i32 to index
    %swap3A_502 = arith.constant 80 : index
    %swap3A_503 = tpu.vector_load %arg13[%swap3A_501, %swap3A_502] {strides = array<i32>} : memref<16x128xf32, #tpu.memory_space<vmem>>, vector<1x16xf32>,
    %swap3A_504 = vector.shape_cast %swap3A_503 : vector<1x16xf32> to vector<16xf32>
    %swap3A_505 = vector.shape_cast %broadcast_in_dim3A_499 : vector<16xf32> to vector<1x16xf32>
    tpu.vector_store %arg13[%swap3A_501, %swap3A_502], %swap3A_505 {strides = array<i32>} : memref<16x128xf32, #tpu.memory_space<vmem>>, vector<1x16xf32>,
    %broadcast_in_dim3A_506 = arith.constant 0.000000e+00 : f32
    %broadcast_in_dim3A_507 = vector.broadcast %broadcast_in_dim3A_506 : f32 to vector<16xf32>
    %swap3A_508 = arith.constant 7 : i32
    %swap3A_509 = arith.index_cast %swap3A_508 : i32 to index
    %swap3A_510 = arith.constant 96 : index
    %swap3A_511 = tpu.vector_load %arg13[%swap3A_509, %swap3A_510] {strides = array<i32>} : memref<16x128xf32, #tpu.memory_space<vmem>>, vector<1x16xf32>,
    %swap3A_512 = vector.shape_cast %swap3A_511 : vector<1x16xf32> to vector<16xf32>
    %swap3A_513 = vector.shape_cast %broadcast_in_dim3A_507 : vector<16xf32> to vector<1x16xf32>
    tpu.vector_store %arg13[%swap3A_509, %swap3A_510], %swap3A_513 {strides = array<i32>} : memref<16x128xf32, #tpu.memory_space<vmem>>, vector<1x16xf32>,
    %broadcast_in_dim3A_514 = arith.constant 0.000000e+00 : f32
    %broadcast_in_dim3A_515 = vector.broadcast %broadcast_in_dim3A_514 : f32 to vector<16xf32>
    %swap3A_516 = arith.constant 7 : i32
    %swap3A_517 = arith.index_cast %swap3A_516 : i32 to index
    %swap3A_518 = arith.constant 112 : index
    %swap3A_519 = tpu.vector_load %arg13[%swap3A_517, %swap3A_518] {strides = array<i32>} : memref<16x128xf32, #tpu.memory_space<vmem>>, vector<1x16xf32>,
    %swap3A_520 = vector.shape_cast %swap3A_519 : vector<1x16xf32> to vector<16xf32>
    %swap3A_521 = vector.shape_cast %broadcast_in_dim3A_515 : vector<16xf32> to vector<1x16xf32>
    tpu.vector_store %arg13[%swap3A_517, %swap3A_518], %swap3A_521 {strides = array<i32>} : memref<16x128xf32, #tpu.memory_space<vmem>>, vector<1x16xf32>,
    %broadcast_in_dim3A_522 = arith.constant 0.000000e+00 : f32
    %broadcast_in_dim3A_523 = vector.broadcast %broadcast_in_dim3A_522 : f32 to vector<16xf32>
    %swap3A_524 = arith.constant 8 : i32
    %swap3A_525 = arith.index_cast %swap3A_524 : i32 to index
    %swap3A_526 = arith.constant 0 : index
    %swap3A_527 = tpu.vector_load %arg13[%swap3A_525, %swap3A_526] {strides = array<i32>} : memref<16x128xf32, #tpu.memory_space<vmem>>, vector<1x16xf32>,
    %swap3A_528 = vector.shape_cast %swap3A_527 : vector<1x16xf32> to vector<16xf32>
    %swap3A_529 = vector.shape_cast %broadcast_in_dim3A_523 : vector<16xf32> to vector<1x16xf32>
    tpu.vector_store %arg13[%swap3A_525, %swap3A_526], %swap3A_529 {strides = array<i32>} : memref<16x128xf32, #tpu.memory_space<vmem>>, vector<1x16xf32>,
    %broadcast_in_dim3A_530 = arith.constant 0.000000e+00 : f32
    %broadcast_in_dim3A_531 = vector.broadcast %broadcast_in_dim3A_530 : f32 to vector<16xf32>
    %swap3A_532 = arith.constant 8 : i32
    %swap3A_533 = arith.index_cast %swap3A_532 : i32 to index
    %swap3A_534 = arith.constant 16 : index
    %swap3A_535 = tpu.vector_load %arg13[%swap3A_533, %swap3A_534] {strides = array<i32>} : memref<16x128xf32, #tpu.memory_space<vmem>>, vector<1x16xf32>,
    %swap3A_536 = vector.shape_cast %swap3A_535 : vector<1x16xf32> to vector<16xf32>
    %swap3A_537 = vector.shape_cast %broadcast_in_dim3A_531 : vector<16xf32> to vector<1x16xf32>
    tpu.vector_store %arg13[%swap3A_533, %swap3A_534], %swap3A_537 {strides = array<i32>} : memref<16x128xf32, #tpu.memory_space<vmem>>, vector<1x16xf32>,
    %broadcast_in_dim3A_538 = arith.constant 0.000000e+00 : f32
    %broadcast_in_dim3A_539 = vector.broadcast %broadcast_in_dim3A_538 : f32 to vector<16xf32>
    %swap3A_540 = arith.constant 8 : i32
    %swap3A_541 = arith.index_cast %swap3A_540 : i32 to index
    %swap3A_542 = arith.constant 32 : index
    %swap3A_543 = tpu.vector_load %arg13[%swap3A_541, %swap3A_542] {strides = array<i32>} : memref<16x128xf32, #tpu.memory_space<vmem>>, vector<1x16xf32>,
    %swap3A_544 = vector.shape_cast %swap3A_543 : vector<1x16xf32> to vector<16xf32>
    %swap3A_545 = vector.shape_cast %broadcast_in_dim3A_539 : vector<16xf32> to vector<1x16xf32>
    tpu.vector_store %arg13[%swap3A_541, %swap3A_542], %swap3A_545 {strides = array<i32>} : memref<16x128xf32, #tpu.memory_space<vmem>>, vector<1x16xf32>,
    %broadcast_in_dim3A_546 = arith.constant 0.000000e+00 : f32
    %broadcast_in_dim3A_547 = vector.broadcast %broadcast_in_dim3A_546 : f32 to vector<16xf32>
    %swap3A_548 = arith.constant 8 : i32
    %swap3A_549 = arith.index_cast %swap3A_548 : i32 to index
    %swap3A_550 = arith.constant 48 : index
    %swap3A_551 = tpu.vector_load %arg13[%swap3A_549, %swap3A_550] {strides = array<i32>} : memref<16x128xf32, #tpu.memory_space<vmem>>, vector<1x16xf32>,
    %swap3A_552 = vector.shape_cast %swap3A_551 : vector<1x16xf32> to vector<16xf32>
    %swap3A_553 = vector.shape_cast %broadcast_in_dim3A_547 : vector<16xf32> to vector<1x16xf32>
    tpu.vector_store %arg13[%swap3A_549, %swap3A_550], %swap3A_553 {strides = array<i32>} : memref<16x128xf32, #tpu.memory_space<vmem>>, vector<1x16xf32>,
    %broadcast_in_dim3A_554 = arith.constant 0.000000e+00 : f32
    %broadcast_in_dim3A_555 = vector.broadcast %broadcast_in_dim3A_554 : f32 to vector<16xf32>
    %swap3A_556 = arith.constant 8 : i32
    %swap3A_557 = arith.index_cast %swap3A_556 : i32 to index
    %swap3A_558 = arith.constant 64 : index
    %swap3A_559 = tpu.vector_load %arg13[%swap3A_557, %swap3A_558] {strides = array<i32>} : memref<16x128xf32, #tpu.memory_space<vmem>>, vector<1x16xf32>,
    %swap3A_560 = vector.shape_cast %swap3A_559 : vector<1x16xf32> to vector<16xf32>
    %swap3A_561 = vector.shape_cast %broadcast_in_dim3A_555 : vector<16xf32> to vector<1x16xf32>
    tpu.vector_store %arg13[%swap3A_557, %swap3A_558], %swap3A_561 {strides = array<i32>} : memref<16x128xf32, #tpu.memory_space<vmem>>, vector<1x16xf32>,
    %broadcast_in_dim3A_562 = arith.constant 0.000000e+00 : f32
    %broadcast_in_dim3A_563 = vector.broadcast %broadcast_in_dim3A_562 : f32 to vector<16xf32>
    %swap3A_564 = arith.constant 8 : i32
    %swap3A_565 = arith.index_cast %swap3A_564 : i32 to index
    %swap3A_566 = arith.constant 80 : index
    %swap3A_567 = tpu.vector_load %arg13[%swap3A_565, %swap3A_566] {strides = array<i32>} : memref<16x128xf32, #tpu.memory_space<vmem>>, vector<1x16xf32>,
    %swap3A_568 = vector.shape_cast %swap3A_567 : vector<1x16xf32> to vector<16xf32>
    %swap3A_569 = vector.shape_cast %broadcast_in_dim3A_563 : vector<16xf32> to vector<1x16xf32>
    tpu.vector_store %arg13[%swap3A_565, %swap3A_566], %swap3A_569 {strides = array<i32>} : memref<16x128xf32, #tpu.memory_space<vmem>>, vector<1x16xf32>,
    %broadcast_in_dim3A_570 = arith.constant 0.000000e+00 : f32
    %broadcast_in_dim3A_571 = vector.broadcast %broadcast_in_dim3A_570 : f32 to vector<16xf32>
    %swap3A_572 = arith.constant 8 : i32
    %swap3A_573 = arith.index_cast %swap3A_572 : i32 to index
    %swap3A_574 = arith.constant 96 : index
    %swap3A_575 = tpu.vector_load %arg13[%swap3A_573, %swap3A_574] {strides = array<i32>} : memref<16x128xf32, #tpu.memory_space<vmem>>, vector<1x16xf32>,
    %swap3A_576 = vector.shape_cast %swap3A_575 : vector<1x16xf32> to vector<16xf32>
    %swap3A_577 = vector.shape_cast %broadcast_in_dim3A_571 : vector<16xf32> to vector<1x16xf32>
    tpu.vector_store %arg13[%swap3A_573, %swap3A_574], %swap3A_577 {strides = array<i32>} : memref<16x128xf32, #tpu.memory_space<vmem>>, vector<1x16xf32>,
    %broadcast_in_dim3A_578 = arith.constant 0.000000e+00 : f32
    %broadcast_in_dim3A_579 = vector.broadcast %broadcast_in_dim3A_578 : f32 to vector<16xf32>
    %swap3A_580 = arith.constant 8 : i32
    %swap3A_581 = arith.index_cast %swap3A_580 : i32 to index
    %swap3A_582 = arith.constant 112 : index
    %swap3A_583 = tpu.vector_load %arg13[%swap3A_581, %swap3A_582] {strides = array<i32>} : memref<16x128xf32, #tpu.memory_space<vmem>>, vector<1x16xf32>,
    %swap3A_584 = vector.shape_cast %swap3A_583 : vector<1x16xf32> to vector<16xf32>
    %swap3A_585 = vector.shape_cast %broadcast_in_dim3A_579 : vector<16xf32> to vector<1x16xf32>
    tpu.vector_store %arg13[%swap3A_581, %swap3A_582], %swap3A_585 {strides = array<i32>} : memref<16x128xf32, #tpu.memory_space<vmem>>, vector<1x16xf32>,
    %broadcast_in_dim3A_586 = arith.constant 0.000000e+00 : f32
    %broadcast_in_dim3A_587 = vector.broadcast %broadcast_in_dim3A_586 : f32 to vector<16xf32>
    %swap3A_588 = arith.constant 9 : i32
    %swap3A_589 = arith.index_cast %swap3A_588 : i32 to index
    %swap3A_590 = arith.constant 0 : index
    %swap3A_591 = tpu.vector_load %arg13[%swap3A_589, %swap3A_590] {strides = array<i32>} : memref<16x128xf32, #tpu.memory_space<vmem>>, vector<1x16xf32>,
    %swap3A_592 = vector.shape_cast %swap3A_591 : vector<1x16xf32> to vector<16xf32>
    %swap3A_593 = vector.shape_cast %broadcast_in_dim3A_587 : vector<16xf32> to vector<1x16xf32>
    tpu.vector_store %arg13[%swap3A_589, %swap3A_590], %swap3A_593 {strides = array<i32>} : memref<16x128xf32, #tpu.memory_space<vmem>>, vector<1x16xf32>,
    %broadcast_in_dim3A_594 = arith.constant 0.000000e+00 : f32
    %broadcast_in_dim3A_595 = vector.broadcast %broadcast_in_dim3A_594 : f32 to vector<16xf32>
    %swap3A_596 = arith.constant 9 : i32
    %swap3A_597 = arith.index_cast %swap3A_596 : i32 to index
    %swap3A_598 = arith.constant 16 : index
    %swap3A_599 = tpu.vector_load %arg13[%swap3A_597, %swap3A_598] {strides = array<i32>} : memref<16x128xf32, #tpu.memory_space<vmem>>, vector<1x16xf32>,
    %swap3A_600 = vector.shape_cast %swap3A_599 : vector<1x16xf32> to vector<16xf32>
    %swap3A_601 = vector.shape_cast %broadcast_in_dim3A_595 : vector<16xf32> to vector<1x16xf32>
    tpu.vector_store %arg13[%swap3A_597, %swap3A_598], %swap3A_601 {strides = array<i32>} : memref<16x128xf32, #tpu.memory_space<vmem>>, vector<1x16xf32>,
    %broadcast_in_dim3A_602 = arith.constant 0.000000e+00 : f32
    %broadcast_in_dim3A_603 = vector.broadcast %broadcast_in_dim3A_602 : f32 to vector<16xf32>
    %swap3A_604 = arith.constant 9 : i32
    %swap3A_605 = arith.index_cast %swap3A_604 : i32 to index
    %swap3A_606 = arith.constant 32 : index
    %swap3A_607 = tpu.vector_load %arg13[%swap3A_605, %swap3A_606] {strides = array<i32>} : memref<16x128xf32, #tpu.memory_space<vmem>>, vector<1x16xf32>,
    %swap3A_608 = vector.shape_cast %swap3A_607 : vector<1x16xf32> to vector<16xf32>
    %swap3A_609 = vector.shape_cast %broadcast_in_dim3A_603 : vector<16xf32> to vector<1x16xf32>
    tpu.vector_store %arg13[%swap3A_605, %swap3A_606], %swap3A_609 {strides = array<i32>} : memref<16x128xf32, #tpu.memory_space<vmem>>, vector<1x16xf32>,
    %broadcast_in_dim3A_610 = arith.constant 0.000000e+00 : f32
    %broadcast_in_dim3A_611 = vector.broadcast %broadcast_in_dim3A_610 : f32 to vector<16xf32>
    %swap3A_612 = arith.constant 9 : i32
    %swap3A_613 = arith.index_cast %swap3A_612 : i32 to index
    %swap3A_614 = arith.constant 48 : index
    %swap3A_615 = tpu.vector_load %arg13[%swap3A_613, %swap3A_614] {strides = array<i32>} : memref<16x128xf32, #tpu.memory_space<vmem>>, vector<1x16xf32>,
    %swap3A_616 = vector.shape_cast %swap3A_615 : vector<1x16xf32> to vector<16xf32>
    %swap3A_617 = vector.shape_cast %broadcast_in_dim3A_611 : vector<16xf32> to vector<1x16xf32>
    tpu.vector_store %arg13[%swap3A_613, %swap3A_614], %swap3A_617 {strides = array<i32>} : memref<16x128xf32, #tpu.memory_space<vmem>>, vector<1x16xf32>,
    %broadcast_in_dim3A_618 = arith.constant 0.000000e+00 : f32
    %broadcast_in_dim3A_619 = vector.broadcast %broadcast_in_dim3A_618 : f32 to vector<16xf32>
    %swap3A_620 = arith.constant 9 : i32
    %swap3A_621 = arith.index_cast %swap3A_620 : i32 to index
    %swap3A_622 = arith.constant 64 : index
    %swap3A_623 = tpu.vector_load %arg13[%swap3A_621, %swap3A_622] {strides = array<i32>} : memref<16x128xf32, #tpu.memory_space<vmem>>, vector<1x16xf32>,
    %swap3A_624 = vector.shape_cast %swap3A_623 : vector<1x16xf32> to vector<16xf32>
    %swap3A_625 = vector.shape_cast %broadcast_in_dim3A_619 : vector<16xf32> to vector<1x16xf32>
    tpu.vector_store %arg13[%swap3A_621, %swap3A_622], %swap3A_625 {strides = array<i32>} : memref<16x128xf32, #tpu.memory_space<vmem>>, vector<1x16xf32>,
    %broadcast_in_dim3A_626 = arith.constant 0.000000e+00 : f32
    %broadcast_in_dim3A_627 = vector.broadcast %broadcast_in_dim3A_626 : f32 to vector<16xf32>
    %swap3A_628 = arith.constant 9 : i32
    %swap3A_629 = arith.index_cast %swap3A_628 : i32 to index
    %swap3A_630 = arith.constant 80 : index
    %swap3A_631 = tpu.vector_load %arg13[%swap3A_629, %swap3A_630] {strides = array<i32>} : memref<16x128xf32, #tpu.memory_space<vmem>>, vector<1x16xf32>,
    %swap3A_632 = vector.shape_cast %swap3A_631 : vector<1x16xf32> to vector<16xf32>
    %swap3A_633 = vector.shape_cast %broadcast_in_dim3A_627 : vector<16xf32> to vector<1x16xf32>
    tpu.vector_store %arg13[%swap3A_629, %swap3A_630], %swap3A_633 {strides = array<i32>} : memref<16x128xf32, #tpu.memory_space<vmem>>, vector<1x16xf32>,
    %broadcast_in_dim3A_634 = arith.constant 0.000000e+00 : f32
    %broadcast_in_dim3A_635 = vector.broadcast %broadcast_in_dim3A_634 : f32 to vector<16xf32>
    %swap3A_636 = arith.constant 9 : i32
    %swap3A_637 = arith.index_cast %swap3A_636 : i32 to index
    %swap3A_638 = arith.constant 96 : index
    %swap3A_639 = tpu.vector_load %arg13[%swap3A_637, %swap3A_638] {strides = array<i32>} : memref<16x128xf32, #tpu.memory_space<vmem>>, vector<1x16xf32>,
    %swap3A_640 = vector.shape_cast %swap3A_639 : vector<1x16xf32> to vector<16xf32>
    %swap3A_641 = vector.shape_cast %broadcast_in_dim3A_635 : vector<16xf32> to vector<1x16xf32>
    tpu.vector_store %arg13[%swap3A_637, %swap3A_638], %swap3A_641 {strides = array<i32>} : memref<16x128xf32, #tpu.memory_space<vmem>>, vector<1x16xf32>,
    %broadcast_in_dim3A_642 = arith.constant 0.000000e+00 : f32
    %broadcast_in_dim3A_643 = vector.broadcast %broadcast_in_dim3A_642 : f32 to vector<16xf32>
    %swap3A_644 = arith.constant 9 : i32
    %swap3A_645 = arith.index_cast %swap3A_644 : i32 to index
    %swap3A_646 = arith.constant 112 : index
    %swap3A_647 = tpu.vector_load %arg13[%swap3A_645, %swap3A_646] {strides = array<i32>} : memref<16x128xf32, #tpu.memory_space<vmem>>, vector<1x16xf32>,
    %swap3A_648 = vector.shape_cast %swap3A_647 : vector<1x16xf32> to vector<16xf32>
    %swap3A_649 = vector.shape_cast %broadcast_in_dim3A_643 : vector<16xf32> to vector<1x16xf32>
    tpu.vector_store %arg13[%swap3A_645, %swap3A_646], %swap3A_649 {strides = array<i32>} : memref<16x128xf32, #tpu.memory_space<vmem>>, vector<1x16xf32>,
    %broadcast_in_dim3A_650 = arith.constant 0.000000e+00 : f32
    %broadcast_in_dim3A_651 = vector.broadcast %broadcast_in_dim3A_650 : f32 to vector<16xf32>
    %swap3A_652 = arith.constant 10 : i32
    %swap3A_653 = arith.index_cast %swap3A_652 : i32 to index
    %swap3A_654 = arith.constant 0 : index
    %swap3A_655 = tpu.vector_load %arg13[%swap3A_653, %swap3A_654] {strides = array<i32>} : memref<16x128xf32, #tpu.memory_space<vmem>>, vector<1x16xf32>,
    %swap3A_656 = vector.shape_cast %swap3A_655 : vector<1x16xf32> to vector<16xf32>
    %swap3A_657 = vector.shape_cast %broadcast_in_dim3A_651 : vector<16xf32> to vector<1x16xf32>
    tpu.vector_store %arg13[%swap3A_653, %swap3A_654], %swap3A_657 {strides = array<i32>} : memref<16x128xf32, #tpu.memory_space<vmem>>, vector<1x16xf32>,
    %broadcast_in_dim3A_658 = arith.constant 0.000000e+00 : f32
    %broadcast_in_dim3A_659 = vector.broadcast %broadcast_in_dim3A_658 : f32 to vector<16xf32>
    %swap3A_660 = arith.constant 10 : i32
    %swap3A_661 = arith.index_cast %swap3A_660 : i32 to index
    %swap3A_662 = arith.constant 16 : index
    %swap3A_663 = tpu.vector_load %arg13[%swap3A_661, %swap3A_662] {strides = array<i32>} : memref<16x128xf32, #tpu.memory_space<vmem>>, vector<1x16xf32>,
    %swap3A_664 = vector.shape_cast %swap3A_663 : vector<1x16xf32> to vector<16xf32>
    %swap3A_665 = vector.shape_cast %broadcast_in_dim3A_659 : vector<16xf32> to vector<1x16xf32>
    tpu.vector_store %arg13[%swap3A_661, %swap3A_662], %swap3A_665 {strides = array<i32>} : memref<16x128xf32, #tpu.memory_space<vmem>>, vector<1x16xf32>,
    %broadcast_in_dim3A_666 = arith.constant 0.000000e+00 : f32
    %broadcast_in_dim3A_667 = vector.broadcast %broadcast_in_dim3A_666 : f32 to vector<16xf32>
    %swap3A_668 = arith.constant 10 : i32
    %swap3A_669 = arith.index_cast %swap3A_668 : i32 to index
    %swap3A_670 = arith.constant 32 : index
    %swap3A_671 = tpu.vector_load %arg13[%swap3A_669, %swap3A_670] {strides = array<i32>} : memref<16x128xf32, #tpu.memory_space<vmem>>, vector<1x16xf32>,
    %swap3A_672 = vector.shape_cast %swap3A_671 : vector<1x16xf32> to vector<16xf32>
    %swap3A_673 = vector.shape_cast %broadcast_in_dim3A_667 : vector<16xf32> to vector<1x16xf32>
    tpu.vector_store %arg13[%swap3A_669, %swap3A_670], %swap3A_673 {strides = array<i32>} : memref<16x128xf32, #tpu.memory_space<vmem>>, vector<1x16xf32>,
    %broadcast_in_dim3A_674 = arith.constant 0.000000e+00 : f32
    %broadcast_in_dim3A_675 = vector.broadcast %broadcast_in_dim3A_674 : f32 to vector<16xf32>
    %swap3A_676 = arith.constant 10 : i32
    %swap3A_677 = arith.index_cast %swap3A_676 : i32 to index
    %swap3A_678 = arith.constant 48 : index
    %swap3A_679 = tpu.vector_load %arg13[%swap3A_677, %swap3A_678] {strides = array<i32>} : memref<16x128xf32, #tpu.memory_space<vmem>>, vector<1x16xf32>,
    %swap3A_680 = vector.shape_cast %swap3A_679 : vector<1x16xf32> to vector<16xf32>
    %swap3A_681 = vector.shape_cast %broadcast_in_dim3A_675 : vector<16xf32> to vector<1x16xf32>
    tpu.vector_store %arg13[%swap3A_677, %swap3A_678], %swap3A_681 {strides = array<i32>} : memref<16x128xf32, #tpu.memory_space<vmem>>, vector<1x16xf32>,
    %broadcast_in_dim3A_682 = arith.constant 0.000000e+00 : f32
    %broadcast_in_dim3A_683 = vector.broadcast %broadcast_in_dim3A_682 : f32 to vector<16xf32>
    %swap3A_684 = arith.constant 10 : i32
    %swap3A_685 = arith.index_cast %swap3A_684 : i32 to index
    %swap3A_686 = arith.constant 64 : index
    %swap3A_687 = tpu.vector_load %arg13[%swap3A_685, %swap3A_686] {strides = array<i32>} : memref<16x128xf32, #tpu.memory_space<vmem>>, vector<1x16xf32>,
    %swap3A_688 = vector.shape_cast %swap3A_687 : vector<1x16xf32> to vector<16xf32>
    %swap3A_689 = vector.shape_cast %broadcast_in_dim3A_683 : vector<16xf32> to vector<1x16xf32>
    tpu.vector_store %arg13[%swap3A_685, %swap3A_686], %swap3A_689 {strides = array<i32>} : memref<16x128xf32, #tpu.memory_space<vmem>>, vector<1x16xf32>,
    %broadcast_in_dim3A_690 = arith.constant 0.000000e+00 : f32
    %broadcast_in_dim3A_691 = vector.broadcast %broadcast_in_dim3A_690 : f32 to vector<16xf32>
    %swap3A_692 = arith.constant 10 : i32
    %swap3A_693 = arith.index_cast %swap3A_692 : i32 to index
    %swap3A_694 = arith.constant 80 : index
    %swap3A_695 = tpu.vector_load %arg13[%swap3A_693, %swap3A_694] {strides = array<i32>} : memref<16x128xf32, #tpu.memory_space<vmem>>, vector<1x16xf32>,
    %swap3A_696 = vector.shape_cast %swap3A_695 : vector<1x16xf32> to vector<16xf32>
    %swap3A_697 = vector.shape_cast %broadcast_in_dim3A_691 : vector<16xf32> to vector<1x16xf32>
    tpu.vector_store %arg13[%swap3A_693, %swap3A_694], %swap3A_697 {strides = array<i32>} : memref<16x128xf32, #tpu.memory_space<vmem>>, vector<1x16xf32>,
    %broadcast_in_dim3A_698 = arith.constant 0.000000e+00 : f32
    %broadcast_in_dim3A_699 = vector.broadcast %broadcast_in_dim3A_698 : f32 to vector<16xf32>
    %swap3A_700 = arith.constant 10 : i32
    %swap3A_701 = arith.index_cast %swap3A_700 : i32 to index
    %swap3A_702 = arith.constant 96 : index
    %swap3A_703 = tpu.vector_load %arg13[%swap3A_701, %swap3A_702] {strides = array<i32>} : memref<16x128xf32, #tpu.memory_space<vmem>>, vector<1x16xf32>,
    %swap3A_704 = vector.shape_cast %swap3A_703 : vector<1x16xf32> to vector<16xf32>
    %swap3A_705 = vector.shape_cast %broadcast_in_dim3A_699 : vector<16xf32> to vector<1x16xf32>
    tpu.vector_store %arg13[%swap3A_701, %swap3A_702], %swap3A_705 {strides = array<i32>} : memref<16x128xf32, #tpu.memory_space<vmem>>, vector<1x16xf32>,
    %broadcast_in_dim3A_706 = arith.constant 0.000000e+00 : f32
    %broadcast_in_dim3A_707 = vector.broadcast %broadcast_in_dim3A_706 : f32 to vector<16xf32>
    %swap3A_708 = arith.constant 10 : i32
    %swap3A_709 = arith.index_cast %swap3A_708 : i32 to index
    %swap3A_710 = arith.constant 112 : index
    %swap3A_711 = tpu.vector_load %arg13[%swap3A_709, %swap3A_710] {strides = array<i32>} : memref<16x128xf32, #tpu.memory_space<vmem>>, vector<1x16xf32>,
    %swap3A_712 = vector.shape_cast %swap3A_711 : vector<1x16xf32> to vector<16xf32>
    %swap3A_713 = vector.shape_cast %broadcast_in_dim3A_707 : vector<16xf32> to vector<1x16xf32>
    tpu.vector_store %arg13[%swap3A_709, %swap3A_710], %swap3A_713 {strides = array<i32>} : memref<16x128xf32, #tpu.memory_space<vmem>>, vector<1x16xf32>,
    %broadcast_in_dim3A_714 = arith.constant 0.000000e+00 : f32
    %broadcast_in_dim3A_715 = vector.broadcast %broadcast_in_dim3A_714 : f32 to vector<16xf32>
    %swap3A_716 = arith.constant 11 : i32
    %swap3A_717 = arith.index_cast %swap3A_716 : i32 to index
    %swap3A_718 = arith.constant 0 : index
    %swap3A_719 = tpu.vector_load %arg13[%swap3A_717, %swap3A_718] {strides = array<i32>} : memref<16x128xf32, #tpu.memory_space<vmem>>, vector<1x16xf32>,
    %swap3A_720 = vector.shape_cast %swap3A_719 : vector<1x16xf32> to vector<16xf32>
    %swap3A_721 = vector.shape_cast %broadcast_in_dim3A_715 : vector<16xf32> to vector<1x16xf32>
    tpu.vector_store %arg13[%swap3A_717, %swap3A_718], %swap3A_721 {strides = array<i32>} : memref<16x128xf32, #tpu.memory_space<vmem>>, vector<1x16xf32>,
    %broadcast_in_dim3A_722 = arith.constant 0.000000e+00 : f32
    %broadcast_in_dim3A_723 = vector.broadcast %broadcast_in_dim3A_722 : f32 to vector<16xf32>
    %swap3A_724 = arith.constant 11 : i32
    %swap3A_725 = arith.index_cast %swap3A_724 : i32 to index
    %swap3A_726 = arith.constant 16 : index
    %swap3A_727 = tpu.vector_load %arg13[%swap3A_725, %swap3A_726] {strides = array<i32>} : memref<16x128xf32, #tpu.memory_space<vmem>>, vector<1x16xf32>,
    %swap3A_728 = vector.shape_cast %swap3A_727 : vector<1x16xf32> to vector<16xf32>
    %swap3A_729 = vector.shape_cast %broadcast_in_dim3A_723 : vector<16xf32> to vector<1x16xf32>
    tpu.vector_store %arg13[%swap3A_725, %swap3A_726], %swap3A_729 {strides = array<i32>} : memref<16x128xf32, #tpu.memory_space<vmem>>, vector<1x16xf32>,
    %broadcast_in_dim3A_730 = arith.constant 0.000000e+00 : f32
    %broadcast_in_dim3A_731 = vector.broadcast %broadcast_in_dim3A_730 : f32 to vector<16xf32>
    %swap3A_732 = arith.constant 11 : i32
    %swap3A_733 = arith.index_cast %swap3A_732 : i32 to index
    %swap3A_734 = arith.constant 32 : index
    %swap3A_735 = tpu.vector_load %arg13[%swap3A_733, %swap3A_734] {strides = array<i32>} : memref<16x128xf32, #tpu.memory_space<vmem>>, vector<1x16xf32>,
    %swap3A_736 = vector.shape_cast %swap3A_735 : vector<1x16xf32> to vector<16xf32>
    %swap3A_737 = vector.shape_cast %broadcast_in_dim3A_731 : vector<16xf32> to vector<1x16xf32>
    tpu.vector_store %arg13[%swap3A_733, %swap3A_734], %swap3A_737 {strides = array<i32>} : memref<16x128xf32, #tpu.memory_space<vmem>>, vector<1x16xf32>,
    %broadcast_in_dim3A_738 = arith.constant 0.000000e+00 : f32
    %broadcast_in_dim3A_739 = vector.broadcast %broadcast_in_dim3A_738 : f32 to vector<16xf32>
    %swap3A_740 = arith.constant 11 : i32
    %swap3A_741 = arith.index_cast %swap3A_740 : i32 to index
    %swap3A_742 = arith.constant 48 : index
    %swap3A_743 = tpu.vector_load %arg13[%swap3A_741, %swap3A_742] {strides = array<i32>} : memref<16x128xf32, #tpu.memory_space<vmem>>, vector<1x16xf32>,
    %swap3A_744 = vector.shape_cast %swap3A_743 : vector<1x16xf32> to vector<16xf32>
    %swap3A_745 = vector.shape_cast %broadcast_in_dim3A_739 : vector<16xf32> to vector<1x16xf32>
    tpu.vector_store %arg13[%swap3A_741, %swap3A_742], %swap3A_745 {strides = array<i32>} : memref<16x128xf32, #tpu.memory_space<vmem>>, vector<1x16xf32>,
    %broadcast_in_dim3A_746 = arith.constant 0.000000e+00 : f32
    %broadcast_in_dim3A_747 = vector.broadcast %broadcast_in_dim3A_746 : f32 to vector<16xf32>
    %swap3A_748 = arith.constant 11 : i32
    %swap3A_749 = arith.index_cast %swap3A_748 : i32 to index
    %swap3A_750 = arith.constant 64 : index
    %swap3A_751 = tpu.vector_load %arg13[%swap3A_749, %swap3A_750] {strides = array<i32>} : memref<16x128xf32, #tpu.memory_space<vmem>>, vector<1x16xf32>,
    %swap3A_752 = vector.shape_cast %swap3A_751 : vector<1x16xf32> to vector<16xf32>
    %swap3A_753 = vector.shape_cast %broadcast_in_dim3A_747 : vector<16xf32> to vector<1x16xf32>
    tpu.vector_store %arg13[%swap3A_749, %swap3A_750], %swap3A_753 {strides = array<i32>} : memref<16x128xf32, #tpu.memory_space<vmem>>, vector<1x16xf32>,
    %broadcast_in_dim3A_754 = arith.constant 0.000000e+00 : f32
    %broadcast_in_dim3A_755 = vector.broadcast %broadcast_in_dim3A_754 : f32 to vector<16xf32>
    %swap3A_756 = arith.constant 11 : i32
    %swap3A_757 = arith.index_cast %swap3A_756 : i32 to index
    %swap3A_758 = arith.constant 80 : index
    %swap3A_759 = tpu.vector_load %arg13[%swap3A_757, %swap3A_758] {strides = array<i32>} : memref<16x128xf32, #tpu.memory_space<vmem>>, vector<1x16xf32>,
    %swap3A_760 = vector.shape_cast %swap3A_759 : vector<1x16xf32> to vector<16xf32>
    %swap3A_761 = vector.shape_cast %broadcast_in_dim3A_755 : vector<16xf32> to vector<1x16xf32>
    tpu.vector_store %arg13[%swap3A_757, %swap3A_758], %swap3A_761 {strides = array<i32>} : memref<16x128xf32, #tpu.memory_space<vmem>>, vector<1x16xf32>,
    %broadcast_in_dim3A_762 = arith.constant 0.000000e+00 : f32
    %broadcast_in_dim3A_763 = vector.broadcast %broadcast_in_dim3A_762 : f32 to vector<16xf32>
    %swap3A_764 = arith.constant 11 : i32
    %swap3A_765 = arith.index_cast %swap3A_764 : i32 to index
    %swap3A_766 = arith.constant 96 : index
    %swap3A_767 = tpu.vector_load %arg13[%swap3A_765, %swap3A_766] {strides = array<i32>} : memref<16x128xf32, #tpu.memory_space<vmem>>, vector<1x16xf32>,
    %swap3A_768 = vector.shape_cast %swap3A_767 : vector<1x16xf32> to vector<16xf32>
    %swap3A_769 = vector.shape_cast %broadcast_in_dim3A_763 : vector<16xf32> to vector<1x16xf32>
    tpu.vector_store %arg13[%swap3A_765, %swap3A_766], %swap3A_769 {strides = array<i32>} : memref<16x128xf32, #tpu.memory_space<vmem>>, vector<1x16xf32>,
    %broadcast_in_dim3A_770 = arith.constant 0.000000e+00 : f32
    %broadcast_in_dim3A_771 = vector.broadcast %broadcast_in_dim3A_770 : f32 to vector<16xf32>
    %swap3A_772 = arith.constant 11 : i32
    %swap3A_773 = arith.index_cast %swap3A_772 : i32 to index
    %swap3A_774 = arith.constant 112 : index
    %swap3A_775 = tpu.vector_load %arg13[%swap3A_773, %swap3A_774] {strides = array<i32>} : memref<16x128xf32, #tpu.memory_space<vmem>>, vector<1x16xf32>,
    %swap3A_776 = vector.shape_cast %swap3A_775 : vector<1x16xf32> to vector<16xf32>
    %swap3A_777 = vector.shape_cast %broadcast_in_dim3A_771 : vector<16xf32> to vector<1x16xf32>
    tpu.vector_store %arg13[%swap3A_773, %swap3A_774], %swap3A_777 {strides = array<i32>} : memref<16x128xf32, #tpu.memory_space<vmem>>, vector<1x16xf32>,
    %broadcast_in_dim3A_778 = arith.constant 0.000000e+00 : f32
    %broadcast_in_dim3A_779 = vector.broadcast %broadcast_in_dim3A_778 : f32 to vector<16xf32>
    %swap3A_780 = arith.constant 12 : i32
    %swap3A_781 = arith.index_cast %swap3A_780 : i32 to index
    %swap3A_782 = arith.constant 0 : index
    %swap3A_783 = tpu.vector_load %arg13[%swap3A_781, %swap3A_782] {strides = array<i32>} : memref<16x128xf32, #tpu.memory_space<vmem>>, vector<1x16xf32>,
    %swap3A_784 = vector.shape_cast %swap3A_783 : vector<1x16xf32> to vector<16xf32>
    %swap3A_785 = vector.shape_cast %broadcast_in_dim3A_779 : vector<16xf32> to vector<1x16xf32>
    tpu.vector_store %arg13[%swap3A_781, %swap3A_782], %swap3A_785 {strides = array<i32>} : memref<16x128xf32, #tpu.memory_space<vmem>>, vector<1x16xf32>,
    %broadcast_in_dim3A_786 = arith.constant 0.000000e+00 : f32
    %broadcast_in_dim3A_787 = vector.broadcast %broadcast_in_dim3A_786 : f32 to vector<16xf32>
    %swap3A_788 = arith.constant 12 : i32
    %swap3A_789 = arith.index_cast %swap3A_788 : i32 to index
    %swap3A_790 = arith.constant 16 : index
    %swap3A_791 = tpu.vector_load %arg13[%swap3A_789, %swap3A_790] {strides = array<i32>} : memref<16x128xf32, #tpu.memory_space<vmem>>, vector<1x16xf32>,
    %swap3A_792 = vector.shape_cast %swap3A_791 : vector<1x16xf32> to vector<16xf32>
    %swap3A_793 = vector.shape_cast %broadcast_in_dim3A_787 : vector<16xf32> to vector<1x16xf32>
    tpu.vector_store %arg13[%swap3A_789, %swap3A_790], %swap3A_793 {strides = array<i32>} : memref<16x128xf32, #tpu.memory_space<vmem>>, vector<1x16xf32>,
    %broadcast_in_dim3A_794 = arith.constant 0.000000e+00 : f32
    %broadcast_in_dim3A_795 = vector.broadcast %broadcast_in_dim3A_794 : f32 to vector<16xf32>
    %swap3A_796 = arith.constant 12 : i32
    %swap3A_797 = arith.index_cast %swap3A_796 : i32 to index
    %swap3A_798 = arith.constant 32 : index
    %swap3A_799 = tpu.vector_load %arg13[%swap3A_797, %swap3A_798] {strides = array<i32>} : memref<16x128xf32, #tpu.memory_space<vmem>>, vector<1x16xf32>,
    %swap3A_800 = vector.shape_cast %swap3A_799 : vector<1x16xf32> to vector<16xf32>
    %swap3A_801 = vector.shape_cast %broadcast_in_dim3A_795 : vector<16xf32> to vector<1x16xf32>
    tpu.vector_store %arg13[%swap3A_797, %swap3A_798], %swap3A_801 {strides = array<i32>} : memref<16x128xf32, #tpu.memory_space<vmem>>, vector<1x16xf32>,
    %broadcast_in_dim3A_802 = arith.constant 0.000000e+00 : f32
    %broadcast_in_dim3A_803 = vector.broadcast %broadcast_in_dim3A_802 : f32 to vector<16xf32>
    %swap3A_804 = arith.constant 12 : i32
    %swap3A_805 = arith.index_cast %swap3A_804 : i32 to index
    %swap3A_806 = arith.constant 48 : index
    %swap3A_807 = tpu.vector_load %arg13[%swap3A_805, %swap3A_806] {strides = array<i32>} : memref<16x128xf32, #tpu.memory_space<vmem>>, vector<1x16xf32>,
    %swap3A_808 = vector.shape_cast %swap3A_807 : vector<1x16xf32> to vector<16xf32>
    %swap3A_809 = vector.shape_cast %broadcast_in_dim3A_803 : vector<16xf32> to vector<1x16xf32>
    tpu.vector_store %arg13[%swap3A_805, %swap3A_806], %swap3A_809 {strides = array<i32>} : memref<16x128xf32, #tpu.memory_space<vmem>>, vector<1x16xf32>,
    %broadcast_in_dim3A_810 = arith.constant 0.000000e+00 : f32
    %broadcast_in_dim3A_811 = vector.broadcast %broadcast_in_dim3A_810 : f32 to vector<16xf32>
    %swap3A_812 = arith.constant 12 : i32
    %swap3A_813 = arith.index_cast %swap3A_812 : i32 to index
    %swap3A_814 = arith.constant 64 : index
    %swap3A_815 = tpu.vector_load %arg13[%swap3A_813, %swap3A_814] {strides = array<i32>} : memref<16x128xf32, #tpu.memory_space<vmem>>, vector<1x16xf32>,
    %swap3A_816 = vector.shape_cast %swap3A_815 : vector<1x16xf32> to vector<16xf32>
    %swap3A_817 = vector.shape_cast %broadcast_in_dim3A_811 : vector<16xf32> to vector<1x16xf32>
    tpu.vector_store %arg13[%swap3A_813, %swap3A_814], %swap3A_817 {strides = array<i32>} : memref<16x128xf32, #tpu.memory_space<vmem>>, vector<1x16xf32>,
    %broadcast_in_dim3A_818 = arith.constant 0.000000e+00 : f32
    %broadcast_in_dim3A_819 = vector.broadcast %broadcast_in_dim3A_818 : f32 to vector<16xf32>
    %swap3A_820 = arith.constant 12 : i32
    %swap3A_821 = arith.index_cast %swap3A_820 : i32 to index
    %swap3A_822 = arith.constant 80 : index
    %swap3A_823 = tpu.vector_load %arg13[%swap3A_821, %swap3A_822] {strides = array<i32>} : memref<16x128xf32, #tpu.memory_space<vmem>>, vector<1x16xf32>,
    %swap3A_824 = vector.shape_cast %swap3A_823 : vector<1x16xf32> to vector<16xf32>
    %swap3A_825 = vector.shape_cast %broadcast_in_dim3A_819 : vector<16xf32> to vector<1x16xf32>
    tpu.vector_store %arg13[%swap3A_821, %swap3A_822], %swap3A_825 {strides = array<i32>} : memref<16x128xf32, #tpu.memory_space<vmem>>, vector<1x16xf32>,
    %broadcast_in_dim3A_826 = arith.constant 0.000000e+00 : f32
    %broadcast_in_dim3A_827 = vector.broadcast %broadcast_in_dim3A_826 : f32 to vector<16xf32>
    %swap3A_828 = arith.constant 12 : i32
    %swap3A_829 = arith.index_cast %swap3A_828 : i32 to index
    %swap3A_830 = arith.constant 96 : index
    %swap3A_831 = tpu.vector_load %arg13[%swap3A_829, %swap3A_830] {strides = array<i32>} : memref<16x128xf32, #tpu.memory_space<vmem>>, vector<1x16xf32>,
    %swap3A_832 = vector.shape_cast %swap3A_831 : vector<1x16xf32> to vector<16xf32>
    %swap3A_833 = vector.shape_cast %broadcast_in_dim3A_827 : vector<16xf32> to vector<1x16xf32>
    tpu.vector_store %arg13[%swap3A_829, %swap3A_830], %swap3A_833 {strides = array<i32>} : memref<16x128xf32, #tpu.memory_space<vmem>>, vector<1x16xf32>,
    %broadcast_in_dim3A_834 = arith.constant 0.000000e+00 : f32
    %broadcast_in_dim3A_835 = vector.broadcast %broadcast_in_dim3A_834 : f32 to vector<16xf32>
    %swap3A_836 = arith.constant 12 : i32
    %swap3A_837 = arith.index_cast %swap3A_836 : i32 to index
    %swap3A_838 = arith.constant 112 : index
    %swap3A_839 = tpu.vector_load %arg13[%swap3A_837, %swap3A_838] {strides = array<i32>} : memref<16x128xf32, #tpu.memory_space<vmem>>, vector<1x16xf32>,
    %swap3A_840 = vector.shape_cast %swap3A_839 : vector<1x16xf32> to vector<16xf32>
    %swap3A_841 = vector.shape_cast %broadcast_in_dim3A_835 : vector<16xf32> to vector<1x16xf32>
    tpu.vector_store %arg13[%swap3A_837, %swap3A_838], %swap3A_841 {strides = array<i32>} : memref<16x128xf32, #tpu.memory_space<vmem>>, vector<1x16xf32>,
    %broadcast_in_dim3A_842 = arith.constant 0.000000e+00 : f32
    %broadcast_in_dim3A_843 = vector.broadcast %broadcast_in_dim3A_842 : f32 to vector<16xf32>
    %swap3A_844 = arith.constant 13 : i32
    %swap3A_845 = arith.index_cast %swap3A_844 : i32 to index
    %swap3A_846 = arith.constant 0 : index
    %swap3A_847 = tpu.vector_load %arg13[%swap3A_845, %swap3A_846] {strides = array<i32>} : memref<16x128xf32, #tpu.memory_space<vmem>>, vector<1x16xf32>,
    %swap3A_848 = vector.shape_cast %swap3A_847 : vector<1x16xf32> to vector<16xf32>
    %swap3A_849 = vector.shape_cast %broadcast_in_dim3A_843 : vector<16xf32> to vector<1x16xf32>
    tpu.vector_store %arg13[%swap3A_845, %swap3A_846], %swap3A_849 {strides = array<i32>} : memref<16x128xf32, #tpu.memory_space<vmem>>, vector<1x16xf32>,
    %broadcast_in_dim3A_850 = arith.constant 0.000000e+00 : f32
    %broadcast_in_dim3A_851 = vector.broadcast %broadcast_in_dim3A_850 : f32 to vector<16xf32>
    %swap3A_852 = arith.constant 13 : i32
    %swap3A_853 = arith.index_cast %swap3A_852 : i32 to index
    %swap3A_854 = arith.constant 16 : index
    %swap3A_855 = tpu.vector_load %arg13[%swap3A_853, %swap3A_854] {strides = array<i32>} : memref<16x128xf32, #tpu.memory_space<vmem>>, vector<1x16xf32>,
    %swap3A_856 = vector.shape_cast %swap3A_855 : vector<1x16xf32> to vector<16xf32>
    %swap3A_857 = vector.shape_cast %broadcast_in_dim3A_851 : vector<16xf32> to vector<1x16xf32>
    tpu.vector_store %arg13[%swap3A_853, %swap3A_854], %swap3A_857 {strides = array<i32>} : memref<16x128xf32, #tpu.memory_space<vmem>>, vector<1x16xf32>,
    %broadcast_in_dim3A_858 = arith.constant 0.000000e+00 : f32
    %broadcast_in_dim3A_859 = vector.broadcast %broadcast_in_dim3A_858 : f32 to vector<16xf32>
    %swap3A_860 = arith.constant 13 : i32
    %swap3A_861 = arith.index_cast %swap3A_860 : i32 to index
    %swap3A_862 = arith.constant 32 : index
    %swap3A_863 = tpu.vector_load %arg13[%swap3A_861, %swap3A_862] {strides = array<i32>} : memref<16x128xf32, #tpu.memory_space<vmem>>, vector<1x16xf32>,
    %swap3A_864 = vector.shape_cast %swap3A_863 : vector<1x16xf32> to vector<16xf32>
    %swap3A_865 = vector.shape_cast %broadcast_in_dim3A_859 : vector<16xf32> to vector<1x16xf32>
    tpu.vector_store %arg13[%swap3A_861, %swap3A_862], %swap3A_865 {strides = array<i32>} : memref<16x128xf32, #tpu.memory_space<vmem>>, vector<1x16xf32>,
    %broadcast_in_dim3A_866 = arith.constant 0.000000e+00 : f32
    %broadcast_in_dim3A_867 = vector.broadcast %broadcast_in_dim3A_866 : f32 to vector<16xf32>
    %swap3A_868 = arith.constant 13 : i32
    %swap3A_869 = arith.index_cast %swap3A_868 : i32 to index
    %swap3A_870 = arith.constant 48 : index
    %swap3A_871 = tpu.vector_load %arg13[%swap3A_869, %swap3A_870] {strides = array<i32>} : memref<16x128xf32, #tpu.memory_space<vmem>>, vector<1x16xf32>,
    %swap3A_872 = vector.shape_cast %swap3A_871 : vector<1x16xf32> to vector<16xf32>
    %swap3A_873 = vector.shape_cast %broadcast_in_dim3A_867 : vector<16xf32> to vector<1x16xf32>
    tpu.vector_store %arg13[%swap3A_869, %swap3A_870], %swap3A_873 {strides = array<i32>} : memref<16x128xf32, #tpu.memory_space<vmem>>, vector<1x16xf32>,
    %broadcast_in_dim3A_874 = arith.constant 0.000000e+00 : f32
    %broadcast_in_dim3A_875 = vector.broadcast %broadcast_in_dim3A_874 : f32 to vector<16xf32>
    %swap3A_876 = arith.constant 13 : i32
    %swap3A_877 = arith.index_cast %swap3A_876 : i32 to index
    %swap3A_878 = arith.constant 64 : index
    %swap3A_879 = tpu.vector_load %arg13[%swap3A_877, %swap3A_878] {strides = array<i32>} : memref<16x128xf32, #tpu.memory_space<vmem>>, vector<1x16xf32>,
    %swap3A_880 = vector.shape_cast %swap3A_879 : vector<1x16xf32> to vector<16xf32>
    %swap3A_881 = vector.shape_cast %broadcast_in_dim3A_875 : vector<16xf32> to vector<1x16xf32>
    tpu.vector_store %arg13[%swap3A_877, %swap3A_878], %swap3A_881 {strides = array<i32>} : memref<16x128xf32, #tpu.memory_space<vmem>>, vector<1x16xf32>,
    %broadcast_in_dim3A_882 = arith.constant 0.000000e+00 : f32
    %broadcast_in_dim3A_883 = vector.broadcast %broadcast_in_dim3A_882 : f32 to vector<16xf32>
    %swap3A_884 = arith.constant 13 : i32
    %swap3A_885 = arith.index_cast %swap3A_884 : i32 to index
    %swap3A_886 = arith.constant 80 : index
    %swap3A_887 = tpu.vector_load %arg13[%swap3A_885, %swap3A_886] {strides = array<i32>} : memref<16x128xf32, #tpu.memory_space<vmem>>, vector<1x16xf32>,
    %swap3A_888 = vector.shape_cast %swap3A_887 : vector<1x16xf32> to vector<16xf32>
    %swap3A_889 = vector.shape_cast %broadcast_in_dim3A_883 : vector<16xf32> to vector<1x16xf32>
    tpu.vector_store %arg13[%swap3A_885, %swap3A_886], %swap3A_889 {strides = array<i32>} : memref<16x128xf32, #tpu.memory_space<vmem>>, vector<1x16xf32>,
    %broadcast_in_dim3A_890 = arith.constant 0.000000e+00 : f32
    %broadcast_in_dim3A_891 = vector.broadcast %broadcast_in_dim3A_890 : f32 to vector<16xf32>
    %swap3A_892 = arith.constant 13 : i32
    %swap3A_893 = arith.index_cast %swap3A_892 : i32 to index
    %swap3A_894 = arith.constant 96 : index
    %swap3A_895 = tpu.vector_load %arg13[%swap3A_893, %swap3A_894] {strides = array<i32>} : memref<16x128xf32, #tpu.memory_space<vmem>>, vector<1x16xf32>,
    %swap3A_896 = vector.shape_cast %swap3A_895 : vector<1x16xf32> to vector<16xf32>
    %swap3A_897 = vector.shape_cast %broadcast_in_dim3A_891 : vector<16xf32> to vector<1x16xf32>
    tpu.vector_store %arg13[%swap3A_893, %swap3A_894], %swap3A_897 {strides = array<i32>} : memref<16x128xf32, #tpu.memory_space<vmem>>, vector<1x16xf32>,
    %broadcast_in_dim3A_898 = arith.constant 0.000000e+00 : f32
    %broadcast_in_dim3A_899 = vector.broadcast %broadcast_in_dim3A_898 : f32 to vector<16xf32>
    %swap3A_900 = arith.constant 13 : i32
    %swap3A_901 = arith.index_cast %swap3A_900 : i32 to index
    %swap3A_902 = arith.constant 112 : index
    %swap3A_903 = tpu.vector_load %arg13[%swap3A_901, %swap3A_902] {strides = array<i32>} : memref<16x128xf32, #tpu.memory_space<vmem>>, vector<1x16xf32>,
    %swap3A_904 = vector.shape_cast %swap3A_903 : vector<1x16xf32> to vector<16xf32>
    %swap3A_905 = vector.shape_cast %broadcast_in_dim3A_899 : vector<16xf32> to vector<1x16xf32>
    tpu.vector_store %arg13[%swap3A_901, %swap3A_902], %swap3A_905 {strides = array<i32>} : memref<16x128xf32, #tpu.memory_space<vmem>>, vector<1x16xf32>,
    %broadcast_in_dim3A_906 = arith.constant 0.000000e+00 : f32
    %broadcast_in_dim3A_907 = vector.broadcast %broadcast_in_dim3A_906 : f32 to vector<16xf32>
    %swap3A_908 = arith.constant 14 : i32
    %swap3A_909 = arith.index_cast %swap3A_908 : i32 to index
    %swap3A_910 = arith.constant 0 : index
    %swap3A_911 = tpu.vector_load %arg13[%swap3A_909, %swap3A_910] {strides = array<i32>} : memref<16x128xf32, #tpu.memory_space<vmem>>, vector<1x16xf32>,
    %swap3A_912 = vector.shape_cast %swap3A_911 : vector<1x16xf32> to vector<16xf32>
    %swap3A_913 = vector.shape_cast %broadcast_in_dim3A_907 : vector<16xf32> to vector<1x16xf32>
    tpu.vector_store %arg13[%swap3A_909, %swap3A_910], %swap3A_913 {strides = array<i32>} : memref<16x128xf32, #tpu.memory_space<vmem>>, vector<1x16xf32>,
    %broadcast_in_dim3A_914 = arith.constant 0.000000e+00 : f32
    %broadcast_in_dim3A_915 = vector.broadcast %broadcast_in_dim3A_914 : f32 to vector<16xf32>
    %swap3A_916 = arith.constant 14 : i32
    %swap3A_917 = arith.index_cast %swap3A_916 : i32 to index
    %swap3A_918 = arith.constant 16 : index
    %swap3A_919 = tpu.vector_load %arg13[%swap3A_917, %swap3A_918] {strides = array<i32>} : memref<16x128xf32, #tpu.memory_space<vmem>>, vector<1x16xf32>,
    %swap3A_920 = vector.shape_cast %swap3A_919 : vector<1x16xf32> to vector<16xf32>
    %swap3A_921 = vector.shape_cast %broadcast_in_dim3A_915 : vector<16xf32> to vector<1x16xf32>
    tpu.vector_store %arg13[%swap3A_917, %swap3A_918], %swap3A_921 {strides = array<i32>} : memref<16x128xf32, #tpu.memory_space<vmem>>, vector<1x16xf32>,
    %broadcast_in_dim3A_922 = arith.constant 0.000000e+00 : f32
    %broadcast_in_dim3A_923 = vector.broadcast %broadcast_in_dim3A_922 : f32 to vector<16xf32>
    %swap3A_924 = arith.constant 14 : i32
    %swap3A_925 = arith.index_cast %swap3A_924 : i32 to index
    %swap3A_926 = arith.constant 32 : index
    %swap3A_927 = tpu.vector_load %arg13[%swap3A_925, %swap3A_926] {strides = array<i32>} : memref<16x128xf32, #tpu.memory_space<vmem>>, vector<1x16xf32>,
    %swap3A_928 = vector.shape_cast %swap3A_927 : vector<1x16xf32> to vector<16xf32>
    %swap3A_929 = vector.shape_cast %broadcast_in_dim3A_923 : vector<16xf32> to vector<1x16xf32>
    tpu.vector_store %arg13[%swap3A_925, %swap3A_926], %swap3A_929 {strides = array<i32>} : memref<16x128xf32, #tpu.memory_space<vmem>>, vector<1x16xf32>,
    %broadcast_in_dim3A_930 = arith.constant 0.000000e+00 : f32
    %broadcast_in_dim3A_931 = vector.broadcast %broadcast_in_dim3A_930 : f32 to vector<16xf32>
    %swap3A_932 = arith.constant 14 : i32
    %swap3A_933 = arith.index_cast %swap3A_932 : i32 to index
    %swap3A_934 = arith.constant 48 : index
    %swap3A_935 = tpu.vector_load %arg13[%swap3A_933, %swap3A_934] {strides = array<i32>} : memref<16x128xf32, #tpu.memory_space<vmem>>, vector<1x16xf32>,
    %swap3A_936 = vector.shape_cast %swap3A_935 : vector<1x16xf32> to vector<16xf32>
    %swap3A_937 = vector.shape_cast %broadcast_in_dim3A_931 : vector<16xf32> to vector<1x16xf32>
    tpu.vector_store %arg13[%swap3A_933, %swap3A_934], %swap3A_937 {strides = array<i32>} : memref<16x128xf32, #tpu.memory_space<vmem>>, vector<1x16xf32>,
    %broadcast_in_dim3A_938 = arith.constant 0.000000e+00 : f32
    %broadcast_in_dim3A_939 = vector.broadcast %broadcast_in_dim3A_938 : f32 to vector<16xf32>
    %swap3A_940 = arith.constant 14 : i32
    %swap3A_941 = arith.index_cast %swap3A_940 : i32 to index
    %swap3A_942 = arith.constant 64 : index
    %swap3A_943 = tpu.vector_load %arg13[%swap3A_941, %swap3A_942] {strides = array<i32>} : memref<16x128xf32, #tpu.memory_space<vmem>>, vector<1x16xf32>,
    %swap3A_944 = vector.shape_cast %swap3A_943 : vector<1x16xf32> to vector<16xf32>
    %swap3A_945 = vector.shape_cast %broadcast_in_dim3A_939 : vector<16xf32> to vector<1x16xf32>
    tpu.vector_store %arg13[%swap3A_941, %swap3A_942], %swap3A_945 {strides = array<i32>} : memref<16x128xf32, #tpu.memory_space<vmem>>, vector<1x16xf32>,
    %broadcast_in_dim3A_946 = arith.constant 0.000000e+00 : f32
    %broadcast_in_dim3A_947 = vector.broadcast %broadcast_in_dim3A_946 : f32 to vector<16xf32>
    %swap3A_948 = arith.constant 14 : i32
    %swap3A_949 = arith.index_cast %swap3A_948 : i32 to index
    %swap3A_950 = arith.constant 80 : index
    %swap3A_951 = tpu.vector_load %arg13[%swap3A_949, %swap3A_950] {strides = array<i32>} : memref<16x128xf32, #tpu.memory_space<vmem>>, vector<1x16xf32>,
    %swap3A_952 = vector.shape_cast %swap3A_951 : vector<1x16xf32> to vector<16xf32>
    %swap3A_953 = vector.shape_cast %broadcast_in_dim3A_947 : vector<16xf32> to vector<1x16xf32>
    tpu.vector_store %arg13[%swap3A_949, %swap3A_950], %swap3A_953 {strides = array<i32>} : memref<16x128xf32, #tpu.memory_space<vmem>>, vector<1x16xf32>,
    %broadcast_in_dim3A_954 = arith.constant 0.000000e+00 : f32
    %broadcast_in_dim3A_955 = vector.broadcast %broadcast_in_dim3A_954 : f32 to vector<16xf32>
    %swap3A_956 = arith.constant 14 : i32
    %swap3A_957 = arith.index_cast %swap3A_956 : i32 to index
    %swap3A_958 = arith.constant 96 : index
    %swap3A_959 = tpu.vector_load %arg13[%swap3A_957, %swap3A_958] {strides = array<i32>} : memref<16x128xf32, #tpu.memory_space<vmem>>, vector<1x16xf32>,
    %swap3A_960 = vector.shape_cast %swap3A_959 : vector<1x16xf32> to vector<16xf32>
    %swap3A_961 = vector.shape_cast %broadcast_in_dim3A_955 : vector<16xf32> to vector<1x16xf32>
    tpu.vector_store %arg13[%swap3A_957, %swap3A_958], %swap3A_961 {strides = array<i32>} : memref<16x128xf32, #tpu.memory_space<vmem>>, vector<1x16xf32>,
    %broadcast_in_dim3A_962 = arith.constant 0.000000e+00 : f32
    %broadcast_in_dim3A_963 = vector.broadcast %broadcast_in_dim3A_962 : f32 to vector<16xf32>
    %swap3A_964 = arith.constant 14 : i32
    %swap3A_965 = arith.index_cast %swap3A_964 : i32 to index
    %swap3A_966 = arith.constant 112 : index
    %swap3A_967 = tpu.vector_load %arg13[%swap3A_965, %swap3A_966] {strides = array<i32>} : memref<16x128xf32, #tpu.memory_space<vmem>>, vector<1x16xf32>,
    %swap3A_968 = vector.shape_cast %swap3A_967 : vector<1x16xf32> to vector<16xf32>
    %swap3A_969 = vector.shape_cast %broadcast_in_dim3A_963 : vector<16xf32> to vector<1x16xf32>
    tpu.vector_store %arg13[%swap3A_965, %swap3A_966], %swap3A_969 {strides = array<i32>} : memref<16x128xf32, #tpu.memory_space<vmem>>, vector<1x16xf32>,
    %broadcast_in_dim3A_970 = arith.constant 0.000000e+00 : f32
    %broadcast_in_dim3A_971 = vector.broadcast %broadcast_in_dim3A_970 : f32 to vector<16xf32>
    %swap3A_972 = arith.constant 15 : i32
    %swap3A_973 = arith.index_cast %swap3A_972 : i32 to index
    %swap3A_974 = arith.constant 0 : index
    %swap3A_975 = tpu.vector_load %arg13[%swap3A_973, %swap3A_974] {strides = array<i32>} : memref<16x128xf32, #tpu.memory_space<vmem>>, vector<1x16xf32>,
    %swap3A_976 = vector.shape_cast %swap3A_975 : vector<1x16xf32> to vector<16xf32>
    %swap3A_977 = vector.shape_cast %broadcast_in_dim3A_971 : vector<16xf32> to vector<1x16xf32>
    tpu.vector_store %arg13[%swap3A_973, %swap3A_974], %swap3A_977 {strides = array<i32>} : memref<16x128xf32, #tpu.memory_space<vmem>>, vector<1x16xf32>,
    %broadcast_in_dim3A_978 = arith.constant 0.000000e+00 : f32
    %broadcast_in_dim3A_979 = vector.broadcast %broadcast_in_dim3A_978 : f32 to vector<16xf32>
    %swap3A_980 = arith.constant 15 : i32
    %swap3A_981 = arith.index_cast %swap3A_980 : i32 to index
    %swap3A_982 = arith.constant 16 : index
    %swap3A_983 = tpu.vector_load %arg13[%swap3A_981, %swap3A_982] {strides = array<i32>} : memref<16x128xf32, #tpu.memory_space<vmem>>, vector<1x16xf32>,
    %swap3A_984 = vector.shape_cast %swap3A_983 : vector<1x16xf32> to vector<16xf32>
    %swap3A_985 = vector.shape_cast %broadcast_in_dim3A_979 : vector<16xf32> to vector<1x16xf32>
    tpu.vector_store %arg13[%swap3A_981, %swap3A_982], %swap3A_985 {strides = array<i32>} : memref<16x128xf32, #tpu.memory_space<vmem>>, vector<1x16xf32>,
    %broadcast_in_dim3A_986 = arith.constant 0.000000e+00 : f32
    %broadcast_in_dim3A_987 = vector.broadcast %broadcast_in_dim3A_986 : f32 to vector<16xf32>
    %swap3A_988 = arith.constant 15 : i32
    %swap3A_989 = arith.index_cast %swap3A_988 : i32 to index
    %swap3A_990 = arith.constant 32 : index
    %swap3A_991 = tpu.vector_load %arg13[%swap3A_989, %swap3A_990] {strides = array<i32>} : memref<16x128xf32, #tpu.memory_space<vmem>>, vector<1x16xf32>,
    %swap3A_992 = vector.shape_cast %swap3A_991 : vector<1x16xf32> to vector<16xf32>
    %swap3A_993 = vector.shape_cast %broadcast_in_dim3A_987 : vector<16xf32> to vector<1x16xf32>
    tpu.vector_store %arg13[%swap3A_989, %swap3A_990], %swap3A_993 {strides = array<i32>} : memref<16x128xf32, #tpu.memory_space<vmem>>, vector<1x16xf32>,
    %broadcast_in_dim3A_994 = arith.constant 0.000000e+00 : f32
    %broadcast_in_dim3A_995 = vector.broadcast %broadcast_in_dim3A_994 : f32 to vector<16xf32>
    %swap3A_996 = arith.constant 15 : i32
    %swap3A_997 = arith.index_cast %swap3A_996 : i32 to index
    %swap3A_998 = arith.constant 48 : index
    %swap3A_999 = tpu.vector_load %arg13[%swap3A_997, %swap3A_998] {strides = array<i32>} : memref<16x128xf32, #tpu.memory_space<vmem>>, vector<1x16xf32>,
    %swap3A_1000 = vector.shape_cast %swap3A_999 : vector<1x16xf32> to vector<16xf32>
    %swap3A_1001 = vector.shape_cast %broadcast_in_dim3A_995 : vector<16xf32> to vector<1x16xf32>
    tpu.vector_store %arg13[%swap3A_997, %swap3A_998], %swap3A_1001 {strides = array<i32>} : memref<16x128xf32, #tpu.memory_space<vmem>>, vector<1x16xf32>,
    %broadcast_in_dim3A_1002 = arith.constant 0.000000e+00 : f32
    %broadcast_in_dim3A_1003 = vector.broadcast %broadcast_in_dim3A_1002 : f32 to vector<16xf32>
    %swap3A_1004 = arith.constant 15 : i32
    %swap3A_1005 = arith.index_cast %swap3A_1004 : i32 to index
    %swap3A_1006 = arith.constant 64 : index
    %swap3A_1007 = tpu.vector_load %arg13[%swap3A_1005, %swap3A_1006] {strides = array<i32>} : memref<16x128xf32, #tpu.memory_space<vmem>>, vector<1x16xf32>,
    %swap3A_1008 = vector.shape_cast %swap3A_1007 : vector<1x16xf32> to vector<16xf32>
    %swap3A_1009 = vector.shape_cast %broadcast_in_dim3A_1003 : vector<16xf32> to vector<1x16xf32>
    tpu.vector_store %arg13[%swap3A_1005, %swap3A_1006], %swap3A_1009 {strides = array<i32>} : memref<16x128xf32, #tpu.memory_space<vmem>>, vector<1x16xf32>,
    %broadcast_in_dim3A_1010 = arith.constant 0.000000e+00 : f32
    %broadcast_in_dim3A_1011 = vector.broadcast %broadcast_in_dim3A_1010 : f32 to vector<16xf32>
    %swap3A_1012 = arith.constant 15 : i32
    %swap3A_1013 = arith.index_cast %swap3A_1012 : i32 to index
    %swap3A_1014 = arith.constant 80 : index
    %swap3A_1015 = tpu.vector_load %arg13[%swap3A_1013, %swap3A_1014] {strides = array<i32>} : memref<16x128xf32, #tpu.memory_space<vmem>>, vector<1x16xf32>,
    %swap3A_1016 = vector.shape_cast %swap3A_1015 : vector<1x16xf32> to vector<16xf32>
    %swap3A_1017 = vector.shape_cast %broadcast_in_dim3A_1011 : vector<16xf32> to vector<1x16xf32>
    tpu.vector_store %arg13[%swap3A_1013, %swap3A_1014], %swap3A_1017 {strides = array<i32>} : memref<16x128xf32, #tpu.memory_space<vmem>>, vector<1x16xf32>,
    %broadcast_in_dim3A_1018 = arith.constant 0.000000e+00 : f32
    %broadcast_in_dim3A_1019 = vector.broadcast %broadcast_in_dim3A_1018 : f32 to vector<16xf32>
    %swap3A_1020 = arith.constant 15 : i32
    %swap3A_1021 = arith.index_cast %swap3A_1020 : i32 to index
    %swap3A_1022 = arith.constant 96 : index
    %swap3A_1023 = tpu.vector_load %arg13[%swap3A_1021, %swap3A_1022] {strides = array<i32>} : memref<16x128xf32, #tpu.memory_space<vmem>>, vector<1x16xf32>,
    %swap3A_1024 = vector.shape_cast %swap3A_1023 : vector<1x16xf32> to vector<16xf32>
    %swap3A_1025 = vector.shape_cast %broadcast_in_dim3A_1019 : vector<16xf32> to vector<1x16xf32>
    tpu.vector_store %arg13[%swap3A_1021, %swap3A_1022], %swap3A_1025 {strides = array<i32>} : memref<16x128xf32, #tpu.memory_space<vmem>>, vector<1x16xf32>,
    %broadcast_in_dim3A_1026 = arith.constant 0.000000e+00 : f32
    %broadcast_in_dim3A_1027 = vector.broadcast %broadcast_in_dim3A_1026 : f32 to vector<16xf32>
    %swap3A_1028 = arith.constant 15 : i32
    %swap3A_1029 = arith.index_cast %swap3A_1028 : i32 to index
    %swap3A_1030 = arith.constant 112 : index
    %swap3A_1031 = tpu.vector_load %arg13[%swap3A_1029, %swap3A_1030] {strides = array<i32>} : memref<16x128xf32, #tpu.memory_space<vmem>>, vector<1x16xf32>,
    %swap3A_1032 = vector.shape_cast %swap3A_1031 : vector<1x16xf32> to vector<16xf32>
    %swap3A_1033 = vector.shape_cast %broadcast_in_dim3A_1027 : vector<16xf32> to vector<1x16xf32>
    tpu.vector_store %arg13[%swap3A_1029, %swap3A_1030], %swap3A_1033 {strides = array<i32>} : memref<16x128xf32, #tpu.memory_space<vmem>>, vector<1x16xf32>,
    %mul3A_1034 = arith.constant 640 : i32
    %mul3A_1035 = arith.muli %arg1, %mul3A_1034 : i32
    %add3A_1036 = arith.constant 0 : i32
    %add3A_1037 = arith.addi %mul3A_1035, %add3A_1036 : i32
    "tpu.region"() ({
      %run_scoped3A = tpu.sem_alloc : memref<!tpu.dma_semaphore, #tpu.memory_space<semaphore_mem>>
      %dma_start3A_1235 = arith.constant 0 : i32
      %dma_start3A_1236 = tpu.memref_slice %arg14[%add3A_1037, %dma_start3A_1235] : memref<10240x128xf32, #tpu.memory_space<vmem_shared>> -> memref<16x128xf32, #tpu.memory_space<vmem_shared>>
      %dma_start3A_1237 = arith.constant 0 : i32
      %dma_start3A_1238 = tpu.memref_slice %arg14[%add3A_1037, %dma_start3A_1237] : memref<10240x128xf32, #tpu.memory_space<vmem_shared>> -> memref<16x128xf32, #tpu.memory_space<vmem_shared>>
      tpu.enqueue_dma source(%arg13 : memref<16x128xf32, #tpu.memory_space<vmem>>) target(%dma_start3A_1238 : memref<16x128xf32, #tpu.memory_space<vmem_shared>>) target_semaphore(%run_scoped3A : memref<!tpu.dma_semaphore, #tpu.memory_space<semaphore_mem>>)
      %dma_wait3A_1239 = arith.constant 0 : i32
      %dma_wait3A_1240 = tpu.memref_slice %arg14[%add3A_1037, %dma_wait3A_1239] : memref<10240x128xf32, #tpu.memory_space<vmem_shared>> -> memref<16x128xf32, #tpu.memory_space<vmem_shared>>
      %dma_wait3A_1241 = arith.constant 0 : i32
      %dma_wait3A_1242 = tpu.memref_slice %arg14[%add3A_1037, %dma_wait3A_1241] : memref<10240x128xf32, #tpu.memory_space<vmem_shared>> -> memref<16x128xf32, #tpu.memory_space<vmem_shared>>
      tpu.wait_dma2 semaphore(%run_scoped3A : memref<!tpu.dma_semaphore, #tpu.memory_space<semaphore_mem>>) src(%arg13 : memref<16x128xf32, #tpu.memory_space<vmem>>) dst(%dma_wait3A_1242 : memref<16x128xf32, #tpu.memory_space<vmem_shared>>)
      tpu.yield
    }) : () -> ()
    %mul3A_1038 = arith.constant 640 : i32
    %mul3A_1039 = arith.muli %arg1, %mul3A_1038 : i32
    %add3A_1040 = arith.constant 16 : i32
    %add3A_1041 = arith.addi %mul3A_1039, %add3A_1040 : i32
    "tpu.region"() ({
      %run_scoped3A = tpu.sem_alloc : memref<!tpu.dma_semaphore, #tpu.memory_space<semaphore_mem>>
      %dma_start3A_1235 = arith.constant 0 : i32
      %dma_start3A_1236 = tpu.memref_slice %arg14[%add3A_1041, %dma_start3A_1235] : memref<10240x128xf32, #tpu.memory_space<vmem_shared>> -> memref<16x128xf32, #tpu.memory_space<vmem_shared>>
      %dma_start3A_1237 = arith.constant 0 : i32
      %dma_start3A_1238 = tpu.memref_slice %arg14[%add3A_1041, %dma_start3A_1237] : memref<10240x128xf32, #tpu.memory_space<vmem_shared>> -> memref<16x128xf32, #tpu.memory_space<vmem_shared>>
      tpu.enqueue_dma source(%arg13 : memref<16x128xf32, #tpu.memory_space<vmem>>) target(%dma_start3A_1238 : memref<16x128xf32, #tpu.memory_space<vmem_shared>>) target_semaphore(%run_scoped3A : memref<!tpu.dma_semaphore, #tpu.memory_space<semaphore_mem>>)
      %dma_wait3A_1239 = arith.constant 0 : i32
      %dma_wait3A_1240 = tpu.memref_slice %arg14[%add3A_1041, %dma_wait3A_1239] : memref<10240x128xf32, #tpu.memory_space<vmem_shared>> -> memref<16x128xf32, #tpu.memory_space<vmem_shared>>
      %dma_wait3A_1241 = arith.constant 0 : i32
      %dma_wait3A_1242 = tpu.memref_slice %arg14[%add3A_1041, %dma_wait3A_1241] : memref<10240x128xf32, #tpu.memory_space<vmem_shared>> -> memref<16x128xf32, #tpu.memory_space<vmem_shared>>
      tpu.wait_dma2 semaphore(%run_scoped3A : memref<!tpu.dma_semaphore, #tpu.memory_space<semaphore_mem>>) src(%arg13 : memref<16x128xf32, #tpu.memory_space<vmem>>) dst(%dma_wait3A_1242 : memref<16x128xf32, #tpu.memory_space<vmem_shared>>)
      tpu.yield
    }) : () -> ()
    %mul3A_1042 = arith.constant 640 : i32
    %mul3A_1043 = arith.muli %arg1, %mul3A_1042 : i32
    %add3A_1044 = arith.constant 32 : i32
    %add3A_1045 = arith.addi %mul3A_1043, %add3A_1044 : i32
    "tpu.region"() ({
      %run_scoped3A = tpu.sem_alloc : memref<!tpu.dma_semaphore, #tpu.memory_space<semaphore_mem>>
      %dma_start3A_1235 = arith.constant 0 : i32
      %dma_start3A_1236 = tpu.memref_slice %arg14[%add3A_1045, %dma_start3A_1235] : memref<10240x128xf32, #tpu.memory_space<vmem_shared>> -> memref<16x128xf32, #tpu.memory_space<vmem_shared>>
      %dma_start3A_1237 = arith.constant 0 : i32
      %dma_start3A_1238 = tpu.memref_slice %arg14[%add3A_1045, %dma_start3A_1237] : memref<10240x128xf32, #tpu.memory_space<vmem_shared>> -> memref<16x128xf32, #tpu.memory_space<vmem_shared>>
      tpu.enqueue_dma source(%arg13 : memref<16x128xf32, #tpu.memory_space<vmem>>) target(%dma_start3A_1238 : memref<16x128xf32, #tpu.memory_space<vmem_shared>>) target_semaphore(%run_scoped3A : memref<!tpu.dma_semaphore, #tpu.memory_space<semaphore_mem>>)
      %dma_wait3A_1239 = arith.constant 0 : i32
      %dma_wait3A_1240 = tpu.memref_slice %arg14[%add3A_1045, %dma_wait3A_1239] : memref<10240x128xf32, #tpu.memory_space<vmem_shared>> -> memref<16x128xf32, #tpu.memory_space<vmem_shared>>
      %dma_wait3A_1241 = arith.constant 0 : i32
      %dma_wait3A_1242 = tpu.memref_slice %arg14[%add3A_1045, %dma_wait3A_1241] : memref<10240x128xf32, #tpu.memory_space<vmem_shared>> -> memref<16x128xf32, #tpu.memory_space<vmem_shared>>
      tpu.wait_dma2 semaphore(%run_scoped3A : memref<!tpu.dma_semaphore, #tpu.memory_space<semaphore_mem>>) src(%arg13 : memref<16x128xf32, #tpu.memory_space<vmem>>) dst(%dma_wait3A_1242 : memref<16x128xf32, #tpu.memory_space<vmem_shared>>)
      tpu.yield
    }) : () -> ()
    %mul3A_1046 = arith.constant 640 : i32
    %mul3A_1047 = arith.muli %arg1, %mul3A_1046 : i32
    %add3A_1048 = arith.constant 48 : i32
    %add3A_1049 = arith.addi %mul3A_1047, %add3A_1048 : i32
    "tpu.region"() ({
      %run_scoped3A = tpu.sem_alloc : memref<!tpu.dma_semaphore, #tpu.memory_space<semaphore_mem>>
      %dma_start3A_1235 = arith.constant 0 : i32
      %dma_start3A_1236 = tpu.memref_slice %arg14[%add3A_1049, %dma_start3A_1235] : memref<10240x128xf32, #tpu.memory_space<vmem_shared>> -> memref<16x128xf32, #tpu.memory_space<vmem_shared>>
      %dma_start3A_1237 = arith.constant 0 : i32
      %dma_start3A_1238 = tpu.memref_slice %arg14[%add3A_1049, %dma_start3A_1237] : memref<10240x128xf32, #tpu.memory_space<vmem_shared>> -> memref<16x128xf32, #tpu.memory_space<vmem_shared>>
      tpu.enqueue_dma source(%arg13 : memref<16x128xf32, #tpu.memory_space<vmem>>) target(%dma_start3A_1238 : memref<16x128xf32, #tpu.memory_space<vmem_shared>>) target_semaphore(%run_scoped3A : memref<!tpu.dma_semaphore, #tpu.memory_space<semaphore_mem>>)
      %dma_wait3A_1239 = arith.constant 0 : i32
      %dma_wait3A_1240 = tpu.memref_slice %arg14[%add3A_1049, %dma_wait3A_1239] : memref<10240x128xf32, #tpu.memory_space<vmem_shared>> -> memref<16x128xf32, #tpu.memory_space<vmem_shared>>
      %dma_wait3A_1241 = arith.constant 0 : i32
      %dma_wait3A_1242 = tpu.memref_slice %arg14[%add3A_1049, %dma_wait3A_1241] : memref<10240x128xf32, #tpu.memory_space<vmem_shared>> -> memref<16x128xf32, #tpu.memory_space<vmem_shared>>
      tpu.wait_dma2 semaphore(%run_scoped3A : memref<!tpu.dma_semaphore, #tpu.memory_space<semaphore_mem>>) src(%arg13 : memref<16x128xf32, #tpu.memory_space<vmem>>) dst(%dma_wait3A_1242 : memref<16x128xf32, #tpu.memory_space<vmem_shared>>)
      tpu.yield
    }) : () -> ()
    %mul3A_1050 = arith.constant 640 : i32
    %mul3A_1051 = arith.muli %arg1, %mul3A_1050 : i32
    %add3A_1052 = arith.constant 64 : i32
    %add3A_1053 = arith.addi %mul3A_1051, %add3A_1052 : i32
    "tpu.region"() ({
      %run_scoped3A = tpu.sem_alloc : memref<!tpu.dma_semaphore, #tpu.memory_space<semaphore_mem>>
      %dma_start3A_1235 = arith.constant 0 : i32
      %dma_start3A_1236 = tpu.memref_slice %arg14[%add3A_1053, %dma_start3A_1235] : memref<10240x128xf32, #tpu.memory_space<vmem_shared>> -> memref<16x128xf32, #tpu.memory_space<vmem_shared>>
      %dma_start3A_1237 = arith.constant 0 : i32
      %dma_start3A_1238 = tpu.memref_slice %arg14[%add3A_1053, %dma_start3A_1237] : memref<10240x128xf32, #tpu.memory_space<vmem_shared>> -> memref<16x128xf32, #tpu.memory_space<vmem_shared>>
      tpu.enqueue_dma source(%arg13 : memref<16x128xf32, #tpu.memory_space<vmem>>) target(%dma_start3A_1238 : memref<16x128xf32, #tpu.memory_space<vmem_shared>>) target_semaphore(%run_scoped3A : memref<!tpu.dma_semaphore, #tpu.memory_space<semaphore_mem>>)
      %dma_wait3A_1239 = arith.constant 0 : i32
      %dma_wait3A_1240 = tpu.memref_slice %arg14[%add3A_1053, %dma_wait3A_1239] : memref<10240x128xf32, #tpu.memory_space<vmem_shared>> -> memref<16x128xf32, #tpu.memory_space<vmem_shared>>
      %dma_wait3A_1241 = arith.constant 0 : i32
      %dma_wait3A_1242 = tpu.memref_slice %arg14[%add3A_1053, %dma_wait3A_1241] : memref<10240x128xf32, #tpu.memory_space<vmem_shared>> -> memref<16x128xf32, #tpu.memory_space<vmem_shared>>
      tpu.wait_dma2 semaphore(%run_scoped3A : memref<!tpu.dma_semaphore, #tpu.memory_space<semaphore_mem>>) src(%arg13 : memref<16x128xf32, #tpu.memory_space<vmem>>) dst(%dma_wait3A_1242 : memref<16x128xf32, #tpu.memory_space<vmem_shared>>)
      tpu.yield
    }) : () -> ()
    %mul3A_1054 = arith.constant 640 : i32
    %mul3A_1055 = arith.muli %arg1, %mul3A_1054 : i32
    %add3A_1056 = arith.constant 80 : i32
    %add3A_1057 = arith.addi %mul3A_1055, %add3A_1056 : i32
    "tpu.region"() ({
      %run_scoped3A = tpu.sem_alloc : memref<!tpu.dma_semaphore, #tpu.memory_space<semaphore_mem>>
      %dma_start3A_1235 = arith.constant 0 : i32
      %dma_start3A_1236 = tpu.memref_slice %arg14[%add3A_1057, %dma_start3A_1235] : memref<10240x128xf32, #tpu.memory_space<vmem_shared>> -> memref<16x128xf32, #tpu.memory_space<vmem_shared>>
      %dma_start3A_1237 = arith.constant 0 : i32
      %dma_start3A_1238 = tpu.memref_slice %arg14[%add3A_1057, %dma_start3A_1237] : memref<10240x128xf32, #tpu.memory_space<vmem_shared>> -> memref<16x128xf32, #tpu.memory_space<vmem_shared>>
      tpu.enqueue_dma source(%arg13 : memref<16x128xf32, #tpu.memory_space<vmem>>) target(%dma_start3A_1238 : memref<16x128xf32, #tpu.memory_space<vmem_shared>>) target_semaphore(%run_scoped3A : memref<!tpu.dma_semaphore, #tpu.memory_space<semaphore_mem>>)
      %dma_wait3A_1239 = arith.constant 0 : i32
      %dma_wait3A_1240 = tpu.memref_slice %arg14[%add3A_1057, %dma_wait3A_1239] : memref<10240x128xf32, #tpu.memory_space<vmem_shared>> -> memref<16x128xf32, #tpu.memory_space<vmem_shared>>
      %dma_wait3A_1241 = arith.constant 0 : i32
      %dma_wait3A_1242 = tpu.memref_slice %arg14[%add3A_1057, %dma_wait3A_1241] : memref<10240x128xf32, #tpu.memory_space<vmem_shared>> -> memref<16x128xf32, #tpu.memory_space<vmem_shared>>
      tpu.wait_dma2 semaphore(%run_scoped3A : memref<!tpu.dma_semaphore, #tpu.memory_space<semaphore_mem>>) src(%arg13 : memref<16x128xf32, #tpu.memory_space<vmem>>) dst(%dma_wait3A_1242 : memref<16x128xf32, #tpu.memory_space<vmem_shared>>)
      tpu.yield
    }) : () -> ()
    %mul3A_1058 = arith.constant 640 : i32
    %mul3A_1059 = arith.muli %arg1, %mul3A_1058 : i32
    %add3A_1060 = arith.constant 96 : i32
    %add3A_1061 = arith.addi %mul3A_1059, %add3A_1060 : i32
    "tpu.region"() ({
      %run_scoped3A = tpu.sem_alloc : memref<!tpu.dma_semaphore, #tpu.memory_space<semaphore_mem>>
      %dma_start3A_1235 = arith.constant 0 : i32
      %dma_start3A_1236 = tpu.memref_slice %arg14[%add3A_1061, %dma_start3A_1235] : memref<10240x128xf32, #tpu.memory_space<vmem_shared>> -> memref<16x128xf32, #tpu.memory_space<vmem_shared>>
      %dma_start3A_1237 = arith.constant 0 : i32
      %dma_start3A_1238 = tpu.memref_slice %arg14[%add3A_1061, %dma_start3A_1237] : memref<10240x128xf32, #tpu.memory_space<vmem_shared>> -> memref<16x128xf32, #tpu.memory_space<vmem_shared>>
      tpu.enqueue_dma source(%arg13 : memref<16x128xf32, #tpu.memory_space<vmem>>) target(%dma_start3A_1238 : memref<16x128xf32, #tpu.memory_space<vmem_shared>>) target_semaphore(%run_scoped3A : memref<!tpu.dma_semaphore, #tpu.memory_space<semaphore_mem>>)
      %dma_wait3A_1239 = arith.constant 0 : i32
      %dma_wait3A_1240 = tpu.memref_slice %arg14[%add3A_1061, %dma_wait3A_1239] : memref<10240x128xf32, #tpu.memory_space<vmem_shared>> -> memref<16x128xf32, #tpu.memory_space<vmem_shared>>
      %dma_wait3A_1241 = arith.constant 0 : i32
      %dma_wait3A_1242 = tpu.memref_slice %arg14[%add3A_1061, %dma_wait3A_1241] : memref<10240x128xf32, #tpu.memory_space<vmem_shared>> -> memref<16x128xf32, #tpu.memory_space<vmem_shared>>
      tpu.wait_dma2 semaphore(%run_scoped3A : memref<!tpu.dma_semaphore, #tpu.memory_space<semaphore_mem>>) src(%arg13 : memref<16x128xf32, #tpu.memory_space<vmem>>) dst(%dma_wait3A_1242 : memref<16x128xf32, #tpu.memory_space<vmem_shared>>)
      tpu.yield
    }) : () -> ()
    %mul3A_1062 = arith.constant 640 : i32
    %mul3A_1063 = arith.muli %arg1, %mul3A_1062 : i32
    %add3A_1064 = arith.constant 112 : i32
    %add3A_1065 = arith.addi %mul3A_1063, %add3A_1064 : i32
    "tpu.region"() ({
      %run_scoped3A = tpu.sem_alloc : memref<!tpu.dma_semaphore, #tpu.memory_space<semaphore_mem>>
      %dma_start3A_1235 = arith.constant 0 : i32
      %dma_start3A_1236 = tpu.memref_slice %arg14[%add3A_1065, %dma_start3A_1235] : memref<10240x128xf32, #tpu.memory_space<vmem_shared>> -> memref<16x128xf32, #tpu.memory_space<vmem_shared>>
      %dma_start3A_1237 = arith.constant 0 : i32
      %dma_start3A_1238 = tpu.memref_slice %arg14[%add3A_1065, %dma_start3A_1237] : memref<10240x128xf32, #tpu.memory_space<vmem_shared>> -> memref<16x128xf32, #tpu.memory_space<vmem_shared>>
      tpu.enqueue_dma source(%arg13 : memref<16x128xf32, #tpu.memory_space<vmem>>) target(%dma_start3A_1238 : memref<16x128xf32, #tpu.memory_space<vmem_shared>>) target_semaphore(%run_scoped3A : memref<!tpu.dma_semaphore, #tpu.memory_space<semaphore_mem>>)
      %dma_wait3A_1239 = arith.constant 0 : i32
      %dma_wait3A_1240 = tpu.memref_slice %arg14[%add3A_1065, %dma_wait3A_1239] : memref<10240x128xf32, #tpu.memory_space<vmem_shared>> -> memref<16x128xf32, #tpu.memory_space<vmem_shared>>
      %dma_wait3A_1241 = arith.constant 0 : i32
      %dma_wait3A_1242 = tpu.memref_slice %arg14[%add3A_1065, %dma_wait3A_1241] : memref<10240x128xf32, #tpu.memory_space<vmem_shared>> -> memref<16x128xf32, #tpu.memory_space<vmem_shared>>
      tpu.wait_dma2 semaphore(%run_scoped3A : memref<!tpu.dma_semaphore, #tpu.memory_space<semaphore_mem>>) src(%arg13 : memref<16x128xf32, #tpu.memory_space<vmem>>) dst(%dma_wait3A_1242 : memref<16x128xf32, #tpu.memory_space<vmem_shared>>)
      tpu.yield
    }) : () -> ()
    %mul3A_1066 = arith.constant 640 : i32
    %mul3A_1067 = arith.muli %arg1, %mul3A_1066 : i32
    %add3A_1068 = arith.constant 128 : i32
    %add3A_1069 = arith.addi %mul3A_1067, %add3A_1068 : i32
    "tpu.region"() ({
      %run_scoped3A = tpu.sem_alloc : memref<!tpu.dma_semaphore, #tpu.memory_space<semaphore_mem>>
      %dma_start3A_1235 = arith.constant 0 : i32
      %dma_start3A_1236 = tpu.memref_slice %arg14[%add3A_1069, %dma_start3A_1235] : memref<10240x128xf32, #tpu.memory_space<vmem_shared>> -> memref<16x128xf32, #tpu.memory_space<vmem_shared>>
      %dma_start3A_1237 = arith.constant 0 : i32
      %dma_start3A_1238 = tpu.memref_slice %arg14[%add3A_1069, %dma_start3A_1237] : memref<10240x128xf32, #tpu.memory_space<vmem_shared>> -> memref<16x128xf32, #tpu.memory_space<vmem_shared>>
      tpu.enqueue_dma source(%arg13 : memref<16x128xf32, #tpu.memory_space<vmem>>) target(%dma_start3A_1238 : memref<16x128xf32, #tpu.memory_space<vmem_shared>>) target_semaphore(%run_scoped3A : memref<!tpu.dma_semaphore, #tpu.memory_space<semaphore_mem>>)
      %dma_wait3A_1239 = arith.constant 0 : i32
      %dma_wait3A_1240 = tpu.memref_slice %arg14[%add3A_1069, %dma_wait3A_1239] : memref<10240x128xf32, #tpu.memory_space<vmem_shared>> -> memref<16x128xf32, #tpu.memory_space<vmem_shared>>
      %dma_wait3A_1241 = arith.constant 0 : i32
      %dma_wait3A_1242 = tpu.memref_slice %arg14[%add3A_1069, %dma_wait3A_1241] : memref<10240x128xf32, #tpu.memory_space<vmem_shared>> -> memref<16x128xf32, #tpu.memory_space<vmem_shared>>
      tpu.wait_dma2 semaphore(%run_scoped3A : memref<!tpu.dma_semaphore, #tpu.memory_space<semaphore_mem>>) src(%arg13 : memref<16x128xf32, #tpu.memory_space<vmem>>) dst(%dma_wait3A_1242 : memref<16x128xf32, #tpu.memory_space<vmem_shared>>)
      tpu.yield
    }) : () -> ()
    %mul3A_1070 = arith.constant 640 : i32
    %mul3A_1071 = arith.muli %arg1, %mul3A_1070 : i32
    %add3A_1072 = arith.constant 144 : i32
    %add3A_1073 = arith.addi %mul3A_1071, %add3A_1072 : i32
    "tpu.region"() ({
      %run_scoped3A = tpu.sem_alloc : memref<!tpu.dma_semaphore, #tpu.memory_space<semaphore_mem>>
      %dma_start3A_1235 = arith.constant 0 : i32
      %dma_start3A_1236 = tpu.memref_slice %arg14[%add3A_1073, %dma_start3A_1235] : memref<10240x128xf32, #tpu.memory_space<vmem_shared>> -> memref<16x128xf32, #tpu.memory_space<vmem_shared>>
      %dma_start3A_1237 = arith.constant 0 : i32
      %dma_start3A_1238 = tpu.memref_slice %arg14[%add3A_1073, %dma_start3A_1237] : memref<10240x128xf32, #tpu.memory_space<vmem_shared>> -> memref<16x128xf32, #tpu.memory_space<vmem_shared>>
      tpu.enqueue_dma source(%arg13 : memref<16x128xf32, #tpu.memory_space<vmem>>) target(%dma_start3A_1238 : memref<16x128xf32, #tpu.memory_space<vmem_shared>>) target_semaphore(%run_scoped3A : memref<!tpu.dma_semaphore, #tpu.memory_space<semaphore_mem>>)
      %dma_wait3A_1239 = arith.constant 0 : i32
      %dma_wait3A_1240 = tpu.memref_slice %arg14[%add3A_1073, %dma_wait3A_1239] : memref<10240x128xf32, #tpu.memory_space<vmem_shared>> -> memref<16x128xf32, #tpu.memory_space<vmem_shared>>
      %dma_wait3A_1241 = arith.constant 0 : i32
      %dma_wait3A_1242 = tpu.memref_slice %arg14[%add3A_1073, %dma_wait3A_1241] : memref<10240x128xf32, #tpu.memory_space<vmem_shared>> -> memref<16x128xf32, #tpu.memory_space<vmem_shared>>
      tpu.wait_dma2 semaphore(%run_scoped3A : memref<!tpu.dma_semaphore, #tpu.memory_space<semaphore_mem>>) src(%arg13 : memref<16x128xf32, #tpu.memory_space<vmem>>) dst(%dma_wait3A_1242 : memref<16x128xf32, #tpu.memory_space<vmem_shared>>)
      tpu.yield
    }) : () -> ()
    %mul3A_1074 = arith.constant 640 : i32
    %mul3A_1075 = arith.muli %arg1, %mul3A_1074 : i32
    %add3A_1076 = arith.constant 160 : i32
    %add3A_1077 = arith.addi %mul3A_1075, %add3A_1076 : i32
    "tpu.region"() ({
      %run_scoped3A = tpu.sem_alloc : memref<!tpu.dma_semaphore, #tpu.memory_space<semaphore_mem>>
      %dma_start3A_1235 = arith.constant 0 : i32
      %dma_start3A_1236 = tpu.memref_slice %arg14[%add3A_1077, %dma_start3A_1235] : memref<10240x128xf32, #tpu.memory_space<vmem_shared>> -> memref<16x128xf32, #tpu.memory_space<vmem_shared>>
      %dma_start3A_1237 = arith.constant 0 : i32
      %dma_start3A_1238 = tpu.memref_slice %arg14[%add3A_1077, %dma_start3A_1237] : memref<10240x128xf32, #tpu.memory_space<vmem_shared>> -> memref<16x128xf32, #tpu.memory_space<vmem_shared>>
      tpu.enqueue_dma source(%arg13 : memref<16x128xf32, #tpu.memory_space<vmem>>) target(%dma_start3A_1238 : memref<16x128xf32, #tpu.memory_space<vmem_shared>>) target_semaphore(%run_scoped3A : memref<!tpu.dma_semaphore, #tpu.memory_space<semaphore_mem>>)
      %dma_wait3A_1239 = arith.constant 0 : i32
      %dma_wait3A_1240 = tpu.memref_slice %arg14[%add3A_1077, %dma_wait3A_1239] : memref<10240x128xf32, #tpu.memory_space<vmem_shared>> -> memref<16x128xf32, #tpu.memory_space<vmem_shared>>
      %dma_wait3A_1241 = arith.constant 0 : i32
      %dma_wait3A_1242 = tpu.memref_slice %arg14[%add3A_1077, %dma_wait3A_1241] : memref<10240x128xf32, #tpu.memory_space<vmem_shared>> -> memref<16x128xf32, #tpu.memory_space<vmem_shared>>
      tpu.wait_dma2 semaphore(%run_scoped3A : memref<!tpu.dma_semaphore, #tpu.memory_space<semaphore_mem>>) src(%arg13 : memref<16x128xf32, #tpu.memory_space<vmem>>) dst(%dma_wait3A_1242 : memref<16x128xf32, #tpu.memory_space<vmem_shared>>)
      tpu.yield
    }) : () -> ()
    %mul3A_1078 = arith.constant 640 : i32
    %mul3A_1079 = arith.muli %arg1, %mul3A_1078 : i32
    %add3A_1080 = arith.constant 176 : i32
    %add3A_1081 = arith.addi %mul3A_1079, %add3A_1080 : i32
    "tpu.region"() ({
      %run_scoped3A = tpu.sem_alloc : memref<!tpu.dma_semaphore, #tpu.memory_space<semaphore_mem>>
      %dma_start3A_1235 = arith.constant 0 : i32
      %dma_start3A_1236 = tpu.memref_slice %arg14[%add3A_1081, %dma_start3A_1235] : memref<10240x128xf32, #tpu.memory_space<vmem_shared>> -> memref<16x128xf32, #tpu.memory_space<vmem_shared>>
      %dma_start3A_1237 = arith.constant 0 : i32
      %dma_start3A_1238 = tpu.memref_slice %arg14[%add3A_1081, %dma_start3A_1237] : memref<10240x128xf32, #tpu.memory_space<vmem_shared>> -> memref<16x128xf32, #tpu.memory_space<vmem_shared>>
      tpu.enqueue_dma source(%arg13 : memref<16x128xf32, #tpu.memory_space<vmem>>) target(%dma_start3A_1238 : memref<16x128xf32, #tpu.memory_space<vmem_shared>>) target_semaphore(%run_scoped3A : memref<!tpu.dma_semaphore, #tpu.memory_space<semaphore_mem>>)
      %dma_wait3A_1239 = arith.constant 0 : i32
      %dma_wait3A_1240 = tpu.memref_slice %arg14[%add3A_1081, %dma_wait3A_1239] : memref<10240x128xf32, #tpu.memory_space<vmem_shared>> -> memref<16x128xf32, #tpu.memory_space<vmem_shared>>
      %dma_wait3A_1241 = arith.constant 0 : i32
      %dma_wait3A_1242 = tpu.memref_slice %arg14[%add3A_1081, %dma_wait3A_1241] : memref<10240x128xf32, #tpu.memory_space<vmem_shared>> -> memref<16x128xf32, #tpu.memory_space<vmem_shared>>
      tpu.wait_dma2 semaphore(%run_scoped3A : memref<!tpu.dma_semaphore, #tpu.memory_space<semaphore_mem>>) src(%arg13 : memref<16x128xf32, #tpu.memory_space<vmem>>) dst(%dma_wait3A_1242 : memref<16x128xf32, #tpu.memory_space<vmem_shared>>)
      tpu.yield
    }) : () -> ()
    %mul3A_1082 = arith.constant 640 : i32
    %mul3A_1083 = arith.muli %arg1, %mul3A_1082 : i32
    %add3A_1084 = arith.constant 192 : i32
    %add3A_1085 = arith.addi %mul3A_1083, %add3A_1084 : i32
    "tpu.region"() ({
      %run_scoped3A = tpu.sem_alloc : memref<!tpu.dma_semaphore, #tpu.memory_space<semaphore_mem>>
      %dma_start3A_1235 = arith.constant 0 : i32
      %dma_start3A_1236 = tpu.memref_slice %arg14[%add3A_1085, %dma_start3A_1235] : memref<10240x128xf32, #tpu.memory_space<vmem_shared>> -> memref<16x128xf32, #tpu.memory_space<vmem_shared>>
      %dma_start3A_1237 = arith.constant 0 : i32
      %dma_start3A_1238 = tpu.memref_slice %arg14[%add3A_1085, %dma_start3A_1237] : memref<10240x128xf32, #tpu.memory_space<vmem_shared>> -> memref<16x128xf32, #tpu.memory_space<vmem_shared>>
      tpu.enqueue_dma source(%arg13 : memref<16x128xf32, #tpu.memory_space<vmem>>) target(%dma_start3A_1238 : memref<16x128xf32, #tpu.memory_space<vmem_shared>>) target_semaphore(%run_scoped3A : memref<!tpu.dma_semaphore, #tpu.memory_space<semaphore_mem>>)
      %dma_wait3A_1239 = arith.constant 0 : i32
      %dma_wait3A_1240 = tpu.memref_slice %arg14[%add3A_1085, %dma_wait3A_1239] : memref<10240x128xf32, #tpu.memory_space<vmem_shared>> -> memref<16x128xf32, #tpu.memory_space<vmem_shared>>
      %dma_wait3A_1241 = arith.constant 0 : i32
      %dma_wait3A_1242 = tpu.memref_slice %arg14[%add3A_1085, %dma_wait3A_1241] : memref<10240x128xf32, #tpu.memory_space<vmem_shared>> -> memref<16x128xf32, #tpu.memory_space<vmem_shared>>
      tpu.wait_dma2 semaphore(%run_scoped3A : memref<!tpu.dma_semaphore, #tpu.memory_space<semaphore_mem>>) src(%arg13 : memref<16x128xf32, #tpu.memory_space<vmem>>) dst(%dma_wait3A_1242 : memref<16x128xf32, #tpu.memory_space<vmem_shared>>)
      tpu.yield
    }) : () -> ()
    %mul3A_1086 = arith.constant 640 : i32
    %mul3A_1087 = arith.muli %arg1, %mul3A_1086 : i32
    %add3A_1088 = arith.constant 208 : i32
    %add3A_1089 = arith.addi %mul3A_1087, %add3A_1088 : i32
    "tpu.region"() ({
      %run_scoped3A = tpu.sem_alloc : memref<!tpu.dma_semaphore, #tpu.memory_space<semaphore_mem>>
      %dma_start3A_1235 = arith.constant 0 : i32
      %dma_start3A_1236 = tpu.memref_slice %arg14[%add3A_1089, %dma_start3A_1235] : memref<10240x128xf32, #tpu.memory_space<vmem_shared>> -> memref<16x128xf32, #tpu.memory_space<vmem_shared>>
      %dma_start3A_1237 = arith.constant 0 : i32
      %dma_start3A_1238 = tpu.memref_slice %arg14[%add3A_1089, %dma_start3A_1237] : memref<10240x128xf32, #tpu.memory_space<vmem_shared>> -> memref<16x128xf32, #tpu.memory_space<vmem_shared>>
      tpu.enqueue_dma source(%arg13 : memref<16x128xf32, #tpu.memory_space<vmem>>) target(%dma_start3A_1238 : memref<16x128xf32, #tpu.memory_space<vmem_shared>>) target_semaphore(%run_scoped3A : memref<!tpu.dma_semaphore, #tpu.memory_space<semaphore_mem>>)
      %dma_wait3A_1239 = arith.constant 0 : i32
      %dma_wait3A_1240 = tpu.memref_slice %arg14[%add3A_1089, %dma_wait3A_1239] : memref<10240x128xf32, #tpu.memory_space<vmem_shared>> -> memref<16x128xf32, #tpu.memory_space<vmem_shared>>
      %dma_wait3A_1241 = arith.constant 0 : i32
      %dma_wait3A_1242 = tpu.memref_slice %arg14[%add3A_1089, %dma_wait3A_1241] : memref<10240x128xf32, #tpu.memory_space<vmem_shared>> -> memref<16x128xf32, #tpu.memory_space<vmem_shared>>
      tpu.wait_dma2 semaphore(%run_scoped3A : memref<!tpu.dma_semaphore, #tpu.memory_space<semaphore_mem>>) src(%arg13 : memref<16x128xf32, #tpu.memory_space<vmem>>) dst(%dma_wait3A_1242 : memref<16x128xf32, #tpu.memory_space<vmem_shared>>)
      tpu.yield
    }) : () -> ()
    %mul3A_1090 = arith.constant 640 : i32
    %mul3A_1091 = arith.muli %arg1, %mul3A_1090 : i32
    %add3A_1092 = arith.constant 224 : i32
    %add3A_1093 = arith.addi %mul3A_1091, %add3A_1092 : i32
    "tpu.region"() ({
      %run_scoped3A = tpu.sem_alloc : memref<!tpu.dma_semaphore, #tpu.memory_space<semaphore_mem>>
      %dma_start3A_1235 = arith.constant 0 : i32
      %dma_start3A_1236 = tpu.memref_slice %arg14[%add3A_1093, %dma_start3A_1235] : memref<10240x128xf32, #tpu.memory_space<vmem_shared>> -> memref<16x128xf32, #tpu.memory_space<vmem_shared>>
      %dma_start3A_1237 = arith.constant 0 : i32
      %dma_start3A_1238 = tpu.memref_slice %arg14[%add3A_1093, %dma_start3A_1237] : memref<10240x128xf32, #tpu.memory_space<vmem_shared>> -> memref<16x128xf32, #tpu.memory_space<vmem_shared>>
      tpu.enqueue_dma source(%arg13 : memref<16x128xf32, #tpu.memory_space<vmem>>) target(%dma_start3A_1238 : memref<16x128xf32, #tpu.memory_space<vmem_shared>>) target_semaphore(%run_scoped3A : memref<!tpu.dma_semaphore, #tpu.memory_space<semaphore_mem>>)
      %dma_wait3A_1239 = arith.constant 0 : i32
      %dma_wait3A_1240 = tpu.memref_slice %arg14[%add3A_1093, %dma_wait3A_1239] : memref<10240x128xf32, #tpu.memory_space<vmem_shared>> -> memref<16x128xf32, #tpu.memory_space<vmem_shared>>
      %dma_wait3A_1241 = arith.constant 0 : i32
      %dma_wait3A_1242 = tpu.memref_slice %arg14[%add3A_1093, %dma_wait3A_1241] : memref<10240x128xf32, #tpu.memory_space<vmem_shared>> -> memref<16x128xf32, #tpu.memory_space<vmem_shared>>
      tpu.wait_dma2 semaphore(%run_scoped3A : memref<!tpu.dma_semaphore, #tpu.memory_space<semaphore_mem>>) src(%arg13 : memref<16x128xf32, #tpu.memory_space<vmem>>) dst(%dma_wait3A_1242 : memref<16x128xf32, #tpu.memory_space<vmem_shared>>)
      tpu.yield
    }) : () -> ()
    %mul3A_1094 = arith.constant 640 : i32
    %mul3A_1095 = arith.muli %arg1, %mul3A_1094 : i32
    %add3A_1096 = arith.constant 240 : i32
    %add3A_1097 = arith.addi %mul3A_1095, %add3A_1096 : i32
    "tpu.region"() ({
      %run_scoped3A = tpu.sem_alloc : memref<!tpu.dma_semaphore, #tpu.memory_space<semaphore_mem>>
      %dma_start3A_1235 = arith.constant 0 : i32
      %dma_start3A_1236 = tpu.memref_slice %arg14[%add3A_1097, %dma_start3A_1235] : memref<10240x128xf32, #tpu.memory_space<vmem_shared>> -> memref<16x128xf32, #tpu.memory_space<vmem_shared>>
      %dma_start3A_1237 = arith.constant 0 : i32
      %dma_start3A_1238 = tpu.memref_slice %arg14[%add3A_1097, %dma_start3A_1237] : memref<10240x128xf32, #tpu.memory_space<vmem_shared>> -> memref<16x128xf32, #tpu.memory_space<vmem_shared>>
      tpu.enqueue_dma source(%arg13 : memref<16x128xf32, #tpu.memory_space<vmem>>) target(%dma_start3A_1238 : memref<16x128xf32, #tpu.memory_space<vmem_shared>>) target_semaphore(%run_scoped3A : memref<!tpu.dma_semaphore, #tpu.memory_space<semaphore_mem>>)
      %dma_wait3A_1239 = arith.constant 0 : i32
      %dma_wait3A_1240 = tpu.memref_slice %arg14[%add3A_1097, %dma_wait3A_1239] : memref<10240x128xf32, #tpu.memory_space<vmem_shared>> -> memref<16x128xf32, #tpu.memory_space<vmem_shared>>
      %dma_wait3A_1241 = arith.constant 0 : i32
      %dma_wait3A_1242 = tpu.memref_slice %arg14[%add3A_1097, %dma_wait3A_1241] : memref<10240x128xf32, #tpu.memory_space<vmem_shared>> -> memref<16x128xf32, #tpu.memory_space<vmem_shared>>
      tpu.wait_dma2 semaphore(%run_scoped3A : memref<!tpu.dma_semaphore, #tpu.memory_space<semaphore_mem>>) src(%arg13 : memref<16x128xf32, #tpu.memory_space<vmem>>) dst(%dma_wait3A_1242 : memref<16x128xf32, #tpu.memory_space<vmem_shared>>)
      tpu.yield
    }) : () -> ()
    %mul3A_1098 = arith.constant 640 : i32
    %mul3A_1099 = arith.muli %arg1, %mul3A_1098 : i32
    %add3A_1100 = arith.constant 256 : i32
    %add3A_1101 = arith.addi %mul3A_1099, %add3A_1100 : i32
    "tpu.region"() ({
      %run_scoped3A = tpu.sem_alloc : memref<!tpu.dma_semaphore, #tpu.memory_space<semaphore_mem>>
      %dma_start3A_1235 = arith.constant 0 : i32
      %dma_start3A_1236 = tpu.memref_slice %arg14[%add3A_1101, %dma_start3A_1235] : memref<10240x128xf32, #tpu.memory_space<vmem_shared>> -> memref<16x128xf32, #tpu.memory_space<vmem_shared>>
      %dma_start3A_1237 = arith.constant 0 : i32
      %dma_start3A_1238 = tpu.memref_slice %arg14[%add3A_1101, %dma_start3A_1237] : memref<10240x128xf32, #tpu.memory_space<vmem_shared>> -> memref<16x128xf32, #tpu.memory_space<vmem_shared>>
      tpu.enqueue_dma source(%arg13 : memref<16x128xf32, #tpu.memory_space<vmem>>) target(%dma_start3A_1238 : memref<16x128xf32, #tpu.memory_space<vmem_shared>>) target_semaphore(%run_scoped3A : memref<!tpu.dma_semaphore, #tpu.memory_space<semaphore_mem>>)
      %dma_wait3A_1239 = arith.constant 0 : i32
      %dma_wait3A_1240 = tpu.memref_slice %arg14[%add3A_1101, %dma_wait3A_1239] : memref<10240x128xf32, #tpu.memory_space<vmem_shared>> -> memref<16x128xf32, #tpu.memory_space<vmem_shared>>
      %dma_wait3A_1241 = arith.constant 0 : i32
      %dma_wait3A_1242 = tpu.memref_slice %arg14[%add3A_1101, %dma_wait3A_1241] : memref<10240x128xf32, #tpu.memory_space<vmem_shared>> -> memref<16x128xf32, #tpu.memory_space<vmem_shared>>
      tpu.wait_dma2 semaphore(%run_scoped3A : memref<!tpu.dma_semaphore, #tpu.memory_space<semaphore_mem>>) src(%arg13 : memref<16x128xf32, #tpu.memory_space<vmem>>) dst(%dma_wait3A_1242 : memref<16x128xf32, #tpu.memory_space<vmem_shared>>)
      tpu.yield
    }) : () -> ()
    %mul3A_1102 = arith.constant 640 : i32
    %mul3A_1103 = arith.muli %arg1, %mul3A_1102 : i32
    %add3A_1104 = arith.constant 272 : i32
    %add3A_1105 = arith.addi %mul3A_1103, %add3A_1104 : i32
    "tpu.region"() ({
      %run_scoped3A = tpu.sem_alloc : memref<!tpu.dma_semaphore, #tpu.memory_space<semaphore_mem>>
      %dma_start3A_1235 = arith.constant 0 : i32
      %dma_start3A_1236 = tpu.memref_slice %arg14[%add3A_1105, %dma_start3A_1235] : memref<10240x128xf32, #tpu.memory_space<vmem_shared>> -> memref<16x128xf32, #tpu.memory_space<vmem_shared>>
      %dma_start3A_1237 = arith.constant 0 : i32
      %dma_start3A_1238 = tpu.memref_slice %arg14[%add3A_1105, %dma_start3A_1237] : memref<10240x128xf32, #tpu.memory_space<vmem_shared>> -> memref<16x128xf32, #tpu.memory_space<vmem_shared>>
      tpu.enqueue_dma source(%arg13 : memref<16x128xf32, #tpu.memory_space<vmem>>) target(%dma_start3A_1238 : memref<16x128xf32, #tpu.memory_space<vmem_shared>>) target_semaphore(%run_scoped3A : memref<!tpu.dma_semaphore, #tpu.memory_space<semaphore_mem>>)
      %dma_wait3A_1239 = arith.constant 0 : i32
      %dma_wait3A_1240 = tpu.memref_slice %arg14[%add3A_1105, %dma_wait3A_1239] : memref<10240x128xf32, #tpu.memory_space<vmem_shared>> -> memref<16x128xf32, #tpu.memory_space<vmem_shared>>
      %dma_wait3A_1241 = arith.constant 0 : i32
      %dma_wait3A_1242 = tpu.memref_slice %arg14[%add3A_1105, %dma_wait3A_1241] : memref<10240x128xf32, #tpu.memory_space<vmem_shared>> -> memref<16x128xf32, #tpu.memory_space<vmem_shared>>
      tpu.wait_dma2 semaphore(%run_scoped3A : memref<!tpu.dma_semaphore, #tpu.memory_space<semaphore_mem>>) src(%arg13 : memref<16x128xf32, #tpu.memory_space<vmem>>) dst(%dma_wait3A_1242 : memref<16x128xf32, #tpu.memory_space<vmem_shared>>)
      tpu.yield
    }) : () -> ()
    %mul3A_1106 = arith.constant 640 : i32
    %mul3A_1107 = arith.muli %arg1, %mul3A_1106 : i32
    %add3A_1108 = arith.constant 288 : i32
    %add3A_1109 = arith.addi %mul3A_1107, %add3A_1108 : i32
    "tpu.region"() ({
      %run_scoped3A = tpu.sem_alloc : memref<!tpu.dma_semaphore, #tpu.memory_space<semaphore_mem>>
      %dma_start3A_1235 = arith.constant 0 : i32
      %dma_start3A_1236 = tpu.memref_slice %arg14[%add3A_1109, %dma_start3A_1235] : memref<10240x128xf32, #tpu.memory_space<vmem_shared>> -> memref<16x128xf32, #tpu.memory_space<vmem_shared>>
      %dma_start3A_1237 = arith.constant 0 : i32
      %dma_start3A_1238 = tpu.memref_slice %arg14[%add3A_1109, %dma_start3A_1237] : memref<10240x128xf32, #tpu.memory_space<vmem_shared>> -> memref<16x128xf32, #tpu.memory_space<vmem_shared>>
      tpu.enqueue_dma source(%arg13 : memref<16x128xf32, #tpu.memory_space<vmem>>) target(%dma_start3A_1238 : memref<16x128xf32, #tpu.memory_space<vmem_shared>>) target_semaphore(%run_scoped3A : memref<!tpu.dma_semaphore, #tpu.memory_space<semaphore_mem>>)
      %dma_wait3A_1239 = arith.constant 0 : i32
      %dma_wait3A_1240 = tpu.memref_slice %arg14[%add3A_1109, %dma_wait3A_1239] : memref<10240x128xf32, #tpu.memory_space<vmem_shared>> -> memref<16x128xf32, #tpu.memory_space<vmem_shared>>
      %dma_wait3A_1241 = arith.constant 0 : i32
      %dma_wait3A_1242 = tpu.memref_slice %arg14[%add3A_1109, %dma_wait3A_1241] : memref<10240x128xf32, #tpu.memory_space<vmem_shared>> -> memref<16x128xf32, #tpu.memory_space<vmem_shared>>
      tpu.wait_dma2 semaphore(%run_scoped3A : memref<!tpu.dma_semaphore, #tpu.memory_space<semaphore_mem>>) src(%arg13 : memref<16x128xf32, #tpu.memory_space<vmem>>) dst(%dma_wait3A_1242 : memref<16x128xf32, #tpu.memory_space<vmem_shared>>)
      tpu.yield
    }) : () -> ()
    %mul3A_1110 = arith.constant 640 : i32
    %mul3A_1111 = arith.muli %arg1, %mul3A_1110 : i32
    %add3A_1112 = arith.constant 304 : i32
    %add3A_1113 = arith.addi %mul3A_1111, %add3A_1112 : i32
    "tpu.region"() ({
      %run_scoped3A = tpu.sem_alloc : memref<!tpu.dma_semaphore, #tpu.memory_space<semaphore_mem>>
      %dma_start3A_1235 = arith.constant 0 : i32
      %dma_start3A_1236 = tpu.memref_slice %arg14[%add3A_1113, %dma_start3A_1235] : memref<10240x128xf32, #tpu.memory_space<vmem_shared>> -> memref<16x128xf32, #tpu.memory_space<vmem_shared>>
      %dma_start3A_1237 = arith.constant 0 : i32
      %dma_start3A_1238 = tpu.memref_slice %arg14[%add3A_1113, %dma_start3A_1237] : memref<10240x128xf32, #tpu.memory_space<vmem_shared>> -> memref<16x128xf32, #tpu.memory_space<vmem_shared>>
      tpu.enqueue_dma source(%arg13 : memref<16x128xf32, #tpu.memory_space<vmem>>) target(%dma_start3A_1238 : memref<16x128xf32, #tpu.memory_space<vmem_shared>>) target_semaphore(%run_scoped3A : memref<!tpu.dma_semaphore, #tpu.memory_space<semaphore_mem>>)
      %dma_wait3A_1239 = arith.constant 0 : i32
      %dma_wait3A_1240 = tpu.memref_slice %arg14[%add3A_1113, %dma_wait3A_1239] : memref<10240x128xf32, #tpu.memory_space<vmem_shared>> -> memref<16x128xf32, #tpu.memory_space<vmem_shared>>
      %dma_wait3A_1241 = arith.constant 0 : i32
      %dma_wait3A_1242 = tpu.memref_slice %arg14[%add3A_1113, %dma_wait3A_1241] : memref<10240x128xf32, #tpu.memory_space<vmem_shared>> -> memref<16x128xf32, #tpu.memory_space<vmem_shared>>
      tpu.wait_dma2 semaphore(%run_scoped3A : memref<!tpu.dma_semaphore, #tpu.memory_space<semaphore_mem>>) src(%arg13 : memref<16x128xf32, #tpu.memory_space<vmem>>) dst(%dma_wait3A_1242 : memref<16x128xf32, #tpu.memory_space<vmem_shared>>)
      tpu.yield
    }) : () -> ()
    %mul3A_1114 = arith.constant 640 : i32
    %mul3A_1115 = arith.muli %arg1, %mul3A_1114 : i32
    %add3A_1116 = arith.constant 320 : i32
    %add3A_1117 = arith.addi %mul3A_1115, %add3A_1116 : i32
    "tpu.region"() ({
      %run_scoped3A = tpu.sem_alloc : memref<!tpu.dma_semaphore, #tpu.memory_space<semaphore_mem>>
      %dma_start3A_1235 = arith.constant 0 : i32
      %dma_start3A_1236 = tpu.memref_slice %arg14[%add3A_1117, %dma_start3A_1235] : memref<10240x128xf32, #tpu.memory_space<vmem_shared>> -> memref<16x128xf32, #tpu.memory_space<vmem_shared>>
      %dma_start3A_1237 = arith.constant 0 : i32
      %dma_start3A_1238 = tpu.memref_slice %arg14[%add3A_1117, %dma_start3A_1237] : memref<10240x128xf32, #tpu.memory_space<vmem_shared>> -> memref<16x128xf32, #tpu.memory_space<vmem_shared>>
      tpu.enqueue_dma source(%arg13 : memref<16x128xf32, #tpu.memory_space<vmem>>) target(%dma_start3A_1238 : memref<16x128xf32, #tpu.memory_space<vmem_shared>>) target_semaphore(%run_scoped3A : memref<!tpu.dma_semaphore, #tpu.memory_space<semaphore_mem>>)
      %dma_wait3A_1239 = arith.constant 0 : i32
      %dma_wait3A_1240 = tpu.memref_slice %arg14[%add3A_1117, %dma_wait3A_1239] : memref<10240x128xf32, #tpu.memory_space<vmem_shared>> -> memref<16x128xf32, #tpu.memory_space<vmem_shared>>
      %dma_wait3A_1241 = arith.constant 0 : i32
      %dma_wait3A_1242 = tpu.memref_slice %arg14[%add3A_1117, %dma_wait3A_1241] : memref<10240x128xf32, #tpu.memory_space<vmem_shared>> -> memref<16x128xf32, #tpu.memory_space<vmem_shared>>
      tpu.wait_dma2 semaphore(%run_scoped3A : memref<!tpu.dma_semaphore, #tpu.memory_space<semaphore_mem>>) src(%arg13 : memref<16x128xf32, #tpu.memory_space<vmem>>) dst(%dma_wait3A_1242 : memref<16x128xf32, #tpu.memory_space<vmem_shared>>)
      tpu.yield
    }) : () -> ()
    %mul3A_1118 = arith.constant 640 : i32
    %mul3A_1119 = arith.muli %arg1, %mul3A_1118 : i32
    %add3A_1120 = arith.constant 336 : i32
    %add3A_1121 = arith.addi %mul3A_1119, %add3A_1120 : i32
    "tpu.region"() ({
      %run_scoped3A = tpu.sem_alloc : memref<!tpu.dma_semaphore, #tpu.memory_space<semaphore_mem>>
      %dma_start3A_1235 = arith.constant 0 : i32
      %dma_start3A_1236 = tpu.memref_slice %arg14[%add3A_1121, %dma_start3A_1235] : memref<10240x128xf32, #tpu.memory_space<vmem_shared>> -> memref<16x128xf32, #tpu.memory_space<vmem_shared>>
      %dma_start3A_1237 = arith.constant 0 : i32
      %dma_start3A_1238 = tpu.memref_slice %arg14[%add3A_1121, %dma_start3A_1237] : memref<10240x128xf32, #tpu.memory_space<vmem_shared>> -> memref<16x128xf32, #tpu.memory_space<vmem_shared>>
      tpu.enqueue_dma source(%arg13 : memref<16x128xf32, #tpu.memory_space<vmem>>) target(%dma_start3A_1238 : memref<16x128xf32, #tpu.memory_space<vmem_shared>>) target_semaphore(%run_scoped3A : memref<!tpu.dma_semaphore, #tpu.memory_space<semaphore_mem>>)
      %dma_wait3A_1239 = arith.constant 0 : i32
      %dma_wait3A_1240 = tpu.memref_slice %arg14[%add3A_1121, %dma_wait3A_1239] : memref<10240x128xf32, #tpu.memory_space<vmem_shared>> -> memref<16x128xf32, #tpu.memory_space<vmem_shared>>
      %dma_wait3A_1241 = arith.constant 0 : i32
      %dma_wait3A_1242 = tpu.memref_slice %arg14[%add3A_1121, %dma_wait3A_1241] : memref<10240x128xf32, #tpu.memory_space<vmem_shared>> -> memref<16x128xf32, #tpu.memory_space<vmem_shared>>
      tpu.wait_dma2 semaphore(%run_scoped3A : memref<!tpu.dma_semaphore, #tpu.memory_space<semaphore_mem>>) src(%arg13 : memref<16x128xf32, #tpu.memory_space<vmem>>) dst(%dma_wait3A_1242 : memref<16x128xf32, #tpu.memory_space<vmem_shared>>)
      tpu.yield
    }) : () -> ()
    %mul3A_1122 = arith.constant 640 : i32
    %mul3A_1123 = arith.muli %arg1, %mul3A_1122 : i32
    %add3A_1124 = arith.constant 352 : i32
    %add3A_1125 = arith.addi %mul3A_1123, %add3A_1124 : i32
    "tpu.region"() ({
      %run_scoped3A = tpu.sem_alloc : memref<!tpu.dma_semaphore, #tpu.memory_space<semaphore_mem>>
      %dma_start3A_1235 = arith.constant 0 : i32
      %dma_start3A_1236 = tpu.memref_slice %arg14[%add3A_1125, %dma_start3A_1235] : memref<10240x128xf32, #tpu.memory_space<vmem_shared>> -> memref<16x128xf32, #tpu.memory_space<vmem_shared>>
      %dma_start3A_1237 = arith.constant 0 : i32
      %dma_start3A_1238 = tpu.memref_slice %arg14[%add3A_1125, %dma_start3A_1237] : memref<10240x128xf32, #tpu.memory_space<vmem_shared>> -> memref<16x128xf32, #tpu.memory_space<vmem_shared>>
      tpu.enqueue_dma source(%arg13 : memref<16x128xf32, #tpu.memory_space<vmem>>) target(%dma_start3A_1238 : memref<16x128xf32, #tpu.memory_space<vmem_shared>>) target_semaphore(%run_scoped3A : memref<!tpu.dma_semaphore, #tpu.memory_space<semaphore_mem>>)
      %dma_wait3A_1239 = arith.constant 0 : i32
      %dma_wait3A_1240 = tpu.memref_slice %arg14[%add3A_1125, %dma_wait3A_1239] : memref<10240x128xf32, #tpu.memory_space<vmem_shared>> -> memref<16x128xf32, #tpu.memory_space<vmem_shared>>
      %dma_wait3A_1241 = arith.constant 0 : i32
      %dma_wait3A_1242 = tpu.memref_slice %arg14[%add3A_1125, %dma_wait3A_1241] : memref<10240x128xf32, #tpu.memory_space<vmem_shared>> -> memref<16x128xf32, #tpu.memory_space<vmem_shared>>
      tpu.wait_dma2 semaphore(%run_scoped3A : memref<!tpu.dma_semaphore, #tpu.memory_space<semaphore_mem>>) src(%arg13 : memref<16x128xf32, #tpu.memory_space<vmem>>) dst(%dma_wait3A_1242 : memref<16x128xf32, #tpu.memory_space<vmem_shared>>)
      tpu.yield
    }) : () -> ()
    %mul3A_1126 = arith.constant 640 : i32
    %mul3A_1127 = arith.muli %arg1, %mul3A_1126 : i32
    %add3A_1128 = arith.constant 368 : i32
    %add3A_1129 = arith.addi %mul3A_1127, %add3A_1128 : i32
    "tpu.region"() ({
      %run_scoped3A = tpu.sem_alloc : memref<!tpu.dma_semaphore, #tpu.memory_space<semaphore_mem>>
      %dma_start3A_1235 = arith.constant 0 : i32
      %dma_start3A_1236 = tpu.memref_slice %arg14[%add3A_1129, %dma_start3A_1235] : memref<10240x128xf32, #tpu.memory_space<vmem_shared>> -> memref<16x128xf32, #tpu.memory_space<vmem_shared>>
      %dma_start3A_1237 = arith.constant 0 : i32
      %dma_start3A_1238 = tpu.memref_slice %arg14[%add3A_1129, %dma_start3A_1237] : memref<10240x128xf32, #tpu.memory_space<vmem_shared>> -> memref<16x128xf32, #tpu.memory_space<vmem_shared>>
      tpu.enqueue_dma source(%arg13 : memref<16x128xf32, #tpu.memory_space<vmem>>) target(%dma_start3A_1238 : memref<16x128xf32, #tpu.memory_space<vmem_shared>>) target_semaphore(%run_scoped3A : memref<!tpu.dma_semaphore, #tpu.memory_space<semaphore_mem>>)
      %dma_wait3A_1239 = arith.constant 0 : i32
      %dma_wait3A_1240 = tpu.memref_slice %arg14[%add3A_1129, %dma_wait3A_1239] : memref<10240x128xf32, #tpu.memory_space<vmem_shared>> -> memref<16x128xf32, #tpu.memory_space<vmem_shared>>
      %dma_wait3A_1241 = arith.constant 0 : i32
      %dma_wait3A_1242 = tpu.memref_slice %arg14[%add3A_1129, %dma_wait3A_1241] : memref<10240x128xf32, #tpu.memory_space<vmem_shared>> -> memref<16x128xf32, #tpu.memory_space<vmem_shared>>
      tpu.wait_dma2 semaphore(%run_scoped3A : memref<!tpu.dma_semaphore, #tpu.memory_space<semaphore_mem>>) src(%arg13 : memref<16x128xf32, #tpu.memory_space<vmem>>) dst(%dma_wait3A_1242 : memref<16x128xf32, #tpu.memory_space<vmem_shared>>)
      tpu.yield
    }) : () -> ()
    %mul3A_1130 = arith.constant 640 : i32
    %mul3A_1131 = arith.muli %arg1, %mul3A_1130 : i32
    %add3A_1132 = arith.constant 384 : i32
    %add3A_1133 = arith.addi %mul3A_1131, %add3A_1132 : i32
    "tpu.region"() ({
      %run_scoped3A = tpu.sem_alloc : memref<!tpu.dma_semaphore, #tpu.memory_space<semaphore_mem>>
      %dma_start3A_1235 = arith.constant 0 : i32
      %dma_start3A_1236 = tpu.memref_slice %arg14[%add3A_1133, %dma_start3A_1235] : memref<10240x128xf32, #tpu.memory_space<vmem_shared>> -> memref<16x128xf32, #tpu.memory_space<vmem_shared>>
      %dma_start3A_1237 = arith.constant 0 : i32
      %dma_start3A_1238 = tpu.memref_slice %arg14[%add3A_1133, %dma_start3A_1237] : memref<10240x128xf32, #tpu.memory_space<vmem_shared>> -> memref<16x128xf32, #tpu.memory_space<vmem_shared>>
      tpu.enqueue_dma source(%arg13 : memref<16x128xf32, #tpu.memory_space<vmem>>) target(%dma_start3A_1238 : memref<16x128xf32, #tpu.memory_space<vmem_shared>>) target_semaphore(%run_scoped3A : memref<!tpu.dma_semaphore, #tpu.memory_space<semaphore_mem>>)
      %dma_wait3A_1239 = arith.constant 0 : i32
      %dma_wait3A_1240 = tpu.memref_slice %arg14[%add3A_1133, %dma_wait3A_1239] : memref<10240x128xf32, #tpu.memory_space<vmem_shared>> -> memref<16x128xf32, #tpu.memory_space<vmem_shared>>
      %dma_wait3A_1241 = arith.constant 0 : i32
      %dma_wait3A_1242 = tpu.memref_slice %arg14[%add3A_1133, %dma_wait3A_1241] : memref<10240x128xf32, #tpu.memory_space<vmem_shared>> -> memref<16x128xf32, #tpu.memory_space<vmem_shared>>
      tpu.wait_dma2 semaphore(%run_scoped3A : memref<!tpu.dma_semaphore, #tpu.memory_space<semaphore_mem>>) src(%arg13 : memref<16x128xf32, #tpu.memory_space<vmem>>) dst(%dma_wait3A_1242 : memref<16x128xf32, #tpu.memory_space<vmem_shared>>)
      tpu.yield
    }) : () -> ()
    %mul3A_1134 = arith.constant 640 : i32
    %mul3A_1135 = arith.muli %arg1, %mul3A_1134 : i32
    %add3A_1136 = arith.constant 400 : i32
    %add3A_1137 = arith.addi %mul3A_1135, %add3A_1136 : i32
    "tpu.region"() ({
      %run_scoped3A = tpu.sem_alloc : memref<!tpu.dma_semaphore, #tpu.memory_space<semaphore_mem>>
      %dma_start3A_1235 = arith.constant 0 : i32
      %dma_start3A_1236 = tpu.memref_slice %arg14[%add3A_1137, %dma_start3A_1235] : memref<10240x128xf32, #tpu.memory_space<vmem_shared>> -> memref<16x128xf32, #tpu.memory_space<vmem_shared>>
      %dma_start3A_1237 = arith.constant 0 : i32
      %dma_start3A_1238 = tpu.memref_slice %arg14[%add3A_1137, %dma_start3A_1237] : memref<10240x128xf32, #tpu.memory_space<vmem_shared>> -> memref<16x128xf32, #tpu.memory_space<vmem_shared>>
      tpu.enqueue_dma source(%arg13 : memref<16x128xf32, #tpu.memory_space<vmem>>) target(%dma_start3A_1238 : memref<16x128xf32, #tpu.memory_space<vmem_shared>>) target_semaphore(%run_scoped3A : memref<!tpu.dma_semaphore, #tpu.memory_space<semaphore_mem>>)
      %dma_wait3A_1239 = arith.constant 0 : i32
      %dma_wait3A_1240 = tpu.memref_slice %arg14[%add3A_1137, %dma_wait3A_1239] : memref<10240x128xf32, #tpu.memory_space<vmem_shared>> -> memref<16x128xf32, #tpu.memory_space<vmem_shared>>
      %dma_wait3A_1241 = arith.constant 0 : i32
      %dma_wait3A_1242 = tpu.memref_slice %arg14[%add3A_1137, %dma_wait3A_1241] : memref<10240x128xf32, #tpu.memory_space<vmem_shared>> -> memref<16x128xf32, #tpu.memory_space<vmem_shared>>
      tpu.wait_dma2 semaphore(%run_scoped3A : memref<!tpu.dma_semaphore, #tpu.memory_space<semaphore_mem>>) src(%arg13 : memref<16x128xf32, #tpu.memory_space<vmem>>) dst(%dma_wait3A_1242 : memref<16x128xf32, #tpu.memory_space<vmem_shared>>)
      tpu.yield
    }) : () -> ()
    %mul3A_1138 = arith.constant 640 : i32
    %mul3A_1139 = arith.muli %arg1, %mul3A_1138 : i32
    %add3A_1140 = arith.constant 416 : i32
    %add3A_1141 = arith.addi %mul3A_1139, %add3A_1140 : i32
    "tpu.region"() ({
      %run_scoped3A = tpu.sem_alloc : memref<!tpu.dma_semaphore, #tpu.memory_space<semaphore_mem>>
      %dma_start3A_1235 = arith.constant 0 : i32
      %dma_start3A_1236 = tpu.memref_slice %arg14[%add3A_1141, %dma_start3A_1235] : memref<10240x128xf32, #tpu.memory_space<vmem_shared>> -> memref<16x128xf32, #tpu.memory_space<vmem_shared>>
      %dma_start3A_1237 = arith.constant 0 : i32
      %dma_start3A_1238 = tpu.memref_slice %arg14[%add3A_1141, %dma_start3A_1237] : memref<10240x128xf32, #tpu.memory_space<vmem_shared>> -> memref<16x128xf32, #tpu.memory_space<vmem_shared>>
      tpu.enqueue_dma source(%arg13 : memref<16x128xf32, #tpu.memory_space<vmem>>) target(%dma_start3A_1238 : memref<16x128xf32, #tpu.memory_space<vmem_shared>>) target_semaphore(%run_scoped3A : memref<!tpu.dma_semaphore, #tpu.memory_space<semaphore_mem>>)
      %dma_wait3A_1239 = arith.constant 0 : i32
      %dma_wait3A_1240 = tpu.memref_slice %arg14[%add3A_1141, %dma_wait3A_1239] : memref<10240x128xf32, #tpu.memory_space<vmem_shared>> -> memref<16x128xf32, #tpu.memory_space<vmem_shared>>
      %dma_wait3A_1241 = arith.constant 0 : i32
      %dma_wait3A_1242 = tpu.memref_slice %arg14[%add3A_1141, %dma_wait3A_1241] : memref<10240x128xf32, #tpu.memory_space<vmem_shared>> -> memref<16x128xf32, #tpu.memory_space<vmem_shared>>
      tpu.wait_dma2 semaphore(%run_scoped3A : memref<!tpu.dma_semaphore, #tpu.memory_space<semaphore_mem>>) src(%arg13 : memref<16x128xf32, #tpu.memory_space<vmem>>) dst(%dma_wait3A_1242 : memref<16x128xf32, #tpu.memory_space<vmem_shared>>)
      tpu.yield
    }) : () -> ()
    %mul3A_1142 = arith.constant 640 : i32
    %mul3A_1143 = arith.muli %arg1, %mul3A_1142 : i32
    %add3A_1144 = arith.constant 432 : i32
    %add3A_1145 = arith.addi %mul3A_1143, %add3A_1144 : i32
    "tpu.region"() ({
      %run_scoped3A = tpu.sem_alloc : memref<!tpu.dma_semaphore, #tpu.memory_space<semaphore_mem>>
      %dma_start3A_1235 = arith.constant 0 : i32
      %dma_start3A_1236 = tpu.memref_slice %arg14[%add3A_1145, %dma_start3A_1235] : memref<10240x128xf32, #tpu.memory_space<vmem_shared>> -> memref<16x128xf32, #tpu.memory_space<vmem_shared>>
      %dma_start3A_1237 = arith.constant 0 : i32
      %dma_start3A_1238 = tpu.memref_slice %arg14[%add3A_1145, %dma_start3A_1237] : memref<10240x128xf32, #tpu.memory_space<vmem_shared>> -> memref<16x128xf32, #tpu.memory_space<vmem_shared>>
      tpu.enqueue_dma source(%arg13 : memref<16x128xf32, #tpu.memory_space<vmem>>) target(%dma_start3A_1238 : memref<16x128xf32, #tpu.memory_space<vmem_shared>>) target_semaphore(%run_scoped3A : memref<!tpu.dma_semaphore, #tpu.memory_space<semaphore_mem>>)
      %dma_wait3A_1239 = arith.constant 0 : i32
      %dma_wait3A_1240 = tpu.memref_slice %arg14[%add3A_1145, %dma_wait3A_1239] : memref<10240x128xf32, #tpu.memory_space<vmem_shared>> -> memref<16x128xf32, #tpu.memory_space<vmem_shared>>
      %dma_wait3A_1241 = arith.constant 0 : i32
      %dma_wait3A_1242 = tpu.memref_slice %arg14[%add3A_1145, %dma_wait3A_1241] : memref<10240x128xf32, #tpu.memory_space<vmem_shared>> -> memref<16x128xf32, #tpu.memory_space<vmem_shared>>
      tpu.wait_dma2 semaphore(%run_scoped3A : memref<!tpu.dma_semaphore, #tpu.memory_space<semaphore_mem>>) src(%arg13 : memref<16x128xf32, #tpu.memory_space<vmem>>) dst(%dma_wait3A_1242 : memref<16x128xf32, #tpu.memory_space<vmem_shared>>)
      tpu.yield
    }) : () -> ()
    %mul3A_1146 = arith.constant 640 : i32
    %mul3A_1147 = arith.muli %arg1, %mul3A_1146 : i32
    %add3A_1148 = arith.constant 448 : i32
    %add3A_1149 = arith.addi %mul3A_1147, %add3A_1148 : i32
    "tpu.region"() ({
      %run_scoped3A = tpu.sem_alloc : memref<!tpu.dma_semaphore, #tpu.memory_space<semaphore_mem>>
      %dma_start3A_1235 = arith.constant 0 : i32
      %dma_start3A_1236 = tpu.memref_slice %arg14[%add3A_1149, %dma_start3A_1235] : memref<10240x128xf32, #tpu.memory_space<vmem_shared>> -> memref<16x128xf32, #tpu.memory_space<vmem_shared>>
      %dma_start3A_1237 = arith.constant 0 : i32
      %dma_start3A_1238 = tpu.memref_slice %arg14[%add3A_1149, %dma_start3A_1237] : memref<10240x128xf32, #tpu.memory_space<vmem_shared>> -> memref<16x128xf32, #tpu.memory_space<vmem_shared>>
      tpu.enqueue_dma source(%arg13 : memref<16x128xf32, #tpu.memory_space<vmem>>) target(%dma_start3A_1238 : memref<16x128xf32, #tpu.memory_space<vmem_shared>>) target_semaphore(%run_scoped3A : memref<!tpu.dma_semaphore, #tpu.memory_space<semaphore_mem>>)
      %dma_wait3A_1239 = arith.constant 0 : i32
      %dma_wait3A_1240 = tpu.memref_slice %arg14[%add3A_1149, %dma_wait3A_1239] : memref<10240x128xf32, #tpu.memory_space<vmem_shared>> -> memref<16x128xf32, #tpu.memory_space<vmem_shared>>
      %dma_wait3A_1241 = arith.constant 0 : i32
      %dma_wait3A_1242 = tpu.memref_slice %arg14[%add3A_1149, %dma_wait3A_1241] : memref<10240x128xf32, #tpu.memory_space<vmem_shared>> -> memref<16x128xf32, #tpu.memory_space<vmem_shared>>
      tpu.wait_dma2 semaphore(%run_scoped3A : memref<!tpu.dma_semaphore, #tpu.memory_space<semaphore_mem>>) src(%arg13 : memref<16x128xf32, #tpu.memory_space<vmem>>) dst(%dma_wait3A_1242 : memref<16x128xf32, #tpu.memory_space<vmem_shared>>)
      tpu.yield
    }) : () -> ()
    %mul3A_1150 = arith.constant 640 : i32
    %mul3A_1151 = arith.muli %arg1, %mul3A_1150 : i32
    %add3A_1152 = arith.constant 464 : i32
    %add3A_1153 = arith.addi %mul3A_1151, %add3A_1152 : i32
    "tpu.region"() ({
      %run_scoped3A = tpu.sem_alloc : memref<!tpu.dma_semaphore, #tpu.memory_space<semaphore_mem>>
      %dma_start3A_1235 = arith.constant 0 : i32
      %dma_start3A_1236 = tpu.memref_slice %arg14[%add3A_1153, %dma_start3A_1235] : memref<10240x128xf32, #tpu.memory_space<vmem_shared>> -> memref<16x128xf32, #tpu.memory_space<vmem_shared>>
      %dma_start3A_1237 = arith.constant 0 : i32
      %dma_start3A_1238 = tpu.memref_slice %arg14[%add3A_1153, %dma_start3A_1237] : memref<10240x128xf32, #tpu.memory_space<vmem_shared>> -> memref<16x128xf32, #tpu.memory_space<vmem_shared>>
      tpu.enqueue_dma source(%arg13 : memref<16x128xf32, #tpu.memory_space<vmem>>) target(%dma_start3A_1238 : memref<16x128xf32, #tpu.memory_space<vmem_shared>>) target_semaphore(%run_scoped3A : memref<!tpu.dma_semaphore, #tpu.memory_space<semaphore_mem>>)
      %dma_wait3A_1239 = arith.constant 0 : i32
      %dma_wait3A_1240 = tpu.memref_slice %arg14[%add3A_1153, %dma_wait3A_1239] : memref<10240x128xf32, #tpu.memory_space<vmem_shared>> -> memref<16x128xf32, #tpu.memory_space<vmem_shared>>
      %dma_wait3A_1241 = arith.constant 0 : i32
      %dma_wait3A_1242 = tpu.memref_slice %arg14[%add3A_1153, %dma_wait3A_1241] : memref<10240x128xf32, #tpu.memory_space<vmem_shared>> -> memref<16x128xf32, #tpu.memory_space<vmem_shared>>
      tpu.wait_dma2 semaphore(%run_scoped3A : memref<!tpu.dma_semaphore, #tpu.memory_space<semaphore_mem>>) src(%arg13 : memref<16x128xf32, #tpu.memory_space<vmem>>) dst(%dma_wait3A_1242 : memref<16x128xf32, #tpu.memory_space<vmem_shared>>)
      tpu.yield
    }) : () -> ()
    %mul3A_1154 = arith.constant 640 : i32
    %mul3A_1155 = arith.muli %arg1, %mul3A_1154 : i32
    %add3A_1156 = arith.constant 480 : i32
    %add3A_1157 = arith.addi %mul3A_1155, %add3A_1156 : i32
    "tpu.region"() ({
      %run_scoped3A = tpu.sem_alloc : memref<!tpu.dma_semaphore, #tpu.memory_space<semaphore_mem>>
      %dma_start3A_1235 = arith.constant 0 : i32
      %dma_start3A_1236 = tpu.memref_slice %arg14[%add3A_1157, %dma_start3A_1235] : memref<10240x128xf32, #tpu.memory_space<vmem_shared>> -> memref<16x128xf32, #tpu.memory_space<vmem_shared>>
      %dma_start3A_1237 = arith.constant 0 : i32
      %dma_start3A_1238 = tpu.memref_slice %arg14[%add3A_1157, %dma_start3A_1237] : memref<10240x128xf32, #tpu.memory_space<vmem_shared>> -> memref<16x128xf32, #tpu.memory_space<vmem_shared>>
      tpu.enqueue_dma source(%arg13 : memref<16x128xf32, #tpu.memory_space<vmem>>) target(%dma_start3A_1238 : memref<16x128xf32, #tpu.memory_space<vmem_shared>>) target_semaphore(%run_scoped3A : memref<!tpu.dma_semaphore, #tpu.memory_space<semaphore_mem>>)
      %dma_wait3A_1239 = arith.constant 0 : i32
      %dma_wait3A_1240 = tpu.memref_slice %arg14[%add3A_1157, %dma_wait3A_1239] : memref<10240x128xf32, #tpu.memory_space<vmem_shared>> -> memref<16x128xf32, #tpu.memory_space<vmem_shared>>
      %dma_wait3A_1241 = arith.constant 0 : i32
      %dma_wait3A_1242 = tpu.memref_slice %arg14[%add3A_1157, %dma_wait3A_1241] : memref<10240x128xf32, #tpu.memory_space<vmem_shared>> -> memref<16x128xf32, #tpu.memory_space<vmem_shared>>
      tpu.wait_dma2 semaphore(%run_scoped3A : memref<!tpu.dma_semaphore, #tpu.memory_space<semaphore_mem>>) src(%arg13 : memref<16x128xf32, #tpu.memory_space<vmem>>) dst(%dma_wait3A_1242 : memref<16x128xf32, #tpu.memory_space<vmem_shared>>)
      tpu.yield
    }) : () -> ()
    %mul3A_1158 = arith.constant 640 : i32
    %mul3A_1159 = arith.muli %arg1, %mul3A_1158 : i32
    %add3A_1160 = arith.constant 496 : i32
    %add3A_1161 = arith.addi %mul3A_1159, %add3A_1160 : i32
    "tpu.region"() ({
      %run_scoped3A = tpu.sem_alloc : memref<!tpu.dma_semaphore, #tpu.memory_space<semaphore_mem>>
      %dma_start3A_1235 = arith.constant 0 : i32
      %dma_start3A_1236 = tpu.memref_slice %arg14[%add3A_1161, %dma_start3A_1235] : memref<10240x128xf32, #tpu.memory_space<vmem_shared>> -> memref<16x128xf32, #tpu.memory_space<vmem_shared>>
      %dma_start3A_1237 = arith.constant 0 : i32
      %dma_start3A_1238 = tpu.memref_slice %arg14[%add3A_1161, %dma_start3A_1237] : memref<10240x128xf32, #tpu.memory_space<vmem_shared>> -> memref<16x128xf32, #tpu.memory_space<vmem_shared>>
      tpu.enqueue_dma source(%arg13 : memref<16x128xf32, #tpu.memory_space<vmem>>) target(%dma_start3A_1238 : memref<16x128xf32, #tpu.memory_space<vmem_shared>>) target_semaphore(%run_scoped3A : memref<!tpu.dma_semaphore, #tpu.memory_space<semaphore_mem>>)
      %dma_wait3A_1239 = arith.constant 0 : i32
      %dma_wait3A_1240 = tpu.memref_slice %arg14[%add3A_1161, %dma_wait3A_1239] : memref<10240x128xf32, #tpu.memory_space<vmem_shared>> -> memref<16x128xf32, #tpu.memory_space<vmem_shared>>
      %dma_wait3A_1241 = arith.constant 0 : i32
      %dma_wait3A_1242 = tpu.memref_slice %arg14[%add3A_1161, %dma_wait3A_1241] : memref<10240x128xf32, #tpu.memory_space<vmem_shared>> -> memref<16x128xf32, #tpu.memory_space<vmem_shared>>
      tpu.wait_dma2 semaphore(%run_scoped3A : memref<!tpu.dma_semaphore, #tpu.memory_space<semaphore_mem>>) src(%arg13 : memref<16x128xf32, #tpu.memory_space<vmem>>) dst(%dma_wait3A_1242 : memref<16x128xf32, #tpu.memory_space<vmem_shared>>)
      tpu.yield
    }) : () -> ()
    %mul3A_1162 = arith.constant 640 : i32
    %mul3A_1163 = arith.muli %arg1, %mul3A_1162 : i32
    %add3A_1164 = arith.constant 512 : i32
    %add3A_1165 = arith.addi %mul3A_1163, %add3A_1164 : i32
    "tpu.region"() ({
      %run_scoped3A = tpu.sem_alloc : memref<!tpu.dma_semaphore, #tpu.memory_space<semaphore_mem>>
      %dma_start3A_1235 = arith.constant 0 : i32
      %dma_start3A_1236 = tpu.memref_slice %arg14[%add3A_1165, %dma_start3A_1235] : memref<10240x128xf32, #tpu.memory_space<vmem_shared>> -> memref<16x128xf32, #tpu.memory_space<vmem_shared>>
      %dma_start3A_1237 = arith.constant 0 : i32
      %dma_start3A_1238 = tpu.memref_slice %arg14[%add3A_1165, %dma_start3A_1237] : memref<10240x128xf32, #tpu.memory_space<vmem_shared>> -> memref<16x128xf32, #tpu.memory_space<vmem_shared>>
      tpu.enqueue_dma source(%arg13 : memref<16x128xf32, #tpu.memory_space<vmem>>) target(%dma_start3A_1238 : memref<16x128xf32, #tpu.memory_space<vmem_shared>>) target_semaphore(%run_scoped3A : memref<!tpu.dma_semaphore, #tpu.memory_space<semaphore_mem>>)
      %dma_wait3A_1239 = arith.constant 0 : i32
      %dma_wait3A_1240 = tpu.memref_slice %arg14[%add3A_1165, %dma_wait3A_1239] : memref<10240x128xf32, #tpu.memory_space<vmem_shared>> -> memref<16x128xf32, #tpu.memory_space<vmem_shared>>
      %dma_wait3A_1241 = arith.constant 0 : i32
      %dma_wait3A_1242 = tpu.memref_slice %arg14[%add3A_1165, %dma_wait3A_1241] : memref<10240x128xf32, #tpu.memory_space<vmem_shared>> -> memref<16x128xf32, #tpu.memory_space<vmem_shared>>
      tpu.wait_dma2 semaphore(%run_scoped3A : memref<!tpu.dma_semaphore, #tpu.memory_space<semaphore_mem>>) src(%arg13 : memref<16x128xf32, #tpu.memory_space<vmem>>) dst(%dma_wait3A_1242 : memref<16x128xf32, #tpu.memory_space<vmem_shared>>)
      tpu.yield
    }) : () -> ()
    %mul3A_1166 = arith.constant 640 : i32
    %mul3A_1167 = arith.muli %arg1, %mul3A_1166 : i32
    %add3A_1168 = arith.constant 528 : i32
    %add3A_1169 = arith.addi %mul3A_1167, %add3A_1168 : i32
    "tpu.region"() ({
      %run_scoped3A = tpu.sem_alloc : memref<!tpu.dma_semaphore, #tpu.memory_space<semaphore_mem>>
      %dma_start3A_1235 = arith.constant 0 : i32
      %dma_start3A_1236 = tpu.memref_slice %arg14[%add3A_1169, %dma_start3A_1235] : memref<10240x128xf32, #tpu.memory_space<vmem_shared>> -> memref<16x128xf32, #tpu.memory_space<vmem_shared>>
      %dma_start3A_1237 = arith.constant 0 : i32
      %dma_start3A_1238 = tpu.memref_slice %arg14[%add3A_1169, %dma_start3A_1237] : memref<10240x128xf32, #tpu.memory_space<vmem_shared>> -> memref<16x128xf32, #tpu.memory_space<vmem_shared>>
      tpu.enqueue_dma source(%arg13 : memref<16x128xf32, #tpu.memory_space<vmem>>) target(%dma_start3A_1238 : memref<16x128xf32, #tpu.memory_space<vmem_shared>>) target_semaphore(%run_scoped3A : memref<!tpu.dma_semaphore, #tpu.memory_space<semaphore_mem>>)
      %dma_wait3A_1239 = arith.constant 0 : i32
      %dma_wait3A_1240 = tpu.memref_slice %arg14[%add3A_1169, %dma_wait3A_1239] : memref<10240x128xf32, #tpu.memory_space<vmem_shared>> -> memref<16x128xf32, #tpu.memory_space<vmem_shared>>
      %dma_wait3A_1241 = arith.constant 0 : i32
      %dma_wait3A_1242 = tpu.memref_slice %arg14[%add3A_1169, %dma_wait3A_1241] : memref<10240x128xf32, #tpu.memory_space<vmem_shared>> -> memref<16x128xf32, #tpu.memory_space<vmem_shared>>
      tpu.wait_dma2 semaphore(%run_scoped3A : memref<!tpu.dma_semaphore, #tpu.memory_space<semaphore_mem>>) src(%arg13 : memref<16x128xf32, #tpu.memory_space<vmem>>) dst(%dma_wait3A_1242 : memref<16x128xf32, #tpu.memory_space<vmem_shared>>)
      tpu.yield
    }) : () -> ()
    %mul3A_1170 = arith.constant 640 : i32
    %mul3A_1171 = arith.muli %arg1, %mul3A_1170 : i32
    %add3A_1172 = arith.constant 544 : i32
    %add3A_1173 = arith.addi %mul3A_1171, %add3A_1172 : i32
    "tpu.region"() ({
      %run_scoped3A = tpu.sem_alloc : memref<!tpu.dma_semaphore, #tpu.memory_space<semaphore_mem>>
      %dma_start3A_1235 = arith.constant 0 : i32
      %dma_start3A_1236 = tpu.memref_slice %arg14[%add3A_1173, %dma_start3A_1235] : memref<10240x128xf32, #tpu.memory_space<vmem_shared>> -> memref<16x128xf32, #tpu.memory_space<vmem_shared>>
      %dma_start3A_1237 = arith.constant 0 : i32
      %dma_start3A_1238 = tpu.memref_slice %arg14[%add3A_1173, %dma_start3A_1237] : memref<10240x128xf32, #tpu.memory_space<vmem_shared>> -> memref<16x128xf32, #tpu.memory_space<vmem_shared>>
      tpu.enqueue_dma source(%arg13 : memref<16x128xf32, #tpu.memory_space<vmem>>) target(%dma_start3A_1238 : memref<16x128xf32, #tpu.memory_space<vmem_shared>>) target_semaphore(%run_scoped3A : memref<!tpu.dma_semaphore, #tpu.memory_space<semaphore_mem>>)
      %dma_wait3A_1239 = arith.constant 0 : i32
      %dma_wait3A_1240 = tpu.memref_slice %arg14[%add3A_1173, %dma_wait3A_1239] : memref<10240x128xf32, #tpu.memory_space<vmem_shared>> -> memref<16x128xf32, #tpu.memory_space<vmem_shared>>
      %dma_wait3A_1241 = arith.constant 0 : i32
      %dma_wait3A_1242 = tpu.memref_slice %arg14[%add3A_1173, %dma_wait3A_1241] : memref<10240x128xf32, #tpu.memory_space<vmem_shared>> -> memref<16x128xf32, #tpu.memory_space<vmem_shared>>
      tpu.wait_dma2 semaphore(%run_scoped3A : memref<!tpu.dma_semaphore, #tpu.memory_space<semaphore_mem>>) src(%arg13 : memref<16x128xf32, #tpu.memory_space<vmem>>) dst(%dma_wait3A_1242 : memref<16x128xf32, #tpu.memory_space<vmem_shared>>)
      tpu.yield
    }) : () -> ()
    %mul3A_1174 = arith.constant 640 : i32
    %mul3A_1175 = arith.muli %arg1, %mul3A_1174 : i32
    %add3A_1176 = arith.constant 560 : i32
    %add3A_1177 = arith.addi %mul3A_1175, %add3A_1176 : i32
    "tpu.region"() ({
      %run_scoped3A = tpu.sem_alloc : memref<!tpu.dma_semaphore, #tpu.memory_space<semaphore_mem>>
      %dma_start3A_1235 = arith.constant 0 : i32
      %dma_start3A_1236 = tpu.memref_slice %arg14[%add3A_1177, %dma_start3A_1235] : memref<10240x128xf32, #tpu.memory_space<vmem_shared>> -> memref<16x128xf32, #tpu.memory_space<vmem_shared>>
      %dma_start3A_1237 = arith.constant 0 : i32
      %dma_start3A_1238 = tpu.memref_slice %arg14[%add3A_1177, %dma_start3A_1237] : memref<10240x128xf32, #tpu.memory_space<vmem_shared>> -> memref<16x128xf32, #tpu.memory_space<vmem_shared>>
      tpu.enqueue_dma source(%arg13 : memref<16x128xf32, #tpu.memory_space<vmem>>) target(%dma_start3A_1238 : memref<16x128xf32, #tpu.memory_space<vmem_shared>>) target_semaphore(%run_scoped3A : memref<!tpu.dma_semaphore, #tpu.memory_space<semaphore_mem>>)
      %dma_wait3A_1239 = arith.constant 0 : i32
      %dma_wait3A_1240 = tpu.memref_slice %arg14[%add3A_1177, %dma_wait3A_1239] : memref<10240x128xf32, #tpu.memory_space<vmem_shared>> -> memref<16x128xf32, #tpu.memory_space<vmem_shared>>
      %dma_wait3A_1241 = arith.constant 0 : i32
      %dma_wait3A_1242 = tpu.memref_slice %arg14[%add3A_1177, %dma_wait3A_1241] : memref<10240x128xf32, #tpu.memory_space<vmem_shared>> -> memref<16x128xf32, #tpu.memory_space<vmem_shared>>
      tpu.wait_dma2 semaphore(%run_scoped3A : memref<!tpu.dma_semaphore, #tpu.memory_space<semaphore_mem>>) src(%arg13 : memref<16x128xf32, #tpu.memory_space<vmem>>) dst(%dma_wait3A_1242 : memref<16x128xf32, #tpu.memory_space<vmem_shared>>)
      tpu.yield
    }) : () -> ()
    %mul3A_1178 = arith.constant 640 : i32
    %mul3A_1179 = arith.muli %arg1, %mul3A_1178 : i32
    %add3A_1180 = arith.constant 576 : i32
    %add3A_1181 = arith.addi %mul3A_1179, %add3A_1180 : i32
    "tpu.region"() ({
      %run_scoped3A = tpu.sem_alloc : memref<!tpu.dma_semaphore, #tpu.memory_space<semaphore_mem>>
      %dma_start3A_1235 = arith.constant 0 : i32
      %dma_start3A_1236 = tpu.memref_slice %arg14[%add3A_1181, %dma_start3A_1235] : memref<10240x128xf32, #tpu.memory_space<vmem_shared>> -> memref<16x128xf32, #tpu.memory_space<vmem_shared>>
      %dma_start3A_1237 = arith.constant 0 : i32
      %dma_start3A_1238 = tpu.memref_slice %arg14[%add3A_1181, %dma_start3A_1237] : memref<10240x128xf32, #tpu.memory_space<vmem_shared>> -> memref<16x128xf32, #tpu.memory_space<vmem_shared>>
      tpu.enqueue_dma source(%arg13 : memref<16x128xf32, #tpu.memory_space<vmem>>) target(%dma_start3A_1238 : memref<16x128xf32, #tpu.memory_space<vmem_shared>>) target_semaphore(%run_scoped3A : memref<!tpu.dma_semaphore, #tpu.memory_space<semaphore_mem>>)
      %dma_wait3A_1239 = arith.constant 0 : i32
      %dma_wait3A_1240 = tpu.memref_slice %arg14[%add3A_1181, %dma_wait3A_1239] : memref<10240x128xf32, #tpu.memory_space<vmem_shared>> -> memref<16x128xf32, #tpu.memory_space<vmem_shared>>
      %dma_wait3A_1241 = arith.constant 0 : i32
      %dma_wait3A_1242 = tpu.memref_slice %arg14[%add3A_1181, %dma_wait3A_1241] : memref<10240x128xf32, #tpu.memory_space<vmem_shared>> -> memref<16x128xf32, #tpu.memory_space<vmem_shared>>
      tpu.wait_dma2 semaphore(%run_scoped3A : memref<!tpu.dma_semaphore, #tpu.memory_space<semaphore_mem>>) src(%arg13 : memref<16x128xf32, #tpu.memory_space<vmem>>) dst(%dma_wait3A_1242 : memref<16x128xf32, #tpu.memory_space<vmem_shared>>)
      tpu.yield
    }) : () -> ()
    %mul3A_1182 = arith.constant 640 : i32
    %mul3A_1183 = arith.muli %arg1, %mul3A_1182 : i32
    %add3A_1184 = arith.constant 592 : i32
    %add3A_1185 = arith.addi %mul3A_1183, %add3A_1184 : i32
    "tpu.region"() ({
      %run_scoped3A = tpu.sem_alloc : memref<!tpu.dma_semaphore, #tpu.memory_space<semaphore_mem>>
      %dma_start3A_1235 = arith.constant 0 : i32
      %dma_start3A_1236 = tpu.memref_slice %arg14[%add3A_1185, %dma_start3A_1235] : memref<10240x128xf32, #tpu.memory_space<vmem_shared>> -> memref<16x128xf32, #tpu.memory_space<vmem_shared>>
      %dma_start3A_1237 = arith.constant 0 : i32
      %dma_start3A_1238 = tpu.memref_slice %arg14[%add3A_1185, %dma_start3A_1237] : memref<10240x128xf32, #tpu.memory_space<vmem_shared>> -> memref<16x128xf32, #tpu.memory_space<vmem_shared>>
      tpu.enqueue_dma source(%arg13 : memref<16x128xf32, #tpu.memory_space<vmem>>) target(%dma_start3A_1238 : memref<16x128xf32, #tpu.memory_space<vmem_shared>>) target_semaphore(%run_scoped3A : memref<!tpu.dma_semaphore, #tpu.memory_space<semaphore_mem>>)
      %dma_wait3A_1239 = arith.constant 0 : i32
      %dma_wait3A_1240 = tpu.memref_slice %arg14[%add3A_1185, %dma_wait3A_1239] : memref<10240x128xf32, #tpu.memory_space<vmem_shared>> -> memref<16x128xf32, #tpu.memory_space<vmem_shared>>
      %dma_wait3A_1241 = arith.constant 0 : i32
      %dma_wait3A_1242 = tpu.memref_slice %arg14[%add3A_1185, %dma_wait3A_1241] : memref<10240x128xf32, #tpu.memory_space<vmem_shared>> -> memref<16x128xf32, #tpu.memory_space<vmem_shared>>
      tpu.wait_dma2 semaphore(%run_scoped3A : memref<!tpu.dma_semaphore, #tpu.memory_space<semaphore_mem>>) src(%arg13 : memref<16x128xf32, #tpu.memory_space<vmem>>) dst(%dma_wait3A_1242 : memref<16x128xf32, #tpu.memory_space<vmem_shared>>)
      tpu.yield
    }) : () -> ()
    %mul3A_1186 = arith.constant 640 : i32
    %mul3A_1187 = arith.muli %arg1, %mul3A_1186 : i32
    %add3A_1188 = arith.constant 608 : i32
    %add3A_1189 = arith.addi %mul3A_1187, %add3A_1188 : i32
    "tpu.region"() ({
      %run_scoped3A = tpu.sem_alloc : memref<!tpu.dma_semaphore, #tpu.memory_space<semaphore_mem>>
      %dma_start3A_1235 = arith.constant 0 : i32
      %dma_start3A_1236 = tpu.memref_slice %arg14[%add3A_1189, %dma_start3A_1235] : memref<10240x128xf32, #tpu.memory_space<vmem_shared>> -> memref<16x128xf32, #tpu.memory_space<vmem_shared>>
      %dma_start3A_1237 = arith.constant 0 : i32
      %dma_start3A_1238 = tpu.memref_slice %arg14[%add3A_1189, %dma_start3A_1237] : memref<10240x128xf32, #tpu.memory_space<vmem_shared>> -> memref<16x128xf32, #tpu.memory_space<vmem_shared>>
      tpu.enqueue_dma source(%arg13 : memref<16x128xf32, #tpu.memory_space<vmem>>) target(%dma_start3A_1238 : memref<16x128xf32, #tpu.memory_space<vmem_shared>>) target_semaphore(%run_scoped3A : memref<!tpu.dma_semaphore, #tpu.memory_space<semaphore_mem>>)
      %dma_wait3A_1239 = arith.constant 0 : i32
      %dma_wait3A_1240 = tpu.memref_slice %arg14[%add3A_1189, %dma_wait3A_1239] : memref<10240x128xf32, #tpu.memory_space<vmem_shared>> -> memref<16x128xf32, #tpu.memory_space<vmem_shared>>
      %dma_wait3A_1241 = arith.constant 0 : i32
      %dma_wait3A_1242 = tpu.memref_slice %arg14[%add3A_1189, %dma_wait3A_1241] : memref<10240x128xf32, #tpu.memory_space<vmem_shared>> -> memref<16x128xf32, #tpu.memory_space<vmem_shared>>
      tpu.wait_dma2 semaphore(%run_scoped3A : memref<!tpu.dma_semaphore, #tpu.memory_space<semaphore_mem>>) src(%arg13 : memref<16x128xf32, #tpu.memory_space<vmem>>) dst(%dma_wait3A_1242 : memref<16x128xf32, #tpu.memory_space<vmem_shared>>)
      tpu.yield
    }) : () -> ()
    %mul3A_1190 = arith.constant 640 : i32
    %mul3A_1191 = arith.muli %arg1, %mul3A_1190 : i32
    %add3A_1192 = arith.constant 624 : i32
    %add3A_1193 = arith.addi %mul3A_1191, %add3A_1192 : i32
    "tpu.region"() ({
      %run_scoped3A = tpu.sem_alloc : memref<!tpu.dma_semaphore, #tpu.memory_space<semaphore_mem>>
      %dma_start3A_1235 = arith.constant 0 : i32
      %dma_start3A_1236 = tpu.memref_slice %arg14[%add3A_1193, %dma_start3A_1235] : memref<10240x128xf32, #tpu.memory_space<vmem_shared>> -> memref<16x128xf32, #tpu.memory_space<vmem_shared>>
      %dma_start3A_1237 = arith.constant 0 : i32
      %dma_start3A_1238 = tpu.memref_slice %arg14[%add3A_1193, %dma_start3A_1237] : memref<10240x128xf32, #tpu.memory_space<vmem_shared>> -> memref<16x128xf32, #tpu.memory_space<vmem_shared>>
      tpu.enqueue_dma source(%arg13 : memref<16x128xf32, #tpu.memory_space<vmem>>) target(%dma_start3A_1238 : memref<16x128xf32, #tpu.memory_space<vmem_shared>>) target_semaphore(%run_scoped3A : memref<!tpu.dma_semaphore, #tpu.memory_space<semaphore_mem>>)
      %dma_wait3A_1239 = arith.constant 0 : i32
      %dma_wait3A_1240 = tpu.memref_slice %arg14[%add3A_1193, %dma_wait3A_1239] : memref<10240x128xf32, #tpu.memory_space<vmem_shared>> -> memref<16x128xf32, #tpu.memory_space<vmem_shared>>
      %dma_wait3A_1241 = arith.constant 0 : i32
      %dma_wait3A_1242 = tpu.memref_slice %arg14[%add3A_1193, %dma_wait3A_1241] : memref<10240x128xf32, #tpu.memory_space<vmem_shared>> -> memref<16x128xf32, #tpu.memory_space<vmem_shared>>
      tpu.wait_dma2 semaphore(%run_scoped3A : memref<!tpu.dma_semaphore, #tpu.memory_space<semaphore_mem>>) src(%arg13 : memref<16x128xf32, #tpu.memory_space<vmem>>) dst(%dma_wait3A_1242 : memref<16x128xf32, #tpu.memory_space<vmem_shared>>)
      tpu.yield
    }) : () -> ()
    %dma_wait3A = arith.constant 0 : i32
    %dma_wait3A_1194 = tpu.memref_slice %arg3[%dma_wait3A] : memref<320000xi32, #tpu.memory_space<hbm>> -> memref<10000xi32, #tpu.memory_space<hbm>>
    %dma_wait3A_1195 = arith.constant 0 : i32
    %dma_wait3A_1196 = tpu.memref_slice %arg3[%dma_wait3A_1195] : memref<320000xi32, #tpu.memory_space<hbm>> -> memref<10000xi32, #tpu.memory_space<hbm>>
    tpu.wait_dma2 semaphore(%arg15 : memref<!tpu.dma_semaphore, #tpu.memory_space<semaphore_mem>>) src(%dma_wait3A_1196 : memref<10000xi32, #tpu.memory_space<hbm>>) dst(%arg9 : memref<10000xi32, #tpu.memory_space<vmem>>)
    %dma_wait3A_1197 = tpu.memref_slice %arg2[%mul3A_2] : memref<320000xi32, #tpu.memory_space<hbm>> -> memref<128xi32, #tpu.memory_space<hbm>>
    %dma_wait3A_1198 = tpu.memref_slice %arg2[%mul3A_2] : memref<320000xi32, #tpu.memory_space<hbm>> -> memref<128xi32, #tpu.memory_space<hbm>>
    tpu.wait_dma2 semaphore(%arg15 : memref<!tpu.dma_semaphore, #tpu.memory_space<semaphore_mem>>) src(%dma_wait3A_1198 : memref<128xi32, #tpu.memory_space<hbm>>) dst(%arg6 : memref<128xi32, #tpu.memory_space<vmem>>)
    %barrier3A = arith.constant 0 : index
    tpu.barrier barrier_id(%barrier3A)
    %dma_start3A_1199 = arith.constant 0 : i32
    %dma_start3A_1200 = arith.constant 0 : i32
    %dma_start3A_1201 = tpu.memref_slice %arg4[%dma_start3A_1199, %dma_start3A_1200] : memref<10000x128xf32, #tpu.memory_space<hbm>> -> memref<10000x128xf32, #tpu.memory_space<hbm>>
    tpu.enqueue_indirect_dma source(%dma_start3A_1201 : memref<10000x128xf32, #tpu.memory_space<hbm>>) target(%arg10 : memref<128x128xf32, #tpu.memory_space<vmem>>) offsets(%arg6 : memref<128xi32, #tpu.memory_space<vmem>>) semaphore(%arg17 : memref<!tpu.dma_semaphore, #tpu.memory_space<semaphore_mem>>)
    %scan3A = arith.constant 0 : i32
    %scan3A_1202 = arith.constant 0 : i32
    %scan3A_1203 = arith.constant 38 : i32
    %scan3A_1204 = arith.addi %scan3A_1202, %scan3A_1203 : i32
    %scan3A_1205 = arith.constant 1 : i32
    scf.for %scan3A_1235 = %scan3A_1202 to %scan3A_1204 step %scan3A_1205  : i32 {
      %mul3A_1236 = arith.constant 2 : i32
      %mul3A_1237 = arith.muli %mul3A_1236, %scan3A_1235 : i32
      %dma_wait3A_1238 = tpu.memref_slice %arg2[%mul3A_2] : memref<320000xi32, #tpu.memory_space<hbm>> -> memref<128xi32, #tpu.memory_space<hbm>>
      %dma_wait3A_1239 = tpu.memref_slice %arg2[%mul3A_2] : memref<320000xi32, #tpu.memory_space<hbm>> -> memref<128xi32, #tpu.memory_space<hbm>>
      tpu.wait_dma2 semaphore(%arg16 : memref<!tpu.dma_semaphore, #tpu.memory_space<semaphore_mem>>) src(%dma_wait3A_1239 : memref<128xi32, #tpu.memory_space<hbm>>) dst(%arg7 : memref<128xi32, #tpu.memory_space<vmem>>)
      %dma_start3A_1240 = arith.constant 0 : i32
      %dma_start3A_1241 = arith.constant 0 : i32
      %dma_start3A_1242 = tpu.memref_slice %arg4[%dma_start3A_1240, %dma_start3A_1241] : memref<10000x128xf32, #tpu.memory_space<hbm>> -> memref<10000x128xf32, #tpu.memory_space<hbm>>
      tpu.enqueue_indirect_dma source(%dma_start3A_1242 : memref<10000x128xf32, #tpu.memory_space<hbm>>) target(%arg11 : memref<128x128xf32, #tpu.memory_space<vmem>>) offsets(%arg7 : memref<128xi32, #tpu.memory_space<vmem>>) semaphore(%arg18 : memref<!tpu.dma_semaphore, #tpu.memory_space<semaphore_mem>>)
      %dma_wait3A_1243 = arith.constant 0 : i32
      %dma_wait3A_1244 = arith.constant 0 : i32
      %dma_wait3A_1245 = tpu.memref_slice %arg4[%dma_wait3A_1243, %dma_wait3A_1244] : memref<10000x128xf32, #tpu.memory_space<hbm>> -> memref<10000x128xf32, #tpu.memory_space<hbm>>
      tpu.wait_indirect_dma semaphore(%arg17 : memref<!tpu.dma_semaphore, #tpu.memory_space<semaphore_mem>>) src(%dma_wait3A_1245 : memref<10000x128xf32, #tpu.memory_space<hbm>>) dst(%arg10 : memref<128x128xf32, #tpu.memory_space<vmem>>)
      %mul3A_1246 = arith.constant 128 : i32
      %mul3A_1247 = arith.muli %mul3A_1237, %mul3A_1246 : i32
      "tpu.region"() ({
        %run_scoped3A = tpu.sem_alloc : memref<!tpu.dma_semaphore, #tpu.memory_space<semaphore_mem>>
        %dma_start3A_1274 = tpu.memref_slice %arg9[%mul3A_1247] : memref<10000xi32, #tpu.memory_space<vmem>> -> memref<128xi32, #tpu.memory_space<vmem>>
        %dma_start3A_1275 = arith.constant 0 : i32
        %dma_start3A_1276 = arith.constant 0 : i32
        %dma_start3A_1277 = tpu.memref_slice %arg14[%dma_start3A_1275, %dma_start3A_1276] : memref<10240x128xf32, #tpu.memory_space<vmem_shared>> -> memref<10240x128xf32, #tpu.memory_space<vmem_shared>>
        tpu.enqueue_indirect_dma source(%arg10 : memref<128x128xf32, #tpu.memory_space<vmem>>) target(%dma_start3A_1277 : memref<10240x128xf32, #tpu.memory_space<vmem_shared>>) offsets(%dma_start3A_1274 : memref<128xi32, #tpu.memory_space<vmem>>) semaphore(%run_scoped3A : memref<!tpu.dma_semaphore, #tpu.memory_space<semaphore_mem>>) {add = true}
        %dma_wait3A_1278 = tpu.memref_slice %arg9[%mul3A_1247] : memref<10000xi32, #tpu.memory_space<vmem>> -> memref<128xi32, #tpu.memory_space<vmem>>
        %dma_wait3A_1279 = arith.constant 0 : i32
        %dma_wait3A_1280 = arith.constant 0 : i32
        %dma_wait3A_1281 = tpu.memref_slice %arg14[%dma_wait3A_1279, %dma_wait3A_1280] : memref<10240x128xf32, #tpu.memory_space<vmem_shared>> -> memref<10240x128xf32, #tpu.memory_space<vmem_shared>>
        tpu.wait_indirect_dma semaphore(%run_scoped3A : memref<!tpu.dma_semaphore, #tpu.memory_space<semaphore_mem>>) src(%arg10 : memref<128x128xf32, #tpu.memory_space<vmem>>) dst(%dma_wait3A_1281 : memref<10240x128xf32, #tpu.memory_space<vmem_shared>>)
        tpu.yield
      }) : () -> ()
      %add3A_1248 = arith.constant 2 : i32
      %add3A_1249 = arith.addi %mul3A_1237, %add3A_1248 : i32
      %mul3A_1250 = arith.constant 128 : i32
      %mul3A_1251 = arith.muli %add3A_1249, %mul3A_1250 : i32
      %add3A_1252 = arith.addi %mul3A_2, %mul3A_1251 : i32
      %dma_start3A_1253 = tpu.memref_slice %arg2[%add3A_1252] : memref<320000xi32, #tpu.memory_space<hbm>> -> memref<128xi32, #tpu.memory_space<hbm>>
      %dma_start3A_1254 = tpu.memref_slice %arg2[%add3A_1252] : memref<320000xi32, #tpu.memory_space<hbm>> -> memref<128xi32, #tpu.memory_space<hbm>>
      tpu.enqueue_dma source(%dma_start3A_1254 : memref<128xi32, #tpu.memory_space<hbm>>) target(%arg6 : memref<128xi32, #tpu.memory_space<vmem>>) target_semaphore(%arg15 : memref<!tpu.dma_semaphore, #tpu.memory_space<semaphore_mem>>)
      %add3A_1255 = arith.constant 1 : i32
      %add3A_1256 = arith.addi %mul3A_1237, %add3A_1255 : i32
      %dma_wait3A_1257 = tpu.memref_slice %arg2[%mul3A_2] : memref<320000xi32, #tpu.memory_space<hbm>> -> memref<128xi32, #tpu.memory_space<hbm>>
      %dma_wait3A_1258 = tpu.memref_slice %arg2[%mul3A_2] : memref<320000xi32, #tpu.memory_space<hbm>> -> memref<128xi32, #tpu.memory_space<hbm>>
      tpu.wait_dma2 semaphore(%arg15 : memref<!tpu.dma_semaphore, #tpu.memory_space<semaphore_mem>>) src(%dma_wait3A_1258 : memref<128xi32, #tpu.memory_space<hbm>>) dst(%arg6 : memref<128xi32, #tpu.memory_space<vmem>>)
      %dma_start3A_1259 = arith.constant 0 : i32
      %dma_start3A_1260 = arith.constant 0 : i32
      %dma_start3A_1261 = tpu.memref_slice %arg4[%dma_start3A_1259, %dma_start3A_1260] : memref<10000x128xf32, #tpu.memory_space<hbm>> -> memref<10000x128xf32, #tpu.memory_space<hbm>>
      tpu.enqueue_indirect_dma source(%dma_start3A_1261 : memref<10000x128xf32, #tpu.memory_space<hbm>>) target(%arg10 : memref<128x128xf32, #tpu.memory_space<vmem>>) offsets(%arg6 : memref<128xi32, #tpu.memory_space<vmem>>) semaphore(%arg17 : memref<!tpu.dma_semaphore, #tpu.memory_space<semaphore_mem>>)
      %dma_wait3A_1262 = arith.constant 0 : i32
      %dma_wait3A_1263 = arith.constant 0 : i32
      %dma_wait3A_1264 = tpu.memref_slice %arg4[%dma_wait3A_1262, %dma_wait3A_1263] : memref<10000x128xf32, #tpu.memory_space<hbm>> -> memref<10000x128xf32, #tpu.memory_space<hbm>>
      tpu.wait_indirect_dma semaphore(%arg18 : memref<!tpu.dma_semaphore, #tpu.memory_space<semaphore_mem>>) src(%dma_wait3A_1264 : memref<10000x128xf32, #tpu.memory_space<hbm>>) dst(%arg11 : memref<128x128xf32, #tpu.memory_space<vmem>>)
      %mul3A_1265 = arith.constant 128 : i32
      %mul3A_1266 = arith.muli %add3A_1256, %mul3A_1265 : i32
      "tpu.region"() ({
        %run_scoped3A = tpu.sem_alloc : memref<!tpu.dma_semaphore, #tpu.memory_space<semaphore_mem>>
        %dma_start3A_1274 = tpu.memref_slice %arg9[%mul3A_1266] : memref<10000xi32, #tpu.memory_space<vmem>> -> memref<128xi32, #tpu.memory_space<vmem>>
        %dma_start3A_1275 = arith.constant 0 : i32
        %dma_start3A_1276 = arith.constant 0 : i32
        %dma_start3A_1277 = tpu.memref_slice %arg14[%dma_start3A_1275, %dma_start3A_1276] : memref<10240x128xf32, #tpu.memory_space<vmem_shared>> -> memref<10240x128xf32, #tpu.memory_space<vmem_shared>>
        tpu.enqueue_indirect_dma source(%arg11 : memref<128x128xf32, #tpu.memory_space<vmem>>) target(%dma_start3A_1277 : memref<10240x128xf32, #tpu.memory_space<vmem_shared>>) offsets(%dma_start3A_1274 : memref<128xi32, #tpu.memory_space<vmem>>) semaphore(%run_scoped3A : memref<!tpu.dma_semaphore, #tpu.memory_space<semaphore_mem>>) {add = true}
        %dma_wait3A_1278 = tpu.memref_slice %arg9[%mul3A_1266] : memref<10000xi32, #tpu.memory_space<vmem>> -> memref<128xi32, #tpu.memory_space<vmem>>
        %dma_wait3A_1279 = arith.constant 0 : i32
        %dma_wait3A_1280 = arith.constant 0 : i32
        %dma_wait3A_1281 = tpu.memref_slice %arg14[%dma_wait3A_1279, %dma_wait3A_1280] : memref<10240x128xf32, #tpu.memory_space<vmem_shared>> -> memref<10240x128xf32, #tpu.memory_space<vmem_shared>>
        tpu.wait_indirect_dma semaphore(%run_scoped3A : memref<!tpu.dma_semaphore, #tpu.memory_space<semaphore_mem>>) src(%arg11 : memref<128x128xf32, #tpu.memory_space<vmem>>) dst(%dma_wait3A_1281 : memref<10240x128xf32, #tpu.memory_space<vmem_shared>>)
        tpu.yield
      }) : () -> ()
      %add3A_1267 = arith.constant 2 : i32
      %add3A_1268 = arith.addi %add3A_1256, %add3A_1267 : i32
      %mul3A_1269 = arith.constant 128 : i32
      %mul3A_1270 = arith.muli %add3A_1268, %mul3A_1269 : i32
      %add3A_1271 = arith.addi %mul3A_2, %mul3A_1270 : i32
      %dma_start3A_1272 = tpu.memref_slice %arg2[%add3A_1271] : memref<320000xi32, #tpu.memory_space<hbm>> -> memref<128xi32, #tpu.memory_space<hbm>>
      %dma_start3A_1273 = tpu.memref_slice %arg2[%add3A_1271] : memref<320000xi32, #tpu.memory_space<hbm>> -> memref<128xi32, #tpu.memory_space<hbm>>
      tpu.enqueue_dma source(%dma_start3A_1273 : memref<128xi32, #tpu.memory_space<hbm>>) target(%arg7 : memref<128xi32, #tpu.memory_space<vmem>>) target_semaphore(%arg16 : memref<!tpu.dma_semaphore, #tpu.memory_space<semaphore_mem>>)
    }
    %scan3A_1206 = arith.constant 38 : i32
    %dma_wait3A_1207 = tpu.memref_slice %arg2[%mul3A_2] : memref<320000xi32, #tpu.memory_space<hbm>> -> memref<128xi32, #tpu.memory_space<hbm>>
    %dma_wait3A_1208 = tpu.memref_slice %arg2[%mul3A_2] : memref<320000xi32, #tpu.memory_space<hbm>> -> memref<128xi32, #tpu.memory_space<hbm>>
    tpu.wait_dma2 semaphore(%arg16 : memref<!tpu.dma_semaphore, #tpu.memory_space<semaphore_mem>>) src(%dma_wait3A_1208 : memref<128xi32, #tpu.memory_space<hbm>>) dst(%arg7 : memref<128xi32, #tpu.memory_space<vmem>>)
    %dma_start3A_1209 = arith.constant 0 : i32
    %dma_start3A_1210 = arith.constant 0 : i32
    %dma_start3A_1211 = tpu.memref_slice %arg4[%dma_start3A_1209, %dma_start3A_1210] : memref<10000x128xf32, #tpu.memory_space<hbm>> -> memref<10000x128xf32, #tpu.memory_space<hbm>>
    tpu.enqueue_indirect_dma source(%dma_start3A_1211 : memref<10000x128xf32, #tpu.memory_space<hbm>>) target(%arg11 : memref<128x128xf32, #tpu.memory_space<vmem>>) offsets(%arg7 : memref<128xi32, #tpu.memory_space<vmem>>) semaphore(%arg18 : memref<!tpu.dma_semaphore, #tpu.memory_space<semaphore_mem>>)
    %add3A_1212 = arith.constant 9984 : i32
    %add3A_1213 = arith.addi %mul3A_2, %add3A_1212 : i32
    %dma_start3A_1214 = tpu.memref_slice %arg2[%add3A_1213] : memref<320000xi32, #tpu.memory_space<hbm>> -> memref<16xi32, #tpu.memory_space<hbm>>
    %dma_start3A_1215 = tpu.memref_slice %arg2[%add3A_1213] : memref<320000xi32, #tpu.memory_space<hbm>> -> memref<16xi32, #tpu.memory_space<hbm>>
    tpu.enqueue_dma source(%dma_start3A_1215 : memref<16xi32, #tpu.memory_space<hbm>>) target(%arg8 : memref<16xi32, #tpu.memory_space<vmem>>) target_semaphore(%arg15 : memref<!tpu.dma_semaphore, #tpu.memory_space<semaphore_mem>>)
    %dma_wait3A_1216 = arith.constant 0 : i32
    %dma_wait3A_1217 = arith.constant 0 : i32
    %dma_wait3A_1218 = tpu.memref_slice %arg4[%dma_wait3A_1216, %dma_wait3A_1217] : memref<10000x128xf32, #tpu.memory_space<hbm>> -> memref<10000x128xf32, #tpu.memory_space<hbm>>
    tpu.wait_indirect_dma semaphore(%arg17 : memref<!tpu.dma_semaphore, #tpu.memory_space<semaphore_mem>>) src(%dma_wait3A_1218 : memref<10000x128xf32, #tpu.memory_space<hbm>>) dst(%arg10 : memref<128x128xf32, #tpu.memory_space<vmem>>)
    "tpu.region"() ({
      %run_scoped3A = tpu.sem_alloc : memref<!tpu.dma_semaphore, #tpu.memory_space<semaphore_mem>>
      %dma_start3A_1235 = arith.constant 9728 : i32
      %dma_start3A_1236 = tpu.memref_slice %arg9[%dma_start3A_1235] : memref<10000xi32, #tpu.memory_space<vmem>> -> memref<128xi32, #tpu.memory_space<vmem>>
      %dma_start3A_1237 = arith.constant 0 : i32
      %dma_start3A_1238 = arith.constant 0 : i32
      %dma_start3A_1239 = tpu.memref_slice %arg14[%dma_start3A_1237, %dma_start3A_1238] : memref<10240x128xf32, #tpu.memory_space<vmem_shared>> -> memref<10240x128xf32, #tpu.memory_space<vmem_shared>>
      tpu.enqueue_indirect_dma source(%arg10 : memref<128x128xf32, #tpu.memory_space<vmem>>) target(%dma_start3A_1239 : memref<10240x128xf32, #tpu.memory_space<vmem_shared>>) offsets(%dma_start3A_1236 : memref<128xi32, #tpu.memory_space<vmem>>) semaphore(%run_scoped3A : memref<!tpu.dma_semaphore, #tpu.memory_space<semaphore_mem>>) {add = true}
      %dma_wait3A_1240 = arith.constant 9728 : i32
      %dma_wait3A_1241 = tpu.memref_slice %arg9[%dma_wait3A_1240] : memref<10000xi32, #tpu.memory_space<vmem>> -> memref<128xi32, #tpu.memory_space<vmem>>
      %dma_wait3A_1242 = arith.constant 0 : i32
      %dma_wait3A_1243 = arith.constant 0 : i32
      %dma_wait3A_1244 = tpu.memref_slice %arg14[%dma_wait3A_1242, %dma_wait3A_1243] : memref<10240x128xf32, #tpu.memory_space<vmem_shared>> -> memref<10240x128xf32, #tpu.memory_space<vmem_shared>>
      tpu.wait_indirect_dma semaphore(%run_scoped3A : memref<!tpu.dma_semaphore, #tpu.memory_space<semaphore_mem>>) src(%arg10 : memref<128x128xf32, #tpu.memory_space<vmem>>) dst(%dma_wait3A_1244 : memref<10240x128xf32, #tpu.memory_space<vmem_shared>>)
      tpu.yield
    }) : () -> ()
    %dma_wait3A_1219 = tpu.memref_slice %arg2[%mul3A_2] : memref<320000xi32, #tpu.memory_space<hbm>> -> memref<16xi32, #tpu.memory_space<hbm>>
    %dma_wait3A_1220 = tpu.memref_slice %arg2[%mul3A_2] : memref<320000xi32, #tpu.memory_space<hbm>> -> memref<16xi32, #tpu.memory_space<hbm>>
    tpu.wait_dma2 semaphore(%arg15 : memref<!tpu.dma_semaphore, #tpu.memory_space<semaphore_mem>>) src(%dma_wait3A_1220 : memref<16xi32, #tpu.memory_space<hbm>>) dst(%arg8 : memref<16xi32, #tpu.memory_space<vmem>>)
    %dma_start3A_1221 = arith.constant 0 : i32
    %dma_start3A_1222 = arith.constant 0 : i32
    %dma_start3A_1223 = tpu.memref_slice %arg4[%dma_start3A_1221, %dma_start3A_1222] : memref<10000x128xf32, #tpu.memory_space<hbm>> -> memref<10000x128xf32, #tpu.memory_space<hbm>>
    tpu.enqueue_indirect_dma source(%dma_start3A_1223 : memref<10000x128xf32, #tpu.memory_space<hbm>>) target(%arg12 : memref<16x128xf32, #tpu.memory_space<vmem>>) offsets(%arg8 : memref<16xi32, #tpu.memory_space<vmem>>) semaphore(%arg17 : memref<!tpu.dma_semaphore, #tpu.memory_space<semaphore_mem>>)
    %dma_wait3A_1224 = arith.constant 0 : i32
    %dma_wait3A_1225 = arith.constant 0 : i32
    %dma_wait3A_1226 = tpu.memref_slice %arg4[%dma_wait3A_1224, %dma_wait3A_1225] : memref<10000x128xf32, #tpu.memory_space<hbm>> -> memref<10000x128xf32, #tpu.memory_space<hbm>>
    tpu.wait_indirect_dma semaphore(%arg18 : memref<!tpu.dma_semaphore, #tpu.memory_space<semaphore_mem>>) src(%dma_wait3A_1226 : memref<10000x128xf32, #tpu.memory_space<hbm>>) dst(%arg11 : memref<128x128xf32, #tpu.memory_space<vmem>>)
    "tpu.region"() ({
      %run_scoped3A = tpu.sem_alloc : memref<!tpu.dma_semaphore, #tpu.memory_space<semaphore_mem>>
      %dma_start3A_1235 = arith.constant 9856 : i32
      %dma_start3A_1236 = tpu.memref_slice %arg9[%dma_start3A_1235] : memref<10000xi32, #tpu.memory_space<vmem>> -> memref<128xi32, #tpu.memory_space<vmem>>
      %dma_start3A_1237 = arith.constant 0 : i32
      %dma_start3A_1238 = arith.constant 0 : i32
      %dma_start3A_1239 = tpu.memref_slice %arg14[%dma_start3A_1237, %dma_start3A_1238] : memref<10240x128xf32, #tpu.memory_space<vmem_shared>> -> memref<10240x128xf32, #tpu.memory_space<vmem_shared>>
      tpu.enqueue_indirect_dma source(%arg11 : memref<128x128xf32, #tpu.memory_space<vmem>>) target(%dma_start3A_1239 : memref<10240x128xf32, #tpu.memory_space<vmem_shared>>) offsets(%dma_start3A_1236 : memref<128xi32, #tpu.memory_space<vmem>>) semaphore(%run_scoped3A : memref<!tpu.dma_semaphore, #tpu.memory_space<semaphore_mem>>) {add = true}
      %dma_wait3A_1240 = arith.constant 9856 : i32
      %dma_wait3A_1241 = tpu.memref_slice %arg9[%dma_wait3A_1240] : memref<10000xi32, #tpu.memory_space<vmem>> -> memref<128xi32, #tpu.memory_space<vmem>>
      %dma_wait3A_1242 = arith.constant 0 : i32
      %dma_wait3A_1243 = arith.constant 0 : i32
      %dma_wait3A_1244 = tpu.memref_slice %arg14[%dma_wait3A_1242, %dma_wait3A_1243] : memref<10240x128xf32, #tpu.memory_space<vmem_shared>> -> memref<10240x128xf32, #tpu.memory_space<vmem_shared>>
      tpu.wait_indirect_dma semaphore(%run_scoped3A : memref<!tpu.dma_semaphore, #tpu.memory_space<semaphore_mem>>) src(%arg11 : memref<128x128xf32, #tpu.memory_space<vmem>>) dst(%dma_wait3A_1244 : memref<10240x128xf32, #tpu.memory_space<vmem_shared>>)
      tpu.yield
    }) : () -> ()
    %dma_wait3A_1227 = arith.constant 0 : i32
    %dma_wait3A_1228 = arith.constant 0 : i32
    %dma_wait3A_1229 = tpu.memref_slice %arg4[%dma_wait3A_1227, %dma_wait3A_1228] : memref<10000x128xf32, #tpu.memory_space<hbm>> -> memref<10000x128xf32, #tpu.memory_space<hbm>>
    tpu.wait_indirect_dma semaphore(%arg17 : memref<!tpu.dma_semaphore, #tpu.memory_space<semaphore_mem>>) src(%dma_wait3A_1229 : memref<10000x128xf32, #tpu.memory_space<hbm>>) dst(%arg12 : memref<16x128xf32, #tpu.memory_space<vmem>>)
    "tpu.region"() ({
      %run_scoped3A = tpu.sem_alloc : memref<!tpu.dma_semaphore, #tpu.memory_space<semaphore_mem>>
      %dma_start3A_1235 = arith.constant 9984 : i32
      %dma_start3A_1236 = tpu.memref_slice %arg9[%dma_start3A_1235] : memref<10000xi32, #tpu.memory_space<vmem>> -> memref<16xi32, #tpu.memory_space<vmem>>
      %dma_start3A_1237 = arith.constant 0 : i32
      %dma_start3A_1238 = arith.constant 0 : i32
      %dma_start3A_1239 = tpu.memref_slice %arg14[%dma_start3A_1237, %dma_start3A_1238] : memref<10240x128xf32, #tpu.memory_space<vmem_shared>> -> memref<10240x128xf32, #tpu.memory_space<vmem_shared>>
      tpu.enqueue_indirect_dma source(%arg12 : memref<16x128xf32, #tpu.memory_space<vmem>>) target(%dma_start3A_1239 : memref<10240x128xf32, #tpu.memory_space<vmem_shared>>) offsets(%dma_start3A_1236 : memref<16xi32, #tpu.memory_space<vmem>>) semaphore(%run_scoped3A : memref<!tpu.dma_semaphore, #tpu.memory_space<semaphore_mem>>) {add = true}
      %dma_wait3A_1240 = arith.constant 9984 : i32
      %dma_wait3A_1241 = tpu.memref_slice %arg9[%dma_wait3A_1240] : memref<10000xi32, #tpu.memory_space<vmem>> -> memref<16xi32, #tpu.memory_space<vmem>>
      %dma_wait3A_1242 = arith.constant 0 : i32
      %dma_wait3A_1243 = arith.constant 0 : i32
      %dma_wait3A_1244 = tpu.memref_slice %arg14[%dma_wait3A_1242, %dma_wait3A_1243] : memref<10240x128xf32, #tpu.memory_space<vmem_shared>> -> memref<10240x128xf32, #tpu.memory_space<vmem_shared>>
      tpu.wait_indirect_dma semaphore(%run_scoped3A : memref<!tpu.dma_semaphore, #tpu.memory_space<semaphore_mem>>) src(%arg12 : memref<16x128xf32, #tpu.memory_space<vmem>>) dst(%dma_wait3A_1244 : memref<10240x128xf32, #tpu.memory_space<vmem_shared>>)
      tpu.yield
    }) : () -> ()
    %barrier3A_1230 = arith.constant 0 : index
    tpu.barrier barrier_id(%barrier3A_1230)
    %mul3A_1231 = arith.constant 640 : i32
    %mul3A_1232 = arith.muli %arg1, %mul3A_1231 : i32
    %mul3A_1233 = arith.constant 640 : i32
    %mul3A_1234 = arith.muli %arg1, %mul3A_1233 : i32
    "tpu.region"() ({
      %run_scoped3A = tpu.sem_alloc : memref<!tpu.dma_semaphore, #tpu.memory_space<semaphore_mem>>
      %dma_start3A_1235 = arith.constant 0 : i32
      %dma_start3A_1236 = tpu.memref_slice %arg5[%arg0, %mul3A_1234, %dma_start3A_1235] : memref<2x10240x128xf32, #tpu.memory_space<hbm>> -> memref<1x640x128xf32, #tpu.memory_space<hbm>>
      %dma_start3A_1237 = tpu.memref_squeeze %dma_start3A_1236 : memref<1x640x128xf32, #tpu.memory_space<hbm>> -> memref<640x128xf32, #tpu.memory_space<hbm>>
      %dma_start3A_1238 = arith.constant 0 : i32
      %dma_start3A_1239 = tpu.memref_slice %arg14[%mul3A_1232, %dma_start3A_1238] : memref<10240x128xf32, #tpu.memory_space<vmem_shared>> -> memref<640x128xf32, #tpu.memory_space<vmem_shared>>
      tpu.enqueue_dma source(%dma_start3A_1239 : memref<640x128xf32, #tpu.memory_space<vmem_shared>>) target(%dma_start3A_1237 : memref<640x128xf32, #tpu.memory_space<hbm>>) target_semaphore(%run_scoped3A : memref<!tpu.dma_semaphore, #tpu.memory_space<semaphore_mem>>)
      %dma_wait3A_1240 = arith.constant 0 : i32
      %dma_wait3A_1241 = tpu.memref_slice %arg5[%arg0, %mul3A_1234, %dma_wait3A_1240] : memref<2x10240x128xf32, #tpu.memory_space<hbm>> -> memref<1x640x128xf32, #tpu.memory_space<hbm>>
      %dma_wait3A_1242 = tpu.memref_squeeze %dma_wait3A_1241 : memref<1x640x128xf32, #tpu.memory_space<hbm>> -> memref<640x128xf32, #tpu.memory_space<hbm>>
      %dma_wait3A_1243 = arith.constant 0 : i32
      %dma_wait3A_1244 = tpu.memref_slice %arg14[%mul3A_1232, %dma_wait3A_1243] : memref<10240x128xf32, #tpu.memory_space<vmem_shared>> -> memref<640x128xf32, #tpu.memory_space<vmem_shared>>
      tpu.wait_dma2 semaphore(%run_scoped3A : memref<!tpu.dma_semaphore, #tpu.memory_space<semaphore_mem>>) src(%dma_wait3A_1244 : memref<640x128xf32, #tpu.memory_space<vmem_shared>>) dst(%dma_wait3A_1242 : memref<640x128xf32, #tpu.memory_space<hbm>>)
      tpu.yield
    }) : () -> ()
    return
  }
}

#map = affine_map<(d0, d1) -> (0)>
#map1 = affine_map<(d0, d1) -> (0, 0)>
#map2 = affine_map<(d0, d1) -> (0, 0, 0)>
module attributes {stable_mosaic.version = 14 : i64} {
  func.func @_scat_body(%arg0: i32, %arg1: i32, %arg2: memref<320000xi32, #tpu.memory_space<hbm>>, %arg3: memref<320000xi32, #tpu.memory_space<hbm>>, %arg4: memref<10000x128xf32, #tpu.memory_space<hbm>>, %arg5: memref<2x10240x128xf32, #tpu.memory_space<hbm>>, %arg6: memref<128xi32, #tpu.memory_space<vmem>>, %arg7: memref<128xi32, #tpu.memory_space<vmem>>, %arg8: memref<16xi32, #tpu.memory_space<vmem>>, %arg9: memref<10000xi32, #tpu.memory_space<vmem>>, %arg10: memref<128x128xf32, #tpu.memory_space<vmem>>, %arg11: memref<128x128xf32, #tpu.memory_space<vmem>>, %arg12: memref<16x128xf32, #tpu.memory_space<vmem>>, %arg13: memref<16x128xf32, #tpu.memory_space<vmem>>, %arg14: memref<10240x128xf32, #tpu.memory_space<vmem_shared>>, %arg15: memref<!tpu.dma_semaphore, #tpu.memory_space<semaphore_mem>>, %arg16: memref<!tpu.dma_semaphore, #tpu.memory_space<semaphore_mem>>, %arg17: memref<!tpu.dma_semaphore, #tpu.memory_space<semaphore_mem>>, %arg18: memref<!tpu.dma_semaphore, #tpu.memory_space<semaphore_mem>>) attributes {dimension_semantics = [#tpu.dimension_semantics<core_parallel>, #tpu.dimension_semantics<subcore_parallel>], iteration_bounds = array<i64: 2, 16>, scalar_prefetch = 0 : i64, scratch_operands = 13 : i64, tpu.core_type = #tpu.core_type<sc_vector_subcore>, window_params = [{transform_indices = #map}, {transform_indices = #map}, {transform_indices = #map1}, {transform_indices = #map2}]} {
    %mul3A = arith.constant 16 : i32
    %mul3A_0 = arith.muli %arg0, %mul3A : i32
    %add3A = arith.addi %mul3A_0, %arg1 : i32
    %mul3A_1 = arith.constant 10000 : i32
    %mul3A_2 = arith.muli %add3A, %mul3A_1 : i32
    %dma_start3A = tpu.memref_slice %arg3[%mul3A_2] : memref<320000xi32, #tpu.memory_space<hbm>> -> memref<10000xi32, #tpu.memory_space<hbm>>
    %dma_start3A_3 = tpu.memref_slice %arg3[%mul3A_2] : memref<320000xi32, #tpu.memory_space<hbm>> -> memref<10000xi32, #tpu.memory_space<hbm>>
    tpu.enqueue_dma source(%dma_start3A_3 : memref<10000xi32, #tpu.memory_space<hbm>>) target(%arg9 : memref<10000xi32, #tpu.memory_space<vmem>>) target_semaphore(%arg15 : memref<!tpu.dma_semaphore, #tpu.memory_space<semaphore_mem>>)
    %add3A_4 = arith.constant 0 : i32
    %add3A_5 = arith.addi %mul3A_2, %add3A_4 : i32
    %dma_start3A_6 = tpu.memref_slice %arg2[%add3A_5] : memref<320000xi32, #tpu.memory_space<hbm>> -> memref<128xi32, #tpu.memory_space<hbm>>
    %dma_start3A_7 = tpu.memref_slice %arg2[%add3A_5] : memref<320000xi32, #tpu.memory_space<hbm>> -> memref<128xi32, #tpu.memory_space<hbm>>
    tpu.enqueue_dma source(%dma_start3A_7 : memref<128xi32, #tpu.memory_space<hbm>>) target(%arg6 : memref<128xi32, #tpu.memory_space<vmem>>) target_semaphore(%arg15 : memref<!tpu.dma_semaphore, #tpu.memory_space<semaphore_mem>>)
    %add3A_8 = arith.constant 128 : i32
    %add3A_9 = arith.addi %mul3A_2, %add3A_8 : i32
    %dma_start3A_10 = tpu.memref_slice %arg2[%add3A_9] : memref<320000xi32, #tpu.memory_space<hbm>> -> memref<128xi32, #tpu.memory_space<hbm>>
    %dma_start3A_11 = tpu.memref_slice %arg2[%add3A_9] : memref<320000xi32, #tpu.memory_space<hbm>> -> memref<128xi32, #tpu.memory_space<hbm>>
    tpu.enqueue_dma source(%dma_start3A_11 : memref<128xi32, #tpu.memory_space<hbm>>) target(%arg7 : memref<128xi32, #tpu.memory_space<vmem>>) target_semaphore(%arg16 : memref<!tpu.dma_semaphore, #tpu.memory_space<semaphore_mem>>)
    %broadcast_in_dim3A = arith.constant 0.000000e+00 : f32
    %broadcast_in_dim3A_12 = vector.broadcast %broadcast_in_dim3A : f32 to vector<16xf32>
    %swap3A = arith.constant 0 : i32
    %swap3A_13 = arith.index_cast %swap3A : i32 to index
    %swap3A_14 = arith.constant 0 : index
    %swap3A_15 = tpu.vector_load %arg13[%swap3A_13, %swap3A_14] {strides = array<i32>} : memref<16x128xf32, #tpu.memory_space<vmem>>, vector<1x16xf32>,
    %swap3A_16 = vector.shape_cast %swap3A_15 : vector<1x16xf32> to vector<16xf32>
    %swap3A_17 = vector.shape_cast %broadcast_in_dim3A_12 : vector<16xf32> to vector<1x16xf32>
    tpu.vector_store %arg13[%swap3A_13, %swap3A_14], %swap3A_17 {strides = array<i32>} : memref<16x128xf32, #tpu.memory_space<vmem>>, vector<1x16xf32>,
    %broadcast_in_dim3A_18 = arith.constant 0.000000e+00 : f32
    %broadcast_in_dim3A_19 = vector.broadcast %broadcast_in_dim3A_18 : f32 to vector<16xf32>
    %swap3A_20 = arith.constant 0 : i32
    %swap3A_21 = arith.index_cast %swap3A_20 : i32 to index
    %swap3A_22 = arith.constant 16 : index
    %swap3A_23 = tpu.vector_load %arg13[%swap3A_21, %swap3A_22] {strides = array<i32>} : memref<16x128xf32, #tpu.memory_space<vmem>>, vector<1x16xf32>,
    %swap3A_24 = vector.shape_cast %swap3A_23 : vector<1x16xf32> to vector<16xf32>
    %swap3A_25 = vector.shape_cast %broadcast_in_dim3A_19 : vector<16xf32> to vector<1x16xf32>
    tpu.vector_store %arg13[%swap3A_21, %swap3A_22], %swap3A_25 {strides = array<i32>} : memref<16x128xf32, #tpu.memory_space<vmem>>, vector<1x16xf32>,
    %broadcast_in_dim3A_26 = arith.constant 0.000000e+00 : f32
    %broadcast_in_dim3A_27 = vector.broadcast %broadcast_in_dim3A_26 : f32 to vector<16xf32>
    %swap3A_28 = arith.constant 0 : i32
    %swap3A_29 = arith.index_cast %swap3A_28 : i32 to index
    %swap3A_30 = arith.constant 32 : index
    %swap3A_31 = tpu.vector_load %arg13[%swap3A_29, %swap3A_30] {strides = array<i32>} : memref<16x128xf32, #tpu.memory_space<vmem>>, vector<1x16xf32>,
    %swap3A_32 = vector.shape_cast %swap3A_31 : vector<1x16xf32> to vector<16xf32>
    %swap3A_33 = vector.shape_cast %broadcast_in_dim3A_27 : vector<16xf32> to vector<1x16xf32>
    tpu.vector_store %arg13[%swap3A_29, %swap3A_30], %swap3A_33 {strides = array<i32>} : memref<16x128xf32, #tpu.memory_space<vmem>>, vector<1x16xf32>,
    %broadcast_in_dim3A_34 = arith.constant 0.000000e+00 : f32
    %broadcast_in_dim3A_35 = vector.broadcast %broadcast_in_dim3A_34 : f32 to vector<16xf32>
    %swap3A_36 = arith.constant 0 : i32
    %swap3A_37 = arith.index_cast %swap3A_36 : i32 to index
    %swap3A_38 = arith.constant 48 : index
    %swap3A_39 = tpu.vector_load %arg13[%swap3A_37, %swap3A_38] {strides = array<i32>} : memref<16x128xf32, #tpu.memory_space<vmem>>, vector<1x16xf32>,
    %swap3A_40 = vector.shape_cast %swap3A_39 : vector<1x16xf32> to vector<16xf32>
    %swap3A_41 = vector.shape_cast %broadcast_in_dim3A_35 : vector<16xf32> to vector<1x16xf32>
    tpu.vector_store %arg13[%swap3A_37, %swap3A_38], %swap3A_41 {strides = array<i32>} : memref<16x128xf32, #tpu.memory_space<vmem>>, vector<1x16xf32>,
    %broadcast_in_dim3A_42 = arith.constant 0.000000e+00 : f32
    %broadcast_in_dim3A_43 = vector.broadcast %broadcast_in_dim3A_42 : f32 to vector<16xf32>
    %swap3A_44 = arith.constant 0 : i32
    %swap3A_45 = arith.index_cast %swap3A_44 : i32 to index
    %swap3A_46 = arith.constant 64 : index
    %swap3A_47 = tpu.vector_load %arg13[%swap3A_45, %swap3A_46] {strides = array<i32>} : memref<16x128xf32, #tpu.memory_space<vmem>>, vector<1x16xf32>,
    %swap3A_48 = vector.shape_cast %swap3A_47 : vector<1x16xf32> to vector<16xf32>
    %swap3A_49 = vector.shape_cast %broadcast_in_dim3A_43 : vector<16xf32> to vector<1x16xf32>
    tpu.vector_store %arg13[%swap3A_45, %swap3A_46], %swap3A_49 {strides = array<i32>} : memref<16x128xf32, #tpu.memory_space<vmem>>, vector<1x16xf32>,
    %broadcast_in_dim3A_50 = arith.constant 0.000000e+00 : f32
    %broadcast_in_dim3A_51 = vector.broadcast %broadcast_in_dim3A_50 : f32 to vector<16xf32>
    %swap3A_52 = arith.constant 0 : i32
    %swap3A_53 = arith.index_cast %swap3A_52 : i32 to index
    %swap3A_54 = arith.constant 80 : index
    %swap3A_55 = tpu.vector_load %arg13[%swap3A_53, %swap3A_54] {strides = array<i32>} : memref<16x128xf32, #tpu.memory_space<vmem>>, vector<1x16xf32>,
    %swap3A_56 = vector.shape_cast %swap3A_55 : vector<1x16xf32> to vector<16xf32>
    %swap3A_57 = vector.shape_cast %broadcast_in_dim3A_51 : vector<16xf32> to vector<1x16xf32>
    tpu.vector_store %arg13[%swap3A_53, %swap3A_54], %swap3A_57 {strides = array<i32>} : memref<16x128xf32, #tpu.memory_space<vmem>>, vector<1x16xf32>,
    %broadcast_in_dim3A_58 = arith.constant 0.000000e+00 : f32
    %broadcast_in_dim3A_59 = vector.broadcast %broadcast_in_dim3A_58 : f32 to vector<16xf32>
    %swap3A_60 = arith.constant 0 : i32
    %swap3A_61 = arith.index_cast %swap3A_60 : i32 to index
    %swap3A_62 = arith.constant 96 : index
    %swap3A_63 = tpu.vector_load %arg13[%swap3A_61, %swap3A_62] {strides = array<i32>} : memref<16x128xf32, #tpu.memory_space<vmem>>, vector<1x16xf32>,
    %swap3A_64 = vector.shape_cast %swap3A_63 : vector<1x16xf32> to vector<16xf32>
    %swap3A_65 = vector.shape_cast %broadcast_in_dim3A_59 : vector<16xf32> to vector<1x16xf32>
    tpu.vector_store %arg13[%swap3A_61, %swap3A_62], %swap3A_65 {strides = array<i32>} : memref<16x128xf32, #tpu.memory_space<vmem>>, vector<1x16xf32>,
    %broadcast_in_dim3A_66 = arith.constant 0.000000e+00 : f32
    %broadcast_in_dim3A_67 = vector.broadcast %broadcast_in_dim3A_66 : f32 to vector<16xf32>
    %swap3A_68 = arith.constant 0 : i32
    %swap3A_69 = arith.index_cast %swap3A_68 : i32 to index
    %swap3A_70 = arith.constant 112 : index
    %swap3A_71 = tpu.vector_load %arg13[%swap3A_69, %swap3A_70] {strides = array<i32>} : memref<16x128xf32, #tpu.memory_space<vmem>>, vector<1x16xf32>,
    %swap3A_72 = vector.shape_cast %swap3A_71 : vector<1x16xf32> to vector<16xf32>
    %swap3A_73 = vector.shape_cast %broadcast_in_dim3A_67 : vector<16xf32> to vector<1x16xf32>
    tpu.vector_store %arg13[%swap3A_69, %swap3A_70], %swap3A_73 {strides = array<i32>} : memref<16x128xf32, #tpu.memory_space<vmem>>, vector<1x16xf32>,
    %broadcast_in_dim3A_74 = arith.constant 0.000000e+00 : f32
    %broadcast_in_dim3A_75 = vector.broadcast %broadcast_in_dim3A_74 : f32 to vector<16xf32>
    %swap3A_76 = arith.constant 1 : i32
    %swap3A_77 = arith.index_cast %swap3A_76 : i32 to index
    %swap3A_78 = arith.constant 0 : index
    %swap3A_79 = tpu.vector_load %arg13[%swap3A_77, %swap3A_78] {strides = array<i32>} : memref<16x128xf32, #tpu.memory_space<vmem>>, vector<1x16xf32>,
    %swap3A_80 = vector.shape_cast %swap3A_79 : vector<1x16xf32> to vector<16xf32>
    %swap3A_81 = vector.shape_cast %broadcast_in_dim3A_75 : vector<16xf32> to vector<1x16xf32>
    tpu.vector_store %arg13[%swap3A_77, %swap3A_78], %swap3A_81 {strides = array<i32>} : memref<16x128xf32, #tpu.memory_space<vmem>>, vector<1x16xf32>,
    %broadcast_in_dim3A_82 = arith.constant 0.000000e+00 : f32
    %broadcast_in_dim3A_83 = vector.broadcast %broadcast_in_dim3A_82 : f32 to vector<16xf32>
    %swap3A_84 = arith.constant 1 : i32
    %swap3A_85 = arith.index_cast %swap3A_84 : i32 to index
    %swap3A_86 = arith.constant 16 : index
    %swap3A_87 = tpu.vector_load %arg13[%swap3A_85, %swap3A_86] {strides = array<i32>} : memref<16x128xf32, #tpu.memory_space<vmem>>, vector<1x16xf32>,
    %swap3A_88 = vector.shape_cast %swap3A_87 : vector<1x16xf32> to vector<16xf32>
    %swap3A_89 = vector.shape_cast %broadcast_in_dim3A_83 : vector<16xf32> to vector<1x16xf32>
    tpu.vector_store %arg13[%swap3A_85, %swap3A_86], %swap3A_89 {strides = array<i32>} : memref<16x128xf32, #tpu.memory_space<vmem>>, vector<1x16xf32>,
    %broadcast_in_dim3A_90 = arith.constant 0.000000e+00 : f32
    %broadcast_in_dim3A_91 = vector.broadcast %broadcast_in_dim3A_90 : f32 to vector<16xf32>
    %swap3A_92 = arith.constant 1 : i32
    %swap3A_93 = arith.index_cast %swap3A_92 : i32 to index
    %swap3A_94 = arith.constant 32 : index
    %swap3A_95 = tpu.vector_load %arg13[%swap3A_93, %swap3A_94] {strides = array<i32>} : memref<16x128xf32, #tpu.memory_space<vmem>>, vector<1x16xf32>,
    %swap3A_96 = vector.shape_cast %swap3A_95 : vector<1x16xf32> to vector<16xf32>
    %swap3A_97 = vector.shape_cast %broadcast_in_dim3A_91 : vector<16xf32> to vector<1x16xf32>
    tpu.vector_store %arg13[%swap3A_93, %swap3A_94], %swap3A_97 {strides = array<i32>} : memref<16x128xf32, #tpu.memory_space<vmem>>, vector<1x16xf32>,
    %broadcast_in_dim3A_98 = arith.constant 0.000000e+00 : f32
    %broadcast_in_dim3A_99 = vector.broadcast %broadcast_in_dim3A_98 : f32 to vector<16xf32>
    %swap3A_100 = arith.constant 1 : i32
    %swap3A_101 = arith.index_cast %swap3A_100 : i32 to index
    %swap3A_102 = arith.constant 48 : index
    %swap3A_103 = tpu.vector_load %arg13[%swap3A_101, %swap3A_102] {strides = array<i32>} : memref<16x128xf32, #tpu.memory_space<vmem>>, vector<1x16xf32>,
    %swap3A_104 = vector.shape_cast %swap3A_103 : vector<1x16xf32> to vector<16xf32>
    %swap3A_105 = vector.shape_cast %broadcast_in_dim3A_99 : vector<16xf32> to vector<1x16xf32>
    tpu.vector_store %arg13[%swap3A_101, %swap3A_102], %swap3A_105 {strides = array<i32>} : memref<16x128xf32, #tpu.memory_space<vmem>>, vector<1x16xf32>,
    %broadcast_in_dim3A_106 = arith.constant 0.000000e+00 : f32
    %broadcast_in_dim3A_107 = vector.broadcast %broadcast_in_dim3A_106 : f32 to vector<16xf32>
    %swap3A_108 = arith.constant 1 : i32
    %swap3A_109 = arith.index_cast %swap3A_108 : i32 to index
    %swap3A_110 = arith.constant 64 : index
    %swap3A_111 = tpu.vector_load %arg13[%swap3A_109, %swap3A_110] {strides = array<i32>} : memref<16x128xf32, #tpu.memory_space<vmem>>, vector<1x16xf32>,
    %swap3A_112 = vector.shape_cast %swap3A_111 : vector<1x16xf32> to vector<16xf32>
    %swap3A_113 = vector.shape_cast %broadcast_in_dim3A_107 : vector<16xf32> to vector<1x16xf32>
    tpu.vector_store %arg13[%swap3A_109, %swap3A_110], %swap3A_113 {strides = array<i32>} : memref<16x128xf32, #tpu.memory_space<vmem>>, vector<1x16xf32>,
    %broadcast_in_dim3A_114 = arith.constant 0.000000e+00 : f32
    %broadcast_in_dim3A_115 = vector.broadcast %broadcast_in_dim3A_114 : f32 to vector<16xf32>
    %swap3A_116 = arith.constant 1 : i32
    %swap3A_117 = arith.index_cast %swap3A_116 : i32 to index
    %swap3A_118 = arith.constant 80 : index
    %swap3A_119 = tpu.vector_load %arg13[%swap3A_117, %swap3A_118] {strides = array<i32>} : memref<16x128xf32, #tpu.memory_space<vmem>>, vector<1x16xf32>,
    %swap3A_120 = vector.shape_cast %swap3A_119 : vector<1x16xf32> to vector<16xf32>
    %swap3A_121 = vector.shape_cast %broadcast_in_dim3A_115 : vector<16xf32> to vector<1x16xf32>
    tpu.vector_store %arg13[%swap3A_117, %swap3A_118], %swap3A_121 {strides = array<i32>} : memref<16x128xf32, #tpu.memory_space<vmem>>, vector<1x16xf32>,
    %broadcast_in_dim3A_122 = arith.constant 0.000000e+00 : f32
    %broadcast_in_dim3A_123 = vector.broadcast %broadcast_in_dim3A_122 : f32 to vector<16xf32>
    %swap3A_124 = arith.constant 1 : i32
    %swap3A_125 = arith.index_cast %swap3A_124 : i32 to index
    %swap3A_126 = arith.constant 96 : index
    %swap3A_127 = tpu.vector_load %arg13[%swap3A_125, %swap3A_126] {strides = array<i32>} : memref<16x128xf32, #tpu.memory_space<vmem>>, vector<1x16xf32>,
    %swap3A_128 = vector.shape_cast %swap3A_127 : vector<1x16xf32> to vector<16xf32>
    %swap3A_129 = vector.shape_cast %broadcast_in_dim3A_123 : vector<16xf32> to vector<1x16xf32>
    tpu.vector_store %arg13[%swap3A_125, %swap3A_126], %swap3A_129 {strides = array<i32>} : memref<16x128xf32, #tpu.memory_space<vmem>>, vector<1x16xf32>,
    %broadcast_in_dim3A_130 = arith.constant 0.000000e+00 : f32
    %broadcast_in_dim3A_131 = vector.broadcast %broadcast_in_dim3A_130 : f32 to vector<16xf32>
    %swap3A_132 = arith.constant 1 : i32
    %swap3A_133 = arith.index_cast %swap3A_132 : i32 to index
    %swap3A_134 = arith.constant 112 : index
    %swap3A_135 = tpu.vector_load %arg13[%swap3A_133, %swap3A_134] {strides = array<i32>} : memref<16x128xf32, #tpu.memory_space<vmem>>, vector<1x16xf32>,
    %swap3A_136 = vector.shape_cast %swap3A_135 : vector<1x16xf32> to vector<16xf32>
    %swap3A_137 = vector.shape_cast %broadcast_in_dim3A_131 : vector<16xf32> to vector<1x16xf32>
    tpu.vector_store %arg13[%swap3A_133, %swap3A_134], %swap3A_137 {strides = array<i32>} : memref<16x128xf32, #tpu.memory_space<vmem>>, vector<1x16xf32>,
    %broadcast_in_dim3A_138 = arith.constant 0.000000e+00 : f32
    %broadcast_in_dim3A_139 = vector.broadcast %broadcast_in_dim3A_138 : f32 to vector<16xf32>
    %swap3A_140 = arith.constant 2 : i32
    %swap3A_141 = arith.index_cast %swap3A_140 : i32 to index
    %swap3A_142 = arith.constant 0 : index
    %swap3A_143 = tpu.vector_load %arg13[%swap3A_141, %swap3A_142] {strides = array<i32>} : memref<16x128xf32, #tpu.memory_space<vmem>>, vector<1x16xf32>,
    %swap3A_144 = vector.shape_cast %swap3A_143 : vector<1x16xf32> to vector<16xf32>
    %swap3A_145 = vector.shape_cast %broadcast_in_dim3A_139 : vector<16xf32> to vector<1x16xf32>
    tpu.vector_store %arg13[%swap3A_141, %swap3A_142], %swap3A_145 {strides = array<i32>} : memref<16x128xf32, #tpu.memory_space<vmem>>, vector<1x16xf32>,
    %broadcast_in_dim3A_146 = arith.constant 0.000000e+00 : f32
    %broadcast_in_dim3A_147 = vector.broadcast %broadcast_in_dim3A_146 : f32 to vector<16xf32>
    %swap3A_148 = arith.constant 2 : i32
    %swap3A_149 = arith.index_cast %swap3A_148 : i32 to index
    %swap3A_150 = arith.constant 16 : index
    %swap3A_151 = tpu.vector_load %arg13[%swap3A_149, %swap3A_150] {strides = array<i32>} : memref<16x128xf32, #tpu.memory_space<vmem>>, vector<1x16xf32>,
    %swap3A_152 = vector.shape_cast %swap3A_151 : vector<1x16xf32> to vector<16xf32>
    %swap3A_153 = vector.shape_cast %broadcast_in_dim3A_147 : vector<16xf32> to vector<1x16xf32>
    tpu.vector_store %arg13[%swap3A_149, %swap3A_150], %swap3A_153 {strides = array<i32>} : memref<16x128xf32, #tpu.memory_space<vmem>>, vector<1x16xf32>,
    %broadcast_in_dim3A_154 = arith.constant 0.000000e+00 : f32
    %broadcast_in_dim3A_155 = vector.broadcast %broadcast_in_dim3A_154 : f32 to vector<16xf32>
    %swap3A_156 = arith.constant 2 : i32
    %swap3A_157 = arith.index_cast %swap3A_156 : i32 to index
    %swap3A_158 = arith.constant 32 : index
    %swap3A_159 = tpu.vector_load %arg13[%swap3A_157, %swap3A_158] {strides = array<i32>} : memref<16x128xf32, #tpu.memory_space<vmem>>, vector<1x16xf32>,
    %swap3A_160 = vector.shape_cast %swap3A_159 : vector<1x16xf32> to vector<16xf32>
    %swap3A_161 = vector.shape_cast %broadcast_in_dim3A_155 : vector<16xf32> to vector<1x16xf32>
    tpu.vector_store %arg13[%swap3A_157, %swap3A_158], %swap3A_161 {strides = array<i32>} : memref<16x128xf32, #tpu.memory_space<vmem>>, vector<1x16xf32>,
    %broadcast_in_dim3A_162 = arith.constant 0.000000e+00 : f32
    %broadcast_in_dim3A_163 = vector.broadcast %broadcast_in_dim3A_162 : f32 to vector<16xf32>
    %swap3A_164 = arith.constant 2 : i32
    %swap3A_165 = arith.index_cast %swap3A_164 : i32 to index
    %swap3A_166 = arith.constant 48 : index
    %swap3A_167 = tpu.vector_load %arg13[%swap3A_165, %swap3A_166] {strides = array<i32>} : memref<16x128xf32, #tpu.memory_space<vmem>>, vector<1x16xf32>,
    %swap3A_168 = vector.shape_cast %swap3A_167 : vector<1x16xf32> to vector<16xf32>
    %swap3A_169 = vector.shape_cast %broadcast_in_dim3A_163 : vector<16xf32> to vector<1x16xf32>
    tpu.vector_store %arg13[%swap3A_165, %swap3A_166], %swap3A_169 {strides = array<i32>} : memref<16x128xf32, #tpu.memory_space<vmem>>, vector<1x16xf32>,
    %broadcast_in_dim3A_170 = arith.constant 0.000000e+00 : f32
    %broadcast_in_dim3A_171 = vector.broadcast %broadcast_in_dim3A_170 : f32 to vector<16xf32>
    %swap3A_172 = arith.constant 2 : i32
    %swap3A_173 = arith.index_cast %swap3A_172 : i32 to index
    %swap3A_174 = arith.constant 64 : index
    %swap3A_175 = tpu.vector_load %arg13[%swap3A_173, %swap3A_174] {strides = array<i32>} : memref<16x128xf32, #tpu.memory_space<vmem>>, vector<1x16xf32>,
    %swap3A_176 = vector.shape_cast %swap3A_175 : vector<1x16xf32> to vector<16xf32>
    %swap3A_177 = vector.shape_cast %broadcast_in_dim3A_171 : vector<16xf32> to vector<1x16xf32>
    tpu.vector_store %arg13[%swap3A_173, %swap3A_174], %swap3A_177 {strides = array<i32>} : memref<16x128xf32, #tpu.memory_space<vmem>>, vector<1x16xf32>,
    %broadcast_in_dim3A_178 = arith.constant 0.000000e+00 : f32
    %broadcast_in_dim3A_179 = vector.broadcast %broadcast_in_dim3A_178 : f32 to vector<16xf32>
    %swap3A_180 = arith.constant 2 : i32
    %swap3A_181 = arith.index_cast %swap3A_180 : i32 to index
    %swap3A_182 = arith.constant 80 : index
    %swap3A_183 = tpu.vector_load %arg13[%swap3A_181, %swap3A_182] {strides = array<i32>} : memref<16x128xf32, #tpu.memory_space<vmem>>, vector<1x16xf32>,
    %swap3A_184 = vector.shape_cast %swap3A_183 : vector<1x16xf32> to vector<16xf32>
    %swap3A_185 = vector.shape_cast %broadcast_in_dim3A_179 : vector<16xf32> to vector<1x16xf32>
    tpu.vector_store %arg13[%swap3A_181, %swap3A_182], %swap3A_185 {strides = array<i32>} : memref<16x128xf32, #tpu.memory_space<vmem>>, vector<1x16xf32>,
    %broadcast_in_dim3A_186 = arith.constant 0.000000e+00 : f32
    %broadcast_in_dim3A_187 = vector.broadcast %broadcast_in_dim3A_186 : f32 to vector<16xf32>
    %swap3A_188 = arith.constant 2 : i32
    %swap3A_189 = arith.index_cast %swap3A_188 : i32 to index
    %swap3A_190 = arith.constant 96 : index
    %swap3A_191 = tpu.vector_load %arg13[%swap3A_189, %swap3A_190] {strides = array<i32>} : memref<16x128xf32, #tpu.memory_space<vmem>>, vector<1x16xf32>,
    %swap3A_192 = vector.shape_cast %swap3A_191 : vector<1x16xf32> to vector<16xf32>
    %swap3A_193 = vector.shape_cast %broadcast_in_dim3A_187 : vector<16xf32> to vector<1x16xf32>
    tpu.vector_store %arg13[%swap3A_189, %swap3A_190], %swap3A_193 {strides = array<i32>} : memref<16x128xf32, #tpu.memory_space<vmem>>, vector<1x16xf32>,
    %broadcast_in_dim3A_194 = arith.constant 0.000000e+00 : f32
    %broadcast_in_dim3A_195 = vector.broadcast %broadcast_in_dim3A_194 : f32 to vector<16xf32>
    %swap3A_196 = arith.constant 2 : i32
    %swap3A_197 = arith.index_cast %swap3A_196 : i32 to index
    %swap3A_198 = arith.constant 112 : index
    %swap3A_199 = tpu.vector_load %arg13[%swap3A_197, %swap3A_198] {strides = array<i32>} : memref<16x128xf32, #tpu.memory_space<vmem>>, vector<1x16xf32>,
    %swap3A_200 = vector.shape_cast %swap3A_199 : vector<1x16xf32> to vector<16xf32>
    %swap3A_201 = vector.shape_cast %broadcast_in_dim3A_195 : vector<16xf32> to vector<1x16xf32>
    tpu.vector_store %arg13[%swap3A_197, %swap3A_198], %swap3A_201 {strides = array<i32>} : memref<16x128xf32, #tpu.memory_space<vmem>>, vector<1x16xf32>,
    %broadcast_in_dim3A_202 = arith.constant 0.000000e+00 : f32
    %broadcast_in_dim3A_203 = vector.broadcast %broadcast_in_dim3A_202 : f32 to vector<16xf32>
    %swap3A_204 = arith.constant 3 : i32
    %swap3A_205 = arith.index_cast %swap3A_204 : i32 to index
    %swap3A_206 = arith.constant 0 : index
    %swap3A_207 = tpu.vector_load %arg13[%swap3A_205, %swap3A_206] {strides = array<i32>} : memref<16x128xf32, #tpu.memory_space<vmem>>, vector<1x16xf32>,
    %swap3A_208 = vector.shape_cast %swap3A_207 : vector<1x16xf32> to vector<16xf32>
    %swap3A_209 = vector.shape_cast %broadcast_in_dim3A_203 : vector<16xf32> to vector<1x16xf32>
    tpu.vector_store %arg13[%swap3A_205, %swap3A_206], %swap3A_209 {strides = array<i32>} : memref<16x128xf32, #tpu.memory_space<vmem>>, vector<1x16xf32>,
    %broadcast_in_dim3A_210 = arith.constant 0.000000e+00 : f32
    %broadcast_in_dim3A_211 = vector.broadcast %broadcast_in_dim3A_210 : f32 to vector<16xf32>
    %swap3A_212 = arith.constant 3 : i32
    %swap3A_213 = arith.index_cast %swap3A_212 : i32 to index
    %swap3A_214 = arith.constant 16 : index
    %swap3A_215 = tpu.vector_load %arg13[%swap3A_213, %swap3A_214] {strides = array<i32>} : memref<16x128xf32, #tpu.memory_space<vmem>>, vector<1x16xf32>,
    %swap3A_216 = vector.shape_cast %swap3A_215 : vector<1x16xf32> to vector<16xf32>
    %swap3A_217 = vector.shape_cast %broadcast_in_dim3A_211 : vector<16xf32> to vector<1x16xf32>
    tpu.vector_store %arg13[%swap3A_213, %swap3A_214], %swap3A_217 {strides = array<i32>} : memref<16x128xf32, #tpu.memory_space<vmem>>, vector<1x16xf32>,
    %broadcast_in_dim3A_218 = arith.constant 0.000000e+00 : f32
    %broadcast_in_dim3A_219 = vector.broadcast %broadcast_in_dim3A_218 : f32 to vector<16xf32>
    %swap3A_220 = arith.constant 3 : i32
    %swap3A_221 = arith.index_cast %swap3A_220 : i32 to index
    %swap3A_222 = arith.constant 32 : index
    %swap3A_223 = tpu.vector_load %arg13[%swap3A_221, %swap3A_222] {strides = array<i32>} : memref<16x128xf32, #tpu.memory_space<vmem>>, vector<1x16xf32>,
    %swap3A_224 = vector.shape_cast %swap3A_223 : vector<1x16xf32> to vector<16xf32>
    %swap3A_225 = vector.shape_cast %broadcast_in_dim3A_219 : vector<16xf32> to vector<1x16xf32>
    tpu.vector_store %arg13[%swap3A_221, %swap3A_222], %swap3A_225 {strides = array<i32>} : memref<16x128xf32, #tpu.memory_space<vmem>>, vector<1x16xf32>,
    %broadcast_in_dim3A_226 = arith.constant 0.000000e+00 : f32
    %broadcast_in_dim3A_227 = vector.broadcast %broadcast_in_dim3A_226 : f32 to vector<16xf32>
    %swap3A_228 = arith.constant 3 : i32
    %swap3A_229 = arith.index_cast %swap3A_228 : i32 to index
    %swap3A_230 = arith.constant 48 : index
    %swap3A_231 = tpu.vector_load %arg13[%swap3A_229, %swap3A_230] {strides = array<i32>} : memref<16x128xf32, #tpu.memory_space<vmem>>, vector<1x16xf32>,
    %swap3A_232 = vector.shape_cast %swap3A_231 : vector<1x16xf32> to vector<16xf32>
    %swap3A_233 = vector.shape_cast %broadcast_in_dim3A_227 : vector<16xf32> to vector<1x16xf32>
    tpu.vector_store %arg13[%swap3A_229, %swap3A_230], %swap3A_233 {strides = array<i32>} : memref<16x128xf32, #tpu.memory_space<vmem>>, vector<1x16xf32>,
    %broadcast_in_dim3A_234 = arith.constant 0.000000e+00 : f32
    %broadcast_in_dim3A_235 = vector.broadcast %broadcast_in_dim3A_234 : f32 to vector<16xf32>
    %swap3A_236 = arith.constant 3 : i32
    %swap3A_237 = arith.index_cast %swap3A_236 : i32 to index
    %swap3A_238 = arith.constant 64 : index
    %swap3A_239 = tpu.vector_load %arg13[%swap3A_237, %swap3A_238] {strides = array<i32>} : memref<16x128xf32, #tpu.memory_space<vmem>>, vector<1x16xf32>,
    %swap3A_240 = vector.shape_cast %swap3A_239 : vector<1x16xf32> to vector<16xf32>
    %swap3A_241 = vector.shape_cast %broadcast_in_dim3A_235 : vector<16xf32> to vector<1x16xf32>
    tpu.vector_store %arg13[%swap3A_237, %swap3A_238], %swap3A_241 {strides = array<i32>} : memref<16x128xf32, #tpu.memory_space<vmem>>, vector<1x16xf32>,
    %broadcast_in_dim3A_242 = arith.constant 0.000000e+00 : f32
    %broadcast_in_dim3A_243 = vector.broadcast %broadcast_in_dim3A_242 : f32 to vector<16xf32>
    %swap3A_244 = arith.constant 3 : i32
    %swap3A_245 = arith.index_cast %swap3A_244 : i32 to index
    %swap3A_246 = arith.constant 80 : index
    %swap3A_247 = tpu.vector_load %arg13[%swap3A_245, %swap3A_246] {strides = array<i32>} : memref<16x128xf32, #tpu.memory_space<vmem>>, vector<1x16xf32>,
    %swap3A_248 = vector.shape_cast %swap3A_247 : vector<1x16xf32> to vector<16xf32>
    %swap3A_249 = vector.shape_cast %broadcast_in_dim3A_243 : vector<16xf32> to vector<1x16xf32>
    tpu.vector_store %arg13[%swap3A_245, %swap3A_246], %swap3A_249 {strides = array<i32>} : memref<16x128xf32, #tpu.memory_space<vmem>>, vector<1x16xf32>,
    %broadcast_in_dim3A_250 = arith.constant 0.000000e+00 : f32
    %broadcast_in_dim3A_251 = vector.broadcast %broadcast_in_dim3A_250 : f32 to vector<16xf32>
    %swap3A_252 = arith.constant 3 : i32
    %swap3A_253 = arith.index_cast %swap3A_252 : i32 to index
    %swap3A_254 = arith.constant 96 : index
    %swap3A_255 = tpu.vector_load %arg13[%swap3A_253, %swap3A_254] {strides = array<i32>} : memref<16x128xf32, #tpu.memory_space<vmem>>, vector<1x16xf32>,
    %swap3A_256 = vector.shape_cast %swap3A_255 : vector<1x16xf32> to vector<16xf32>
    %swap3A_257 = vector.shape_cast %broadcast_in_dim3A_251 : vector<16xf32> to vector<1x16xf32>
    tpu.vector_store %arg13[%swap3A_253, %swap3A_254], %swap3A_257 {strides = array<i32>} : memref<16x128xf32, #tpu.memory_space<vmem>>, vector<1x16xf32>,
    %broadcast_in_dim3A_258 = arith.constant 0.000000e+00 : f32
    %broadcast_in_dim3A_259 = vector.broadcast %broadcast_in_dim3A_258 : f32 to vector<16xf32>
    %swap3A_260 = arith.constant 3 : i32
    %swap3A_261 = arith.index_cast %swap3A_260 : i32 to index
    %swap3A_262 = arith.constant 112 : index
    %swap3A_263 = tpu.vector_load %arg13[%swap3A_261, %swap3A_262] {strides = array<i32>} : memref<16x128xf32, #tpu.memory_space<vmem>>, vector<1x16xf32>,
    %swap3A_264 = vector.shape_cast %swap3A_263 : vector<1x16xf32> to vector<16xf32>
    %swap3A_265 = vector.shape_cast %broadcast_in_dim3A_259 : vector<16xf32> to vector<1x16xf32>
    tpu.vector_store %arg13[%swap3A_261, %swap3A_262], %swap3A_265 {strides = array<i32>} : memref<16x128xf32, #tpu.memory_space<vmem>>, vector<1x16xf32>,
    %broadcast_in_dim3A_266 = arith.constant 0.000000e+00 : f32
    %broadcast_in_dim3A_267 = vector.broadcast %broadcast_in_dim3A_266 : f32 to vector<16xf32>
    %swap3A_268 = arith.constant 4 : i32
    %swap3A_269 = arith.index_cast %swap3A_268 : i32 to index
    %swap3A_270 = arith.constant 0 : index
    %swap3A_271 = tpu.vector_load %arg13[%swap3A_269, %swap3A_270] {strides = array<i32>} : memref<16x128xf32, #tpu.memory_space<vmem>>, vector<1x16xf32>,
    %swap3A_272 = vector.shape_cast %swap3A_271 : vector<1x16xf32> to vector<16xf32>
    %swap3A_273 = vector.shape_cast %broadcast_in_dim3A_267 : vector<16xf32> to vector<1x16xf32>
    tpu.vector_store %arg13[%swap3A_269, %swap3A_270], %swap3A_273 {strides = array<i32>} : memref<16x128xf32, #tpu.memory_space<vmem>>, vector<1x16xf32>,
    %broadcast_in_dim3A_274 = arith.constant 0.000000e+00 : f32
    %broadcast_in_dim3A_275 = vector.broadcast %broadcast_in_dim3A_274 : f32 to vector<16xf32>
    %swap3A_276 = arith.constant 4 : i32
    %swap3A_277 = arith.index_cast %swap3A_276 : i32 to index
    %swap3A_278 = arith.constant 16 : index
    %swap3A_279 = tpu.vector_load %arg13[%swap3A_277, %swap3A_278] {strides = array<i32>} : memref<16x128xf32, #tpu.memory_space<vmem>>, vector<1x16xf32>,
    %swap3A_280 = vector.shape_cast %swap3A_279 : vector<1x16xf32> to vector<16xf32>
    %swap3A_281 = vector.shape_cast %broadcast_in_dim3A_275 : vector<16xf32> to vector<1x16xf32>
    tpu.vector_store %arg13[%swap3A_277, %swap3A_278], %swap3A_281 {strides = array<i32>} : memref<16x128xf32, #tpu.memory_space<vmem>>, vector<1x16xf32>,
    %broadcast_in_dim3A_282 = arith.constant 0.000000e+00 : f32
    %broadcast_in_dim3A_283 = vector.broadcast %broadcast_in_dim3A_282 : f32 to vector<16xf32>
    %swap3A_284 = arith.constant 4 : i32
    %swap3A_285 = arith.index_cast %swap3A_284 : i32 to index
    %swap3A_286 = arith.constant 32 : index
    %swap3A_287 = tpu.vector_load %arg13[%swap3A_285, %swap3A_286] {strides = array<i32>} : memref<16x128xf32, #tpu.memory_space<vmem>>, vector<1x16xf32>,
    %swap3A_288 = vector.shape_cast %swap3A_287 : vector<1x16xf32> to vector<16xf32>
    %swap3A_289 = vector.shape_cast %broadcast_in_dim3A_283 : vector<16xf32> to vector<1x16xf32>
    tpu.vector_store %arg13[%swap3A_285, %swap3A_286], %swap3A_289 {strides = array<i32>} : memref<16x128xf32, #tpu.memory_space<vmem>>, vector<1x16xf32>,
    %broadcast_in_dim3A_290 = arith.constant 0.000000e+00 : f32
    %broadcast_in_dim3A_291 = vector.broadcast %broadcast_in_dim3A_290 : f32 to vector<16xf32>
    %swap3A_292 = arith.constant 4 : i32
    %swap3A_293 = arith.index_cast %swap3A_292 : i32 to index
    %swap3A_294 = arith.constant 48 : index
    %swap3A_295 = tpu.vector_load %arg13[%swap3A_293, %swap3A_294] {strides = array<i32>} : memref<16x128xf32, #tpu.memory_space<vmem>>, vector<1x16xf32>,
    %swap3A_296 = vector.shape_cast %swap3A_295 : vector<1x16xf32> to vector<16xf32>
    %swap3A_297 = vector.shape_cast %broadcast_in_dim3A_291 : vector<16xf32> to vector<1x16xf32>
    tpu.vector_store %arg13[%swap3A_293, %swap3A_294], %swap3A_297 {strides = array<i32>} : memref<16x128xf32, #tpu.memory_space<vmem>>, vector<1x16xf32>,
    %broadcast_in_dim3A_298 = arith.constant 0.000000e+00 : f32
    %broadcast_in_dim3A_299 = vector.broadcast %broadcast_in_dim3A_298 : f32 to vector<16xf32>
    %swap3A_300 = arith.constant 4 : i32
    %swap3A_301 = arith.index_cast %swap3A_300 : i32 to index
    %swap3A_302 = arith.constant 64 : index
    %swap3A_303 = tpu.vector_load %arg13[%swap3A_301, %swap3A_302] {strides = array<i32>} : memref<16x128xf32, #tpu.memory_space<vmem>>, vector<1x16xf32>,
    %swap3A_304 = vector.shape_cast %swap3A_303 : vector<1x16xf32> to vector<16xf32>
    %swap3A_305 = vector.shape_cast %broadcast_in_dim3A_299 : vector<16xf32> to vector<1x16xf32>
    tpu.vector_store %arg13[%swap3A_301, %swap3A_302], %swap3A_305 {strides = array<i32>} : memref<16x128xf32, #tpu.memory_space<vmem>>, vector<1x16xf32>,
    %broadcast_in_dim3A_306 = arith.constant 0.000000e+00 : f32
    %broadcast_in_dim3A_307 = vector.broadcast %broadcast_in_dim3A_306 : f32 to vector<16xf32>
    %swap3A_308 = arith.constant 4 : i32
    %swap3A_309 = arith.index_cast %swap3A_308 : i32 to index
    %swap3A_310 = arith.constant 80 : index
    %swap3A_311 = tpu.vector_load %arg13[%swap3A_309, %swap3A_310] {strides = array<i32>} : memref<16x128xf32, #tpu.memory_space<vmem>>, vector<1x16xf32>,
    %swap3A_312 = vector.shape_cast %swap3A_311 : vector<1x16xf32> to vector<16xf32>
    %swap3A_313 = vector.shape_cast %broadcast_in_dim3A_307 : vector<16xf32> to vector<1x16xf32>
    tpu.vector_store %arg13[%swap3A_309, %swap3A_310], %swap3A_313 {strides = array<i32>} : memref<16x128xf32, #tpu.memory_space<vmem>>, vector<1x16xf32>,
    %broadcast_in_dim3A_314 = arith.constant 0.000000e+00 : f32
    %broadcast_in_dim3A_315 = vector.broadcast %broadcast_in_dim3A_314 : f32 to vector<16xf32>
    %swap3A_316 = arith.constant 4 : i32
    %swap3A_317 = arith.index_cast %swap3A_316 : i32 to index
    %swap3A_318 = arith.constant 96 : index
    %swap3A_319 = tpu.vector_load %arg13[%swap3A_317, %swap3A_318] {strides = array<i32>} : memref<16x128xf32, #tpu.memory_space<vmem>>, vector<1x16xf32>,
    %swap3A_320 = vector.shape_cast %swap3A_319 : vector<1x16xf32> to vector<16xf32>
    %swap3A_321 = vector.shape_cast %broadcast_in_dim3A_315 : vector<16xf32> to vector<1x16xf32>
    tpu.vector_store %arg13[%swap3A_317, %swap3A_318], %swap3A_321 {strides = array<i32>} : memref<16x128xf32, #tpu.memory_space<vmem>>, vector<1x16xf32>,
    %broadcast_in_dim3A_322 = arith.constant 0.000000e+00 : f32
    %broadcast_in_dim3A_323 = vector.broadcast %broadcast_in_dim3A_322 : f32 to vector<16xf32>
    %swap3A_324 = arith.constant 4 : i32
    %swap3A_325 = arith.index_cast %swap3A_324 : i32 to index
    %swap3A_326 = arith.constant 112 : index
    %swap3A_327 = tpu.vector_load %arg13[%swap3A_325, %swap3A_326] {strides = array<i32>} : memref<16x128xf32, #tpu.memory_space<vmem>>, vector<1x16xf32>,
    %swap3A_328 = vector.shape_cast %swap3A_327 : vector<1x16xf32> to vector<16xf32>
    %swap3A_329 = vector.shape_cast %broadcast_in_dim3A_323 : vector<16xf32> to vector<1x16xf32>
    tpu.vector_store %arg13[%swap3A_325, %swap3A_326], %swap3A_329 {strides = array<i32>} : memref<16x128xf32, #tpu.memory_space<vmem>>, vector<1x16xf32>,
    %broadcast_in_dim3A_330 = arith.constant 0.000000e+00 : f32
    %broadcast_in_dim3A_331 = vector.broadcast %broadcast_in_dim3A_330 : f32 to vector<16xf32>
    %swap3A_332 = arith.constant 5 : i32
    %swap3A_333 = arith.index_cast %swap3A_332 : i32 to index
    %swap3A_334 = arith.constant 0 : index
    %swap3A_335 = tpu.vector_load %arg13[%swap3A_333, %swap3A_334] {strides = array<i32>} : memref<16x128xf32, #tpu.memory_space<vmem>>, vector<1x16xf32>,
    %swap3A_336 = vector.shape_cast %swap3A_335 : vector<1x16xf32> to vector<16xf32>
    %swap3A_337 = vector.shape_cast %broadcast_in_dim3A_331 : vector<16xf32> to vector<1x16xf32>
    tpu.vector_store %arg13[%swap3A_333, %swap3A_334], %swap3A_337 {strides = array<i32>} : memref<16x128xf32, #tpu.memory_space<vmem>>, vector<1x16xf32>,
    %broadcast_in_dim3A_338 = arith.constant 0.000000e+00 : f32
    %broadcast_in_dim3A_339 = vector.broadcast %broadcast_in_dim3A_338 : f32 to vector<16xf32>
    %swap3A_340 = arith.constant 5 : i32
    %swap3A_341 = arith.index_cast %swap3A_340 : i32 to index
    %swap3A_342 = arith.constant 16 : index
    %swap3A_343 = tpu.vector_load %arg13[%swap3A_341, %swap3A_342] {strides = array<i32>} : memref<16x128xf32, #tpu.memory_space<vmem>>, vector<1x16xf32>,
    %swap3A_344 = vector.shape_cast %swap3A_343 : vector<1x16xf32> to vector<16xf32>
    %swap3A_345 = vector.shape_cast %broadcast_in_dim3A_339 : vector<16xf32> to vector<1x16xf32>
    tpu.vector_store %arg13[%swap3A_341, %swap3A_342], %swap3A_345 {strides = array<i32>} : memref<16x128xf32, #tpu.memory_space<vmem>>, vector<1x16xf32>,
    %broadcast_in_dim3A_346 = arith.constant 0.000000e+00 : f32
    %broadcast_in_dim3A_347 = vector.broadcast %broadcast_in_dim3A_346 : f32 to vector<16xf32>
    %swap3A_348 = arith.constant 5 : i32
    %swap3A_349 = arith.index_cast %swap3A_348 : i32 to index
    %swap3A_350 = arith.constant 32 : index
    %swap3A_351 = tpu.vector_load %arg13[%swap3A_349, %swap3A_350] {strides = array<i32>} : memref<16x128xf32, #tpu.memory_space<vmem>>, vector<1x16xf32>,
    %swap3A_352 = vector.shape_cast %swap3A_351 : vector<1x16xf32> to vector<16xf32>
    %swap3A_353 = vector.shape_cast %broadcast_in_dim3A_347 : vector<16xf32> to vector<1x16xf32>
    tpu.vector_store %arg13[%swap3A_349, %swap3A_350], %swap3A_353 {strides = array<i32>} : memref<16x128xf32, #tpu.memory_space<vmem>>, vector<1x16xf32>,
    %broadcast_in_dim3A_354 = arith.constant 0.000000e+00 : f32
    %broadcast_in_dim3A_355 = vector.broadcast %broadcast_in_dim3A_354 : f32 to vector<16xf32>
    %swap3A_356 = arith.constant 5 : i32
    %swap3A_357 = arith.index_cast %swap3A_356 : i32 to index
    %swap3A_358 = arith.constant 48 : index
    %swap3A_359 = tpu.vector_load %arg13[%swap3A_357, %swap3A_358] {strides = array<i32>} : memref<16x128xf32, #tpu.memory_space<vmem>>, vector<1x16xf32>,
    %swap3A_360 = vector.shape_cast %swap3A_359 : vector<1x16xf32> to vector<16xf32>
    %swap3A_361 = vector.shape_cast %broadcast_in_dim3A_355 : vector<16xf32> to vector<1x16xf32>
    tpu.vector_store %arg13[%swap3A_357, %swap3A_358], %swap3A_361 {strides = array<i32>} : memref<16x128xf32, #tpu.memory_space<vmem>>, vector<1x16xf32>,
    %broadcast_in_dim3A_362 = arith.constant 0.000000e+00 : f32
    %broadcast_in_dim3A_363 = vector.broadcast %broadcast_in_dim3A_362 : f32 to vector<16xf32>
    %swap3A_364 = arith.constant 5 : i32
    %swap3A_365 = arith.index_cast %swap3A_364 : i32 to index
    %swap3A_366 = arith.constant 64 : index
    %swap3A_367 = tpu.vector_load %arg13[%swap3A_365, %swap3A_366] {strides = array<i32>} : memref<16x128xf32, #tpu.memory_space<vmem>>, vector<1x16xf32>,
    %swap3A_368 = vector.shape_cast %swap3A_367 : vector<1x16xf32> to vector<16xf32>
    %swap3A_369 = vector.shape_cast %broadcast_in_dim3A_363 : vector<16xf32> to vector<1x16xf32>
    tpu.vector_store %arg13[%swap3A_365, %swap3A_366], %swap3A_369 {strides = array<i32>} : memref<16x128xf32, #tpu.memory_space<vmem>>, vector<1x16xf32>,
    %broadcast_in_dim3A_370 = arith.constant 0.000000e+00 : f32
    %broadcast_in_dim3A_371 = vector.broadcast %broadcast_in_dim3A_370 : f32 to vector<16xf32>
    %swap3A_372 = arith.constant 5 : i32
    %swap3A_373 = arith.index_cast %swap3A_372 : i32 to index
    %swap3A_374 = arith.constant 80 : index
    %swap3A_375 = tpu.vector_load %arg13[%swap3A_373, %swap3A_374] {strides = array<i32>} : memref<16x128xf32, #tpu.memory_space<vmem>>, vector<1x16xf32>,
    %swap3A_376 = vector.shape_cast %swap3A_375 : vector<1x16xf32> to vector<16xf32>
    %swap3A_377 = vector.shape_cast %broadcast_in_dim3A_371 : vector<16xf32> to vector<1x16xf32>
    tpu.vector_store %arg13[%swap3A_373, %swap3A_374], %swap3A_377 {strides = array<i32>} : memref<16x128xf32, #tpu.memory_space<vmem>>, vector<1x16xf32>,
    %broadcast_in_dim3A_378 = arith.constant 0.000000e+00 : f32
    %broadcast_in_dim3A_379 = vector.broadcast %broadcast_in_dim3A_378 : f32 to vector<16xf32>
    %swap3A_380 = arith.constant 5 : i32
    %swap3A_381 = arith.index_cast %swap3A_380 : i32 to index
    %swap3A_382 = arith.constant 96 : index
    %swap3A_383 = tpu.vector_load %arg13[%swap3A_381, %swap3A_382] {strides = array<i32>} : memref<16x128xf32, #tpu.memory_space<vmem>>, vector<1x16xf32>,
    %swap3A_384 = vector.shape_cast %swap3A_383 : vector<1x16xf32> to vector<16xf32>
    %swap3A_385 = vector.shape_cast %broadcast_in_dim3A_379 : vector<16xf32> to vector<1x16xf32>
    tpu.vector_store %arg13[%swap3A_381, %swap3A_382], %swap3A_385 {strides = array<i32>} : memref<16x128xf32, #tpu.memory_space<vmem>>, vector<1x16xf32>,
    %broadcast_in_dim3A_386 = arith.constant 0.000000e+00 : f32
    %broadcast_in_dim3A_387 = vector.broadcast %broadcast_in_dim3A_386 : f32 to vector<16xf32>
    %swap3A_388 = arith.constant 5 : i32
    %swap3A_389 = arith.index_cast %swap3A_388 : i32 to index
    %swap3A_390 = arith.constant 112 : index
    %swap3A_391 = tpu.vector_load %arg13[%swap3A_389, %swap3A_390] {strides = array<i32>} : memref<16x128xf32, #tpu.memory_space<vmem>>, vector<1x16xf32>,
    %swap3A_392 = vector.shape_cast %swap3A_391 : vector<1x16xf32> to vector<16xf32>
    %swap3A_393 = vector.shape_cast %broadcast_in_dim3A_387 : vector<16xf32> to vector<1x16xf32>
    tpu.vector_store %arg13[%swap3A_389, %swap3A_390], %swap3A_393 {strides = array<i32>} : memref<16x128xf32, #tpu.memory_space<vmem>>, vector<1x16xf32>,
    %broadcast_in_dim3A_394 = arith.constant 0.000000e+00 : f32
    %broadcast_in_dim3A_395 = vector.broadcast %broadcast_in_dim3A_394 : f32 to vector<16xf32>
    %swap3A_396 = arith.constant 6 : i32
    %swap3A_397 = arith.index_cast %swap3A_396 : i32 to index
    %swap3A_398 = arith.constant 0 : index
    %swap3A_399 = tpu.vector_load %arg13[%swap3A_397, %swap3A_398] {strides = array<i32>} : memref<16x128xf32, #tpu.memory_space<vmem>>, vector<1x16xf32>,
    %swap3A_400 = vector.shape_cast %swap3A_399 : vector<1x16xf32> to vector<16xf32>
    %swap3A_401 = vector.shape_cast %broadcast_in_dim3A_395 : vector<16xf32> to vector<1x16xf32>
    tpu.vector_store %arg13[%swap3A_397, %swap3A_398], %swap3A_401 {strides = array<i32>} : memref<16x128xf32, #tpu.memory_space<vmem>>, vector<1x16xf32>,
    %broadcast_in_dim3A_402 = arith.constant 0.000000e+00 : f32
    %broadcast_in_dim3A_403 = vector.broadcast %broadcast_in_dim3A_402 : f32 to vector<16xf32>
    %swap3A_404 = arith.constant 6 : i32
    %swap3A_405 = arith.index_cast %swap3A_404 : i32 to index
    %swap3A_406 = arith.constant 16 : index
    %swap3A_407 = tpu.vector_load %arg13[%swap3A_405, %swap3A_406] {strides = array<i32>} : memref<16x128xf32, #tpu.memory_space<vmem>>, vector<1x16xf32>,
    %swap3A_408 = vector.shape_cast %swap3A_407 : vector<1x16xf32> to vector<16xf32>
    %swap3A_409 = vector.shape_cast %broadcast_in_dim3A_403 : vector<16xf32> to vector<1x16xf32>
    tpu.vector_store %arg13[%swap3A_405, %swap3A_406], %swap3A_409 {strides = array<i32>} : memref<16x128xf32, #tpu.memory_space<vmem>>, vector<1x16xf32>,
    %broadcast_in_dim3A_410 = arith.constant 0.000000e+00 : f32
    %broadcast_in_dim3A_411 = vector.broadcast %broadcast_in_dim3A_410 : f32 to vector<16xf32>
    %swap3A_412 = arith.constant 6 : i32
    %swap3A_413 = arith.index_cast %swap3A_412 : i32 to index
    %swap3A_414 = arith.constant 32 : index
    %swap3A_415 = tpu.vector_load %arg13[%swap3A_413, %swap3A_414] {strides = array<i32>} : memref<16x128xf32, #tpu.memory_space<vmem>>, vector<1x16xf32>,
    %swap3A_416 = vector.shape_cast %swap3A_415 : vector<1x16xf32> to vector<16xf32>
    %swap3A_417 = vector.shape_cast %broadcast_in_dim3A_411 : vector<16xf32> to vector<1x16xf32>
    tpu.vector_store %arg13[%swap3A_413, %swap3A_414], %swap3A_417 {strides = array<i32>} : memref<16x128xf32, #tpu.memory_space<vmem>>, vector<1x16xf32>,
    %broadcast_in_dim3A_418 = arith.constant 0.000000e+00 : f32
    %broadcast_in_dim3A_419 = vector.broadcast %broadcast_in_dim3A_418 : f32 to vector<16xf32>
    %swap3A_420 = arith.constant 6 : i32
    %swap3A_421 = arith.index_cast %swap3A_420 : i32 to index
    %swap3A_422 = arith.constant 48 : index
    %swap3A_423 = tpu.vector_load %arg13[%swap3A_421, %swap3A_422] {strides = array<i32>} : memref<16x128xf32, #tpu.memory_space<vmem>>, vector<1x16xf32>,
    %swap3A_424 = vector.shape_cast %swap3A_423 : vector<1x16xf32> to vector<16xf32>
    %swap3A_425 = vector.shape_cast %broadcast_in_dim3A_419 : vector<16xf32> to vector<1x16xf32>
    tpu.vector_store %arg13[%swap3A_421, %swap3A_422], %swap3A_425 {strides = array<i32>} : memref<16x128xf32, #tpu.memory_space<vmem>>, vector<1x16xf32>,
    %broadcast_in_dim3A_426 = arith.constant 0.000000e+00 : f32
    %broadcast_in_dim3A_427 = vector.broadcast %broadcast_in_dim3A_426 : f32 to vector<16xf32>
    %swap3A_428 = arith.constant 6 : i32
    %swap3A_429 = arith.index_cast %swap3A_428 : i32 to index
    %swap3A_430 = arith.constant 64 : index
    %swap3A_431 = tpu.vector_load %arg13[%swap3A_429, %swap3A_430] {strides = array<i32>} : memref<16x128xf32, #tpu.memory_space<vmem>>, vector<1x16xf32>,
    %swap3A_432 = vector.shape_cast %swap3A_431 : vector<1x16xf32> to vector<16xf32>
    %swap3A_433 = vector.shape_cast %broadcast_in_dim3A_427 : vector<16xf32> to vector<1x16xf32>
    tpu.vector_store %arg13[%swap3A_429, %swap3A_430], %swap3A_433 {strides = array<i32>} : memref<16x128xf32, #tpu.memory_space<vmem>>, vector<1x16xf32>,
    %broadcast_in_dim3A_434 = arith.constant 0.000000e+00 : f32
    %broadcast_in_dim3A_435 = vector.broadcast %broadcast_in_dim3A_434 : f32 to vector<16xf32>
    %swap3A_436 = arith.constant 6 : i32
    %swap3A_437 = arith.index_cast %swap3A_436 : i32 to index
    %swap3A_438 = arith.constant 80 : index
    %swap3A_439 = tpu.vector_load %arg13[%swap3A_437, %swap3A_438] {strides = array<i32>} : memref<16x128xf32, #tpu.memory_space<vmem>>, vector<1x16xf32>,
    %swap3A_440 = vector.shape_cast %swap3A_439 : vector<1x16xf32> to vector<16xf32>
    %swap3A_441 = vector.shape_cast %broadcast_in_dim3A_435 : vector<16xf32> to vector<1x16xf32>
    tpu.vector_store %arg13[%swap3A_437, %swap3A_438], %swap3A_441 {strides = array<i32>} : memref<16x128xf32, #tpu.memory_space<vmem>>, vector<1x16xf32>,
    %broadcast_in_dim3A_442 = arith.constant 0.000000e+00 : f32
    %broadcast_in_dim3A_443 = vector.broadcast %broadcast_in_dim3A_442 : f32 to vector<16xf32>
    %swap3A_444 = arith.constant 6 : i32
    %swap3A_445 = arith.index_cast %swap3A_444 : i32 to index
    %swap3A_446 = arith.constant 96 : index
    %swap3A_447 = tpu.vector_load %arg13[%swap3A_445, %swap3A_446] {strides = array<i32>} : memref<16x128xf32, #tpu.memory_space<vmem>>, vector<1x16xf32>,
    %swap3A_448 = vector.shape_cast %swap3A_447 : vector<1x16xf32> to vector<16xf32>
    %swap3A_449 = vector.shape_cast %broadcast_in_dim3A_443 : vector<16xf32> to vector<1x16xf32>
    tpu.vector_store %arg13[%swap3A_445, %swap3A_446], %swap3A_449 {strides = array<i32>} : memref<16x128xf32, #tpu.memory_space<vmem>>, vector<1x16xf32>,
    %broadcast_in_dim3A_450 = arith.constant 0.000000e+00 : f32
    %broadcast_in_dim3A_451 = vector.broadcast %broadcast_in_dim3A_450 : f32 to vector<16xf32>
    %swap3A_452 = arith.constant 6 : i32
    %swap3A_453 = arith.index_cast %swap3A_452 : i32 to index
    %swap3A_454 = arith.constant 112 : index
    %swap3A_455 = tpu.vector_load %arg13[%swap3A_453, %swap3A_454] {strides = array<i32>} : memref<16x128xf32, #tpu.memory_space<vmem>>, vector<1x16xf32>,
    %swap3A_456 = vector.shape_cast %swap3A_455 : vector<1x16xf32> to vector<16xf32>
    %swap3A_457 = vector.shape_cast %broadcast_in_dim3A_451 : vector<16xf32> to vector<1x16xf32>
    tpu.vector_store %arg13[%swap3A_453, %swap3A_454], %swap3A_457 {strides = array<i32>} : memref<16x128xf32, #tpu.memory_space<vmem>>, vector<1x16xf32>,
    %broadcast_in_dim3A_458 = arith.constant 0.000000e+00 : f32
    %broadcast_in_dim3A_459 = vector.broadcast %broadcast_in_dim3A_458 : f32 to vector<16xf32>
    %swap3A_460 = arith.constant 7 : i32
    %swap3A_461 = arith.index_cast %swap3A_460 : i32 to index
    %swap3A_462 = arith.constant 0 : index
    %swap3A_463 = tpu.vector_load %arg13[%swap3A_461, %swap3A_462] {strides = array<i32>} : memref<16x128xf32, #tpu.memory_space<vmem>>, vector<1x16xf32>,
    %swap3A_464 = vector.shape_cast %swap3A_463 : vector<1x16xf32> to vector<16xf32>
    %swap3A_465 = vector.shape_cast %broadcast_in_dim3A_459 : vector<16xf32> to vector<1x16xf32>
    tpu.vector_store %arg13[%swap3A_461, %swap3A_462], %swap3A_465 {strides = array<i32>} : memref<16x128xf32, #tpu.memory_space<vmem>>, vector<1x16xf32>,
    %broadcast_in_dim3A_466 = arith.constant 0.000000e+00 : f32
    %broadcast_in_dim3A_467 = vector.broadcast %broadcast_in_dim3A_466 : f32 to vector<16xf32>
    %swap3A_468 = arith.constant 7 : i32
    %swap3A_469 = arith.index_cast %swap3A_468 : i32 to index
    %swap3A_470 = arith.constant 16 : index
    %swap3A_471 = tpu.vector_load %arg13[%swap3A_469, %swap3A_470] {strides = array<i32>} : memref<16x128xf32, #tpu.memory_space<vmem>>, vector<1x16xf32>,
    %swap3A_472 = vector.shape_cast %swap3A_471 : vector<1x16xf32> to vector<16xf32>
    %swap3A_473 = vector.shape_cast %broadcast_in_dim3A_467 : vector<16xf32> to vector<1x16xf32>
    tpu.vector_store %arg13[%swap3A_469, %swap3A_470], %swap3A_473 {strides = array<i32>} : memref<16x128xf32, #tpu.memory_space<vmem>>, vector<1x16xf32>,
    %broadcast_in_dim3A_474 = arith.constant 0.000000e+00 : f32
    %broadcast_in_dim3A_475 = vector.broadcast %broadcast_in_dim3A_474 : f32 to vector<16xf32>
    %swap3A_476 = arith.constant 7 : i32
    %swap3A_477 = arith.index_cast %swap3A_476 : i32 to index
    %swap3A_478 = arith.constant 32 : index
    %swap3A_479 = tpu.vector_load %arg13[%swap3A_477, %swap3A_478] {strides = array<i32>} : memref<16x128xf32, #tpu.memory_space<vmem>>, vector<1x16xf32>,
    %swap3A_480 = vector.shape_cast %swap3A_479 : vector<1x16xf32> to vector<16xf32>
    %swap3A_481 = vector.shape_cast %broadcast_in_dim3A_475 : vector<16xf32> to vector<1x16xf32>
    tpu.vector_store %arg13[%swap3A_477, %swap3A_478], %swap3A_481 {strides = array<i32>} : memref<16x128xf32, #tpu.memory_space<vmem>>, vector<1x16xf32>,
    %broadcast_in_dim3A_482 = arith.constant 0.000000e+00 : f32
    %broadcast_in_dim3A_483 = vector.broadcast %broadcast_in_dim3A_482 : f32 to vector<16xf32>
    %swap3A_484 = arith.constant 7 : i32
    %swap3A_485 = arith.index_cast %swap3A_484 : i32 to index
    %swap3A_486 = arith.constant 48 : index
    %swap3A_487 = tpu.vector_load %arg13[%swap3A_485, %swap3A_486] {strides = array<i32>} : memref<16x128xf32, #tpu.memory_space<vmem>>, vector<1x16xf32>,
    %swap3A_488 = vector.shape_cast %swap3A_487 : vector<1x16xf32> to vector<16xf32>
    %swap3A_489 = vector.shape_cast %broadcast_in_dim3A_483 : vector<16xf32> to vector<1x16xf32>
    tpu.vector_store %arg13[%swap3A_485, %swap3A_486], %swap3A_489 {strides = array<i32>} : memref<16x128xf32, #tpu.memory_space<vmem>>, vector<1x16xf32>,
    %broadcast_in_dim3A_490 = arith.constant 0.000000e+00 : f32
    %broadcast_in_dim3A_491 = vector.broadcast %broadcast_in_dim3A_490 : f32 to vector<16xf32>
    %swap3A_492 = arith.constant 7 : i32
    %swap3A_493 = arith.index_cast %swap3A_492 : i32 to index
    %swap3A_494 = arith.constant 64 : index
    %swap3A_495 = tpu.vector_load %arg13[%swap3A_493, %swap3A_494] {strides = array<i32>} : memref<16x128xf32, #tpu.memory_space<vmem>>, vector<1x16xf32>,
    %swap3A_496 = vector.shape_cast %swap3A_495 : vector<1x16xf32> to vector<16xf32>
    %swap3A_497 = vector.shape_cast %broadcast_in_dim3A_491 : vector<16xf32> to vector<1x16xf32>
    tpu.vector_store %arg13[%swap3A_493, %swap3A_494], %swap3A_497 {strides = array<i32>} : memref<16x128xf32, #tpu.memory_space<vmem>>, vector<1x16xf32>,
    %broadcast_in_dim3A_498 = arith.constant 0.000000e+00 : f32
    %broadcast_in_dim3A_499 = vector.broadcast %broadcast_in_dim3A_498 : f32 to vector<16xf32>
    %swap3A_500 = arith.constant 7 : i32
    %swap3A_501 = arith.index_cast %swap3A_500 : i32 to index
    %swap3A_502 = arith.constant 80 : index
    %swap3A_503 = tpu.vector_load %arg13[%swap3A_501, %swap3A_502] {strides = array<i32>} : memref<16x128xf32, #tpu.memory_space<vmem>>, vector<1x16xf32>,
    %swap3A_504 = vector.shape_cast %swap3A_503 : vector<1x16xf32> to vector<16xf32>
    %swap3A_505 = vector.shape_cast %broadcast_in_dim3A_499 : vector<16xf32> to vector<1x16xf32>
    tpu.vector_store %arg13[%swap3A_501, %swap3A_502], %swap3A_505 {strides = array<i32>} : memref<16x128xf32, #tpu.memory_space<vmem>>, vector<1x16xf32>,
    %broadcast_in_dim3A_506 = arith.constant 0.000000e+00 : f32
    %broadcast_in_dim3A_507 = vector.broadcast %broadcast_in_dim3A_506 : f32 to vector<16xf32>
    %swap3A_508 = arith.constant 7 : i32
    %swap3A_509 = arith.index_cast %swap3A_508 : i32 to index
    %swap3A_510 = arith.constant 96 : index
    %swap3A_511 = tpu.vector_load %arg13[%swap3A_509, %swap3A_510] {strides = array<i32>} : memref<16x128xf32, #tpu.memory_space<vmem>>, vector<1x16xf32>,
    %swap3A_512 = vector.shape_cast %swap3A_511 : vector<1x16xf32> to vector<16xf32>
    %swap3A_513 = vector.shape_cast %broadcast_in_dim3A_507 : vector<16xf32> to vector<1x16xf32>
    tpu.vector_store %arg13[%swap3A_509, %swap3A_510], %swap3A_513 {strides = array<i32>} : memref<16x128xf32, #tpu.memory_space<vmem>>, vector<1x16xf32>,
    %broadcast_in_dim3A_514 = arith.constant 0.000000e+00 : f32
    %broadcast_in_dim3A_515 = vector.broadcast %broadcast_in_dim3A_514 : f32 to vector<16xf32>
    %swap3A_516 = arith.constant 7 : i32
    %swap3A_517 = arith.index_cast %swap3A_516 : i32 to index
    %swap3A_518 = arith.constant 112 : index
    %swap3A_519 = tpu.vector_load %arg13[%swap3A_517, %swap3A_518] {strides = array<i32>} : memref<16x128xf32, #tpu.memory_space<vmem>>, vector<1x16xf32>,
    %swap3A_520 = vector.shape_cast %swap3A_519 : vector<1x16xf32> to vector<16xf32>
    %swap3A_521 = vector.shape_cast %broadcast_in_dim3A_515 : vector<16xf32> to vector<1x16xf32>
    tpu.vector_store %arg13[%swap3A_517, %swap3A_518], %swap3A_521 {strides = array<i32>} : memref<16x128xf32, #tpu.memory_space<vmem>>, vector<1x16xf32>,
    %broadcast_in_dim3A_522 = arith.constant 0.000000e+00 : f32
    %broadcast_in_dim3A_523 = vector.broadcast %broadcast_in_dim3A_522 : f32 to vector<16xf32>
    %swap3A_524 = arith.constant 8 : i32
    %swap3A_525 = arith.index_cast %swap3A_524 : i32 to index
    %swap3A_526 = arith.constant 0 : index
    %swap3A_527 = tpu.vector_load %arg13[%swap3A_525, %swap3A_526] {strides = array<i32>} : memref<16x128xf32, #tpu.memory_space<vmem>>, vector<1x16xf32>,
    %swap3A_528 = vector.shape_cast %swap3A_527 : vector<1x16xf32> to vector<16xf32>
    %swap3A_529 = vector.shape_cast %broadcast_in_dim3A_523 : vector<16xf32> to vector<1x16xf32>
    tpu.vector_store %arg13[%swap3A_525, %swap3A_526], %swap3A_529 {strides = array<i32>} : memref<16x128xf32, #tpu.memory_space<vmem>>, vector<1x16xf32>,
    %broadcast_in_dim3A_530 = arith.constant 0.000000e+00 : f32
    %broadcast_in_dim3A_531 = vector.broadcast %broadcast_in_dim3A_530 : f32 to vector<16xf32>
    %swap3A_532 = arith.constant 8 : i32
    %swap3A_533 = arith.index_cast %swap3A_532 : i32 to index
    %swap3A_534 = arith.constant 16 : index
    %swap3A_535 = tpu.vector_load %arg13[%swap3A_533, %swap3A_534] {strides = array<i32>} : memref<16x128xf32, #tpu.memory_space<vmem>>, vector<1x16xf32>,
    %swap3A_536 = vector.shape_cast %swap3A_535 : vector<1x16xf32> to vector<16xf32>
    %swap3A_537 = vector.shape_cast %broadcast_in_dim3A_531 : vector<16xf32> to vector<1x16xf32>
    tpu.vector_store %arg13[%swap3A_533, %swap3A_534], %swap3A_537 {strides = array<i32>} : memref<16x128xf32, #tpu.memory_space<vmem>>, vector<1x16xf32>,
    %broadcast_in_dim3A_538 = arith.constant 0.000000e+00 : f32
    %broadcast_in_dim3A_539 = vector.broadcast %broadcast_in_dim3A_538 : f32 to vector<16xf32>
    %swap3A_540 = arith.constant 8 : i32
    %swap3A_541 = arith.index_cast %swap3A_540 : i32 to index
    %swap3A_542 = arith.constant 32 : index
    %swap3A_543 = tpu.vector_load %arg13[%swap3A_541, %swap3A_542] {strides = array<i32>} : memref<16x128xf32, #tpu.memory_space<vmem>>, vector<1x16xf32>,
    %swap3A_544 = vector.shape_cast %swap3A_543 : vector<1x16xf32> to vector<16xf32>
    %swap3A_545 = vector.shape_cast %broadcast_in_dim3A_539 : vector<16xf32> to vector<1x16xf32>
    tpu.vector_store %arg13[%swap3A_541, %swap3A_542], %swap3A_545 {strides = array<i32>} : memref<16x128xf32, #tpu.memory_space<vmem>>, vector<1x16xf32>,
    %broadcast_in_dim3A_546 = arith.constant 0.000000e+00 : f32
    %broadcast_in_dim3A_547 = vector.broadcast %broadcast_in_dim3A_546 : f32 to vector<16xf32>
    %swap3A_548 = arith.constant 8 : i32
    %swap3A_549 = arith.index_cast %swap3A_548 : i32 to index
    %swap3A_550 = arith.constant 48 : index
    %swap3A_551 = tpu.vector_load %arg13[%swap3A_549, %swap3A_550] {strides = array<i32>} : memref<16x128xf32, #tpu.memory_space<vmem>>, vector<1x16xf32>,
    %swap3A_552 = vector.shape_cast %swap3A_551 : vector<1x16xf32> to vector<16xf32>
    %swap3A_553 = vector.shape_cast %broadcast_in_dim3A_547 : vector<16xf32> to vector<1x16xf32>
    tpu.vector_store %arg13[%swap3A_549, %swap3A_550], %swap3A_553 {strides = array<i32>} : memref<16x128xf32, #tpu.memory_space<vmem>>, vector<1x16xf32>,
    %broadcast_in_dim3A_554 = arith.constant 0.000000e+00 : f32
    %broadcast_in_dim3A_555 = vector.broadcast %broadcast_in_dim3A_554 : f32 to vector<16xf32>
    %swap3A_556 = arith.constant 8 : i32
    %swap3A_557 = arith.index_cast %swap3A_556 : i32 to index
    %swap3A_558 = arith.constant 64 : index
    %swap3A_559 = tpu.vector_load %arg13[%swap3A_557, %swap3A_558] {strides = array<i32>} : memref<16x128xf32, #tpu.memory_space<vmem>>, vector<1x16xf32>,
    %swap3A_560 = vector.shape_cast %swap3A_559 : vector<1x16xf32> to vector<16xf32>
    %swap3A_561 = vector.shape_cast %broadcast_in_dim3A_555 : vector<16xf32> to vector<1x16xf32>
    tpu.vector_store %arg13[%swap3A_557, %swap3A_558], %swap3A_561 {strides = array<i32>} : memref<16x128xf32, #tpu.memory_space<vmem>>, vector<1x16xf32>,
    %broadcast_in_dim3A_562 = arith.constant 0.000000e+00 : f32
    %broadcast_in_dim3A_563 = vector.broadcast %broadcast_in_dim3A_562 : f32 to vector<16xf32>
    %swap3A_564 = arith.constant 8 : i32
    %swap3A_565 = arith.index_cast %swap3A_564 : i32 to index
    %swap3A_566 = arith.constant 80 : index
    %swap3A_567 = tpu.vector_load %arg13[%swap3A_565, %swap3A_566] {strides = array<i32>} : memref<16x128xf32, #tpu.memory_space<vmem>>, vector<1x16xf32>,
    %swap3A_568 = vector.shape_cast %swap3A_567 : vector<1x16xf32> to vector<16xf32>
    %swap3A_569 = vector.shape_cast %broadcast_in_dim3A_563 : vector<16xf32> to vector<1x16xf32>
    tpu.vector_store %arg13[%swap3A_565, %swap3A_566], %swap3A_569 {strides = array<i32>} : memref<16x128xf32, #tpu.memory_space<vmem>>, vector<1x16xf32>,
    %broadcast_in_dim3A_570 = arith.constant 0.000000e+00 : f32
    %broadcast_in_dim3A_571 = vector.broadcast %broadcast_in_dim3A_570 : f32 to vector<16xf32>
    %swap3A_572 = arith.constant 8 : i32
    %swap3A_573 = arith.index_cast %swap3A_572 : i32 to index
    %swap3A_574 = arith.constant 96 : index
    %swap3A_575 = tpu.vector_load %arg13[%swap3A_573, %swap3A_574] {strides = array<i32>} : memref<16x128xf32, #tpu.memory_space<vmem>>, vector<1x16xf32>,
    %swap3A_576 = vector.shape_cast %swap3A_575 : vector<1x16xf32> to vector<16xf32>
    %swap3A_577 = vector.shape_cast %broadcast_in_dim3A_571 : vector<16xf32> to vector<1x16xf32>
    tpu.vector_store %arg13[%swap3A_573, %swap3A_574], %swap3A_577 {strides = array<i32>} : memref<16x128xf32, #tpu.memory_space<vmem>>, vector<1x16xf32>,
    %broadcast_in_dim3A_578 = arith.constant 0.000000e+00 : f32
    %broadcast_in_dim3A_579 = vector.broadcast %broadcast_in_dim3A_578 : f32 to vector<16xf32>
    %swap3A_580 = arith.constant 8 : i32
    %swap3A_581 = arith.index_cast %swap3A_580 : i32 to index
    %swap3A_582 = arith.constant 112 : index
    %swap3A_583 = tpu.vector_load %arg13[%swap3A_581, %swap3A_582] {strides = array<i32>} : memref<16x128xf32, #tpu.memory_space<vmem>>, vector<1x16xf32>,
    %swap3A_584 = vector.shape_cast %swap3A_583 : vector<1x16xf32> to vector<16xf32>
    %swap3A_585 = vector.shape_cast %broadcast_in_dim3A_579 : vector<16xf32> to vector<1x16xf32>
    tpu.vector_store %arg13[%swap3A_581, %swap3A_582], %swap3A_585 {strides = array<i32>} : memref<16x128xf32, #tpu.memory_space<vmem>>, vector<1x16xf32>,
    %broadcast_in_dim3A_586 = arith.constant 0.000000e+00 : f32
    %broadcast_in_dim3A_587 = vector.broadcast %broadcast_in_dim3A_586 : f32 to vector<16xf32>
    %swap3A_588 = arith.constant 9 : i32
    %swap3A_589 = arith.index_cast %swap3A_588 : i32 to index
    %swap3A_590 = arith.constant 0 : index
    %swap3A_591 = tpu.vector_load %arg13[%swap3A_589, %swap3A_590] {strides = array<i32>} : memref<16x128xf32, #tpu.memory_space<vmem>>, vector<1x16xf32>,
    %swap3A_592 = vector.shape_cast %swap3A_591 : vector<1x16xf32> to vector<16xf32>
    %swap3A_593 = vector.shape_cast %broadcast_in_dim3A_587 : vector<16xf32> to vector<1x16xf32>
    tpu.vector_store %arg13[%swap3A_589, %swap3A_590], %swap3A_593 {strides = array<i32>} : memref<16x128xf32, #tpu.memory_space<vmem>>, vector<1x16xf32>,
    %broadcast_in_dim3A_594 = arith.constant 0.000000e+00 : f32
    %broadcast_in_dim3A_595 = vector.broadcast %broadcast_in_dim3A_594 : f32 to vector<16xf32>
    %swap3A_596 = arith.constant 9 : i32
    %swap3A_597 = arith.index_cast %swap3A_596 : i32 to index
    %swap3A_598 = arith.constant 16 : index
    %swap3A_599 = tpu.vector_load %arg13[%swap3A_597, %swap3A_598] {strides = array<i32>} : memref<16x128xf32, #tpu.memory_space<vmem>>, vector<1x16xf32>,
    %swap3A_600 = vector.shape_cast %swap3A_599 : vector<1x16xf32> to vector<16xf32>
    %swap3A_601 = vector.shape_cast %broadcast_in_dim3A_595 : vector<16xf32> to vector<1x16xf32>
    tpu.vector_store %arg13[%swap3A_597, %swap3A_598], %swap3A_601 {strides = array<i32>} : memref<16x128xf32, #tpu.memory_space<vmem>>, vector<1x16xf32>,
    %broadcast_in_dim3A_602 = arith.constant 0.000000e+00 : f32
    %broadcast_in_dim3A_603 = vector.broadcast %broadcast_in_dim3A_602 : f32 to vector<16xf32>
    %swap3A_604 = arith.constant 9 : i32
    %swap3A_605 = arith.index_cast %swap3A_604 : i32 to index
    %swap3A_606 = arith.constant 32 : index
    %swap3A_607 = tpu.vector_load %arg13[%swap3A_605, %swap3A_606] {strides = array<i32>} : memref<16x128xf32, #tpu.memory_space<vmem>>, vector<1x16xf32>,
    %swap3A_608 = vector.shape_cast %swap3A_607 : vector<1x16xf32> to vector<16xf32>
    %swap3A_609 = vector.shape_cast %broadcast_in_dim3A_603 : vector<16xf32> to vector<1x16xf32>
    tpu.vector_store %arg13[%swap3A_605, %swap3A_606], %swap3A_609 {strides = array<i32>} : memref<16x128xf32, #tpu.memory_space<vmem>>, vector<1x16xf32>,
    %broadcast_in_dim3A_610 = arith.constant 0.000000e+00 : f32
    %broadcast_in_dim3A_611 = vector.broadcast %broadcast_in_dim3A_610 : f32 to vector<16xf32>
    %swap3A_612 = arith.constant 9 : i32
    %swap3A_613 = arith.index_cast %swap3A_612 : i32 to index
    %swap3A_614 = arith.constant 48 : index
    %swap3A_615 = tpu.vector_load %arg13[%swap3A_613, %swap3A_614] {strides = array<i32>} : memref<16x128xf32, #tpu.memory_space<vmem>>, vector<1x16xf32>,
    %swap3A_616 = vector.shape_cast %swap3A_615 : vector<1x16xf32> to vector<16xf32>
    %swap3A_617 = vector.shape_cast %broadcast_in_dim3A_611 : vector<16xf32> to vector<1x16xf32>
    tpu.vector_store %arg13[%swap3A_613, %swap3A_614], %swap3A_617 {strides = array<i32>} : memref<16x128xf32, #tpu.memory_space<vmem>>, vector<1x16xf32>,
    %broadcast_in_dim3A_618 = arith.constant 0.000000e+00 : f32
    %broadcast_in_dim3A_619 = vector.broadcast %broadcast_in_dim3A_618 : f32 to vector<16xf32>
    %swap3A_620 = arith.constant 9 : i32
    %swap3A_621 = arith.index_cast %swap3A_620 : i32 to index
    %swap3A_622 = arith.constant 64 : index
    %swap3A_623 = tpu.vector_load %arg13[%swap3A_621, %swap3A_622] {strides = array<i32>} : memref<16x128xf32, #tpu.memory_space<vmem>>, vector<1x16xf32>,
    %swap3A_624 = vector.shape_cast %swap3A_623 : vector<1x16xf32> to vector<16xf32>
    %swap3A_625 = vector.shape_cast %broadcast_in_dim3A_619 : vector<16xf32> to vector<1x16xf32>
    tpu.vector_store %arg13[%swap3A_621, %swap3A_622], %swap3A_625 {strides = array<i32>} : memref<16x128xf32, #tpu.memory_space<vmem>>, vector<1x16xf32>,
    %broadcast_in_dim3A_626 = arith.constant 0.000000e+00 : f32
    %broadcast_in_dim3A_627 = vector.broadcast %broadcast_in_dim3A_626 : f32 to vector<16xf32>
    %swap3A_628 = arith.constant 9 : i32
    %swap3A_629 = arith.index_cast %swap3A_628 : i32 to index
    %swap3A_630 = arith.constant 80 : index
    %swap3A_631 = tpu.vector_load %arg13[%swap3A_629, %swap3A_630] {strides = array<i32>} : memref<16x128xf32, #tpu.memory_space<vmem>>, vector<1x16xf32>,
    %swap3A_632 = vector.shape_cast %swap3A_631 : vector<1x16xf32> to vector<16xf32>
    %swap3A_633 = vector.shape_cast %broadcast_in_dim3A_627 : vector<16xf32> to vector<1x16xf32>
    tpu.vector_store %arg13[%swap3A_629, %swap3A_630], %swap3A_633 {strides = array<i32>} : memref<16x128xf32, #tpu.memory_space<vmem>>, vector<1x16xf32>,
    %broadcast_in_dim3A_634 = arith.constant 0.000000e+00 : f32
    %broadcast_in_dim3A_635 = vector.broadcast %broadcast_in_dim3A_634 : f32 to vector<16xf32>
    %swap3A_636 = arith.constant 9 : i32
    %swap3A_637 = arith.index_cast %swap3A_636 : i32 to index
    %swap3A_638 = arith.constant 96 : index
    %swap3A_639 = tpu.vector_load %arg13[%swap3A_637, %swap3A_638] {strides = array<i32>} : memref<16x128xf32, #tpu.memory_space<vmem>>, vector<1x16xf32>,
    %swap3A_640 = vector.shape_cast %swap3A_639 : vector<1x16xf32> to vector<16xf32>
    %swap3A_641 = vector.shape_cast %broadcast_in_dim3A_635 : vector<16xf32> to vector<1x16xf32>
    tpu.vector_store %arg13[%swap3A_637, %swap3A_638], %swap3A_641 {strides = array<i32>} : memref<16x128xf32, #tpu.memory_space<vmem>>, vector<1x16xf32>,
    %broadcast_in_dim3A_642 = arith.constant 0.000000e+00 : f32
    %broadcast_in_dim3A_643 = vector.broadcast %broadcast_in_dim3A_642 : f32 to vector<16xf32>
    %swap3A_644 = arith.constant 9 : i32
    %swap3A_645 = arith.index_cast %swap3A_644 : i32 to index
    %swap3A_646 = arith.constant 112 : index
    %swap3A_647 = tpu.vector_load %arg13[%swap3A_645, %swap3A_646] {strides = array<i32>} : memref<16x128xf32, #tpu.memory_space<vmem>>, vector<1x16xf32>,
    %swap3A_648 = vector.shape_cast %swap3A_647 : vector<1x16xf32> to vector<16xf32>
    %swap3A_649 = vector.shape_cast %broadcast_in_dim3A_643 : vector<16xf32> to vector<1x16xf32>
    tpu.vector_store %arg13[%swap3A_645, %swap3A_646], %swap3A_649 {strides = array<i32>} : memref<16x128xf32, #tpu.memory_space<vmem>>, vector<1x16xf32>,
    %broadcast_in_dim3A_650 = arith.constant 0.000000e+00 : f32
    %broadcast_in_dim3A_651 = vector.broadcast %broadcast_in_dim3A_650 : f32 to vector<16xf32>
    %swap3A_652 = arith.constant 10 : i32
    %swap3A_653 = arith.index_cast %swap3A_652 : i32 to index
    %swap3A_654 = arith.constant 0 : index
    %swap3A_655 = tpu.vector_load %arg13[%swap3A_653, %swap3A_654] {strides = array<i32>} : memref<16x128xf32, #tpu.memory_space<vmem>>, vector<1x16xf32>,
    %swap3A_656 = vector.shape_cast %swap3A_655 : vector<1x16xf32> to vector<16xf32>
    %swap3A_657 = vector.shape_cast %broadcast_in_dim3A_651 : vector<16xf32> to vector<1x16xf32>
    tpu.vector_store %arg13[%swap3A_653, %swap3A_654], %swap3A_657 {strides = array<i32>} : memref<16x128xf32, #tpu.memory_space<vmem>>, vector<1x16xf32>,
    %broadcast_in_dim3A_658 = arith.constant 0.000000e+00 : f32
    %broadcast_in_dim3A_659 = vector.broadcast %broadcast_in_dim3A_658 : f32 to vector<16xf32>
    %swap3A_660 = arith.constant 10 : i32
    %swap3A_661 = arith.index_cast %swap3A_660 : i32 to index
    %swap3A_662 = arith.constant 16 : index
    %swap3A_663 = tpu.vector_load %arg13[%swap3A_661, %swap3A_662] {strides = array<i32>} : memref<16x128xf32, #tpu.memory_space<vmem>>, vector<1x16xf32>,
    %swap3A_664 = vector.shape_cast %swap3A_663 : vector<1x16xf32> to vector<16xf32>
    %swap3A_665 = vector.shape_cast %broadcast_in_dim3A_659 : vector<16xf32> to vector<1x16xf32>
    tpu.vector_store %arg13[%swap3A_661, %swap3A_662], %swap3A_665 {strides = array<i32>} : memref<16x128xf32, #tpu.memory_space<vmem>>, vector<1x16xf32>,
    %broadcast_in_dim3A_666 = arith.constant 0.000000e+00 : f32
    %broadcast_in_dim3A_667 = vector.broadcast %broadcast_in_dim3A_666 : f32 to vector<16xf32>
    %swap3A_668 = arith.constant 10 : i32
    %swap3A_669 = arith.index_cast %swap3A_668 : i32 to index
    %swap3A_670 = arith.constant 32 : index
    %swap3A_671 = tpu.vector_load %arg13[%swap3A_669, %swap3A_670] {strides = array<i32>} : memref<16x128xf32, #tpu.memory_space<vmem>>, vector<1x16xf32>,
    %swap3A_672 = vector.shape_cast %swap3A_671 : vector<1x16xf32> to vector<16xf32>
    %swap3A_673 = vector.shape_cast %broadcast_in_dim3A_667 : vector<16xf32> to vector<1x16xf32>
    tpu.vector_store %arg13[%swap3A_669, %swap3A_670], %swap3A_673 {strides = array<i32>} : memref<16x128xf32, #tpu.memory_space<vmem>>, vector<1x16xf32>,
    %broadcast_in_dim3A_674 = arith.constant 0.000000e+00 : f32
    %broadcast_in_dim3A_675 = vector.broadcast %broadcast_in_dim3A_674 : f32 to vector<16xf32>
    %swap3A_676 = arith.constant 10 : i32
    %swap3A_677 = arith.index_cast %swap3A_676 : i32 to index
    %swap3A_678 = arith.constant 48 : index
    %swap3A_679 = tpu.vector_load %arg13[%swap3A_677, %swap3A_678] {strides = array<i32>} : memref<16x128xf32, #tpu.memory_space<vmem>>, vector<1x16xf32>,
    %swap3A_680 = vector.shape_cast %swap3A_679 : vector<1x16xf32> to vector<16xf32>
    %swap3A_681 = vector.shape_cast %broadcast_in_dim3A_675 : vector<16xf32> to vector<1x16xf32>
    tpu.vector_store %arg13[%swap3A_677, %swap3A_678], %swap3A_681 {strides = array<i32>} : memref<16x128xf32, #tpu.memory_space<vmem>>, vector<1x16xf32>,
    %broadcast_in_dim3A_682 = arith.constant 0.000000e+00 : f32
    %broadcast_in_dim3A_683 = vector.broadcast %broadcast_in_dim3A_682 : f32 to vector<16xf32>
    %swap3A_684 = arith.constant 10 : i32
    %swap3A_685 = arith.index_cast %swap3A_684 : i32 to index
    %swap3A_686 = arith.constant 64 : index
    %swap3A_687 = tpu.vector_load %arg13[%swap3A_685, %swap3A_686] {strides = array<i32>} : memref<16x128xf32, #tpu.memory_space<vmem>>, vector<1x16xf32>,
    %swap3A_688 = vector.shape_cast %swap3A_687 : vector<1x16xf32> to vector<16xf32>
    %swap3A_689 = vector.shape_cast %broadcast_in_dim3A_683 : vector<16xf32> to vector<1x16xf32>
    tpu.vector_store %arg13[%swap3A_685, %swap3A_686], %swap3A_689 {strides = array<i32>} : memref<16x128xf32, #tpu.memory_space<vmem>>, vector<1x16xf32>,
    %broadcast_in_dim3A_690 = arith.constant 0.000000e+00 : f32
    %broadcast_in_dim3A_691 = vector.broadcast %broadcast_in_dim3A_690 : f32 to vector<16xf32>
    %swap3A_692 = arith.constant 10 : i32
    %swap3A_693 = arith.index_cast %swap3A_692 : i32 to index
    %swap3A_694 = arith.constant 80 : index
    %swap3A_695 = tpu.vector_load %arg13[%swap3A_693, %swap3A_694] {strides = array<i32>} : memref<16x128xf32, #tpu.memory_space<vmem>>, vector<1x16xf32>,
    %swap3A_696 = vector.shape_cast %swap3A_695 : vector<1x16xf32> to vector<16xf32>
    %swap3A_697 = vector.shape_cast %broadcast_in_dim3A_691 : vector<16xf32> to vector<1x16xf32>
    tpu.vector_store %arg13[%swap3A_693, %swap3A_694], %swap3A_697 {strides = array<i32>} : memref<16x128xf32, #tpu.memory_space<vmem>>, vector<1x16xf32>,
    %broadcast_in_dim3A_698 = arith.constant 0.000000e+00 : f32
    %broadcast_in_dim3A_699 = vector.broadcast %broadcast_in_dim3A_698 : f32 to vector<16xf32>
    %swap3A_700 = arith.constant 10 : i32
    %swap3A_701 = arith.index_cast %swap3A_700 : i32 to index
    %swap3A_702 = arith.constant 96 : index
    %swap3A_703 = tpu.vector_load %arg13[%swap3A_701, %swap3A_702] {strides = array<i32>} : memref<16x128xf32, #tpu.memory_space<vmem>>, vector<1x16xf32>,
    %swap3A_704 = vector.shape_cast %swap3A_703 : vector<1x16xf32> to vector<16xf32>
    %swap3A_705 = vector.shape_cast %broadcast_in_dim3A_699 : vector<16xf32> to vector<1x16xf32>
    tpu.vector_store %arg13[%swap3A_701, %swap3A_702], %swap3A_705 {strides = array<i32>} : memref<16x128xf32, #tpu.memory_space<vmem>>, vector<1x16xf32>,
    %broadcast_in_dim3A_706 = arith.constant 0.000000e+00 : f32
    %broadcast_in_dim3A_707 = vector.broadcast %broadcast_in_dim3A_706 : f32 to vector<16xf32>
    %swap3A_708 = arith.constant 10 : i32
    %swap3A_709 = arith.index_cast %swap3A_708 : i32 to index
    %swap3A_710 = arith.constant 112 : index
    %swap3A_711 = tpu.vector_load %arg13[%swap3A_709, %swap3A_710] {strides = array<i32>} : memref<16x128xf32, #tpu.memory_space<vmem>>, vector<1x16xf32>,
    %swap3A_712 = vector.shape_cast %swap3A_711 : vector<1x16xf32> to vector<16xf32>
    %swap3A_713 = vector.shape_cast %broadcast_in_dim3A_707 : vector<16xf32> to vector<1x16xf32>
    tpu.vector_store %arg13[%swap3A_709, %swap3A_710], %swap3A_713 {strides = array<i32>} : memref<16x128xf32, #tpu.memory_space<vmem>>, vector<1x16xf32>,
    %broadcast_in_dim3A_714 = arith.constant 0.000000e+00 : f32
    %broadcast_in_dim3A_715 = vector.broadcast %broadcast_in_dim3A_714 : f32 to vector<16xf32>
    %swap3A_716 = arith.constant 11 : i32
    %swap3A_717 = arith.index_cast %swap3A_716 : i32 to index
    %swap3A_718 = arith.constant 0 : index
    %swap3A_719 = tpu.vector_load %arg13[%swap3A_717, %swap3A_718] {strides = array<i32>} : memref<16x128xf32, #tpu.memory_space<vmem>>, vector<1x16xf32>,
    %swap3A_720 = vector.shape_cast %swap3A_719 : vector<1x16xf32> to vector<16xf32>
    %swap3A_721 = vector.shape_cast %broadcast_in_dim3A_715 : vector<16xf32> to vector<1x16xf32>
    tpu.vector_store %arg13[%swap3A_717, %swap3A_718], %swap3A_721 {strides = array<i32>} : memref<16x128xf32, #tpu.memory_space<vmem>>, vector<1x16xf32>,
    %broadcast_in_dim3A_722 = arith.constant 0.000000e+00 : f32
    %broadcast_in_dim3A_723 = vector.broadcast %broadcast_in_dim3A_722 : f32 to vector<16xf32>
    %swap3A_724 = arith.constant 11 : i32
    %swap3A_725 = arith.index_cast %swap3A_724 : i32 to index
    %swap3A_726 = arith.constant 16 : index
    %swap3A_727 = tpu.vector_load %arg13[%swap3A_725, %swap3A_726] {strides = array<i32>} : memref<16x128xf32, #tpu.memory_space<vmem>>, vector<1x16xf32>,
    %swap3A_728 = vector.shape_cast %swap3A_727 : vector<1x16xf32> to vector<16xf32>
    %swap3A_729 = vector.shape_cast %broadcast_in_dim3A_723 : vector<16xf32> to vector<1x16xf32>
    tpu.vector_store %arg13[%swap3A_725, %swap3A_726], %swap3A_729 {strides = array<i32>} : memref<16x128xf32, #tpu.memory_space<vmem>>, vector<1x16xf32>,
    %broadcast_in_dim3A_730 = arith.constant 0.000000e+00 : f32
    %broadcast_in_dim3A_731 = vector.broadcast %broadcast_in_dim3A_730 : f32 to vector<16xf32>
    %swap3A_732 = arith.constant 11 : i32
    %swap3A_733 = arith.index_cast %swap3A_732 : i32 to index
    %swap3A_734 = arith.constant 32 : index
    %swap3A_735 = tpu.vector_load %arg13[%swap3A_733, %swap3A_734] {strides = array<i32>} : memref<16x128xf32, #tpu.memory_space<vmem>>, vector<1x16xf32>,
    %swap3A_736 = vector.shape_cast %swap3A_735 : vector<1x16xf32> to vector<16xf32>
    %swap3A_737 = vector.shape_cast %broadcast_in_dim3A_731 : vector<16xf32> to vector<1x16xf32>
    tpu.vector_store %arg13[%swap3A_733, %swap3A_734], %swap3A_737 {strides = array<i32>} : memref<16x128xf32, #tpu.memory_space<vmem>>, vector<1x16xf32>,
    %broadcast_in_dim3A_738 = arith.constant 0.000000e+00 : f32
    %broadcast_in_dim3A_739 = vector.broadcast %broadcast_in_dim3A_738 : f32 to vector<16xf32>
    %swap3A_740 = arith.constant 11 : i32
    %swap3A_741 = arith.index_cast %swap3A_740 : i32 to index
    %swap3A_742 = arith.constant 48 : index
    %swap3A_743 = tpu.vector_load %arg13[%swap3A_741, %swap3A_742] {strides = array<i32>} : memref<16x128xf32, #tpu.memory_space<vmem>>, vector<1x16xf32>,
    %swap3A_744 = vector.shape_cast %swap3A_743 : vector<1x16xf32> to vector<16xf32>
    %swap3A_745 = vector.shape_cast %broadcast_in_dim3A_739 : vector<16xf32> to vector<1x16xf32>
    tpu.vector_store %arg13[%swap3A_741, %swap3A_742], %swap3A_745 {strides = array<i32>} : memref<16x128xf32, #tpu.memory_space<vmem>>, vector<1x16xf32>,
    %broadcast_in_dim3A_746 = arith.constant 0.000000e+00 : f32
    %broadcast_in_dim3A_747 = vector.broadcast %broadcast_in_dim3A_746 : f32 to vector<16xf32>
    %swap3A_748 = arith.constant 11 : i32
    %swap3A_749 = arith.index_cast %swap3A_748 : i32 to index
    %swap3A_750 = arith.constant 64 : index
    %swap3A_751 = tpu.vector_load %arg13[%swap3A_749, %swap3A_750] {strides = array<i32>} : memref<16x128xf32, #tpu.memory_space<vmem>>, vector<1x16xf32>,
    %swap3A_752 = vector.shape_cast %swap3A_751 : vector<1x16xf32> to vector<16xf32>
    %swap3A_753 = vector.shape_cast %broadcast_in_dim3A_747 : vector<16xf32> to vector<1x16xf32>
    tpu.vector_store %arg13[%swap3A_749, %swap3A_750], %swap3A_753 {strides = array<i32>} : memref<16x128xf32, #tpu.memory_space<vmem>>, vector<1x16xf32>,
    %broadcast_in_dim3A_754 = arith.constant 0.000000e+00 : f32
    %broadcast_in_dim3A_755 = vector.broadcast %broadcast_in_dim3A_754 : f32 to vector<16xf32>
    %swap3A_756 = arith.constant 11 : i32
    %swap3A_757 = arith.index_cast %swap3A_756 : i32 to index
    %swap3A_758 = arith.constant 80 : index
    %swap3A_759 = tpu.vector_load %arg13[%swap3A_757, %swap3A_758] {strides = array<i32>} : memref<16x128xf32, #tpu.memory_space<vmem>>, vector<1x16xf32>,
    %swap3A_760 = vector.shape_cast %swap3A_759 : vector<1x16xf32> to vector<16xf32>
    %swap3A_761 = vector.shape_cast %broadcast_in_dim3A_755 : vector<16xf32> to vector<1x16xf32>
    tpu.vector_store %arg13[%swap3A_757, %swap3A_758], %swap3A_761 {strides = array<i32>} : memref<16x128xf32, #tpu.memory_space<vmem>>, vector<1x16xf32>,
    %broadcast_in_dim3A_762 = arith.constant 0.000000e+00 : f32
    %broadcast_in_dim3A_763 = vector.broadcast %broadcast_in_dim3A_762 : f32 to vector<16xf32>
    %swap3A_764 = arith.constant 11 : i32
    %swap3A_765 = arith.index_cast %swap3A_764 : i32 to index
    %swap3A_766 = arith.constant 96 : index
    %swap3A_767 = tpu.vector_load %arg13[%swap3A_765, %swap3A_766] {strides = array<i32>} : memref<16x128xf32, #tpu.memory_space<vmem>>, vector<1x16xf32>,
    %swap3A_768 = vector.shape_cast %swap3A_767 : vector<1x16xf32> to vector<16xf32>
    %swap3A_769 = vector.shape_cast %broadcast_in_dim3A_763 : vector<16xf32> to vector<1x16xf32>
    tpu.vector_store %arg13[%swap3A_765, %swap3A_766], %swap3A_769 {strides = array<i32>} : memref<16x128xf32, #tpu.memory_space<vmem>>, vector<1x16xf32>,
    %broadcast_in_dim3A_770 = arith.constant 0.000000e+00 : f32
    %broadcast_in_dim3A_771 = vector.broadcast %broadcast_in_dim3A_770 : f32 to vector<16xf32>
    %swap3A_772 = arith.constant 11 : i32
    %swap3A_773 = arith.index_cast %swap3A_772 : i32 to index
    %swap3A_774 = arith.constant 112 : index
    %swap3A_775 = tpu.vector_load %arg13[%swap3A_773, %swap3A_774] {strides = array<i32>} : memref<16x128xf32, #tpu.memory_space<vmem>>, vector<1x16xf32>,
    %swap3A_776 = vector.shape_cast %swap3A_775 : vector<1x16xf32> to vector<16xf32>
    %swap3A_777 = vector.shape_cast %broadcast_in_dim3A_771 : vector<16xf32> to vector<1x16xf32>
    tpu.vector_store %arg13[%swap3A_773, %swap3A_774], %swap3A_777 {strides = array<i32>} : memref<16x128xf32, #tpu.memory_space<vmem>>, vector<1x16xf32>,
    %broadcast_in_dim3A_778 = arith.constant 0.000000e+00 : f32
    %broadcast_in_dim3A_779 = vector.broadcast %broadcast_in_dim3A_778 : f32 to vector<16xf32>
    %swap3A_780 = arith.constant 12 : i32
    %swap3A_781 = arith.index_cast %swap3A_780 : i32 to index
    %swap3A_782 = arith.constant 0 : index
    %swap3A_783 = tpu.vector_load %arg13[%swap3A_781, %swap3A_782] {strides = array<i32>} : memref<16x128xf32, #tpu.memory_space<vmem>>, vector<1x16xf32>,
    %swap3A_784 = vector.shape_cast %swap3A_783 : vector<1x16xf32> to vector<16xf32>
    %swap3A_785 = vector.shape_cast %broadcast_in_dim3A_779 : vector<16xf32> to vector<1x16xf32>
    tpu.vector_store %arg13[%swap3A_781, %swap3A_782], %swap3A_785 {strides = array<i32>} : memref<16x128xf32, #tpu.memory_space<vmem>>, vector<1x16xf32>,
    %broadcast_in_dim3A_786 = arith.constant 0.000000e+00 : f32
    %broadcast_in_dim3A_787 = vector.broadcast %broadcast_in_dim3A_786 : f32 to vector<16xf32>
    %swap3A_788 = arith.constant 12 : i32
    %swap3A_789 = arith.index_cast %swap3A_788 : i32 to index
    %swap3A_790 = arith.constant 16 : index
    %swap3A_791 = tpu.vector_load %arg13[%swap3A_789, %swap3A_790] {strides = array<i32>} : memref<16x128xf32, #tpu.memory_space<vmem>>, vector<1x16xf32>,
    %swap3A_792 = vector.shape_cast %swap3A_791 : vector<1x16xf32> to vector<16xf32>
    %swap3A_793 = vector.shape_cast %broadcast_in_dim3A_787 : vector<16xf32> to vector<1x16xf32>
    tpu.vector_store %arg13[%swap3A_789, %swap3A_790], %swap3A_793 {strides = array<i32>} : memref<16x128xf32, #tpu.memory_space<vmem>>, vector<1x16xf32>,
    %broadcast_in_dim3A_794 = arith.constant 0.000000e+00 : f32
    %broadcast_in_dim3A_795 = vector.broadcast %broadcast_in_dim3A_794 : f32 to vector<16xf32>
    %swap3A_796 = arith.constant 12 : i32
    %swap3A_797 = arith.index_cast %swap3A_796 : i32 to index
    %swap3A_798 = arith.constant 32 : index
    %swap3A_799 = tpu.vector_load %arg13[%swap3A_797, %swap3A_798] {strides = array<i32>} : memref<16x128xf32, #tpu.memory_space<vmem>>, vector<1x16xf32>,
    %swap3A_800 = vector.shape_cast %swap3A_799 : vector<1x16xf32> to vector<16xf32>
    %swap3A_801 = vector.shape_cast %broadcast_in_dim3A_795 : vector<16xf32> to vector<1x16xf32>
    tpu.vector_store %arg13[%swap3A_797, %swap3A_798], %swap3A_801 {strides = array<i32>} : memref<16x128xf32, #tpu.memory_space<vmem>>, vector<1x16xf32>,
    %broadcast_in_dim3A_802 = arith.constant 0.000000e+00 : f32
    %broadcast_in_dim3A_803 = vector.broadcast %broadcast_in_dim3A_802 : f32 to vector<16xf32>
    %swap3A_804 = arith.constant 12 : i32
    %swap3A_805 = arith.index_cast %swap3A_804 : i32 to index
    %swap3A_806 = arith.constant 48 : index
    %swap3A_807 = tpu.vector_load %arg13[%swap3A_805, %swap3A_806] {strides = array<i32>} : memref<16x128xf32, #tpu.memory_space<vmem>>, vector<1x16xf32>,
    %swap3A_808 = vector.shape_cast %swap3A_807 : vector<1x16xf32> to vector<16xf32>
    %swap3A_809 = vector.shape_cast %broadcast_in_dim3A_803 : vector<16xf32> to vector<1x16xf32>
    tpu.vector_store %arg13[%swap3A_805, %swap3A_806], %swap3A_809 {strides = array<i32>} : memref<16x128xf32, #tpu.memory_space<vmem>>, vector<1x16xf32>,
    %broadcast_in_dim3A_810 = arith.constant 0.000000e+00 : f32
    %broadcast_in_dim3A_811 = vector.broadcast %broadcast_in_dim3A_810 : f32 to vector<16xf32>
    %swap3A_812 = arith.constant 12 : i32
    %swap3A_813 = arith.index_cast %swap3A_812 : i32 to index
    %swap3A_814 = arith.constant 64 : index
    %swap3A_815 = tpu.vector_load %arg13[%swap3A_813, %swap3A_814] {strides = array<i32>} : memref<16x128xf32, #tpu.memory_space<vmem>>, vector<1x16xf32>,
    %swap3A_816 = vector.shape_cast %swap3A_815 : vector<1x16xf32> to vector<16xf32>
    %swap3A_817 = vector.shape_cast %broadcast_in_dim3A_811 : vector<16xf32> to vector<1x16xf32>
    tpu.vector_store %arg13[%swap3A_813, %swap3A_814], %swap3A_817 {strides = array<i32>} : memref<16x128xf32, #tpu.memory_space<vmem>>, vector<1x16xf32>,
    %broadcast_in_dim3A_818 = arith.constant 0.000000e+00 : f32
    %broadcast_in_dim3A_819 = vector.broadcast %broadcast_in_dim3A_818 : f32 to vector<16xf32>
    %swap3A_820 = arith.constant 12 : i32
    %swap3A_821 = arith.index_cast %swap3A_820 : i32 to index
    %swap3A_822 = arith.constant 80 : index
    %swap3A_823 = tpu.vector_load %arg13[%swap3A_821, %swap3A_822] {strides = array<i32>} : memref<16x128xf32, #tpu.memory_space<vmem>>, vector<1x16xf32>,
    %swap3A_824 = vector.shape_cast %swap3A_823 : vector<1x16xf32> to vector<16xf32>
    %swap3A_825 = vector.shape_cast %broadcast_in_dim3A_819 : vector<16xf32> to vector<1x16xf32>
    tpu.vector_store %arg13[%swap3A_821, %swap3A_822], %swap3A_825 {strides = array<i32>} : memref<16x128xf32, #tpu.memory_space<vmem>>, vector<1x16xf32>,
    %broadcast_in_dim3A_826 = arith.constant 0.000000e+00 : f32
    %broadcast_in_dim3A_827 = vector.broadcast %broadcast_in_dim3A_826 : f32 to vector<16xf32>
    %swap3A_828 = arith.constant 12 : i32
    %swap3A_829 = arith.index_cast %swap3A_828 : i32 to index
    %swap3A_830 = arith.constant 96 : index
    %swap3A_831 = tpu.vector_load %arg13[%swap3A_829, %swap3A_830] {strides = array<i32>} : memref<16x128xf32, #tpu.memory_space<vmem>>, vector<1x16xf32>,
    %swap3A_832 = vector.shape_cast %swap3A_831 : vector<1x16xf32> to vector<16xf32>
    %swap3A_833 = vector.shape_cast %broadcast_in_dim3A_827 : vector<16xf32> to vector<1x16xf32>
    tpu.vector_store %arg13[%swap3A_829, %swap3A_830], %swap3A_833 {strides = array<i32>} : memref<16x128xf32, #tpu.memory_space<vmem>>, vector<1x16xf32>,
    %broadcast_in_dim3A_834 = arith.constant 0.000000e+00 : f32
    %broadcast_in_dim3A_835 = vector.broadcast %broadcast_in_dim3A_834 : f32 to vector<16xf32>
    %swap3A_836 = arith.constant 12 : i32
    %swap3A_837 = arith.index_cast %swap3A_836 : i32 to index
    %swap3A_838 = arith.constant 112 : index
    %swap3A_839 = tpu.vector_load %arg13[%swap3A_837, %swap3A_838] {strides = array<i32>} : memref<16x128xf32, #tpu.memory_space<vmem>>, vector<1x16xf32>,
    %swap3A_840 = vector.shape_cast %swap3A_839 : vector<1x16xf32> to vector<16xf32>
    %swap3A_841 = vector.shape_cast %broadcast_in_dim3A_835 : vector<16xf32> to vector<1x16xf32>
    tpu.vector_store %arg13[%swap3A_837, %swap3A_838], %swap3A_841 {strides = array<i32>} : memref<16x128xf32, #tpu.memory_space<vmem>>, vector<1x16xf32>,
    %broadcast_in_dim3A_842 = arith.constant 0.000000e+00 : f32
    %broadcast_in_dim3A_843 = vector.broadcast %broadcast_in_dim3A_842 : f32 to vector<16xf32>
    %swap3A_844 = arith.constant 13 : i32
    %swap3A_845 = arith.index_cast %swap3A_844 : i32 to index
    %swap3A_846 = arith.constant 0 : index
    %swap3A_847 = tpu.vector_load %arg13[%swap3A_845, %swap3A_846] {strides = array<i32>} : memref<16x128xf32, #tpu.memory_space<vmem>>, vector<1x16xf32>,
    %swap3A_848 = vector.shape_cast %swap3A_847 : vector<1x16xf32> to vector<16xf32>
    %swap3A_849 = vector.shape_cast %broadcast_in_dim3A_843 : vector<16xf32> to vector<1x16xf32>
    tpu.vector_store %arg13[%swap3A_845, %swap3A_846], %swap3A_849 {strides = array<i32>} : memref<16x128xf32, #tpu.memory_space<vmem>>, vector<1x16xf32>,
    %broadcast_in_dim3A_850 = arith.constant 0.000000e+00 : f32
    %broadcast_in_dim3A_851 = vector.broadcast %broadcast_in_dim3A_850 : f32 to vector<16xf32>
    %swap3A_852 = arith.constant 13 : i32
    %swap3A_853 = arith.index_cast %swap3A_852 : i32 to index
    %swap3A_854 = arith.constant 16 : index
    %swap3A_855 = tpu.vector_load %arg13[%swap3A_853, %swap3A_854] {strides = array<i32>} : memref<16x128xf32, #tpu.memory_space<vmem>>, vector<1x16xf32>,
    %swap3A_856 = vector.shape_cast %swap3A_855 : vector<1x16xf32> to vector<16xf32>
    %swap3A_857 = vector.shape_cast %broadcast_in_dim3A_851 : vector<16xf32> to vector<1x16xf32>
    tpu.vector_store %arg13[%swap3A_853, %swap3A_854], %swap3A_857 {strides = array<i32>} : memref<16x128xf32, #tpu.memory_space<vmem>>, vector<1x16xf32>,
    %broadcast_in_dim3A_858 = arith.constant 0.000000e+00 : f32
    %broadcast_in_dim3A_859 = vector.broadcast %broadcast_in_dim3A_858 : f32 to vector<16xf32>
    %swap3A_860 = arith.constant 13 : i32
    %swap3A_861 = arith.index_cast %swap3A_860 : i32 to index
    %swap3A_862 = arith.constant 32 : index
    %swap3A_863 = tpu.vector_load %arg13[%swap3A_861, %swap3A_862] {strides = array<i32>} : memref<16x128xf32, #tpu.memory_space<vmem>>, vector<1x16xf32>,
    %swap3A_864 = vector.shape_cast %swap3A_863 : vector<1x16xf32> to vector<16xf32>
    %swap3A_865 = vector.shape_cast %broadcast_in_dim3A_859 : vector<16xf32> to vector<1x16xf32>
    tpu.vector_store %arg13[%swap3A_861, %swap3A_862], %swap3A_865 {strides = array<i32>} : memref<16x128xf32, #tpu.memory_space<vmem>>, vector<1x16xf32>,
    %broadcast_in_dim3A_866 = arith.constant 0.000000e+00 : f32
    %broadcast_in_dim3A_867 = vector.broadcast %broadcast_in_dim3A_866 : f32 to vector<16xf32>
    %swap3A_868 = arith.constant 13 : i32
    %swap3A_869 = arith.index_cast %swap3A_868 : i32 to index
    %swap3A_870 = arith.constant 48 : index
    %swap3A_871 = tpu.vector_load %arg13[%swap3A_869, %swap3A_870] {strides = array<i32>} : memref<16x128xf32, #tpu.memory_space<vmem>>, vector<1x16xf32>,
    %swap3A_872 = vector.shape_cast %swap3A_871 : vector<1x16xf32> to vector<16xf32>
    %swap3A_873 = vector.shape_cast %broadcast_in_dim3A_867 : vector<16xf32> to vector<1x16xf32>
    tpu.vector_store %arg13[%swap3A_869, %swap3A_870], %swap3A_873 {strides = array<i32>} : memref<16x128xf32, #tpu.memory_space<vmem>>, vector<1x16xf32>,
    %broadcast_in_dim3A_874 = arith.constant 0.000000e+00 : f32
    %broadcast_in_dim3A_875 = vector.broadcast %broadcast_in_dim3A_874 : f32 to vector<16xf32>
    %swap3A_876 = arith.constant 13 : i32
    %swap3A_877 = arith.index_cast %swap3A_876 : i32 to index
    %swap3A_878 = arith.constant 64 : index
    %swap3A_879 = tpu.vector_load %arg13[%swap3A_877, %swap3A_878] {strides = array<i32>} : memref<16x128xf32, #tpu.memory_space<vmem>>, vector<1x16xf32>,
    %swap3A_880 = vector.shape_cast %swap3A_879 : vector<1x16xf32> to vector<16xf32>
    %swap3A_881 = vector.shape_cast %broadcast_in_dim3A_875 : vector<16xf32> to vector<1x16xf32>
    tpu.vector_store %arg13[%swap3A_877, %swap3A_878], %swap3A_881 {strides = array<i32>} : memref<16x128xf32, #tpu.memory_space<vmem>>, vector<1x16xf32>,
    %broadcast_in_dim3A_882 = arith.constant 0.000000e+00 : f32
    %broadcast_in_dim3A_883 = vector.broadcast %broadcast_in_dim3A_882 : f32 to vector<16xf32>
    %swap3A_884 = arith.constant 13 : i32
    %swap3A_885 = arith.index_cast %swap3A_884 : i32 to index
    %swap3A_886 = arith.constant 80 : index
    %swap3A_887 = tpu.vector_load %arg13[%swap3A_885, %swap3A_886] {strides = array<i32>} : memref<16x128xf32, #tpu.memory_space<vmem>>, vector<1x16xf32>,
    %swap3A_888 = vector.shape_cast %swap3A_887 : vector<1x16xf32> to vector<16xf32>
    %swap3A_889 = vector.shape_cast %broadcast_in_dim3A_883 : vector<16xf32> to vector<1x16xf32>
    tpu.vector_store %arg13[%swap3A_885, %swap3A_886], %swap3A_889 {strides = array<i32>} : memref<16x128xf32, #tpu.memory_space<vmem>>, vector<1x16xf32>,
    %broadcast_in_dim3A_890 = arith.constant 0.000000e+00 : f32
    %broadcast_in_dim3A_891 = vector.broadcast %broadcast_in_dim3A_890 : f32 to vector<16xf32>
    %swap3A_892 = arith.constant 13 : i32
    %swap3A_893 = arith.index_cast %swap3A_892 : i32 to index
    %swap3A_894 = arith.constant 96 : index
    %swap3A_895 = tpu.vector_load %arg13[%swap3A_893, %swap3A_894] {strides = array<i32>} : memref<16x128xf32, #tpu.memory_space<vmem>>, vector<1x16xf32>,
    %swap3A_896 = vector.shape_cast %swap3A_895 : vector<1x16xf32> to vector<16xf32>
    %swap3A_897 = vector.shape_cast %broadcast_in_dim3A_891 : vector<16xf32> to vector<1x16xf32>
    tpu.vector_store %arg13[%swap3A_893, %swap3A_894], %swap3A_897 {strides = array<i32>} : memref<16x128xf32, #tpu.memory_space<vmem>>, vector<1x16xf32>,
    %broadcast_in_dim3A_898 = arith.constant 0.000000e+00 : f32
    %broadcast_in_dim3A_899 = vector.broadcast %broadcast_in_dim3A_898 : f32 to vector<16xf32>
    %swap3A_900 = arith.constant 13 : i32
    %swap3A_901 = arith.index_cast %swap3A_900 : i32 to index
    %swap3A_902 = arith.constant 112 : index
    %swap3A_903 = tpu.vector_load %arg13[%swap3A_901, %swap3A_902] {strides = array<i32>} : memref<16x128xf32, #tpu.memory_space<vmem>>, vector<1x16xf32>,
    %swap3A_904 = vector.shape_cast %swap3A_903 : vector<1x16xf32> to vector<16xf32>
    %swap3A_905 = vector.shape_cast %broadcast_in_dim3A_899 : vector<16xf32> to vector<1x16xf32>
    tpu.vector_store %arg13[%swap3A_901, %swap3A_902], %swap3A_905 {strides = array<i32>} : memref<16x128xf32, #tpu.memory_space<vmem>>, vector<1x16xf32>,
    %broadcast_in_dim3A_906 = arith.constant 0.000000e+00 : f32
    %broadcast_in_dim3A_907 = vector.broadcast %broadcast_in_dim3A_906 : f32 to vector<16xf32>
    %swap3A_908 = arith.constant 14 : i32
    %swap3A_909 = arith.index_cast %swap3A_908 : i32 to index
    %swap3A_910 = arith.constant 0 : index
    %swap3A_911 = tpu.vector_load %arg13[%swap3A_909, %swap3A_910] {strides = array<i32>} : memref<16x128xf32, #tpu.memory_space<vmem>>, vector<1x16xf32>,
    %swap3A_912 = vector.shape_cast %swap3A_911 : vector<1x16xf32> to vector<16xf32>
    %swap3A_913 = vector.shape_cast %broadcast_in_dim3A_907 : vector<16xf32> to vector<1x16xf32>
    tpu.vector_store %arg13[%swap3A_909, %swap3A_910], %swap3A_913 {strides = array<i32>} : memref<16x128xf32, #tpu.memory_space<vmem>>, vector<1x16xf32>,
    %broadcast_in_dim3A_914 = arith.constant 0.000000e+00 : f32
    %broadcast_in_dim3A_915 = vector.broadcast %broadcast_in_dim3A_914 : f32 to vector<16xf32>
    %swap3A_916 = arith.constant 14 : i32
    %swap3A_917 = arith.index_cast %swap3A_916 : i32 to index
    %swap3A_918 = arith.constant 16 : index
    %swap3A_919 = tpu.vector_load %arg13[%swap3A_917, %swap3A_918] {strides = array<i32>} : memref<16x128xf32, #tpu.memory_space<vmem>>, vector<1x16xf32>,
    %swap3A_920 = vector.shape_cast %swap3A_919 : vector<1x16xf32> to vector<16xf32>
    %swap3A_921 = vector.shape_cast %broadcast_in_dim3A_915 : vector<16xf32> to vector<1x16xf32>
    tpu.vector_store %arg13[%swap3A_917, %swap3A_918], %swap3A_921 {strides = array<i32>} : memref<16x128xf32, #tpu.memory_space<vmem>>, vector<1x16xf32>,
    %broadcast_in_dim3A_922 = arith.constant 0.000000e+00 : f32
    %broadcast_in_dim3A_923 = vector.broadcast %broadcast_in_dim3A_922 : f32 to vector<16xf32>
    %swap3A_924 = arith.constant 14 : i32
    %swap3A_925 = arith.index_cast %swap3A_924 : i32 to index
    %swap3A_926 = arith.constant 32 : index
    %swap3A_927 = tpu.vector_load %arg13[%swap3A_925, %swap3A_926] {strides = array<i32>} : memref<16x128xf32, #tpu.memory_space<vmem>>, vector<1x16xf32>,
    %swap3A_928 = vector.shape_cast %swap3A_927 : vector<1x16xf32> to vector<16xf32>
    %swap3A_929 = vector.shape_cast %broadcast_in_dim3A_923 : vector<16xf32> to vector<1x16xf32>
    tpu.vector_store %arg13[%swap3A_925, %swap3A_926], %swap3A_929 {strides = array<i32>} : memref<16x128xf32, #tpu.memory_space<vmem>>, vector<1x16xf32>,
    %broadcast_in_dim3A_930 = arith.constant 0.000000e+00 : f32
    %broadcast_in_dim3A_931 = vector.broadcast %broadcast_in_dim3A_930 : f32 to vector<16xf32>
    %swap3A_932 = arith.constant 14 : i32
    %swap3A_933 = arith.index_cast %swap3A_932 : i32 to index
    %swap3A_934 = arith.constant 48 : index
    %swap3A_935 = tpu.vector_load %arg13[%swap3A_933, %swap3A_934] {strides = array<i32>} : memref<16x128xf32, #tpu.memory_space<vmem>>, vector<1x16xf32>,
    %swap3A_936 = vector.shape_cast %swap3A_935 : vector<1x16xf32> to vector<16xf32>
    %swap3A_937 = vector.shape_cast %broadcast_in_dim3A_931 : vector<16xf32> to vector<1x16xf32>
    tpu.vector_store %arg13[%swap3A_933, %swap3A_934], %swap3A_937 {strides = array<i32>} : memref<16x128xf32, #tpu.memory_space<vmem>>, vector<1x16xf32>,
    %broadcast_in_dim3A_938 = arith.constant 0.000000e+00 : f32
    %broadcast_in_dim3A_939 = vector.broadcast %broadcast_in_dim3A_938 : f32 to vector<16xf32>
    %swap3A_940 = arith.constant 14 : i32
    %swap3A_941 = arith.index_cast %swap3A_940 : i32 to index
    %swap3A_942 = arith.constant 64 : index
    %swap3A_943 = tpu.vector_load %arg13[%swap3A_941, %swap3A_942] {strides = array<i32>} : memref<16x128xf32, #tpu.memory_space<vmem>>, vector<1x16xf32>,
    %swap3A_944 = vector.shape_cast %swap3A_943 : vector<1x16xf32> to vector<16xf32>
    %swap3A_945 = vector.shape_cast %broadcast_in_dim3A_939 : vector<16xf32> to vector<1x16xf32>
    tpu.vector_store %arg13[%swap3A_941, %swap3A_942], %swap3A_945 {strides = array<i32>} : memref<16x128xf32, #tpu.memory_space<vmem>>, vector<1x16xf32>,
    %broadcast_in_dim3A_946 = arith.constant 0.000000e+00 : f32
    %broadcast_in_dim3A_947 = vector.broadcast %broadcast_in_dim3A_946 : f32 to vector<16xf32>
    %swap3A_948 = arith.constant 14 : i32
    %swap3A_949 = arith.index_cast %swap3A_948 : i32 to index
    %swap3A_950 = arith.constant 80 : index
    %swap3A_951 = tpu.vector_load %arg13[%swap3A_949, %swap3A_950] {strides = array<i32>} : memref<16x128xf32, #tpu.memory_space<vmem>>, vector<1x16xf32>,
    %swap3A_952 = vector.shape_cast %swap3A_951 : vector<1x16xf32> to vector<16xf32>
    %swap3A_953 = vector.shape_cast %broadcast_in_dim3A_947 : vector<16xf32> to vector<1x16xf32>
    tpu.vector_store %arg13[%swap3A_949, %swap3A_950], %swap3A_953 {strides = array<i32>} : memref<16x128xf32, #tpu.memory_space<vmem>>, vector<1x16xf32>,
    %broadcast_in_dim3A_954 = arith.constant 0.000000e+00 : f32
    %broadcast_in_dim3A_955 = vector.broadcast %broadcast_in_dim3A_954 : f32 to vector<16xf32>
    %swap3A_956 = arith.constant 14 : i32
    %swap3A_957 = arith.index_cast %swap3A_956 : i32 to index
    %swap3A_958 = arith.constant 96 : index
    %swap3A_959 = tpu.vector_load %arg13[%swap3A_957, %swap3A_958] {strides = array<i32>} : memref<16x128xf32, #tpu.memory_space<vmem>>, vector<1x16xf32>,
    %swap3A_960 = vector.shape_cast %swap3A_959 : vector<1x16xf32> to vector<16xf32>
    %swap3A_961 = vector.shape_cast %broadcast_in_dim3A_955 : vector<16xf32> to vector<1x16xf32>
    tpu.vector_store %arg13[%swap3A_957, %swap3A_958], %swap3A_961 {strides = array<i32>} : memref<16x128xf32, #tpu.memory_space<vmem>>, vector<1x16xf32>,
    %broadcast_in_dim3A_962 = arith.constant 0.000000e+00 : f32
    %broadcast_in_dim3A_963 = vector.broadcast %broadcast_in_dim3A_962 : f32 to vector<16xf32>
    %swap3A_964 = arith.constant 14 : i32
    %swap3A_965 = arith.index_cast %swap3A_964 : i32 to index
    %swap3A_966 = arith.constant 112 : index
    %swap3A_967 = tpu.vector_load %arg13[%swap3A_965, %swap3A_966] {strides = array<i32>} : memref<16x128xf32, #tpu.memory_space<vmem>>, vector<1x16xf32>,
    %swap3A_968 = vector.shape_cast %swap3A_967 : vector<1x16xf32> to vector<16xf32>
    %swap3A_969 = vector.shape_cast %broadcast_in_dim3A_963 : vector<16xf32> to vector<1x16xf32>
    tpu.vector_store %arg13[%swap3A_965, %swap3A_966], %swap3A_969 {strides = array<i32>} : memref<16x128xf32, #tpu.memory_space<vmem>>, vector<1x16xf32>,
    %broadcast_in_dim3A_970 = arith.constant 0.000000e+00 : f32
    %broadcast_in_dim3A_971 = vector.broadcast %broadcast_in_dim3A_970 : f32 to vector<16xf32>
    %swap3A_972 = arith.constant 15 : i32
    %swap3A_973 = arith.index_cast %swap3A_972 : i32 to index
    %swap3A_974 = arith.constant 0 : index
    %swap3A_975 = tpu.vector_load %arg13[%swap3A_973, %swap3A_974] {strides = array<i32>} : memref<16x128xf32, #tpu.memory_space<vmem>>, vector<1x16xf32>,
    %swap3A_976 = vector.shape_cast %swap3A_975 : vector<1x16xf32> to vector<16xf32>
    %swap3A_977 = vector.shape_cast %broadcast_in_dim3A_971 : vector<16xf32> to vector<1x16xf32>
    tpu.vector_store %arg13[%swap3A_973, %swap3A_974], %swap3A_977 {strides = array<i32>} : memref<16x128xf32, #tpu.memory_space<vmem>>, vector<1x16xf32>,
    %broadcast_in_dim3A_978 = arith.constant 0.000000e+00 : f32
    %broadcast_in_dim3A_979 = vector.broadcast %broadcast_in_dim3A_978 : f32 to vector<16xf32>
    %swap3A_980 = arith.constant 15 : i32
    %swap3A_981 = arith.index_cast %swap3A_980 : i32 to index
    %swap3A_982 = arith.constant 16 : index
    %swap3A_983 = tpu.vector_load %arg13[%swap3A_981, %swap3A_982] {strides = array<i32>} : memref<16x128xf32, #tpu.memory_space<vmem>>, vector<1x16xf32>,
    %swap3A_984 = vector.shape_cast %swap3A_983 : vector<1x16xf32> to vector<16xf32>
    %swap3A_985 = vector.shape_cast %broadcast_in_dim3A_979 : vector<16xf32> to vector<1x16xf32>
    tpu.vector_store %arg13[%swap3A_981, %swap3A_982], %swap3A_985 {strides = array<i32>} : memref<16x128xf32, #tpu.memory_space<vmem>>, vector<1x16xf32>,
    %broadcast_in_dim3A_986 = arith.constant 0.000000e+00 : f32
    %broadcast_in_dim3A_987 = vector.broadcast %broadcast_in_dim3A_986 : f32 to vector<16xf32>
    %swap3A_988 = arith.constant 15 : i32
    %swap3A_989 = arith.index_cast %swap3A_988 : i32 to index
    %swap3A_990 = arith.constant 32 : index
    %swap3A_991 = tpu.vector_load %arg13[%swap3A_989, %swap3A_990] {strides = array<i32>} : memref<16x128xf32, #tpu.memory_space<vmem>>, vector<1x16xf32>,
    %swap3A_992 = vector.shape_cast %swap3A_991 : vector<1x16xf32> to vector<16xf32>
    %swap3A_993 = vector.shape_cast %broadcast_in_dim3A_987 : vector<16xf32> to vector<1x16xf32>
    tpu.vector_store %arg13[%swap3A_989, %swap3A_990], %swap3A_993 {strides = array<i32>} : memref<16x128xf32, #tpu.memory_space<vmem>>, vector<1x16xf32>,
    %broadcast_in_dim3A_994 = arith.constant 0.000000e+00 : f32
    %broadcast_in_dim3A_995 = vector.broadcast %broadcast_in_dim3A_994 : f32 to vector<16xf32>
    %swap3A_996 = arith.constant 15 : i32
    %swap3A_997 = arith.index_cast %swap3A_996 : i32 to index
    %swap3A_998 = arith.constant 48 : index
    %swap3A_999 = tpu.vector_load %arg13[%swap3A_997, %swap3A_998] {strides = array<i32>} : memref<16x128xf32, #tpu.memory_space<vmem>>, vector<1x16xf32>,
    %swap3A_1000 = vector.shape_cast %swap3A_999 : vector<1x16xf32> to vector<16xf32>
    %swap3A_1001 = vector.shape_cast %broadcast_in_dim3A_995 : vector<16xf32> to vector<1x16xf32>
    tpu.vector_store %arg13[%swap3A_997, %swap3A_998], %swap3A_1001 {strides = array<i32>} : memref<16x128xf32, #tpu.memory_space<vmem>>, vector<1x16xf32>,
    %broadcast_in_dim3A_1002 = arith.constant 0.000000e+00 : f32
    %broadcast_in_dim3A_1003 = vector.broadcast %broadcast_in_dim3A_1002 : f32 to vector<16xf32>
    %swap3A_1004 = arith.constant 15 : i32
    %swap3A_1005 = arith.index_cast %swap3A_1004 : i32 to index
    %swap3A_1006 = arith.constant 64 : index
    %swap3A_1007 = tpu.vector_load %arg13[%swap3A_1005, %swap3A_1006] {strides = array<i32>} : memref<16x128xf32, #tpu.memory_space<vmem>>, vector<1x16xf32>,
    %swap3A_1008 = vector.shape_cast %swap3A_1007 : vector<1x16xf32> to vector<16xf32>
    %swap3A_1009 = vector.shape_cast %broadcast_in_dim3A_1003 : vector<16xf32> to vector<1x16xf32>
    tpu.vector_store %arg13[%swap3A_1005, %swap3A_1006], %swap3A_1009 {strides = array<i32>} : memref<16x128xf32, #tpu.memory_space<vmem>>, vector<1x16xf32>,
    %broadcast_in_dim3A_1010 = arith.constant 0.000000e+00 : f32
    %broadcast_in_dim3A_1011 = vector.broadcast %broadcast_in_dim3A_1010 : f32 to vector<16xf32>
    %swap3A_1012 = arith.constant 15 : i32
    %swap3A_1013 = arith.index_cast %swap3A_1012 : i32 to index
    %swap3A_1014 = arith.constant 80 : index
    %swap3A_1015 = tpu.vector_load %arg13[%swap3A_1013, %swap3A_1014] {strides = array<i32>} : memref<16x128xf32, #tpu.memory_space<vmem>>, vector<1x16xf32>,
    %swap3A_1016 = vector.shape_cast %swap3A_1015 : vector<1x16xf32> to vector<16xf32>
    %swap3A_1017 = vector.shape_cast %broadcast_in_dim3A_1011 : vector<16xf32> to vector<1x16xf32>
    tpu.vector_store %arg13[%swap3A_1013, %swap3A_1014], %swap3A_1017 {strides = array<i32>} : memref<16x128xf32, #tpu.memory_space<vmem>>, vector<1x16xf32>,
    %broadcast_in_dim3A_1018 = arith.constant 0.000000e+00 : f32
    %broadcast_in_dim3A_1019 = vector.broadcast %broadcast_in_dim3A_1018 : f32 to vector<16xf32>
    %swap3A_1020 = arith.constant 15 : i32
    %swap3A_1021 = arith.index_cast %swap3A_1020 : i32 to index
    %swap3A_1022 = arith.constant 96 : index
    %swap3A_1023 = tpu.vector_load %arg13[%swap3A_1021, %swap3A_1022] {strides = array<i32>} : memref<16x128xf32, #tpu.memory_space<vmem>>, vector<1x16xf32>,
    %swap3A_1024 = vector.shape_cast %swap3A_1023 : vector<1x16xf32> to vector<16xf32>
    %swap3A_1025 = vector.shape_cast %broadcast_in_dim3A_1019 : vector<16xf32> to vector<1x16xf32>
    tpu.vector_store %arg13[%swap3A_1021, %swap3A_1022], %swap3A_1025 {strides = array<i32>} : memref<16x128xf32, #tpu.memory_space<vmem>>, vector<1x16xf32>,
    %broadcast_in_dim3A_1026 = arith.constant 0.000000e+00 : f32
    %broadcast_in_dim3A_1027 = vector.broadcast %broadcast_in_dim3A_1026 : f32 to vector<16xf32>
    %swap3A_1028 = arith.constant 15 : i32
    %swap3A_1029 = arith.index_cast %swap3A_1028 : i32 to index
    %swap3A_1030 = arith.constant 112 : index
    %swap3A_1031 = tpu.vector_load %arg13[%swap3A_1029, %swap3A_1030] {strides = array<i32>} : memref<16x128xf32, #tpu.memory_space<vmem>>, vector<1x16xf32>,
    %swap3A_1032 = vector.shape_cast %swap3A_1031 : vector<1x16xf32> to vector<16xf32>
    %swap3A_1033 = vector.shape_cast %broadcast_in_dim3A_1027 : vector<16xf32> to vector<1x16xf32>
    tpu.vector_store %arg13[%swap3A_1029, %swap3A_1030], %swap3A_1033 {strides = array<i32>} : memref<16x128xf32, #tpu.memory_space<vmem>>, vector<1x16xf32>,
    %mul3A_1034 = arith.constant 640 : i32
    %mul3A_1035 = arith.muli %arg1, %mul3A_1034 : i32
    %add3A_1036 = arith.constant 0 : i32
    %add3A_1037 = arith.addi %mul3A_1035, %add3A_1036 : i32
    "tpu.region"() ({
      %run_scoped3A = tpu.sem_alloc : memref<!tpu.dma_semaphore, #tpu.memory_space<semaphore_mem>>
      %dma_start3A_1235 = arith.constant 0 : i32
      %dma_start3A_1236 = tpu.memref_slice %arg14[%add3A_1037, %dma_start3A_1235] : memref<10240x128xf32, #tpu.memory_space<vmem_shared>> -> memref<16x128xf32, #tpu.memory_space<vmem_shared>>
      %dma_start3A_1237 = arith.constant 0 : i32
      %dma_start3A_1238 = tpu.memref_slice %arg14[%add3A_1037, %dma_start3A_1237] : memref<10240x128xf32, #tpu.memory_space<vmem_shared>> -> memref<16x128xf32, #tpu.memory_space<vmem_shared>>
      tpu.enqueue_dma source(%arg13 : memref<16x128xf32, #tpu.memory_space<vmem>>) target(%dma_start3A_1238 : memref<16x128xf32, #tpu.memory_space<vmem_shared>>) target_semaphore(%run_scoped3A : memref<!tpu.dma_semaphore, #tpu.memory_space<semaphore_mem>>)
      %dma_wait3A_1239 = arith.constant 0 : i32
      %dma_wait3A_1240 = tpu.memref_slice %arg14[%add3A_1037, %dma_wait3A_1239] : memref<10240x128xf32, #tpu.memory_space<vmem_shared>> -> memref<16x128xf32, #tpu.memory_space<vmem_shared>>
      %dma_wait3A_1241 = arith.constant 0 : i32
      %dma_wait3A_1242 = tpu.memref_slice %arg14[%add3A_1037, %dma_wait3A_1241] : memref<10240x128xf32, #tpu.memory_space<vmem_shared>> -> memref<16x128xf32, #tpu.memory_space<vmem_shared>>
      tpu.wait_dma2 semaphore(%run_scoped3A : memref<!tpu.dma_semaphore, #tpu.memory_space<semaphore_mem>>) src(%arg13 : memref<16x128xf32, #tpu.memory_space<vmem>>) dst(%dma_wait3A_1242 : memref<16x128xf32, #tpu.memory_space<vmem_shared>>)
      tpu.yield
    }) : () -> ()
    %mul3A_1038 = arith.constant 640 : i32
    %mul3A_1039 = arith.muli %arg1, %mul3A_1038 : i32
    %add3A_1040 = arith.constant 16 : i32
    %add3A_1041 = arith.addi %mul3A_1039, %add3A_1040 : i32
    "tpu.region"() ({
      %run_scoped3A = tpu.sem_alloc : memref<!tpu.dma_semaphore, #tpu.memory_space<semaphore_mem>>
      %dma_start3A_1235 = arith.constant 0 : i32
      %dma_start3A_1236 = tpu.memref_slice %arg14[%add3A_1041, %dma_start3A_1235] : memref<10240x128xf32, #tpu.memory_space<vmem_shared>> -> memref<16x128xf32, #tpu.memory_space<vmem_shared>>
      %dma_start3A_1237 = arith.constant 0 : i32
      %dma_start3A_1238 = tpu.memref_slice %arg14[%add3A_1041, %dma_start3A_1237] : memref<10240x128xf32, #tpu.memory_space<vmem_shared>> -> memref<16x128xf32, #tpu.memory_space<vmem_shared>>
      tpu.enqueue_dma source(%arg13 : memref<16x128xf32, #tpu.memory_space<vmem>>) target(%dma_start3A_1238 : memref<16x128xf32, #tpu.memory_space<vmem_shared>>) target_semaphore(%run_scoped3A : memref<!tpu.dma_semaphore, #tpu.memory_space<semaphore_mem>>)
      %dma_wait3A_1239 = arith.constant 0 : i32
      %dma_wait3A_1240 = tpu.memref_slice %arg14[%add3A_1041, %dma_wait3A_1239] : memref<10240x128xf32, #tpu.memory_space<vmem_shared>> -> memref<16x128xf32, #tpu.memory_space<vmem_shared>>
      %dma_wait3A_1241 = arith.constant 0 : i32
      %dma_wait3A_1242 = tpu.memref_slice %arg14[%add3A_1041, %dma_wait3A_1241] : memref<10240x128xf32, #tpu.memory_space<vmem_shared>> -> memref<16x128xf32, #tpu.memory_space<vmem_shared>>
      tpu.wait_dma2 semaphore(%run_scoped3A : memref<!tpu.dma_semaphore, #tpu.memory_space<semaphore_mem>>) src(%arg13 : memref<16x128xf32, #tpu.memory_space<vmem>>) dst(%dma_wait3A_1242 : memref<16x128xf32, #tpu.memory_space<vmem_shared>>)
      tpu.yield
    }) : () -> ()
    %mul3A_1042 = arith.constant 640 : i32
    %mul3A_1043 = arith.muli %arg1, %mul3A_1042 : i32
    %add3A_1044 = arith.constant 32 : i32
    %add3A_1045 = arith.addi %mul3A_1043, %add3A_1044 : i32
    "tpu.region"() ({
      %run_scoped3A = tpu.sem_alloc : memref<!tpu.dma_semaphore, #tpu.memory_space<semaphore_mem>>
      %dma_start3A_1235 = arith.constant 0 : i32
      %dma_start3A_1236 = tpu.memref_slice %arg14[%add3A_1045, %dma_start3A_1235] : memref<10240x128xf32, #tpu.memory_space<vmem_shared>> -> memref<16x128xf32, #tpu.memory_space<vmem_shared>>
      %dma_start3A_1237 = arith.constant 0 : i32
      %dma_start3A_1238 = tpu.memref_slice %arg14[%add3A_1045, %dma_start3A_1237] : memref<10240x128xf32, #tpu.memory_space<vmem_shared>> -> memref<16x128xf32, #tpu.memory_space<vmem_shared>>
      tpu.enqueue_dma source(%arg13 : memref<16x128xf32, #tpu.memory_space<vmem>>) target(%dma_start3A_1238 : memref<16x128xf32, #tpu.memory_space<vmem_shared>>) target_semaphore(%run_scoped3A : memref<!tpu.dma_semaphore, #tpu.memory_space<semaphore_mem>>)
      %dma_wait3A_1239 = arith.constant 0 : i32
      %dma_wait3A_1240 = tpu.memref_slice %arg14[%add3A_1045, %dma_wait3A_1239] : memref<10240x128xf32, #tpu.memory_space<vmem_shared>> -> memref<16x128xf32, #tpu.memory_space<vmem_shared>>
      %dma_wait3A_1241 = arith.constant 0 : i32
      %dma_wait3A_1242 = tpu.memref_slice %arg14[%add3A_1045, %dma_wait3A_1241] : memref<10240x128xf32, #tpu.memory_space<vmem_shared>> -> memref<16x128xf32, #tpu.memory_space<vmem_shared>>
      tpu.wait_dma2 semaphore(%run_scoped3A : memref<!tpu.dma_semaphore, #tpu.memory_space<semaphore_mem>>) src(%arg13 : memref<16x128xf32, #tpu.memory_space<vmem>>) dst(%dma_wait3A_1242 : memref<16x128xf32, #tpu.memory_space<vmem_shared>>)
      tpu.yield
    }) : () -> ()
    %mul3A_1046 = arith.constant 640 : i32
    %mul3A_1047 = arith.muli %arg1, %mul3A_1046 : i32
    %add3A_1048 = arith.constant 48 : i32
    %add3A_1049 = arith.addi %mul3A_1047, %add3A_1048 : i32
    "tpu.region"() ({
      %run_scoped3A = tpu.sem_alloc : memref<!tpu.dma_semaphore, #tpu.memory_space<semaphore_mem>>
      %dma_start3A_1235 = arith.constant 0 : i32
      %dma_start3A_1236 = tpu.memref_slice %arg14[%add3A_1049, %dma_start3A_1235] : memref<10240x128xf32, #tpu.memory_space<vmem_shared>> -> memref<16x128xf32, #tpu.memory_space<vmem_shared>>
      %dma_start3A_1237 = arith.constant 0 : i32
      %dma_start3A_1238 = tpu.memref_slice %arg14[%add3A_1049, %dma_start3A_1237] : memref<10240x128xf32, #tpu.memory_space<vmem_shared>> -> memref<16x128xf32, #tpu.memory_space<vmem_shared>>
      tpu.enqueue_dma source(%arg13 : memref<16x128xf32, #tpu.memory_space<vmem>>) target(%dma_start3A_1238 : memref<16x128xf32, #tpu.memory_space<vmem_shared>>) target_semaphore(%run_scoped3A : memref<!tpu.dma_semaphore, #tpu.memory_space<semaphore_mem>>)
      %dma_wait3A_1239 = arith.constant 0 : i32
      %dma_wait3A_1240 = tpu.memref_slice %arg14[%add3A_1049, %dma_wait3A_1239] : memref<10240x128xf32, #tpu.memory_space<vmem_shared>> -> memref<16x128xf32, #tpu.memory_space<vmem_shared>>
      %dma_wait3A_1241 = arith.constant 0 : i32
      %dma_wait3A_1242 = tpu.memref_slice %arg14[%add3A_1049, %dma_wait3A_1241] : memref<10240x128xf32, #tpu.memory_space<vmem_shared>> -> memref<16x128xf32, #tpu.memory_space<vmem_shared>>
      tpu.wait_dma2 semaphore(%run_scoped3A : memref<!tpu.dma_semaphore, #tpu.memory_space<semaphore_mem>>) src(%arg13 : memref<16x128xf32, #tpu.memory_space<vmem>>) dst(%dma_wait3A_1242 : memref<16x128xf32, #tpu.memory_space<vmem_shared>>)
      tpu.yield
    }) : () -> ()
    %mul3A_1050 = arith.constant 640 : i32
    %mul3A_1051 = arith.muli %arg1, %mul3A_1050 : i32
    %add3A_1052 = arith.constant 64 : i32
    %add3A_1053 = arith.addi %mul3A_1051, %add3A_1052 : i32
    "tpu.region"() ({
      %run_scoped3A = tpu.sem_alloc : memref<!tpu.dma_semaphore, #tpu.memory_space<semaphore_mem>>
      %dma_start3A_1235 = arith.constant 0 : i32
      %dma_start3A_1236 = tpu.memref_slice %arg14[%add3A_1053, %dma_start3A_1235] : memref<10240x128xf32, #tpu.memory_space<vmem_shared>> -> memref<16x128xf32, #tpu.memory_space<vmem_shared>>
      %dma_start3A_1237 = arith.constant 0 : i32
      %dma_start3A_1238 = tpu.memref_slice %arg14[%add3A_1053, %dma_start3A_1237] : memref<10240x128xf32, #tpu.memory_space<vmem_shared>> -> memref<16x128xf32, #tpu.memory_space<vmem_shared>>
      tpu.enqueue_dma source(%arg13 : memref<16x128xf32, #tpu.memory_space<vmem>>) target(%dma_start3A_1238 : memref<16x128xf32, #tpu.memory_space<vmem_shared>>) target_semaphore(%run_scoped3A : memref<!tpu.dma_semaphore, #tpu.memory_space<semaphore_mem>>)
      %dma_wait3A_1239 = arith.constant 0 : i32
      %dma_wait3A_1240 = tpu.memref_slice %arg14[%add3A_1053, %dma_wait3A_1239] : memref<10240x128xf32, #tpu.memory_space<vmem_shared>> -> memref<16x128xf32, #tpu.memory_space<vmem_shared>>
      %dma_wait3A_1241 = arith.constant 0 : i32
      %dma_wait3A_1242 = tpu.memref_slice %arg14[%add3A_1053, %dma_wait3A_1241] : memref<10240x128xf32, #tpu.memory_space<vmem_shared>> -> memref<16x128xf32, #tpu.memory_space<vmem_shared>>
      tpu.wait_dma2 semaphore(%run_scoped3A : memref<!tpu.dma_semaphore, #tpu.memory_space<semaphore_mem>>) src(%arg13 : memref<16x128xf32, #tpu.memory_space<vmem>>) dst(%dma_wait3A_1242 : memref<16x128xf32, #tpu.memory_space<vmem_shared>>)
      tpu.yield
    }) : () -> ()
    %mul3A_1054 = arith.constant 640 : i32
    %mul3A_1055 = arith.muli %arg1, %mul3A_1054 : i32
    %add3A_1056 = arith.constant 80 : i32
    %add3A_1057 = arith.addi %mul3A_1055, %add3A_1056 : i32
    "tpu.region"() ({
      %run_scoped3A = tpu.sem_alloc : memref<!tpu.dma_semaphore, #tpu.memory_space<semaphore_mem>>
      %dma_start3A_1235 = arith.constant 0 : i32
      %dma_start3A_1236 = tpu.memref_slice %arg14[%add3A_1057, %dma_start3A_1235] : memref<10240x128xf32, #tpu.memory_space<vmem_shared>> -> memref<16x128xf32, #tpu.memory_space<vmem_shared>>
      %dma_start3A_1237 = arith.constant 0 : i32
      %dma_start3A_1238 = tpu.memref_slice %arg14[%add3A_1057, %dma_start3A_1237] : memref<10240x128xf32, #tpu.memory_space<vmem_shared>> -> memref<16x128xf32, #tpu.memory_space<vmem_shared>>
      tpu.enqueue_dma source(%arg13 : memref<16x128xf32, #tpu.memory_space<vmem>>) target(%dma_start3A_1238 : memref<16x128xf32, #tpu.memory_space<vmem_shared>>) target_semaphore(%run_scoped3A : memref<!tpu.dma_semaphore, #tpu.memory_space<semaphore_mem>>)
      %dma_wait3A_1239 = arith.constant 0 : i32
      %dma_wait3A_1240 = tpu.memref_slice %arg14[%add3A_1057, %dma_wait3A_1239] : memref<10240x128xf32, #tpu.memory_space<vmem_shared>> -> memref<16x128xf32, #tpu.memory_space<vmem_shared>>
      %dma_wait3A_1241 = arith.constant 0 : i32
      %dma_wait3A_1242 = tpu.memref_slice %arg14[%add3A_1057, %dma_wait3A_1241] : memref<10240x128xf32, #tpu.memory_space<vmem_shared>> -> memref<16x128xf32, #tpu.memory_space<vmem_shared>>
      tpu.wait_dma2 semaphore(%run_scoped3A : memref<!tpu.dma_semaphore, #tpu.memory_space<semaphore_mem>>) src(%arg13 : memref<16x128xf32, #tpu.memory_space<vmem>>) dst(%dma_wait3A_1242 : memref<16x128xf32, #tpu.memory_space<vmem_shared>>)
      tpu.yield
    }) : () -> ()
    %mul3A_1058 = arith.constant 640 : i32
    %mul3A_1059 = arith.muli %arg1, %mul3A_1058 : i32
    %add3A_1060 = arith.constant 96 : i32
    %add3A_1061 = arith.addi %mul3A_1059, %add3A_1060 : i32
    "tpu.region"() ({
      %run_scoped3A = tpu.sem_alloc : memref<!tpu.dma_semaphore, #tpu.memory_space<semaphore_mem>>
      %dma_start3A_1235 = arith.constant 0 : i32
      %dma_start3A_1236 = tpu.memref_slice %arg14[%add3A_1061, %dma_start3A_1235] : memref<10240x128xf32, #tpu.memory_space<vmem_shared>> -> memref<16x128xf32, #tpu.memory_space<vmem_shared>>
      %dma_start3A_1237 = arith.constant 0 : i32
      %dma_start3A_1238 = tpu.memref_slice %arg14[%add3A_1061, %dma_start3A_1237] : memref<10240x128xf32, #tpu.memory_space<vmem_shared>> -> memref<16x128xf32, #tpu.memory_space<vmem_shared>>
      tpu.enqueue_dma source(%arg13 : memref<16x128xf32, #tpu.memory_space<vmem>>) target(%dma_start3A_1238 : memref<16x128xf32, #tpu.memory_space<vmem_shared>>) target_semaphore(%run_scoped3A : memref<!tpu.dma_semaphore, #tpu.memory_space<semaphore_mem>>)
      %dma_wait3A_1239 = arith.constant 0 : i32
      %dma_wait3A_1240 = tpu.memref_slice %arg14[%add3A_1061, %dma_wait3A_1239] : memref<10240x128xf32, #tpu.memory_space<vmem_shared>> -> memref<16x128xf32, #tpu.memory_space<vmem_shared>>
      %dma_wait3A_1241 = arith.constant 0 : i32
      %dma_wait3A_1242 = tpu.memref_slice %arg14[%add3A_1061, %dma_wait3A_1241] : memref<10240x128xf32, #tpu.memory_space<vmem_shared>> -> memref<16x128xf32, #tpu.memory_space<vmem_shared>>
      tpu.wait_dma2 semaphore(%run_scoped3A : memref<!tpu.dma_semaphore, #tpu.memory_space<semaphore_mem>>) src(%arg13 : memref<16x128xf32, #tpu.memory_space<vmem>>) dst(%dma_wait3A_1242 : memref<16x128xf32, #tpu.memory_space<vmem_shared>>)
      tpu.yield
    }) : () -> ()
    %mul3A_1062 = arith.constant 640 : i32
    %mul3A_1063 = arith.muli %arg1, %mul3A_1062 : i32
    %add3A_1064 = arith.constant 112 : i32
    %add3A_1065 = arith.addi %mul3A_1063, %add3A_1064 : i32
    "tpu.region"() ({
      %run_scoped3A = tpu.sem_alloc : memref<!tpu.dma_semaphore, #tpu.memory_space<semaphore_mem>>
      %dma_start3A_1235 = arith.constant 0 : i32
      %dma_start3A_1236 = tpu.memref_slice %arg14[%add3A_1065, %dma_start3A_1235] : memref<10240x128xf32, #tpu.memory_space<vmem_shared>> -> memref<16x128xf32, #tpu.memory_space<vmem_shared>>
      %dma_start3A_1237 = arith.constant 0 : i32
      %dma_start3A_1238 = tpu.memref_slice %arg14[%add3A_1065, %dma_start3A_1237] : memref<10240x128xf32, #tpu.memory_space<vmem_shared>> -> memref<16x128xf32, #tpu.memory_space<vmem_shared>>
      tpu.enqueue_dma source(%arg13 : memref<16x128xf32, #tpu.memory_space<vmem>>) target(%dma_start3A_1238 : memref<16x128xf32, #tpu.memory_space<vmem_shared>>) target_semaphore(%run_scoped3A : memref<!tpu.dma_semaphore, #tpu.memory_space<semaphore_mem>>)
      %dma_wait3A_1239 = arith.constant 0 : i32
      %dma_wait3A_1240 = tpu.memref_slice %arg14[%add3A_1065, %dma_wait3A_1239] : memref<10240x128xf32, #tpu.memory_space<vmem_shared>> -> memref<16x128xf32, #tpu.memory_space<vmem_shared>>
      %dma_wait3A_1241 = arith.constant 0 : i32
      %dma_wait3A_1242 = tpu.memref_slice %arg14[%add3A_1065, %dma_wait3A_1241] : memref<10240x128xf32, #tpu.memory_space<vmem_shared>> -> memref<16x128xf32, #tpu.memory_space<vmem_shared>>
      tpu.wait_dma2 semaphore(%run_scoped3A : memref<!tpu.dma_semaphore, #tpu.memory_space<semaphore_mem>>) src(%arg13 : memref<16x128xf32, #tpu.memory_space<vmem>>) dst(%dma_wait3A_1242 : memref<16x128xf32, #tpu.memory_space<vmem_shared>>)
      tpu.yield
    }) : () -> ()
    %mul3A_1066 = arith.constant 640 : i32
    %mul3A_1067 = arith.muli %arg1, %mul3A_1066 : i32
    %add3A_1068 = arith.constant 128 : i32
    %add3A_1069 = arith.addi %mul3A_1067, %add3A_1068 : i32
    "tpu.region"() ({
      %run_scoped3A = tpu.sem_alloc : memref<!tpu.dma_semaphore, #tpu.memory_space<semaphore_mem>>
      %dma_start3A_1235 = arith.constant 0 : i32
      %dma_start3A_1236 = tpu.memref_slice %arg14[%add3A_1069, %dma_start3A_1235] : memref<10240x128xf32, #tpu.memory_space<vmem_shared>> -> memref<16x128xf32, #tpu.memory_space<vmem_shared>>
      %dma_start3A_1237 = arith.constant 0 : i32
      %dma_start3A_1238 = tpu.memref_slice %arg14[%add3A_1069, %dma_start3A_1237] : memref<10240x128xf32, #tpu.memory_space<vmem_shared>> -> memref<16x128xf32, #tpu.memory_space<vmem_shared>>
      tpu.enqueue_dma source(%arg13 : memref<16x128xf32, #tpu.memory_space<vmem>>) target(%dma_start3A_1238 : memref<16x128xf32, #tpu.memory_space<vmem_shared>>) target_semaphore(%run_scoped3A : memref<!tpu.dma_semaphore, #tpu.memory_space<semaphore_mem>>)
      %dma_wait3A_1239 = arith.constant 0 : i32
      %dma_wait3A_1240 = tpu.memref_slice %arg14[%add3A_1069, %dma_wait3A_1239] : memref<10240x128xf32, #tpu.memory_space<vmem_shared>> -> memref<16x128xf32, #tpu.memory_space<vmem_shared>>
      %dma_wait3A_1241 = arith.constant 0 : i32
      %dma_wait3A_1242 = tpu.memref_slice %arg14[%add3A_1069, %dma_wait3A_1241] : memref<10240x128xf32, #tpu.memory_space<vmem_shared>> -> memref<16x128xf32, #tpu.memory_space<vmem_shared>>
      tpu.wait_dma2 semaphore(%run_scoped3A : memref<!tpu.dma_semaphore, #tpu.memory_space<semaphore_mem>>) src(%arg13 : memref<16x128xf32, #tpu.memory_space<vmem>>) dst(%dma_wait3A_1242 : memref<16x128xf32, #tpu.memory_space<vmem_shared>>)
      tpu.yield
    }) : () -> ()
    %mul3A_1070 = arith.constant 640 : i32
    %mul3A_1071 = arith.muli %arg1, %mul3A_1070 : i32
    %add3A_1072 = arith.constant 144 : i32
    %add3A_1073 = arith.addi %mul3A_1071, %add3A_1072 : i32
    "tpu.region"() ({
      %run_scoped3A = tpu.sem_alloc : memref<!tpu.dma_semaphore, #tpu.memory_space<semaphore_mem>>
      %dma_start3A_1235 = arith.constant 0 : i32
      %dma_start3A_1236 = tpu.memref_slice %arg14[%add3A_1073, %dma_start3A_1235] : memref<10240x128xf32, #tpu.memory_space<vmem_shared>> -> memref<16x128xf32, #tpu.memory_space<vmem_shared>>
      %dma_start3A_1237 = arith.constant 0 : i32
      %dma_start3A_1238 = tpu.memref_slice %arg14[%add3A_1073, %dma_start3A_1237] : memref<10240x128xf32, #tpu.memory_space<vmem_shared>> -> memref<16x128xf32, #tpu.memory_space<vmem_shared>>
      tpu.enqueue_dma source(%arg13 : memref<16x128xf32, #tpu.memory_space<vmem>>) target(%dma_start3A_1238 : memref<16x128xf32, #tpu.memory_space<vmem_shared>>) target_semaphore(%run_scoped3A : memref<!tpu.dma_semaphore, #tpu.memory_space<semaphore_mem>>)
      %dma_wait3A_1239 = arith.constant 0 : i32
      %dma_wait3A_1240 = tpu.memref_slice %arg14[%add3A_1073, %dma_wait3A_1239] : memref<10240x128xf32, #tpu.memory_space<vmem_shared>> -> memref<16x128xf32, #tpu.memory_space<vmem_shared>>
      %dma_wait3A_1241 = arith.constant 0 : i32
      %dma_wait3A_1242 = tpu.memref_slice %arg14[%add3A_1073, %dma_wait3A_1241] : memref<10240x128xf32, #tpu.memory_space<vmem_shared>> -> memref<16x128xf32, #tpu.memory_space<vmem_shared>>
      tpu.wait_dma2 semaphore(%run_scoped3A : memref<!tpu.dma_semaphore, #tpu.memory_space<semaphore_mem>>) src(%arg13 : memref<16x128xf32, #tpu.memory_space<vmem>>) dst(%dma_wait3A_1242 : memref<16x128xf32, #tpu.memory_space<vmem_shared>>)
      tpu.yield
    }) : () -> ()
    %mul3A_1074 = arith.constant 640 : i32
    %mul3A_1075 = arith.muli %arg1, %mul3A_1074 : i32
    %add3A_1076 = arith.constant 160 : i32
    %add3A_1077 = arith.addi %mul3A_1075, %add3A_1076 : i32
    "tpu.region"() ({
      %run_scoped3A = tpu.sem_alloc : memref<!tpu.dma_semaphore, #tpu.memory_space<semaphore_mem>>
      %dma_start3A_1235 = arith.constant 0 : i32
      %dma_start3A_1236 = tpu.memref_slice %arg14[%add3A_1077, %dma_start3A_1235] : memref<10240x128xf32, #tpu.memory_space<vmem_shared>> -> memref<16x128xf32, #tpu.memory_space<vmem_shared>>
      %dma_start3A_1237 = arith.constant 0 : i32
      %dma_start3A_1238 = tpu.memref_slice %arg14[%add3A_1077, %dma_start3A_1237] : memref<10240x128xf32, #tpu.memory_space<vmem_shared>> -> memref<16x128xf32, #tpu.memory_space<vmem_shared>>
      tpu.enqueue_dma source(%arg13 : memref<16x128xf32, #tpu.memory_space<vmem>>) target(%dma_start3A_1238 : memref<16x128xf32, #tpu.memory_space<vmem_shared>>) target_semaphore(%run_scoped3A : memref<!tpu.dma_semaphore, #tpu.memory_space<semaphore_mem>>)
      %dma_wait3A_1239 = arith.constant 0 : i32
      %dma_wait3A_1240 = tpu.memref_slice %arg14[%add3A_1077, %dma_wait3A_1239] : memref<10240x128xf32, #tpu.memory_space<vmem_shared>> -> memref<16x128xf32, #tpu.memory_space<vmem_shared>>
      %dma_wait3A_1241 = arith.constant 0 : i32
      %dma_wait3A_1242 = tpu.memref_slice %arg14[%add3A_1077, %dma_wait3A_1241] : memref<10240x128xf32, #tpu.memory_space<vmem_shared>> -> memref<16x128xf32, #tpu.memory_space<vmem_shared>>
      tpu.wait_dma2 semaphore(%run_scoped3A : memref<!tpu.dma_semaphore, #tpu.memory_space<semaphore_mem>>) src(%arg13 : memref<16x128xf32, #tpu.memory_space<vmem>>) dst(%dma_wait3A_1242 : memref<16x128xf32, #tpu.memory_space<vmem_shared>>)
      tpu.yield
    }) : () -> ()
    %mul3A_1078 = arith.constant 640 : i32
    %mul3A_1079 = arith.muli %arg1, %mul3A_1078 : i32
    %add3A_1080 = arith.constant 176 : i32
    %add3A_1081 = arith.addi %mul3A_1079, %add3A_1080 : i32
    "tpu.region"() ({
      %run_scoped3A = tpu.sem_alloc : memref<!tpu.dma_semaphore, #tpu.memory_space<semaphore_mem>>
      %dma_start3A_1235 = arith.constant 0 : i32
      %dma_start3A_1236 = tpu.memref_slice %arg14[%add3A_1081, %dma_start3A_1235] : memref<10240x128xf32, #tpu.memory_space<vmem_shared>> -> memref<16x128xf32, #tpu.memory_space<vmem_shared>>
      %dma_start3A_1237 = arith.constant 0 : i32
      %dma_start3A_1238 = tpu.memref_slice %arg14[%add3A_1081, %dma_start3A_1237] : memref<10240x128xf32, #tpu.memory_space<vmem_shared>> -> memref<16x128xf32, #tpu.memory_space<vmem_shared>>
      tpu.enqueue_dma source(%arg13 : memref<16x128xf32, #tpu.memory_space<vmem>>) target(%dma_start3A_1238 : memref<16x128xf32, #tpu.memory_space<vmem_shared>>) target_semaphore(%run_scoped3A : memref<!tpu.dma_semaphore, #tpu.memory_space<semaphore_mem>>)
      %dma_wait3A_1239 = arith.constant 0 : i32
      %dma_wait3A_1240 = tpu.memref_slice %arg14[%add3A_1081, %dma_wait3A_1239] : memref<10240x128xf32, #tpu.memory_space<vmem_shared>> -> memref<16x128xf32, #tpu.memory_space<vmem_shared>>
      %dma_wait3A_1241 = arith.constant 0 : i32
      %dma_wait3A_1242 = tpu.memref_slice %arg14[%add3A_1081, %dma_wait3A_1241] : memref<10240x128xf32, #tpu.memory_space<vmem_shared>> -> memref<16x128xf32, #tpu.memory_space<vmem_shared>>
      tpu.wait_dma2 semaphore(%run_scoped3A : memref<!tpu.dma_semaphore, #tpu.memory_space<semaphore_mem>>) src(%arg13 : memref<16x128xf32, #tpu.memory_space<vmem>>) dst(%dma_wait3A_1242 : memref<16x128xf32, #tpu.memory_space<vmem_shared>>)
      tpu.yield
    }) : () -> ()
    %mul3A_1082 = arith.constant 640 : i32
    %mul3A_1083 = arith.muli %arg1, %mul3A_1082 : i32
    %add3A_1084 = arith.constant 192 : i32
    %add3A_1085 = arith.addi %mul3A_1083, %add3A_1084 : i32
    "tpu.region"() ({
      %run_scoped3A = tpu.sem_alloc : memref<!tpu.dma_semaphore, #tpu.memory_space<semaphore_mem>>
      %dma_start3A_1235 = arith.constant 0 : i32
      %dma_start3A_1236 = tpu.memref_slice %arg14[%add3A_1085, %dma_start3A_1235] : memref<10240x128xf32, #tpu.memory_space<vmem_shared>> -> memref<16x128xf32, #tpu.memory_space<vmem_shared>>
      %dma_start3A_1237 = arith.constant 0 : i32
      %dma_start3A_1238 = tpu.memref_slice %arg14[%add3A_1085, %dma_start3A_1237] : memref<10240x128xf32, #tpu.memory_space<vmem_shared>> -> memref<16x128xf32, #tpu.memory_space<vmem_shared>>
      tpu.enqueue_dma source(%arg13 : memref<16x128xf32, #tpu.memory_space<vmem>>) target(%dma_start3A_1238 : memref<16x128xf32, #tpu.memory_space<vmem_shared>>) target_semaphore(%run_scoped3A : memref<!tpu.dma_semaphore, #tpu.memory_space<semaphore_mem>>)
      %dma_wait3A_1239 = arith.constant 0 : i32
      %dma_wait3A_1240 = tpu.memref_slice %arg14[%add3A_1085, %dma_wait3A_1239] : memref<10240x128xf32, #tpu.memory_space<vmem_shared>> -> memref<16x128xf32, #tpu.memory_space<vmem_shared>>
      %dma_wait3A_1241 = arith.constant 0 : i32
      %dma_wait3A_1242 = tpu.memref_slice %arg14[%add3A_1085, %dma_wait3A_1241] : memref<10240x128xf32, #tpu.memory_space<vmem_shared>> -> memref<16x128xf32, #tpu.memory_space<vmem_shared>>
      tpu.wait_dma2 semaphore(%run_scoped3A : memref<!tpu.dma_semaphore, #tpu.memory_space<semaphore_mem>>) src(%arg13 : memref<16x128xf32, #tpu.memory_space<vmem>>) dst(%dma_wait3A_1242 : memref<16x128xf32, #tpu.memory_space<vmem_shared>>)
      tpu.yield
    }) : () -> ()
    %mul3A_1086 = arith.constant 640 : i32
    %mul3A_1087 = arith.muli %arg1, %mul3A_1086 : i32
    %add3A_1088 = arith.constant 208 : i32
    %add3A_1089 = arith.addi %mul3A_1087, %add3A_1088 : i32
    "tpu.region"() ({
      %run_scoped3A = tpu.sem_alloc : memref<!tpu.dma_semaphore, #tpu.memory_space<semaphore_mem>>
      %dma_start3A_1235 = arith.constant 0 : i32
      %dma_start3A_1236 = tpu.memref_slice %arg14[%add3A_1089, %dma_start3A_1235] : memref<10240x128xf32, #tpu.memory_space<vmem_shared>> -> memref<16x128xf32, #tpu.memory_space<vmem_shared>>
      %dma_start3A_1237 = arith.constant 0 : i32
      %dma_start3A_1238 = tpu.memref_slice %arg14[%add3A_1089, %dma_start3A_1237] : memref<10240x128xf32, #tpu.memory_space<vmem_shared>> -> memref<16x128xf32, #tpu.memory_space<vmem_shared>>
      tpu.enqueue_dma source(%arg13 : memref<16x128xf32, #tpu.memory_space<vmem>>) target(%dma_start3A_1238 : memref<16x128xf32, #tpu.memory_space<vmem_shared>>) target_semaphore(%run_scoped3A : memref<!tpu.dma_semaphore, #tpu.memory_space<semaphore_mem>>)
      %dma_wait3A_1239 = arith.constant 0 : i32
      %dma_wait3A_1240 = tpu.memref_slice %arg14[%add3A_1089, %dma_wait3A_1239] : memref<10240x128xf32, #tpu.memory_space<vmem_shared>> -> memref<16x128xf32, #tpu.memory_space<vmem_shared>>
      %dma_wait3A_1241 = arith.constant 0 : i32
      %dma_wait3A_1242 = tpu.memref_slice %arg14[%add3A_1089, %dma_wait3A_1241] : memref<10240x128xf32, #tpu.memory_space<vmem_shared>> -> memref<16x128xf32, #tpu.memory_space<vmem_shared>>
      tpu.wait_dma2 semaphore(%run_scoped3A : memref<!tpu.dma_semaphore, #tpu.memory_space<semaphore_mem>>) src(%arg13 : memref<16x128xf32, #tpu.memory_space<vmem>>) dst(%dma_wait3A_1242 : memref<16x128xf32, #tpu.memory_space<vmem_shared>>)
      tpu.yield
    }) : () -> ()
    %mul3A_1090 = arith.constant 640 : i32
    %mul3A_1091 = arith.muli %arg1, %mul3A_1090 : i32
    %add3A_1092 = arith.constant 224 : i32
    %add3A_1093 = arith.addi %mul3A_1091, %add3A_1092 : i32
    "tpu.region"() ({
      %run_scoped3A = tpu.sem_alloc : memref<!tpu.dma_semaphore, #tpu.memory_space<semaphore_mem>>
      %dma_start3A_1235 = arith.constant 0 : i32
      %dma_start3A_1236 = tpu.memref_slice %arg14[%add3A_1093, %dma_start3A_1235] : memref<10240x128xf32, #tpu.memory_space<vmem_shared>> -> memref<16x128xf32, #tpu.memory_space<vmem_shared>>
      %dma_start3A_1237 = arith.constant 0 : i32
      %dma_start3A_1238 = tpu.memref_slice %arg14[%add3A_1093, %dma_start3A_1237] : memref<10240x128xf32, #tpu.memory_space<vmem_shared>> -> memref<16x128xf32, #tpu.memory_space<vmem_shared>>
      tpu.enqueue_dma source(%arg13 : memref<16x128xf32, #tpu.memory_space<vmem>>) target(%dma_start3A_1238 : memref<16x128xf32, #tpu.memory_space<vmem_shared>>) target_semaphore(%run_scoped3A : memref<!tpu.dma_semaphore, #tpu.memory_space<semaphore_mem>>)
      %dma_wait3A_1239 = arith.constant 0 : i32
      %dma_wait3A_1240 = tpu.memref_slice %arg14[%add3A_1093, %dma_wait3A_1239] : memref<10240x128xf32, #tpu.memory_space<vmem_shared>> -> memref<16x128xf32, #tpu.memory_space<vmem_shared>>
      %dma_wait3A_1241 = arith.constant 0 : i32
      %dma_wait3A_1242 = tpu.memref_slice %arg14[%add3A_1093, %dma_wait3A_1241] : memref<10240x128xf32, #tpu.memory_space<vmem_shared>> -> memref<16x128xf32, #tpu.memory_space<vmem_shared>>
      tpu.wait_dma2 semaphore(%run_scoped3A : memref<!tpu.dma_semaphore, #tpu.memory_space<semaphore_mem>>) src(%arg13 : memref<16x128xf32, #tpu.memory_space<vmem>>) dst(%dma_wait3A_1242 : memref<16x128xf32, #tpu.memory_space<vmem_shared>>)
      tpu.yield
    }) : () -> ()
    %mul3A_1094 = arith.constant 640 : i32
    %mul3A_1095 = arith.muli %arg1, %mul3A_1094 : i32
    %add3A_1096 = arith.constant 240 : i32
    %add3A_1097 = arith.addi %mul3A_1095, %add3A_1096 : i32
    "tpu.region"() ({
      %run_scoped3A = tpu.sem_alloc : memref<!tpu.dma_semaphore, #tpu.memory_space<semaphore_mem>>
      %dma_start3A_1235 = arith.constant 0 : i32
      %dma_start3A_1236 = tpu.memref_slice %arg14[%add3A_1097, %dma_start3A_1235] : memref<10240x128xf32, #tpu.memory_space<vmem_shared>> -> memref<16x128xf32, #tpu.memory_space<vmem_shared>>
      %dma_start3A_1237 = arith.constant 0 : i32
      %dma_start3A_1238 = tpu.memref_slice %arg14[%add3A_1097, %dma_start3A_1237] : memref<10240x128xf32, #tpu.memory_space<vmem_shared>> -> memref<16x128xf32, #tpu.memory_space<vmem_shared>>
      tpu.enqueue_dma source(%arg13 : memref<16x128xf32, #tpu.memory_space<vmem>>) target(%dma_start3A_1238 : memref<16x128xf32, #tpu.memory_space<vmem_shared>>) target_semaphore(%run_scoped3A : memref<!tpu.dma_semaphore, #tpu.memory_space<semaphore_mem>>)
      %dma_wait3A_1239 = arith.constant 0 : i32
      %dma_wait3A_1240 = tpu.memref_slice %arg14[%add3A_1097, %dma_wait3A_1239] : memref<10240x128xf32, #tpu.memory_space<vmem_shared>> -> memref<16x128xf32, #tpu.memory_space<vmem_shared>>
      %dma_wait3A_1241 = arith.constant 0 : i32
      %dma_wait3A_1242 = tpu.memref_slice %arg14[%add3A_1097, %dma_wait3A_1241] : memref<10240x128xf32, #tpu.memory_space<vmem_shared>> -> memref<16x128xf32, #tpu.memory_space<vmem_shared>>
      tpu.wait_dma2 semaphore(%run_scoped3A : memref<!tpu.dma_semaphore, #tpu.memory_space<semaphore_mem>>) src(%arg13 : memref<16x128xf32, #tpu.memory_space<vmem>>) dst(%dma_wait3A_1242 : memref<16x128xf32, #tpu.memory_space<vmem_shared>>)
      tpu.yield
    }) : () -> ()
    %mul3A_1098 = arith.constant 640 : i32
    %mul3A_1099 = arith.muli %arg1, %mul3A_1098 : i32
    %add3A_1100 = arith.constant 256 : i32
    %add3A_1101 = arith.addi %mul3A_1099, %add3A_1100 : i32
    "tpu.region"() ({
      %run_scoped3A = tpu.sem_alloc : memref<!tpu.dma_semaphore, #tpu.memory_space<semaphore_mem>>
      %dma_start3A_1235 = arith.constant 0 : i32
      %dma_start3A_1236 = tpu.memref_slice %arg14[%add3A_1101, %dma_start3A_1235] : memref<10240x128xf32, #tpu.memory_space<vmem_shared>> -> memref<16x128xf32, #tpu.memory_space<vmem_shared>>
      %dma_start3A_1237 = arith.constant 0 : i32
      %dma_start3A_1238 = tpu.memref_slice %arg14[%add3A_1101, %dma_start3A_1237] : memref<10240x128xf32, #tpu.memory_space<vmem_shared>> -> memref<16x128xf32, #tpu.memory_space<vmem_shared>>
      tpu.enqueue_dma source(%arg13 : memref<16x128xf32, #tpu.memory_space<vmem>>) target(%dma_start3A_1238 : memref<16x128xf32, #tpu.memory_space<vmem_shared>>) target_semaphore(%run_scoped3A : memref<!tpu.dma_semaphore, #tpu.memory_space<semaphore_mem>>)
      %dma_wait3A_1239 = arith.constant 0 : i32
      %dma_wait3A_1240 = tpu.memref_slice %arg14[%add3A_1101, %dma_wait3A_1239] : memref<10240x128xf32, #tpu.memory_space<vmem_shared>> -> memref<16x128xf32, #tpu.memory_space<vmem_shared>>
      %dma_wait3A_1241 = arith.constant 0 : i32
      %dma_wait3A_1242 = tpu.memref_slice %arg14[%add3A_1101, %dma_wait3A_1241] : memref<10240x128xf32, #tpu.memory_space<vmem_shared>> -> memref<16x128xf32, #tpu.memory_space<vmem_shared>>
      tpu.wait_dma2 semaphore(%run_scoped3A : memref<!tpu.dma_semaphore, #tpu.memory_space<semaphore_mem>>) src(%arg13 : memref<16x128xf32, #tpu.memory_space<vmem>>) dst(%dma_wait3A_1242 : memref<16x128xf32, #tpu.memory_space<vmem_shared>>)
      tpu.yield
    }) : () -> ()
    %mul3A_1102 = arith.constant 640 : i32
    %mul3A_1103 = arith.muli %arg1, %mul3A_1102 : i32
    %add3A_1104 = arith.constant 272 : i32
    %add3A_1105 = arith.addi %mul3A_1103, %add3A_1104 : i32
    "tpu.region"() ({
      %run_scoped3A = tpu.sem_alloc : memref<!tpu.dma_semaphore, #tpu.memory_space<semaphore_mem>>
      %dma_start3A_1235 = arith.constant 0 : i32
      %dma_start3A_1236 = tpu.memref_slice %arg14[%add3A_1105, %dma_start3A_1235] : memref<10240x128xf32, #tpu.memory_space<vmem_shared>> -> memref<16x128xf32, #tpu.memory_space<vmem_shared>>
      %dma_start3A_1237 = arith.constant 0 : i32
      %dma_start3A_1238 = tpu.memref_slice %arg14[%add3A_1105, %dma_start3A_1237] : memref<10240x128xf32, #tpu.memory_space<vmem_shared>> -> memref<16x128xf32, #tpu.memory_space<vmem_shared>>
      tpu.enqueue_dma source(%arg13 : memref<16x128xf32, #tpu.memory_space<vmem>>) target(%dma_start3A_1238 : memref<16x128xf32, #tpu.memory_space<vmem_shared>>) target_semaphore(%run_scoped3A : memref<!tpu.dma_semaphore, #tpu.memory_space<semaphore_mem>>)
      %dma_wait3A_1239 = arith.constant 0 : i32
      %dma_wait3A_1240 = tpu.memref_slice %arg14[%add3A_1105, %dma_wait3A_1239] : memref<10240x128xf32, #tpu.memory_space<vmem_shared>> -> memref<16x128xf32, #tpu.memory_space<vmem_shared>>
      %dma_wait3A_1241 = arith.constant 0 : i32
      %dma_wait3A_1242 = tpu.memref_slice %arg14[%add3A_1105, %dma_wait3A_1241] : memref<10240x128xf32, #tpu.memory_space<vmem_shared>> -> memref<16x128xf32, #tpu.memory_space<vmem_shared>>
      tpu.wait_dma2 semaphore(%run_scoped3A : memref<!tpu.dma_semaphore, #tpu.memory_space<semaphore_mem>>) src(%arg13 : memref<16x128xf32, #tpu.memory_space<vmem>>) dst(%dma_wait3A_1242 : memref<16x128xf32, #tpu.memory_space<vmem_shared>>)
      tpu.yield
    }) : () -> ()
    %mul3A_1106 = arith.constant 640 : i32
    %mul3A_1107 = arith.muli %arg1, %mul3A_1106 : i32
    %add3A_1108 = arith.constant 288 : i32
    %add3A_1109 = arith.addi %mul3A_1107, %add3A_1108 : i32
    "tpu.region"() ({
      %run_scoped3A = tpu.sem_alloc : memref<!tpu.dma_semaphore, #tpu.memory_space<semaphore_mem>>
      %dma_start3A_1235 = arith.constant 0 : i32
      %dma_start3A_1236 = tpu.memref_slice %arg14[%add3A_1109, %dma_start3A_1235] : memref<10240x128xf32, #tpu.memory_space<vmem_shared>> -> memref<16x128xf32, #tpu.memory_space<vmem_shared>>
      %dma_start3A_1237 = arith.constant 0 : i32
      %dma_start3A_1238 = tpu.memref_slice %arg14[%add3A_1109, %dma_start3A_1237] : memref<10240x128xf32, #tpu.memory_space<vmem_shared>> -> memref<16x128xf32, #tpu.memory_space<vmem_shared>>
      tpu.enqueue_dma source(%arg13 : memref<16x128xf32, #tpu.memory_space<vmem>>) target(%dma_start3A_1238 : memref<16x128xf32, #tpu.memory_space<vmem_shared>>) target_semaphore(%run_scoped3A : memref<!tpu.dma_semaphore, #tpu.memory_space<semaphore_mem>>)
      %dma_wait3A_1239 = arith.constant 0 : i32
      %dma_wait3A_1240 = tpu.memref_slice %arg14[%add3A_1109, %dma_wait3A_1239] : memref<10240x128xf32, #tpu.memory_space<vmem_shared>> -> memref<16x128xf32, #tpu.memory_space<vmem_shared>>
      %dma_wait3A_1241 = arith.constant 0 : i32
      %dma_wait3A_1242 = tpu.memref_slice %arg14[%add3A_1109, %dma_wait3A_1241] : memref<10240x128xf32, #tpu.memory_space<vmem_shared>> -> memref<16x128xf32, #tpu.memory_space<vmem_shared>>
      tpu.wait_dma2 semaphore(%run_scoped3A : memref<!tpu.dma_semaphore, #tpu.memory_space<semaphore_mem>>) src(%arg13 : memref<16x128xf32, #tpu.memory_space<vmem>>) dst(%dma_wait3A_1242 : memref<16x128xf32, #tpu.memory_space<vmem_shared>>)
      tpu.yield
    }) : () -> ()
    %mul3A_1110 = arith.constant 640 : i32
    %mul3A_1111 = arith.muli %arg1, %mul3A_1110 : i32
    %add3A_1112 = arith.constant 304 : i32
    %add3A_1113 = arith.addi %mul3A_1111, %add3A_1112 : i32
    "tpu.region"() ({
      %run_scoped3A = tpu.sem_alloc : memref<!tpu.dma_semaphore, #tpu.memory_space<semaphore_mem>>
      %dma_start3A_1235 = arith.constant 0 : i32
      %dma_start3A_1236 = tpu.memref_slice %arg14[%add3A_1113, %dma_start3A_1235] : memref<10240x128xf32, #tpu.memory_space<vmem_shared>> -> memref<16x128xf32, #tpu.memory_space<vmem_shared>>
      %dma_start3A_1237 = arith.constant 0 : i32
      %dma_start3A_1238 = tpu.memref_slice %arg14[%add3A_1113, %dma_start3A_1237] : memref<10240x128xf32, #tpu.memory_space<vmem_shared>> -> memref<16x128xf32, #tpu.memory_space<vmem_shared>>
      tpu.enqueue_dma source(%arg13 : memref<16x128xf32, #tpu.memory_space<vmem>>) target(%dma_start3A_1238 : memref<16x128xf32, #tpu.memory_space<vmem_shared>>) target_semaphore(%run_scoped3A : memref<!tpu.dma_semaphore, #tpu.memory_space<semaphore_mem>>)
      %dma_wait3A_1239 = arith.constant 0 : i32
      %dma_wait3A_1240 = tpu.memref_slice %arg14[%add3A_1113, %dma_wait3A_1239] : memref<10240x128xf32, #tpu.memory_space<vmem_shared>> -> memref<16x128xf32, #tpu.memory_space<vmem_shared>>
      %dma_wait3A_1241 = arith.constant 0 : i32
      %dma_wait3A_1242 = tpu.memref_slice %arg14[%add3A_1113, %dma_wait3A_1241] : memref<10240x128xf32, #tpu.memory_space<vmem_shared>> -> memref<16x128xf32, #tpu.memory_space<vmem_shared>>
      tpu.wait_dma2 semaphore(%run_scoped3A : memref<!tpu.dma_semaphore, #tpu.memory_space<semaphore_mem>>) src(%arg13 : memref<16x128xf32, #tpu.memory_space<vmem>>) dst(%dma_wait3A_1242 : memref<16x128xf32, #tpu.memory_space<vmem_shared>>)
      tpu.yield
    }) : () -> ()
    %mul3A_1114 = arith.constant 640 : i32
    %mul3A_1115 = arith.muli %arg1, %mul3A_1114 : i32
    %add3A_1116 = arith.constant 320 : i32
    %add3A_1117 = arith.addi %mul3A_1115, %add3A_1116 : i32
    "tpu.region"() ({
      %run_scoped3A = tpu.sem_alloc : memref<!tpu.dma_semaphore, #tpu.memory_space<semaphore_mem>>
      %dma_start3A_1235 = arith.constant 0 : i32
      %dma_start3A_1236 = tpu.memref_slice %arg14[%add3A_1117, %dma_start3A_1235] : memref<10240x128xf32, #tpu.memory_space<vmem_shared>> -> memref<16x128xf32, #tpu.memory_space<vmem_shared>>
      %dma_start3A_1237 = arith.constant 0 : i32
      %dma_start3A_1238 = tpu.memref_slice %arg14[%add3A_1117, %dma_start3A_1237] : memref<10240x128xf32, #tpu.memory_space<vmem_shared>> -> memref<16x128xf32, #tpu.memory_space<vmem_shared>>
      tpu.enqueue_dma source(%arg13 : memref<16x128xf32, #tpu.memory_space<vmem>>) target(%dma_start3A_1238 : memref<16x128xf32, #tpu.memory_space<vmem_shared>>) target_semaphore(%run_scoped3A : memref<!tpu.dma_semaphore, #tpu.memory_space<semaphore_mem>>)
      %dma_wait3A_1239 = arith.constant 0 : i32
      %dma_wait3A_1240 = tpu.memref_slice %arg14[%add3A_1117, %dma_wait3A_1239] : memref<10240x128xf32, #tpu.memory_space<vmem_shared>> -> memref<16x128xf32, #tpu.memory_space<vmem_shared>>
      %dma_wait3A_1241 = arith.constant 0 : i32
      %dma_wait3A_1242 = tpu.memref_slice %arg14[%add3A_1117, %dma_wait3A_1241] : memref<10240x128xf32, #tpu.memory_space<vmem_shared>> -> memref<16x128xf32, #tpu.memory_space<vmem_shared>>
      tpu.wait_dma2 semaphore(%run_scoped3A : memref<!tpu.dma_semaphore, #tpu.memory_space<semaphore_mem>>) src(%arg13 : memref<16x128xf32, #tpu.memory_space<vmem>>) dst(%dma_wait3A_1242 : memref<16x128xf32, #tpu.memory_space<vmem_shared>>)
      tpu.yield
    }) : () -> ()
    %mul3A_1118 = arith.constant 640 : i32
    %mul3A_1119 = arith.muli %arg1, %mul3A_1118 : i32
    %add3A_1120 = arith.constant 336 : i32
    %add3A_1121 = arith.addi %mul3A_1119, %add3A_1120 : i32
    "tpu.region"() ({
      %run_scoped3A = tpu.sem_alloc : memref<!tpu.dma_semaphore, #tpu.memory_space<semaphore_mem>>
      %dma_start3A_1235 = arith.constant 0 : i32
      %dma_start3A_1236 = tpu.memref_slice %arg14[%add3A_1121, %dma_start3A_1235] : memref<10240x128xf32, #tpu.memory_space<vmem_shared>> -> memref<16x128xf32, #tpu.memory_space<vmem_shared>>
      %dma_start3A_1237 = arith.constant 0 : i32
      %dma_start3A_1238 = tpu.memref_slice %arg14[%add3A_1121, %dma_start3A_1237] : memref<10240x128xf32, #tpu.memory_space<vmem_shared>> -> memref<16x128xf32, #tpu.memory_space<vmem_shared>>
      tpu.enqueue_dma source(%arg13 : memref<16x128xf32, #tpu.memory_space<vmem>>) target(%dma_start3A_1238 : memref<16x128xf32, #tpu.memory_space<vmem_shared>>) target_semaphore(%run_scoped3A : memref<!tpu.dma_semaphore, #tpu.memory_space<semaphore_mem>>)
      %dma_wait3A_1239 = arith.constant 0 : i32
      %dma_wait3A_1240 = tpu.memref_slice %arg14[%add3A_1121, %dma_wait3A_1239] : memref<10240x128xf32, #tpu.memory_space<vmem_shared>> -> memref<16x128xf32, #tpu.memory_space<vmem_shared>>
      %dma_wait3A_1241 = arith.constant 0 : i32
      %dma_wait3A_1242 = tpu.memref_slice %arg14[%add3A_1121, %dma_wait3A_1241] : memref<10240x128xf32, #tpu.memory_space<vmem_shared>> -> memref<16x128xf32, #tpu.memory_space<vmem_shared>>
      tpu.wait_dma2 semaphore(%run_scoped3A : memref<!tpu.dma_semaphore, #tpu.memory_space<semaphore_mem>>) src(%arg13 : memref<16x128xf32, #tpu.memory_space<vmem>>) dst(%dma_wait3A_1242 : memref<16x128xf32, #tpu.memory_space<vmem_shared>>)
      tpu.yield
    }) : () -> ()
    %mul3A_1122 = arith.constant 640 : i32
    %mul3A_1123 = arith.muli %arg1, %mul3A_1122 : i32
    %add3A_1124 = arith.constant 352 : i32
    %add3A_1125 = arith.addi %mul3A_1123, %add3A_1124 : i32
    "tpu.region"() ({
      %run_scoped3A = tpu.sem_alloc : memref<!tpu.dma_semaphore, #tpu.memory_space<semaphore_mem>>
      %dma_start3A_1235 = arith.constant 0 : i32
      %dma_start3A_1236 = tpu.memref_slice %arg14[%add3A_1125, %dma_start3A_1235] : memref<10240x128xf32, #tpu.memory_space<vmem_shared>> -> memref<16x128xf32, #tpu.memory_space<vmem_shared>>
      %dma_start3A_1237 = arith.constant 0 : i32
      %dma_start3A_1238 = tpu.memref_slice %arg14[%add3A_1125, %dma_start3A_1237] : memref<10240x128xf32, #tpu.memory_space<vmem_shared>> -> memref<16x128xf32, #tpu.memory_space<vmem_shared>>
      tpu.enqueue_dma source(%arg13 : memref<16x128xf32, #tpu.memory_space<vmem>>) target(%dma_start3A_1238 : memref<16x128xf32, #tpu.memory_space<vmem_shared>>) target_semaphore(%run_scoped3A : memref<!tpu.dma_semaphore, #tpu.memory_space<semaphore_mem>>)
      %dma_wait3A_1239 = arith.constant 0 : i32
      %dma_wait3A_1240 = tpu.memref_slice %arg14[%add3A_1125, %dma_wait3A_1239] : memref<10240x128xf32, #tpu.memory_space<vmem_shared>> -> memref<16x128xf32, #tpu.memory_space<vmem_shared>>
      %dma_wait3A_1241 = arith.constant 0 : i32
      %dma_wait3A_1242 = tpu.memref_slice %arg14[%add3A_1125, %dma_wait3A_1241] : memref<10240x128xf32, #tpu.memory_space<vmem_shared>> -> memref<16x128xf32, #tpu.memory_space<vmem_shared>>
      tpu.wait_dma2 semaphore(%run_scoped3A : memref<!tpu.dma_semaphore, #tpu.memory_space<semaphore_mem>>) src(%arg13 : memref<16x128xf32, #tpu.memory_space<vmem>>) dst(%dma_wait3A_1242 : memref<16x128xf32, #tpu.memory_space<vmem_shared>>)
      tpu.yield
    }) : () -> ()
    %mul3A_1126 = arith.constant 640 : i32
    %mul3A_1127 = arith.muli %arg1, %mul3A_1126 : i32
    %add3A_1128 = arith.constant 368 : i32
    %add3A_1129 = arith.addi %mul3A_1127, %add3A_1128 : i32
    "tpu.region"() ({
      %run_scoped3A = tpu.sem_alloc : memref<!tpu.dma_semaphore, #tpu.memory_space<semaphore_mem>>
      %dma_start3A_1235 = arith.constant 0 : i32
      %dma_start3A_1236 = tpu.memref_slice %arg14[%add3A_1129, %dma_start3A_1235] : memref<10240x128xf32, #tpu.memory_space<vmem_shared>> -> memref<16x128xf32, #tpu.memory_space<vmem_shared>>
      %dma_start3A_1237 = arith.constant 0 : i32
      %dma_start3A_1238 = tpu.memref_slice %arg14[%add3A_1129, %dma_start3A_1237] : memref<10240x128xf32, #tpu.memory_space<vmem_shared>> -> memref<16x128xf32, #tpu.memory_space<vmem_shared>>
      tpu.enqueue_dma source(%arg13 : memref<16x128xf32, #tpu.memory_space<vmem>>) target(%dma_start3A_1238 : memref<16x128xf32, #tpu.memory_space<vmem_shared>>) target_semaphore(%run_scoped3A : memref<!tpu.dma_semaphore, #tpu.memory_space<semaphore_mem>>)
      %dma_wait3A_1239 = arith.constant 0 : i32
      %dma_wait3A_1240 = tpu.memref_slice %arg14[%add3A_1129, %dma_wait3A_1239] : memref<10240x128xf32, #tpu.memory_space<vmem_shared>> -> memref<16x128xf32, #tpu.memory_space<vmem_shared>>
      %dma_wait3A_1241 = arith.constant 0 : i32
      %dma_wait3A_1242 = tpu.memref_slice %arg14[%add3A_1129, %dma_wait3A_1241] : memref<10240x128xf32, #tpu.memory_space<vmem_shared>> -> memref<16x128xf32, #tpu.memory_space<vmem_shared>>
      tpu.wait_dma2 semaphore(%run_scoped3A : memref<!tpu.dma_semaphore, #tpu.memory_space<semaphore_mem>>) src(%arg13 : memref<16x128xf32, #tpu.memory_space<vmem>>) dst(%dma_wait3A_1242 : memref<16x128xf32, #tpu.memory_space<vmem_shared>>)
      tpu.yield
    }) : () -> ()
    %mul3A_1130 = arith.constant 640 : i32
    %mul3A_1131 = arith.muli %arg1, %mul3A_1130 : i32
    %add3A_1132 = arith.constant 384 : i32
    %add3A_1133 = arith.addi %mul3A_1131, %add3A_1132 : i32
    "tpu.region"() ({
      %run_scoped3A = tpu.sem_alloc : memref<!tpu.dma_semaphore, #tpu.memory_space<semaphore_mem>>
      %dma_start3A_1235 = arith.constant 0 : i32
      %dma_start3A_1236 = tpu.memref_slice %arg14[%add3A_1133, %dma_start3A_1235] : memref<10240x128xf32, #tpu.memory_space<vmem_shared>> -> memref<16x128xf32, #tpu.memory_space<vmem_shared>>
      %dma_start3A_1237 = arith.constant 0 : i32
      %dma_start3A_1238 = tpu.memref_slice %arg14[%add3A_1133, %dma_start3A_1237] : memref<10240x128xf32, #tpu.memory_space<vmem_shared>> -> memref<16x128xf32, #tpu.memory_space<vmem_shared>>
      tpu.enqueue_dma source(%arg13 : memref<16x128xf32, #tpu.memory_space<vmem>>) target(%dma_start3A_1238 : memref<16x128xf32, #tpu.memory_space<vmem_shared>>) target_semaphore(%run_scoped3A : memref<!tpu.dma_semaphore, #tpu.memory_space<semaphore_mem>>)
      %dma_wait3A_1239 = arith.constant 0 : i32
      %dma_wait3A_1240 = tpu.memref_slice %arg14[%add3A_1133, %dma_wait3A_1239] : memref<10240x128xf32, #tpu.memory_space<vmem_shared>> -> memref<16x128xf32, #tpu.memory_space<vmem_shared>>
      %dma_wait3A_1241 = arith.constant 0 : i32
      %dma_wait3A_1242 = tpu.memref_slice %arg14[%add3A_1133, %dma_wait3A_1241] : memref<10240x128xf32, #tpu.memory_space<vmem_shared>> -> memref<16x128xf32, #tpu.memory_space<vmem_shared>>
      tpu.wait_dma2 semaphore(%run_scoped3A : memref<!tpu.dma_semaphore, #tpu.memory_space<semaphore_mem>>) src(%arg13 : memref<16x128xf32, #tpu.memory_space<vmem>>) dst(%dma_wait3A_1242 : memref<16x128xf32, #tpu.memory_space<vmem_shared>>)
      tpu.yield
    }) : () -> ()
    %mul3A_1134 = arith.constant 640 : i32
    %mul3A_1135 = arith.muli %arg1, %mul3A_1134 : i32
    %add3A_1136 = arith.constant 400 : i32
    %add3A_1137 = arith.addi %mul3A_1135, %add3A_1136 : i32
    "tpu.region"() ({
      %run_scoped3A = tpu.sem_alloc : memref<!tpu.dma_semaphore, #tpu.memory_space<semaphore_mem>>
      %dma_start3A_1235 = arith.constant 0 : i32
      %dma_start3A_1236 = tpu.memref_slice %arg14[%add3A_1137, %dma_start3A_1235] : memref<10240x128xf32, #tpu.memory_space<vmem_shared>> -> memref<16x128xf32, #tpu.memory_space<vmem_shared>>
      %dma_start3A_1237 = arith.constant 0 : i32
      %dma_start3A_1238 = tpu.memref_slice %arg14[%add3A_1137, %dma_start3A_1237] : memref<10240x128xf32, #tpu.memory_space<vmem_shared>> -> memref<16x128xf32, #tpu.memory_space<vmem_shared>>
      tpu.enqueue_dma source(%arg13 : memref<16x128xf32, #tpu.memory_space<vmem>>) target(%dma_start3A_1238 : memref<16x128xf32, #tpu.memory_space<vmem_shared>>) target_semaphore(%run_scoped3A : memref<!tpu.dma_semaphore, #tpu.memory_space<semaphore_mem>>)
      %dma_wait3A_1239 = arith.constant 0 : i32
      %dma_wait3A_1240 = tpu.memref_slice %arg14[%add3A_1137, %dma_wait3A_1239] : memref<10240x128xf32, #tpu.memory_space<vmem_shared>> -> memref<16x128xf32, #tpu.memory_space<vmem_shared>>
      %dma_wait3A_1241 = arith.constant 0 : i32
      %dma_wait3A_1242 = tpu.memref_slice %arg14[%add3A_1137, %dma_wait3A_1241] : memref<10240x128xf32, #tpu.memory_space<vmem_shared>> -> memref<16x128xf32, #tpu.memory_space<vmem_shared>>
      tpu.wait_dma2 semaphore(%run_scoped3A : memref<!tpu.dma_semaphore, #tpu.memory_space<semaphore_mem>>) src(%arg13 : memref<16x128xf32, #tpu.memory_space<vmem>>) dst(%dma_wait3A_1242 : memref<16x128xf32, #tpu.memory_space<vmem_shared>>)
      tpu.yield
    }) : () -> ()
    %mul3A_1138 = arith.constant 640 : i32
    %mul3A_1139 = arith.muli %arg1, %mul3A_1138 : i32
    %add3A_1140 = arith.constant 416 : i32
    %add3A_1141 = arith.addi %mul3A_1139, %add3A_1140 : i32
    "tpu.region"() ({
      %run_scoped3A = tpu.sem_alloc : memref<!tpu.dma_semaphore, #tpu.memory_space<semaphore_mem>>
      %dma_start3A_1235 = arith.constant 0 : i32
      %dma_start3A_1236 = tpu.memref_slice %arg14[%add3A_1141, %dma_start3A_1235] : memref<10240x128xf32, #tpu.memory_space<vmem_shared>> -> memref<16x128xf32, #tpu.memory_space<vmem_shared>>
      %dma_start3A_1237 = arith.constant 0 : i32
      %dma_start3A_1238 = tpu.memref_slice %arg14[%add3A_1141, %dma_start3A_1237] : memref<10240x128xf32, #tpu.memory_space<vmem_shared>> -> memref<16x128xf32, #tpu.memory_space<vmem_shared>>
      tpu.enqueue_dma source(%arg13 : memref<16x128xf32, #tpu.memory_space<vmem>>) target(%dma_start3A_1238 : memref<16x128xf32, #tpu.memory_space<vmem_shared>>) target_semaphore(%run_scoped3A : memref<!tpu.dma_semaphore, #tpu.memory_space<semaphore_mem>>)
      %dma_wait3A_1239 = arith.constant 0 : i32
      %dma_wait3A_1240 = tpu.memref_slice %arg14[%add3A_1141, %dma_wait3A_1239] : memref<10240x128xf32, #tpu.memory_space<vmem_shared>> -> memref<16x128xf32, #tpu.memory_space<vmem_shared>>
      %dma_wait3A_1241 = arith.constant 0 : i32
      %dma_wait3A_1242 = tpu.memref_slice %arg14[%add3A_1141, %dma_wait3A_1241] : memref<10240x128xf32, #tpu.memory_space<vmem_shared>> -> memref<16x128xf32, #tpu.memory_space<vmem_shared>>
      tpu.wait_dma2 semaphore(%run_scoped3A : memref<!tpu.dma_semaphore, #tpu.memory_space<semaphore_mem>>) src(%arg13 : memref<16x128xf32, #tpu.memory_space<vmem>>) dst(%dma_wait3A_1242 : memref<16x128xf32, #tpu.memory_space<vmem_shared>>)
      tpu.yield
    }) : () -> ()
    %mul3A_1142 = arith.constant 640 : i32
    %mul3A_1143 = arith.muli %arg1, %mul3A_1142 : i32
    %add3A_1144 = arith.constant 432 : i32
    %add3A_1145 = arith.addi %mul3A_1143, %add3A_1144 : i32
    "tpu.region"() ({
      %run_scoped3A = tpu.sem_alloc : memref<!tpu.dma_semaphore, #tpu.memory_space<semaphore_mem>>
      %dma_start3A_1235 = arith.constant 0 : i32
      %dma_start3A_1236 = tpu.memref_slice %arg14[%add3A_1145, %dma_start3A_1235] : memref<10240x128xf32, #tpu.memory_space<vmem_shared>> -> memref<16x128xf32, #tpu.memory_space<vmem_shared>>
      %dma_start3A_1237 = arith.constant 0 : i32
      %dma_start3A_1238 = tpu.memref_slice %arg14[%add3A_1145, %dma_start3A_1237] : memref<10240x128xf32, #tpu.memory_space<vmem_shared>> -> memref<16x128xf32, #tpu.memory_space<vmem_shared>>
      tpu.enqueue_dma source(%arg13 : memref<16x128xf32, #tpu.memory_space<vmem>>) target(%dma_start3A_1238 : memref<16x128xf32, #tpu.memory_space<vmem_shared>>) target_semaphore(%run_scoped3A : memref<!tpu.dma_semaphore, #tpu.memory_space<semaphore_mem>>)
      %dma_wait3A_1239 = arith.constant 0 : i32
      %dma_wait3A_1240 = tpu.memref_slice %arg14[%add3A_1145, %dma_wait3A_1239] : memref<10240x128xf32, #tpu.memory_space<vmem_shared>> -> memref<16x128xf32, #tpu.memory_space<vmem_shared>>
      %dma_wait3A_1241 = arith.constant 0 : i32
      %dma_wait3A_1242 = tpu.memref_slice %arg14[%add3A_1145, %dma_wait3A_1241] : memref<10240x128xf32, #tpu.memory_space<vmem_shared>> -> memref<16x128xf32, #tpu.memory_space<vmem_shared>>
      tpu.wait_dma2 semaphore(%run_scoped3A : memref<!tpu.dma_semaphore, #tpu.memory_space<semaphore_mem>>) src(%arg13 : memref<16x128xf32, #tpu.memory_space<vmem>>) dst(%dma_wait3A_1242 : memref<16x128xf32, #tpu.memory_space<vmem_shared>>)
      tpu.yield
    }) : () -> ()
    %mul3A_1146 = arith.constant 640 : i32
    %mul3A_1147 = arith.muli %arg1, %mul3A_1146 : i32
    %add3A_1148 = arith.constant 448 : i32
    %add3A_1149 = arith.addi %mul3A_1147, %add3A_1148 : i32
    "tpu.region"() ({
      %run_scoped3A = tpu.sem_alloc : memref<!tpu.dma_semaphore, #tpu.memory_space<semaphore_mem>>
      %dma_start3A_1235 = arith.constant 0 : i32
      %dma_start3A_1236 = tpu.memref_slice %arg14[%add3A_1149, %dma_start3A_1235] : memref<10240x128xf32, #tpu.memory_space<vmem_shared>> -> memref<16x128xf32, #tpu.memory_space<vmem_shared>>
      %dma_start3A_1237 = arith.constant 0 : i32
      %dma_start3A_1238 = tpu.memref_slice %arg14[%add3A_1149, %dma_start3A_1237] : memref<10240x128xf32, #tpu.memory_space<vmem_shared>> -> memref<16x128xf32, #tpu.memory_space<vmem_shared>>
      tpu.enqueue_dma source(%arg13 : memref<16x128xf32, #tpu.memory_space<vmem>>) target(%dma_start3A_1238 : memref<16x128xf32, #tpu.memory_space<vmem_shared>>) target_semaphore(%run_scoped3A : memref<!tpu.dma_semaphore, #tpu.memory_space<semaphore_mem>>)
      %dma_wait3A_1239 = arith.constant 0 : i32
      %dma_wait3A_1240 = tpu.memref_slice %arg14[%add3A_1149, %dma_wait3A_1239] : memref<10240x128xf32, #tpu.memory_space<vmem_shared>> -> memref<16x128xf32, #tpu.memory_space<vmem_shared>>
      %dma_wait3A_1241 = arith.constant 0 : i32
      %dma_wait3A_1242 = tpu.memref_slice %arg14[%add3A_1149, %dma_wait3A_1241] : memref<10240x128xf32, #tpu.memory_space<vmem_shared>> -> memref<16x128xf32, #tpu.memory_space<vmem_shared>>
      tpu.wait_dma2 semaphore(%run_scoped3A : memref<!tpu.dma_semaphore, #tpu.memory_space<semaphore_mem>>) src(%arg13 : memref<16x128xf32, #tpu.memory_space<vmem>>) dst(%dma_wait3A_1242 : memref<16x128xf32, #tpu.memory_space<vmem_shared>>)
      tpu.yield
    }) : () -> ()
    %mul3A_1150 = arith.constant 640 : i32
    %mul3A_1151 = arith.muli %arg1, %mul3A_1150 : i32
    %add3A_1152 = arith.constant 464 : i32
    %add3A_1153 = arith.addi %mul3A_1151, %add3A_1152 : i32
    "tpu.region"() ({
      %run_scoped3A = tpu.sem_alloc : memref<!tpu.dma_semaphore, #tpu.memory_space<semaphore_mem>>
      %dma_start3A_1235 = arith.constant 0 : i32
      %dma_start3A_1236 = tpu.memref_slice %arg14[%add3A_1153, %dma_start3A_1235] : memref<10240x128xf32, #tpu.memory_space<vmem_shared>> -> memref<16x128xf32, #tpu.memory_space<vmem_shared>>
      %dma_start3A_1237 = arith.constant 0 : i32
      %dma_start3A_1238 = tpu.memref_slice %arg14[%add3A_1153, %dma_start3A_1237] : memref<10240x128xf32, #tpu.memory_space<vmem_shared>> -> memref<16x128xf32, #tpu.memory_space<vmem_shared>>
      tpu.enqueue_dma source(%arg13 : memref<16x128xf32, #tpu.memory_space<vmem>>) target(%dma_start3A_1238 : memref<16x128xf32, #tpu.memory_space<vmem_shared>>) target_semaphore(%run_scoped3A : memref<!tpu.dma_semaphore, #tpu.memory_space<semaphore_mem>>)
      %dma_wait3A_1239 = arith.constant 0 : i32
      %dma_wait3A_1240 = tpu.memref_slice %arg14[%add3A_1153, %dma_wait3A_1239] : memref<10240x128xf32, #tpu.memory_space<vmem_shared>> -> memref<16x128xf32, #tpu.memory_space<vmem_shared>>
      %dma_wait3A_1241 = arith.constant 0 : i32
      %dma_wait3A_1242 = tpu.memref_slice %arg14[%add3A_1153, %dma_wait3A_1241] : memref<10240x128xf32, #tpu.memory_space<vmem_shared>> -> memref<16x128xf32, #tpu.memory_space<vmem_shared>>
      tpu.wait_dma2 semaphore(%run_scoped3A : memref<!tpu.dma_semaphore, #tpu.memory_space<semaphore_mem>>) src(%arg13 : memref<16x128xf32, #tpu.memory_space<vmem>>) dst(%dma_wait3A_1242 : memref<16x128xf32, #tpu.memory_space<vmem_shared>>)
      tpu.yield
    }) : () -> ()
    %mul3A_1154 = arith.constant 640 : i32
    %mul3A_1155 = arith.muli %arg1, %mul3A_1154 : i32
    %add3A_1156 = arith.constant 480 : i32
    %add3A_1157 = arith.addi %mul3A_1155, %add3A_1156 : i32
    "tpu.region"() ({
      %run_scoped3A = tpu.sem_alloc : memref<!tpu.dma_semaphore, #tpu.memory_space<semaphore_mem>>
      %dma_start3A_1235 = arith.constant 0 : i32
      %dma_start3A_1236 = tpu.memref_slice %arg14[%add3A_1157, %dma_start3A_1235] : memref<10240x128xf32, #tpu.memory_space<vmem_shared>> -> memref<16x128xf32, #tpu.memory_space<vmem_shared>>
      %dma_start3A_1237 = arith.constant 0 : i32
      %dma_start3A_1238 = tpu.memref_slice %arg14[%add3A_1157, %dma_start3A_1237] : memref<10240x128xf32, #tpu.memory_space<vmem_shared>> -> memref<16x128xf32, #tpu.memory_space<vmem_shared>>
      tpu.enqueue_dma source(%arg13 : memref<16x128xf32, #tpu.memory_space<vmem>>) target(%dma_start3A_1238 : memref<16x128xf32, #tpu.memory_space<vmem_shared>>) target_semaphore(%run_scoped3A : memref<!tpu.dma_semaphore, #tpu.memory_space<semaphore_mem>>)
      %dma_wait3A_1239 = arith.constant 0 : i32
      %dma_wait3A_1240 = tpu.memref_slice %arg14[%add3A_1157, %dma_wait3A_1239] : memref<10240x128xf32, #tpu.memory_space<vmem_shared>> -> memref<16x128xf32, #tpu.memory_space<vmem_shared>>
      %dma_wait3A_1241 = arith.constant 0 : i32
      %dma_wait3A_1242 = tpu.memref_slice %arg14[%add3A_1157, %dma_wait3A_1241] : memref<10240x128xf32, #tpu.memory_space<vmem_shared>> -> memref<16x128xf32, #tpu.memory_space<vmem_shared>>
      tpu.wait_dma2 semaphore(%run_scoped3A : memref<!tpu.dma_semaphore, #tpu.memory_space<semaphore_mem>>) src(%arg13 : memref<16x128xf32, #tpu.memory_space<vmem>>) dst(%dma_wait3A_1242 : memref<16x128xf32, #tpu.memory_space<vmem_shared>>)
      tpu.yield
    }) : () -> ()
    %mul3A_1158 = arith.constant 640 : i32
    %mul3A_1159 = arith.muli %arg1, %mul3A_1158 : i32
    %add3A_1160 = arith.constant 496 : i32
    %add3A_1161 = arith.addi %mul3A_1159, %add3A_1160 : i32
    "tpu.region"() ({
      %run_scoped3A = tpu.sem_alloc : memref<!tpu.dma_semaphore, #tpu.memory_space<semaphore_mem>>
      %dma_start3A_1235 = arith.constant 0 : i32
      %dma_start3A_1236 = tpu.memref_slice %arg14[%add3A_1161, %dma_start3A_1235] : memref<10240x128xf32, #tpu.memory_space<vmem_shared>> -> memref<16x128xf32, #tpu.memory_space<vmem_shared>>
      %dma_start3A_1237 = arith.constant 0 : i32
      %dma_start3A_1238 = tpu.memref_slice %arg14[%add3A_1161, %dma_start3A_1237] : memref<10240x128xf32, #tpu.memory_space<vmem_shared>> -> memref<16x128xf32, #tpu.memory_space<vmem_shared>>
      tpu.enqueue_dma source(%arg13 : memref<16x128xf32, #tpu.memory_space<vmem>>) target(%dma_start3A_1238 : memref<16x128xf32, #tpu.memory_space<vmem_shared>>) target_semaphore(%run_scoped3A : memref<!tpu.dma_semaphore, #tpu.memory_space<semaphore_mem>>)
      %dma_wait3A_1239 = arith.constant 0 : i32
      %dma_wait3A_1240 = tpu.memref_slice %arg14[%add3A_1161, %dma_wait3A_1239] : memref<10240x128xf32, #tpu.memory_space<vmem_shared>> -> memref<16x128xf32, #tpu.memory_space<vmem_shared>>
      %dma_wait3A_1241 = arith.constant 0 : i32
      %dma_wait3A_1242 = tpu.memref_slice %arg14[%add3A_1161, %dma_wait3A_1241] : memref<10240x128xf32, #tpu.memory_space<vmem_shared>> -> memref<16x128xf32, #tpu.memory_space<vmem_shared>>
      tpu.wait_dma2 semaphore(%run_scoped3A : memref<!tpu.dma_semaphore, #tpu.memory_space<semaphore_mem>>) src(%arg13 : memref<16x128xf32, #tpu.memory_space<vmem>>) dst(%dma_wait3A_1242 : memref<16x128xf32, #tpu.memory_space<vmem_shared>>)
      tpu.yield
    }) : () -> ()
    %mul3A_1162 = arith.constant 640 : i32
    %mul3A_1163 = arith.muli %arg1, %mul3A_1162 : i32
    %add3A_1164 = arith.constant 512 : i32
    %add3A_1165 = arith.addi %mul3A_1163, %add3A_1164 : i32
    "tpu.region"() ({
      %run_scoped3A = tpu.sem_alloc : memref<!tpu.dma_semaphore, #tpu.memory_space<semaphore_mem>>
      %dma_start3A_1235 = arith.constant 0 : i32
      %dma_start3A_1236 = tpu.memref_slice %arg14[%add3A_1165, %dma_start3A_1235] : memref<10240x128xf32, #tpu.memory_space<vmem_shared>> -> memref<16x128xf32, #tpu.memory_space<vmem_shared>>
      %dma_start3A_1237 = arith.constant 0 : i32
      %dma_start3A_1238 = tpu.memref_slice %arg14[%add3A_1165, %dma_start3A_1237] : memref<10240x128xf32, #tpu.memory_space<vmem_shared>> -> memref<16x128xf32, #tpu.memory_space<vmem_shared>>
      tpu.enqueue_dma source(%arg13 : memref<16x128xf32, #tpu.memory_space<vmem>>) target(%dma_start3A_1238 : memref<16x128xf32, #tpu.memory_space<vmem_shared>>) target_semaphore(%run_scoped3A : memref<!tpu.dma_semaphore, #tpu.memory_space<semaphore_mem>>)
      %dma_wait3A_1239 = arith.constant 0 : i32
      %dma_wait3A_1240 = tpu.memref_slice %arg14[%add3A_1165, %dma_wait3A_1239] : memref<10240x128xf32, #tpu.memory_space<vmem_shared>> -> memref<16x128xf32, #tpu.memory_space<vmem_shared>>
      %dma_wait3A_1241 = arith.constant 0 : i32
      %dma_wait3A_1242 = tpu.memref_slice %arg14[%add3A_1165, %dma_wait3A_1241] : memref<10240x128xf32, #tpu.memory_space<vmem_shared>> -> memref<16x128xf32, #tpu.memory_space<vmem_shared>>
      tpu.wait_dma2 semaphore(%run_scoped3A : memref<!tpu.dma_semaphore, #tpu.memory_space<semaphore_mem>>) src(%arg13 : memref<16x128xf32, #tpu.memory_space<vmem>>) dst(%dma_wait3A_1242 : memref<16x128xf32, #tpu.memory_space<vmem_shared>>)
      tpu.yield
    }) : () -> ()
    %mul3A_1166 = arith.constant 640 : i32
    %mul3A_1167 = arith.muli %arg1, %mul3A_1166 : i32
    %add3A_1168 = arith.constant 528 : i32
    %add3A_1169 = arith.addi %mul3A_1167, %add3A_1168 : i32
    "tpu.region"() ({
      %run_scoped3A = tpu.sem_alloc : memref<!tpu.dma_semaphore, #tpu.memory_space<semaphore_mem>>
      %dma_start3A_1235 = arith.constant 0 : i32
      %dma_start3A_1236 = tpu.memref_slice %arg14[%add3A_1169, %dma_start3A_1235] : memref<10240x128xf32, #tpu.memory_space<vmem_shared>> -> memref<16x128xf32, #tpu.memory_space<vmem_shared>>
      %dma_start3A_1237 = arith.constant 0 : i32
      %dma_start3A_1238 = tpu.memref_slice %arg14[%add3A_1169, %dma_start3A_1237] : memref<10240x128xf32, #tpu.memory_space<vmem_shared>> -> memref<16x128xf32, #tpu.memory_space<vmem_shared>>
      tpu.enqueue_dma source(%arg13 : memref<16x128xf32, #tpu.memory_space<vmem>>) target(%dma_start3A_1238 : memref<16x128xf32, #tpu.memory_space<vmem_shared>>) target_semaphore(%run_scoped3A : memref<!tpu.dma_semaphore, #tpu.memory_space<semaphore_mem>>)
      %dma_wait3A_1239 = arith.constant 0 : i32
      %dma_wait3A_1240 = tpu.memref_slice %arg14[%add3A_1169, %dma_wait3A_1239] : memref<10240x128xf32, #tpu.memory_space<vmem_shared>> -> memref<16x128xf32, #tpu.memory_space<vmem_shared>>
      %dma_wait3A_1241 = arith.constant 0 : i32
      %dma_wait3A_1242 = tpu.memref_slice %arg14[%add3A_1169, %dma_wait3A_1241] : memref<10240x128xf32, #tpu.memory_space<vmem_shared>> -> memref<16x128xf32, #tpu.memory_space<vmem_shared>>
      tpu.wait_dma2 semaphore(%run_scoped3A : memref<!tpu.dma_semaphore, #tpu.memory_space<semaphore_mem>>) src(%arg13 : memref<16x128xf32, #tpu.memory_space<vmem>>) dst(%dma_wait3A_1242 : memref<16x128xf32, #tpu.memory_space<vmem_shared>>)
      tpu.yield
    }) : () -> ()
    %mul3A_1170 = arith.constant 640 : i32
    %mul3A_1171 = arith.muli %arg1, %mul3A_1170 : i32
    %add3A_1172 = arith.constant 544 : i32
    %add3A_1173 = arith.addi %mul3A_1171, %add3A_1172 : i32
    "tpu.region"() ({
      %run_scoped3A = tpu.sem_alloc : memref<!tpu.dma_semaphore, #tpu.memory_space<semaphore_mem>>
      %dma_start3A_1235 = arith.constant 0 : i32
      %dma_start3A_1236 = tpu.memref_slice %arg14[%add3A_1173, %dma_start3A_1235] : memref<10240x128xf32, #tpu.memory_space<vmem_shared>> -> memref<16x128xf32, #tpu.memory_space<vmem_shared>>
      %dma_start3A_1237 = arith.constant 0 : i32
      %dma_start3A_1238 = tpu.memref_slice %arg14[%add3A_1173, %dma_start3A_1237] : memref<10240x128xf32, #tpu.memory_space<vmem_shared>> -> memref<16x128xf32, #tpu.memory_space<vmem_shared>>
      tpu.enqueue_dma source(%arg13 : memref<16x128xf32, #tpu.memory_space<vmem>>) target(%dma_start3A_1238 : memref<16x128xf32, #tpu.memory_space<vmem_shared>>) target_semaphore(%run_scoped3A : memref<!tpu.dma_semaphore, #tpu.memory_space<semaphore_mem>>)
      %dma_wait3A_1239 = arith.constant 0 : i32
      %dma_wait3A_1240 = tpu.memref_slice %arg14[%add3A_1173, %dma_wait3A_1239] : memref<10240x128xf32, #tpu.memory_space<vmem_shared>> -> memref<16x128xf32, #tpu.memory_space<vmem_shared>>
      %dma_wait3A_1241 = arith.constant 0 : i32
      %dma_wait3A_1242 = tpu.memref_slice %arg14[%add3A_1173, %dma_wait3A_1241] : memref<10240x128xf32, #tpu.memory_space<vmem_shared>> -> memref<16x128xf32, #tpu.memory_space<vmem_shared>>
      tpu.wait_dma2 semaphore(%run_scoped3A : memref<!tpu.dma_semaphore, #tpu.memory_space<semaphore_mem>>) src(%arg13 : memref<16x128xf32, #tpu.memory_space<vmem>>) dst(%dma_wait3A_1242 : memref<16x128xf32, #tpu.memory_space<vmem_shared>>)
      tpu.yield
    }) : () -> ()
    %mul3A_1174 = arith.constant 640 : i32
    %mul3A_1175 = arith.muli %arg1, %mul3A_1174 : i32
    %add3A_1176 = arith.constant 560 : i32
    %add3A_1177 = arith.addi %mul3A_1175, %add3A_1176 : i32
    "tpu.region"() ({
      %run_scoped3A = tpu.sem_alloc : memref<!tpu.dma_semaphore, #tpu.memory_space<semaphore_mem>>
      %dma_start3A_1235 = arith.constant 0 : i32
      %dma_start3A_1236 = tpu.memref_slice %arg14[%add3A_1177, %dma_start3A_1235] : memref<10240x128xf32, #tpu.memory_space<vmem_shared>> -> memref<16x128xf32, #tpu.memory_space<vmem_shared>>
      %dma_start3A_1237 = arith.constant 0 : i32
      %dma_start3A_1238 = tpu.memref_slice %arg14[%add3A_1177, %dma_start3A_1237] : memref<10240x128xf32, #tpu.memory_space<vmem_shared>> -> memref<16x128xf32, #tpu.memory_space<vmem_shared>>
      tpu.enqueue_dma source(%arg13 : memref<16x128xf32, #tpu.memory_space<vmem>>) target(%dma_start3A_1238 : memref<16x128xf32, #tpu.memory_space<vmem_shared>>) target_semaphore(%run_scoped3A : memref<!tpu.dma_semaphore, #tpu.memory_space<semaphore_mem>>)
      %dma_wait3A_1239 = arith.constant 0 : i32
      %dma_wait3A_1240 = tpu.memref_slice %arg14[%add3A_1177, %dma_wait3A_1239] : memref<10240x128xf32, #tpu.memory_space<vmem_shared>> -> memref<16x128xf32, #tpu.memory_space<vmem_shared>>
      %dma_wait3A_1241 = arith.constant 0 : i32
      %dma_wait3A_1242 = tpu.memref_slice %arg14[%add3A_1177, %dma_wait3A_1241] : memref<10240x128xf32, #tpu.memory_space<vmem_shared>> -> memref<16x128xf32, #tpu.memory_space<vmem_shared>>
      tpu.wait_dma2 semaphore(%run_scoped3A : memref<!tpu.dma_semaphore, #tpu.memory_space<semaphore_mem>>) src(%arg13 : memref<16x128xf32, #tpu.memory_space<vmem>>) dst(%dma_wait3A_1242 : memref<16x128xf32, #tpu.memory_space<vmem_shared>>)
      tpu.yield
    }) : () -> ()
    %mul3A_1178 = arith.constant 640 : i32
    %mul3A_1179 = arith.muli %arg1, %mul3A_1178 : i32
    %add3A_1180 = arith.constant 576 : i32
    %add3A_1181 = arith.addi %mul3A_1179, %add3A_1180 : i32
    "tpu.region"() ({
      %run_scoped3A = tpu.sem_alloc : memref<!tpu.dma_semaphore, #tpu.memory_space<semaphore_mem>>
      %dma_start3A_1235 = arith.constant 0 : i32
      %dma_start3A_1236 = tpu.memref_slice %arg14[%add3A_1181, %dma_start3A_1235] : memref<10240x128xf32, #tpu.memory_space<vmem_shared>> -> memref<16x128xf32, #tpu.memory_space<vmem_shared>>
      %dma_start3A_1237 = arith.constant 0 : i32
      %dma_start3A_1238 = tpu.memref_slice %arg14[%add3A_1181, %dma_start3A_1237] : memref<10240x128xf32, #tpu.memory_space<vmem_shared>> -> memref<16x128xf32, #tpu.memory_space<vmem_shared>>
      tpu.enqueue_dma source(%arg13 : memref<16x128xf32, #tpu.memory_space<vmem>>) target(%dma_start3A_1238 : memref<16x128xf32, #tpu.memory_space<vmem_shared>>) target_semaphore(%run_scoped3A : memref<!tpu.dma_semaphore, #tpu.memory_space<semaphore_mem>>)
      %dma_wait3A_1239 = arith.constant 0 : i32
      %dma_wait3A_1240 = tpu.memref_slice %arg14[%add3A_1181, %dma_wait3A_1239] : memref<10240x128xf32, #tpu.memory_space<vmem_shared>> -> memref<16x128xf32, #tpu.memory_space<vmem_shared>>
      %dma_wait3A_1241 = arith.constant 0 : i32
      %dma_wait3A_1242 = tpu.memref_slice %arg14[%add3A_1181, %dma_wait3A_1241] : memref<10240x128xf32, #tpu.memory_space<vmem_shared>> -> memref<16x128xf32, #tpu.memory_space<vmem_shared>>
      tpu.wait_dma2 semaphore(%run_scoped3A : memref<!tpu.dma_semaphore, #tpu.memory_space<semaphore_mem>>) src(%arg13 : memref<16x128xf32, #tpu.memory_space<vmem>>) dst(%dma_wait3A_1242 : memref<16x128xf32, #tpu.memory_space<vmem_shared>>)
      tpu.yield
    }) : () -> ()
    %mul3A_1182 = arith.constant 640 : i32
    %mul3A_1183 = arith.muli %arg1, %mul3A_1182 : i32
    %add3A_1184 = arith.constant 592 : i32
    %add3A_1185 = arith.addi %mul3A_1183, %add3A_1184 : i32
    "tpu.region"() ({
      %run_scoped3A = tpu.sem_alloc : memref<!tpu.dma_semaphore, #tpu.memory_space<semaphore_mem>>
      %dma_start3A_1235 = arith.constant 0 : i32
      %dma_start3A_1236 = tpu.memref_slice %arg14[%add3A_1185, %dma_start3A_1235] : memref<10240x128xf32, #tpu.memory_space<vmem_shared>> -> memref<16x128xf32, #tpu.memory_space<vmem_shared>>
      %dma_start3A_1237 = arith.constant 0 : i32
      %dma_start3A_1238 = tpu.memref_slice %arg14[%add3A_1185, %dma_start3A_1237] : memref<10240x128xf32, #tpu.memory_space<vmem_shared>> -> memref<16x128xf32, #tpu.memory_space<vmem_shared>>
      tpu.enqueue_dma source(%arg13 : memref<16x128xf32, #tpu.memory_space<vmem>>) target(%dma_start3A_1238 : memref<16x128xf32, #tpu.memory_space<vmem_shared>>) target_semaphore(%run_scoped3A : memref<!tpu.dma_semaphore, #tpu.memory_space<semaphore_mem>>)
      %dma_wait3A_1239 = arith.constant 0 : i32
      %dma_wait3A_1240 = tpu.memref_slice %arg14[%add3A_1185, %dma_wait3A_1239] : memref<10240x128xf32, #tpu.memory_space<vmem_shared>> -> memref<16x128xf32, #tpu.memory_space<vmem_shared>>
      %dma_wait3A_1241 = arith.constant 0 : i32
      %dma_wait3A_1242 = tpu.memref_slice %arg14[%add3A_1185, %dma_wait3A_1241] : memref<10240x128xf32, #tpu.memory_space<vmem_shared>> -> memref<16x128xf32, #tpu.memory_space<vmem_shared>>
      tpu.wait_dma2 semaphore(%run_scoped3A : memref<!tpu.dma_semaphore, #tpu.memory_space<semaphore_mem>>) src(%arg13 : memref<16x128xf32, #tpu.memory_space<vmem>>) dst(%dma_wait3A_1242 : memref<16x128xf32, #tpu.memory_space<vmem_shared>>)
      tpu.yield
    }) : () -> ()
    %mul3A_1186 = arith.constant 640 : i32
    %mul3A_1187 = arith.muli %arg1, %mul3A_1186 : i32
    %add3A_1188 = arith.constant 608 : i32
    %add3A_1189 = arith.addi %mul3A_1187, %add3A_1188 : i32
    "tpu.region"() ({
      %run_scoped3A = tpu.sem_alloc : memref<!tpu.dma_semaphore, #tpu.memory_space<semaphore_mem>>
      %dma_start3A_1235 = arith.constant 0 : i32
      %dma_start3A_1236 = tpu.memref_slice %arg14[%add3A_1189, %dma_start3A_1235] : memref<10240x128xf32, #tpu.memory_space<vmem_shared>> -> memref<16x128xf32, #tpu.memory_space<vmem_shared>>
      %dma_start3A_1237 = arith.constant 0 : i32
      %dma_start3A_1238 = tpu.memref_slice %arg14[%add3A_1189, %dma_start3A_1237] : memref<10240x128xf32, #tpu.memory_space<vmem_shared>> -> memref<16x128xf32, #tpu.memory_space<vmem_shared>>
      tpu.enqueue_dma source(%arg13 : memref<16x128xf32, #tpu.memory_space<vmem>>) target(%dma_start3A_1238 : memref<16x128xf32, #tpu.memory_space<vmem_shared>>) target_semaphore(%run_scoped3A : memref<!tpu.dma_semaphore, #tpu.memory_space<semaphore_mem>>)
      %dma_wait3A_1239 = arith.constant 0 : i32
      %dma_wait3A_1240 = tpu.memref_slice %arg14[%add3A_1189, %dma_wait3A_1239] : memref<10240x128xf32, #tpu.memory_space<vmem_shared>> -> memref<16x128xf32, #tpu.memory_space<vmem_shared>>
      %dma_wait3A_1241 = arith.constant 0 : i32
      %dma_wait3A_1242 = tpu.memref_slice %arg14[%add3A_1189, %dma_wait3A_1241] : memref<10240x128xf32, #tpu.memory_space<vmem_shared>> -> memref<16x128xf32, #tpu.memory_space<vmem_shared>>
      tpu.wait_dma2 semaphore(%run_scoped3A : memref<!tpu.dma_semaphore, #tpu.memory_space<semaphore_mem>>) src(%arg13 : memref<16x128xf32, #tpu.memory_space<vmem>>) dst(%dma_wait3A_1242 : memref<16x128xf32, #tpu.memory_space<vmem_shared>>)
      tpu.yield
    }) : () -> ()
    %mul3A_1190 = arith.constant 640 : i32
    %mul3A_1191 = arith.muli %arg1, %mul3A_1190 : i32
    %add3A_1192 = arith.constant 624 : i32
    %add3A_1193 = arith.addi %mul3A_1191, %add3A_1192 : i32
    "tpu.region"() ({
      %run_scoped3A = tpu.sem_alloc : memref<!tpu.dma_semaphore, #tpu.memory_space<semaphore_mem>>
      %dma_start3A_1235 = arith.constant 0 : i32
      %dma_start3A_1236 = tpu.memref_slice %arg14[%add3A_1193, %dma_start3A_1235] : memref<10240x128xf32, #tpu.memory_space<vmem_shared>> -> memref<16x128xf32, #tpu.memory_space<vmem_shared>>
      %dma_start3A_1237 = arith.constant 0 : i32
      %dma_start3A_1238 = tpu.memref_slice %arg14[%add3A_1193, %dma_start3A_1237] : memref<10240x128xf32, #tpu.memory_space<vmem_shared>> -> memref<16x128xf32, #tpu.memory_space<vmem_shared>>
      tpu.enqueue_dma source(%arg13 : memref<16x128xf32, #tpu.memory_space<vmem>>) target(%dma_start3A_1238 : memref<16x128xf32, #tpu.memory_space<vmem_shared>>) target_semaphore(%run_scoped3A : memref<!tpu.dma_semaphore, #tpu.memory_space<semaphore_mem>>)
      %dma_wait3A_1239 = arith.constant 0 : i32
      %dma_wait3A_1240 = tpu.memref_slice %arg14[%add3A_1193, %dma_wait3A_1239] : memref<10240x128xf32, #tpu.memory_space<vmem_shared>> -> memref<16x128xf32, #tpu.memory_space<vmem_shared>>
      %dma_wait3A_1241 = arith.constant 0 : i32
      %dma_wait3A_1242 = tpu.memref_slice %arg14[%add3A_1193, %dma_wait3A_1241] : memref<10240x128xf32, #tpu.memory_space<vmem_shared>> -> memref<16x128xf32, #tpu.memory_space<vmem_shared>>
      tpu.wait_dma2 semaphore(%run_scoped3A : memref<!tpu.dma_semaphore, #tpu.memory_space<semaphore_mem>>) src(%arg13 : memref<16x128xf32, #tpu.memory_space<vmem>>) dst(%dma_wait3A_1242 : memref<16x128xf32, #tpu.memory_space<vmem_shared>>)
      tpu.yield
    }) : () -> ()
    %dma_wait3A = arith.constant 0 : i32
    %dma_wait3A_1194 = tpu.memref_slice %arg3[%dma_wait3A] : memref<320000xi32, #tpu.memory_space<hbm>> -> memref<10000xi32, #tpu.memory_space<hbm>>
    %dma_wait3A_1195 = arith.constant 0 : i32
    %dma_wait3A_1196 = tpu.memref_slice %arg3[%dma_wait3A_1195] : memref<320000xi32, #tpu.memory_space<hbm>> -> memref<10000xi32, #tpu.memory_space<hbm>>
    tpu.wait_dma2 semaphore(%arg15 : memref<!tpu.dma_semaphore, #tpu.memory_space<semaphore_mem>>) src(%dma_wait3A_1196 : memref<10000xi32, #tpu.memory_space<hbm>>) dst(%arg9 : memref<10000xi32, #tpu.memory_space<vmem>>)
    %dma_wait3A_1197 = tpu.memref_slice %arg2[%mul3A_2] : memref<320000xi32, #tpu.memory_space<hbm>> -> memref<128xi32, #tpu.memory_space<hbm>>
    %dma_wait3A_1198 = tpu.memref_slice %arg2[%mul3A_2] : memref<320000xi32, #tpu.memory_space<hbm>> -> memref<128xi32, #tpu.memory_space<hbm>>
    tpu.wait_dma2 semaphore(%arg15 : memref<!tpu.dma_semaphore, #tpu.memory_space<semaphore_mem>>) src(%dma_wait3A_1198 : memref<128xi32, #tpu.memory_space<hbm>>) dst(%arg6 : memref<128xi32, #tpu.memory_space<vmem>>)
    %barrier3A = arith.constant 0 : index
    tpu.barrier barrier_id(%barrier3A)
    %dma_start3A_1199 = arith.constant 0 : i32
    %dma_start3A_1200 = arith.constant 0 : i32
    %dma_start3A_1201 = tpu.memref_slice %arg4[%dma_start3A_1199, %dma_start3A_1200] : memref<10000x128xf32, #tpu.memory_space<hbm>> -> memref<10000x128xf32, #tpu.memory_space<hbm>>
    tpu.enqueue_indirect_dma source(%dma_start3A_1201 : memref<10000x128xf32, #tpu.memory_space<hbm>>) target(%arg10 : memref<128x128xf32, #tpu.memory_space<vmem>>) offsets(%arg6 : memref<128xi32, #tpu.memory_space<vmem>>) semaphore(%arg17 : memref<!tpu.dma_semaphore, #tpu.memory_space<semaphore_mem>>)
    %scan3A = arith.constant 0 : i32
    %scan3A_1202 = arith.constant 0 : i32
    %scan3A_1203 = arith.constant 38 : i32
    %scan3A_1204 = arith.addi %scan3A_1202, %scan3A_1203 : i32
    %scan3A_1205 = arith.constant 1 : i32
    scf.for %scan3A_1235 = %scan3A_1202 to %scan3A_1204 step %scan3A_1205  : i32 {
      %mul3A_1236 = arith.constant 2 : i32
      %mul3A_1237 = arith.muli %mul3A_1236, %scan3A_1235 : i32
      %dma_wait3A_1238 = tpu.memref_slice %arg2[%mul3A_2] : memref<320000xi32, #tpu.memory_space<hbm>> -> memref<128xi32, #tpu.memory_space<hbm>>
      %dma_wait3A_1239 = tpu.memref_slice %arg2[%mul3A_2] : memref<320000xi32, #tpu.memory_space<hbm>> -> memref<128xi32, #tpu.memory_space<hbm>>
      tpu.wait_dma2 semaphore(%arg16 : memref<!tpu.dma_semaphore, #tpu.memory_space<semaphore_mem>>) src(%dma_wait3A_1239 : memref<128xi32, #tpu.memory_space<hbm>>) dst(%arg7 : memref<128xi32, #tpu.memory_space<vmem>>)
      %dma_start3A_1240 = arith.constant 0 : i32
      %dma_start3A_1241 = arith.constant 0 : i32
      %dma_start3A_1242 = tpu.memref_slice %arg4[%dma_start3A_1240, %dma_start3A_1241] : memref<10000x128xf32, #tpu.memory_space<hbm>> -> memref<10000x128xf32, #tpu.memory_space<hbm>>
      tpu.enqueue_indirect_dma source(%dma_start3A_1242 : memref<10000x128xf32, #tpu.memory_space<hbm>>) target(%arg11 : memref<128x128xf32, #tpu.memory_space<vmem>>) offsets(%arg7 : memref<128xi32, #tpu.memory_space<vmem>>) semaphore(%arg18 : memref<!tpu.dma_semaphore, #tpu.memory_space<semaphore_mem>>)
      %dma_wait3A_1243 = arith.constant 0 : i32
      %dma_wait3A_1244 = arith.constant 0 : i32
      %dma_wait3A_1245 = tpu.memref_slice %arg4[%dma_wait3A_1243, %dma_wait3A_1244] : memref<10000x128xf32, #tpu.memory_space<hbm>> -> memref<10000x128xf32, #tpu.memory_space<hbm>>
      tpu.wait_indirect_dma semaphore(%arg17 : memref<!tpu.dma_semaphore, #tpu.memory_space<semaphore_mem>>) src(%dma_wait3A_1245 : memref<10000x128xf32, #tpu.memory_space<hbm>>) dst(%arg10 : memref<128x128xf32, #tpu.memory_space<vmem>>)
      %mul3A_1246 = arith.constant 128 : i32
      %mul3A_1247 = arith.muli %mul3A_1237, %mul3A_1246 : i32
      "tpu.region"() ({
        %run_scoped3A = tpu.sem_alloc : memref<!tpu.dma_semaphore, #tpu.memory_space<semaphore_mem>>
        %dma_start3A_1274 = tpu.memref_slice %arg9[%mul3A_1247] : memref<10000xi32, #tpu.memory_space<vmem>> -> memref<128xi32, #tpu.memory_space<vmem>>
        %dma_start3A_1275 = arith.constant 0 : i32
        %dma_start3A_1276 = arith.constant 0 : i32
        %dma_start3A_1277 = tpu.memref_slice %arg14[%dma_start3A_1275, %dma_start3A_1276] : memref<10240x128xf32, #tpu.memory_space<vmem_shared>> -> memref<10240x128xf32, #tpu.memory_space<vmem_shared>>
        tpu.enqueue_indirect_dma source(%arg10 : memref<128x128xf32, #tpu.memory_space<vmem>>) target(%dma_start3A_1277 : memref<10240x128xf32, #tpu.memory_space<vmem_shared>>) offsets(%dma_start3A_1274 : memref<128xi32, #tpu.memory_space<vmem>>) semaphore(%run_scoped3A : memref<!tpu.dma_semaphore, #tpu.memory_space<semaphore_mem>>) {add = true}
        %dma_wait3A_1278 = tpu.memref_slice %arg9[%mul3A_1247] : memref<10000xi32, #tpu.memory_space<vmem>> -> memref<128xi32, #tpu.memory_space<vmem>>
        %dma_wait3A_1279 = arith.constant 0 : i32
        %dma_wait3A_1280 = arith.constant 0 : i32
        %dma_wait3A_1281 = tpu.memref_slice %arg14[%dma_wait3A_1279, %dma_wait3A_1280] : memref<10240x128xf32, #tpu.memory_space<vmem_shared>> -> memref<10240x128xf32, #tpu.memory_space<vmem_shared>>
        tpu.wait_indirect_dma semaphore(%run_scoped3A : memref<!tpu.dma_semaphore, #tpu.memory_space<semaphore_mem>>) src(%arg10 : memref<128x128xf32, #tpu.memory_space<vmem>>) dst(%dma_wait3A_1281 : memref<10240x128xf32, #tpu.memory_space<vmem_shared>>)
        tpu.yield
      }) : () -> ()
      %add3A_1248 = arith.constant 2 : i32
      %add3A_1249 = arith.addi %mul3A_1237, %add3A_1248 : i32
      %mul3A_1250 = arith.constant 128 : i32
      %mul3A_1251 = arith.muli %add3A_1249, %mul3A_1250 : i32
      %add3A_1252 = arith.addi %mul3A_2, %mul3A_1251 : i32
      %dma_start3A_1253 = tpu.memref_slice %arg2[%add3A_1252] : memref<320000xi32, #tpu.memory_space<hbm>> -> memref<128xi32, #tpu.memory_space<hbm>>
      %dma_start3A_1254 = tpu.memref_slice %arg2[%add3A_1252] : memref<320000xi32, #tpu.memory_space<hbm>> -> memref<128xi32, #tpu.memory_space<hbm>>
      tpu.enqueue_dma source(%dma_start3A_1254 : memref<128xi32, #tpu.memory_space<hbm>>) target(%arg6 : memref<128xi32, #tpu.memory_space<vmem>>) target_semaphore(%arg15 : memref<!tpu.dma_semaphore, #tpu.memory_space<semaphore_mem>>)
      %add3A_1255 = arith.constant 1 : i32
      %add3A_1256 = arith.addi %mul3A_1237, %add3A_1255 : i32
      %dma_wait3A_1257 = tpu.memref_slice %arg2[%mul3A_2] : memref<320000xi32, #tpu.memory_space<hbm>> -> memref<128xi32, #tpu.memory_space<hbm>>
      %dma_wait3A_1258 = tpu.memref_slice %arg2[%mul3A_2] : memref<320000xi32, #tpu.memory_space<hbm>> -> memref<128xi32, #tpu.memory_space<hbm>>
      tpu.wait_dma2 semaphore(%arg15 : memref<!tpu.dma_semaphore, #tpu.memory_space<semaphore_mem>>) src(%dma_wait3A_1258 : memref<128xi32, #tpu.memory_space<hbm>>) dst(%arg6 : memref<128xi32, #tpu.memory_space<vmem>>)
      %dma_start3A_1259 = arith.constant 0 : i32
      %dma_start3A_1260 = arith.constant 0 : i32
      %dma_start3A_1261 = tpu.memref_slice %arg4[%dma_start3A_1259, %dma_start3A_1260] : memref<10000x128xf32, #tpu.memory_space<hbm>> -> memref<10000x128xf32, #tpu.memory_space<hbm>>
      tpu.enqueue_indirect_dma source(%dma_start3A_1261 : memref<10000x128xf32, #tpu.memory_space<hbm>>) target(%arg10 : memref<128x128xf32, #tpu.memory_space<vmem>>) offsets(%arg6 : memref<128xi32, #tpu.memory_space<vmem>>) semaphore(%arg17 : memref<!tpu.dma_semaphore, #tpu.memory_space<semaphore_mem>>)
      %dma_wait3A_1262 = arith.constant 0 : i32
      %dma_wait3A_1263 = arith.constant 0 : i32
      %dma_wait3A_1264 = tpu.memref_slice %arg4[%dma_wait3A_1262, %dma_wait3A_1263] : memref<10000x128xf32, #tpu.memory_space<hbm>> -> memref<10000x128xf32, #tpu.memory_space<hbm>>
      tpu.wait_indirect_dma semaphore(%arg18 : memref<!tpu.dma_semaphore, #tpu.memory_space<semaphore_mem>>) src(%dma_wait3A_1264 : memref<10000x128xf32, #tpu.memory_space<hbm>>) dst(%arg11 : memref<128x128xf32, #tpu.memory_space<vmem>>)
      %mul3A_1265 = arith.constant 128 : i32
      %mul3A_1266 = arith.muli %add3A_1256, %mul3A_1265 : i32
      "tpu.region"() ({
        %run_scoped3A = tpu.sem_alloc : memref<!tpu.dma_semaphore, #tpu.memory_space<semaphore_mem>>
        %dma_start3A_1274 = tpu.memref_slice %arg9[%mul3A_1266] : memref<10000xi32, #tpu.memory_space<vmem>> -> memref<128xi32, #tpu.memory_space<vmem>>
        %dma_start3A_1275 = arith.constant 0 : i32
        %dma_start3A_1276 = arith.constant 0 : i32
        %dma_start3A_1277 = tpu.memref_slice %arg14[%dma_start3A_1275, %dma_start3A_1276] : memref<10240x128xf32, #tpu.memory_space<vmem_shared>> -> memref<10240x128xf32, #tpu.memory_space<vmem_shared>>
        tpu.enqueue_indirect_dma source(%arg11 : memref<128x128xf32, #tpu.memory_space<vmem>>) target(%dma_start3A_1277 : memref<10240x128xf32, #tpu.memory_space<vmem_shared>>) offsets(%dma_start3A_1274 : memref<128xi32, #tpu.memory_space<vmem>>) semaphore(%run_scoped3A : memref<!tpu.dma_semaphore, #tpu.memory_space<semaphore_mem>>) {add = true}
        %dma_wait3A_1278 = tpu.memref_slice %arg9[%mul3A_1266] : memref<10000xi32, #tpu.memory_space<vmem>> -> memref<128xi32, #tpu.memory_space<vmem>>
        %dma_wait3A_1279 = arith.constant 0 : i32
        %dma_wait3A_1280 = arith.constant 0 : i32
        %dma_wait3A_1281 = tpu.memref_slice %arg14[%dma_wait3A_1279, %dma_wait3A_1280] : memref<10240x128xf32, #tpu.memory_space<vmem_shared>> -> memref<10240x128xf32, #tpu.memory_space<vmem_shared>>
        tpu.wait_indirect_dma semaphore(%run_scoped3A : memref<!tpu.dma_semaphore, #tpu.memory_space<semaphore_mem>>) src(%arg11 : memref<128x128xf32, #tpu.memory_space<vmem>>) dst(%dma_wait3A_1281 : memref<10240x128xf32, #tpu.memory_space<vmem_shared>>)
        tpu.yield
      }) : () -> ()
      %add3A_1267 = arith.constant 2 : i32
      %add3A_1268 = arith.addi %add3A_1256, %add3A_1267 : i32
      %mul3A_1269 = arith.constant 128 : i32
      %mul3A_1270 = arith.muli %add3A_1268, %mul3A_1269 : i32
      %add3A_1271 = arith.addi %mul3A_2, %mul3A_1270 : i32
      %dma_start3A_1272 = tpu.memref_slice %arg2[%add3A_1271] : memref<320000xi32, #tpu.memory_space<hbm>> -> memref<128xi32, #tpu.memory_space<hbm>>
      %dma_start3A_1273 = tpu.memref_slice %arg2[%add3A_1271] : memref<320000xi32, #tpu.memory_space<hbm>> -> memref<128xi32, #tpu.memory_space<hbm>>
      tpu.enqueue_dma source(%dma_start3A_1273 : memref<128xi32, #tpu.memory_space<hbm>>) target(%arg7 : memref<128xi32, #tpu.memory_space<vmem>>) target_semaphore(%arg16 : memref<!tpu.dma_semaphore, #tpu.memory_space<semaphore_mem>>)
    }
    %scan3A_1206 = arith.constant 38 : i32
    %dma_wait3A_1207 = tpu.memref_slice %arg2[%mul3A_2] : memref<320000xi32, #tpu.memory_space<hbm>> -> memref<128xi32, #tpu.memory_space<hbm>>
    %dma_wait3A_1208 = tpu.memref_slice %arg2[%mul3A_2] : memref<320000xi32, #tpu.memory_space<hbm>> -> memref<128xi32, #tpu.memory_space<hbm>>
    tpu.wait_dma2 semaphore(%arg16 : memref<!tpu.dma_semaphore, #tpu.memory_space<semaphore_mem>>) src(%dma_wait3A_1208 : memref<128xi32, #tpu.memory_space<hbm>>) dst(%arg7 : memref<128xi32, #tpu.memory_space<vmem>>)
    %dma_start3A_1209 = arith.constant 0 : i32
    %dma_start3A_1210 = arith.constant 0 : i32
    %dma_start3A_1211 = tpu.memref_slice %arg4[%dma_start3A_1209, %dma_start3A_1210] : memref<10000x128xf32, #tpu.memory_space<hbm>> -> memref<10000x128xf32, #tpu.memory_space<hbm>>
    tpu.enqueue_indirect_dma source(%dma_start3A_1211 : memref<10000x128xf32, #tpu.memory_space<hbm>>) target(%arg11 : memref<128x128xf32, #tpu.memory_space<vmem>>) offsets(%arg7 : memref<128xi32, #tpu.memory_space<vmem>>) semaphore(%arg18 : memref<!tpu.dma_semaphore, #tpu.memory_space<semaphore_mem>>)
    %add3A_1212 = arith.constant 9984 : i32
    %add3A_1213 = arith.addi %mul3A_2, %add3A_1212 : i32
    %dma_start3A_1214 = tpu.memref_slice %arg2[%add3A_1213] : memref<320000xi32, #tpu.memory_space<hbm>> -> memref<16xi32, #tpu.memory_space<hbm>>
    %dma_start3A_1215 = tpu.memref_slice %arg2[%add3A_1213] : memref<320000xi32, #tpu.memory_space<hbm>> -> memref<16xi32, #tpu.memory_space<hbm>>
    tpu.enqueue_dma source(%dma_start3A_1215 : memref<16xi32, #tpu.memory_space<hbm>>) target(%arg8 : memref<16xi32, #tpu.memory_space<vmem>>) target_semaphore(%arg15 : memref<!tpu.dma_semaphore, #tpu.memory_space<semaphore_mem>>)
    %dma_wait3A_1216 = arith.constant 0 : i32
    %dma_wait3A_1217 = arith.constant 0 : i32
    %dma_wait3A_1218 = tpu.memref_slice %arg4[%dma_wait3A_1216, %dma_wait3A_1217] : memref<10000x128xf32, #tpu.memory_space<hbm>> -> memref<10000x128xf32, #tpu.memory_space<hbm>>
    tpu.wait_indirect_dma semaphore(%arg17 : memref<!tpu.dma_semaphore, #tpu.memory_space<semaphore_mem>>) src(%dma_wait3A_1218 : memref<10000x128xf32, #tpu.memory_space<hbm>>) dst(%arg10 : memref<128x128xf32, #tpu.memory_space<vmem>>)
    "tpu.region"() ({
      %run_scoped3A = tpu.sem_alloc : memref<!tpu.dma_semaphore, #tpu.memory_space<semaphore_mem>>
      %dma_start3A_1235 = arith.constant 9728 : i32
      %dma_start3A_1236 = tpu.memref_slice %arg9[%dma_start3A_1235] : memref<10000xi32, #tpu.memory_space<vmem>> -> memref<128xi32, #tpu.memory_space<vmem>>
      %dma_start3A_1237 = arith.constant 0 : i32
      %dma_start3A_1238 = arith.constant 0 : i32
      %dma_start3A_1239 = tpu.memref_slice %arg14[%dma_start3A_1237, %dma_start3A_1238] : memref<10240x128xf32, #tpu.memory_space<vmem_shared>> -> memref<10240x128xf32, #tpu.memory_space<vmem_shared>>
      tpu.enqueue_indirect_dma source(%arg10 : memref<128x128xf32, #tpu.memory_space<vmem>>) target(%dma_start3A_1239 : memref<10240x128xf32, #tpu.memory_space<vmem_shared>>) offsets(%dma_start3A_1236 : memref<128xi32, #tpu.memory_space<vmem>>) semaphore(%run_scoped3A : memref<!tpu.dma_semaphore, #tpu.memory_space<semaphore_mem>>) {add = true}
      %dma_wait3A_1240 = arith.constant 9728 : i32
      %dma_wait3A_1241 = tpu.memref_slice %arg9[%dma_wait3A_1240] : memref<10000xi32, #tpu.memory_space<vmem>> -> memref<128xi32, #tpu.memory_space<vmem>>
      %dma_wait3A_1242 = arith.constant 0 : i32
      %dma_wait3A_1243 = arith.constant 0 : i32
      %dma_wait3A_1244 = tpu.memref_slice %arg14[%dma_wait3A_1242, %dma_wait3A_1243] : memref<10240x128xf32, #tpu.memory_space<vmem_shared>> -> memref<10240x128xf32, #tpu.memory_space<vmem_shared>>
      tpu.wait_indirect_dma semaphore(%run_scoped3A : memref<!tpu.dma_semaphore, #tpu.memory_space<semaphore_mem>>) src(%arg10 : memref<128x128xf32, #tpu.memory_space<vmem>>) dst(%dma_wait3A_1244 : memref<10240x128xf32, #tpu.memory_space<vmem_shared>>)
      tpu.yield
    }) : () -> ()
    %dma_wait3A_1219 = tpu.memref_slice %arg2[%mul3A_2] : memref<320000xi32, #tpu.memory_space<hbm>> -> memref<16xi32, #tpu.memory_space<hbm>>
    %dma_wait3A_1220 = tpu.memref_slice %arg2[%mul3A_2] : memref<320000xi32, #tpu.memory_space<hbm>> -> memref<16xi32, #tpu.memory_space<hbm>>
    tpu.wait_dma2 semaphore(%arg15 : memref<!tpu.dma_semaphore, #tpu.memory_space<semaphore_mem>>) src(%dma_wait3A_1220 : memref<16xi32, #tpu.memory_space<hbm>>) dst(%arg8 : memref<16xi32, #tpu.memory_space<vmem>>)
    %dma_start3A_1221 = arith.constant 0 : i32
    %dma_start3A_1222 = arith.constant 0 : i32
    %dma_start3A_1223 = tpu.memref_slice %arg4[%dma_start3A_1221, %dma_start3A_1222] : memref<10000x128xf32, #tpu.memory_space<hbm>> -> memref<10000x128xf32, #tpu.memory_space<hbm>>
    tpu.enqueue_indirect_dma source(%dma_start3A_1223 : memref<10000x128xf32, #tpu.memory_space<hbm>>) target(%arg12 : memref<16x128xf32, #tpu.memory_space<vmem>>) offsets(%arg8 : memref<16xi32, #tpu.memory_space<vmem>>) semaphore(%arg17 : memref<!tpu.dma_semaphore, #tpu.memory_space<semaphore_mem>>)
    %dma_wait3A_1224 = arith.constant 0 : i32
    %dma_wait3A_1225 = arith.constant 0 : i32
    %dma_wait3A_1226 = tpu.memref_slice %arg4[%dma_wait3A_1224, %dma_wait3A_1225] : memref<10000x128xf32, #tpu.memory_space<hbm>> -> memref<10000x128xf32, #tpu.memory_space<hbm>>
    tpu.wait_indirect_dma semaphore(%arg18 : memref<!tpu.dma_semaphore, #tpu.memory_space<semaphore_mem>>) src(%dma_wait3A_1226 : memref<10000x128xf32, #tpu.memory_space<hbm>>) dst(%arg11 : memref<128x128xf32, #tpu.memory_space<vmem>>)
    "tpu.region"() ({
      %run_scoped3A = tpu.sem_alloc : memref<!tpu.dma_semaphore, #tpu.memory_space<semaphore_mem>>
      %dma_start3A_1235 = arith.constant 9856 : i32
      %dma_start3A_1236 = tpu.memref_slice %arg9[%dma_start3A_1235] : memref<10000xi32, #tpu.memory_space<vmem>> -> memref<128xi32, #tpu.memory_space<vmem>>
      %dma_start3A_1237 = arith.constant 0 : i32
      %dma_start3A_1238 = arith.constant 0 : i32
      %dma_start3A_1239 = tpu.memref_slice %arg14[%dma_start3A_1237, %dma_start3A_1238] : memref<10240x128xf32, #tpu.memory_space<vmem_shared>> -> memref<10240x128xf32, #tpu.memory_space<vmem_shared>>
      tpu.enqueue_indirect_dma source(%arg11 : memref<128x128xf32, #tpu.memory_space<vmem>>) target(%dma_start3A_1239 : memref<10240x128xf32, #tpu.memory_space<vmem_shared>>) offsets(%dma_start3A_1236 : memref<128xi32, #tpu.memory_space<vmem>>) semaphore(%run_scoped3A : memref<!tpu.dma_semaphore, #tpu.memory_space<semaphore_mem>>) {add = true}
      %dma_wait3A_1240 = arith.constant 9856 : i32
      %dma_wait3A_1241 = tpu.memref_slice %arg9[%dma_wait3A_1240] : memref<10000xi32, #tpu.memory_space<vmem>> -> memref<128xi32, #tpu.memory_space<vmem>>
      %dma_wait3A_1242 = arith.constant 0 : i32
      %dma_wait3A_1243 = arith.constant 0 : i32
      %dma_wait3A_1244 = tpu.memref_slice %arg14[%dma_wait3A_1242, %dma_wait3A_1243] : memref<10240x128xf32, #tpu.memory_space<vmem_shared>> -> memref<10240x128xf32, #tpu.memory_space<vmem_shared>>
      tpu.wait_indirect_dma semaphore(%run_scoped3A : memref<!tpu.dma_semaphore, #tpu.memory_space<semaphore_mem>>) src(%arg11 : memref<128x128xf32, #tpu.memory_space<vmem>>) dst(%dma_wait3A_1244 : memref<10240x128xf32, #tpu.memory_space<vmem_shared>>)
      tpu.yield
    }) : () -> ()
    %dma_wait3A_1227 = arith.constant 0 : i32
    %dma_wait3A_1228 = arith.constant 0 : i32
    %dma_wait3A_1229 = tpu.memref_slice %arg4[%dma_wait3A_1227, %dma_wait3A_1228] : memref<10000x128xf32, #tpu.memory_space<hbm>> -> memref<10000x128xf32, #tpu.memory_space<hbm>>
    tpu.wait_indirect_dma semaphore(%arg17 : memref<!tpu.dma_semaphore, #tpu.memory_space<semaphore_mem>>) src(%dma_wait3A_1229 : memref<10000x128xf32, #tpu.memory_space<hbm>>) dst(%arg12 : memref<16x128xf32, #tpu.memory_space<vmem>>)
    "tpu.region"() ({
      %run_scoped3A = tpu.sem_alloc : memref<!tpu.dma_semaphore, #tpu.memory_space<semaphore_mem>>
      %dma_start3A_1235 = arith.constant 9984 : i32
      %dma_start3A_1236 = tpu.memref_slice %arg9[%dma_start3A_1235] : memref<10000xi32, #tpu.memory_space<vmem>> -> memref<16xi32, #tpu.memory_space<vmem>>
      %dma_start3A_1237 = arith.constant 0 : i32
      %dma_start3A_1238 = arith.constant 0 : i32
      %dma_start3A_1239 = tpu.memref_slice %arg14[%dma_start3A_1237, %dma_start3A_1238] : memref<10240x128xf32, #tpu.memory_space<vmem_shared>> -> memref<10240x128xf32, #tpu.memory_space<vmem_shared>>
      tpu.enqueue_indirect_dma source(%arg12 : memref<16x128xf32, #tpu.memory_space<vmem>>) target(%dma_start3A_1239 : memref<10240x128xf32, #tpu.memory_space<vmem_shared>>) offsets(%dma_start3A_1236 : memref<16xi32, #tpu.memory_space<vmem>>) semaphore(%run_scoped3A : memref<!tpu.dma_semaphore, #tpu.memory_space<semaphore_mem>>) {add = true}
      %dma_wait3A_1240 = arith.constant 9984 : i32
      %dma_wait3A_1241 = tpu.memref_slice %arg9[%dma_wait3A_1240] : memref<10000xi32, #tpu.memory_space<vmem>> -> memref<16xi32, #tpu.memory_space<vmem>>
      %dma_wait3A_1242 = arith.constant 0 : i32
      %dma_wait3A_1243 = arith.constant 0 : i32
      %dma_wait3A_1244 = tpu.memref_slice %arg14[%dma_wait3A_1242, %dma_wait3A_1243] : memref<10240x128xf32, #tpu.memory_space<vmem_shared>> -> memref<10240x128xf32, #tpu.memory_space<vmem_shared>>
      tpu.wait_indirect_dma semaphore(%run_scoped3A : memref<!tpu.dma_semaphore, #tpu.memory_space<semaphore_mem>>) src(%arg12 : memref<16x128xf32, #tpu.memory_space<vmem>>) dst(%dma_wait3A_1244 : memref<10240x128xf32, #tpu.memory_space<vmem_shared>>)
      tpu.yield
    }) : () -> ()
    %barrier3A_1230 = arith.constant 0 : index
    tpu.barrier barrier_id(%barrier3A_1230)
    %mul3A_1231 = arith.constant 640 : i32
    %mul3A_1232 = arith.muli %arg1, %mul3A_1231 : i32
    %mul3A_1233 = arith.constant 640 : i32
    %mul3A_1234 = arith.muli %arg1, %mul3A_1233 : i32
    "tpu.region"() ({
      %run_scoped3A = tpu.sem_alloc : memref<!tpu.dma_semaphore, #tpu.memory_space<semaphore_mem>>
      %dma_start3A_1235 = arith.constant 0 : i32
      %dma_start3A_1236 = tpu.memref_slice %arg5[%arg0, %mul3A_1234, %dma_start3A_1235] : memref<2x10240x128xf32, #tpu.memory_space<hbm>> -> memref<1x640x128xf32, #tpu.memory_space<hbm>>
      %dma_start3A_1237 = tpu.memref_squeeze %dma_start3A_1236 : memref<1x640x128xf32, #tpu.memory_space<hbm>> -> memref<640x128xf32, #tpu.memory_space<hbm>>
      %dma_start3A_1238 = arith.constant 0 : i32
      %dma_start3A_1239 = tpu.memref_slice %arg14[%mul3A_1232, %dma_start3A_1238] : memref<10240x128xf32, #tpu.memory_space<vmem_shared>> -> memref<640x128xf32, #tpu.memory_space<vmem_shared>>
      tpu.enqueue_dma source(%dma_start3A_1239 : memref<640x128xf32, #tpu.memory_space<vmem_shared>>) target(%dma_start3A_1237 : memref<640x128xf32, #tpu.memory_space<hbm>>) target_semaphore(%run_scoped3A : memref<!tpu.dma_semaphore, #tpu.memory_space<semaphore_mem>>)
      %dma_wait3A_1240 = arith.constant 0 : i32
      %dma_wait3A_1241 = tpu.memref_slice %arg5[%arg0, %mul3A_1234, %dma_wait3A_1240] : memref<2x10240x128xf32, #tpu.memory_space<hbm>> -> memref<1x640x128xf32, #tpu.memory_space<hbm>>
      %dma_wait3A_1242 = tpu.memref_squeeze %dma_wait3A_1241 : memref<1x640x128xf32, #tpu.memory_space<hbm>> -> memref<640x128xf32, #tpu.memory_space<hbm>>
      %dma_wait3A_1243 = arith.constant 0 : i32
      %dma_wait3A_1244 = tpu.memref_slice %arg14[%mul3A_1232, %dma_wait3A_1243] : memref<10240x128xf32, #tpu.memory_space<vmem_shared>> -> memref<640x128xf32, #tpu.memory_space<vmem_shared>>
      tpu.wait_dma2 semaphore(%run_scoped3A : memref<!tpu.dma_semaphore, #tpu.memory_space<semaphore_mem>>) src(%dma_wait3A_1244 : memref<640x128xf32, #tpu.memory_space<vmem_shared>>) dst(%dma_wait3A_1242 : memref<640x128xf32, #tpu.memory_space<hbm>>)
      tpu.yield
    }) : () -> ()
    return
  }
}

#map = affine_map<(d0, d1) -> (0)>
module attributes {stable_mosaic.version = 14 : i64} {
  func.func @_deg_body(%arg0: i32, %arg1: i32, %arg2: memref<320000xi32, #tpu.memory_space<hbm>>, %arg3: memref<20480xf32, #tpu.memory_space<hbm>>, %arg4: memref<10000xi32, #tpu.memory_space<vmem>>, %arg5: memref<128xf32, #tpu.memory_space<vmem>>, %arg6: memref<640xf32, #tpu.memory_space<vmem>>, %arg7: memref<10240xf32, #tpu.memory_space<vmem_shared>>, %arg8: memref<!tpu.dma_semaphore, #tpu.memory_space<semaphore_mem>>) attributes {dimension_semantics = [#tpu.dimension_semantics<core_parallel>, #tpu.dimension_semantics<subcore_parallel>], iteration_bounds = array<i64: 2, 16>, scalar_prefetch = 0 : i64, scratch_operands = 5 : i64, tpu.core_type = #tpu.core_type<sc_vector_subcore>, window_params = [{transform_indices = #map}, {transform_indices = #map}]} {
    %mul3A = arith.constant 16 : i32
    %mul3A_0 = arith.muli %arg0, %mul3A : i32
    %add3A = arith.addi %mul3A_0, %arg1 : i32
    %mul3A_1 = arith.constant 10000 : i32
    %mul3A_2 = arith.muli %add3A, %mul3A_1 : i32
    %dma_start3A = tpu.memref_slice %arg2[%mul3A_2] : memref<320000xi32, #tpu.memory_space<hbm>> -> memref<10000xi32, #tpu.memory_space<hbm>>
    %dma_start3A_3 = tpu.memref_slice %arg2[%mul3A_2] : memref<320000xi32, #tpu.memory_space<hbm>> -> memref<10000xi32, #tpu.memory_space<hbm>>
    tpu.enqueue_dma source(%dma_start3A_3 : memref<10000xi32, #tpu.memory_space<hbm>>) target(%arg4 : memref<10000xi32, #tpu.memory_space<vmem>>) target_semaphore(%arg8 : memref<!tpu.dma_semaphore, #tpu.memory_space<semaphore_mem>>)
    %scan3A = arith.constant 0 : i32
    %scan3A_4 = arith.constant 0 : i32
    %scan3A_5 = arith.constant 40 : i32
    %scan3A_6 = arith.addi %scan3A_4, %scan3A_5 : i32
    %scan3A_7 = arith.constant 1 : i32
    scf.for %scan3A_34 = %scan3A_4 to %scan3A_6 step %scan3A_7  : i32 {
      %broadcast_in_dim3A = arith.constant 0.000000e+00 : f32
      %broadcast_in_dim3A_35 = vector.broadcast %broadcast_in_dim3A : f32 to vector<16xf32>
      %mul3A_36 = arith.constant 16 : i32
      %mul3A_37 = arith.muli %scan3A_34, %mul3A_36 : i32
      %swap3A = arith.index_cast %mul3A_37 : i32 to index
      %swap3A_38 = tpu.vector_load %arg6[%swap3A] {strides = array<i32>} : memref<640xf32, #tpu.memory_space<vmem>>, vector<16xf32>,
      %swap3A_39 = vector.shape_cast %swap3A_38 : vector<16xf32> to vector<16xf32>
      %swap3A_40 = vector.shape_cast %broadcast_in_dim3A_35 : vector<16xf32> to vector<16xf32>
      tpu.vector_store %arg6[%swap3A], %swap3A_40 {strides = array<i32>} : memref<640xf32, #tpu.memory_space<vmem>>, vector<16xf32>,
    }
    %scan3A_8 = arith.constant 40 : i32
    %scan3A_9 = arith.constant 0 : i32
    %scan3A_10 = arith.constant 0 : i32
    %scan3A_11 = arith.constant 8 : i32
    %scan3A_12 = arith.addi %scan3A_10, %scan3A_11 : i32
    %scan3A_13 = arith.constant 1 : i32
    scf.for %scan3A_34 = %scan3A_10 to %scan3A_12 step %scan3A_13  : i32 {
      %broadcast_in_dim3A = arith.constant 1.000000e+00 : f32
      %broadcast_in_dim3A_35 = vector.broadcast %broadcast_in_dim3A : f32 to vector<16xf32>
      %mul3A_36 = arith.constant 16 : i32
      %mul3A_37 = arith.muli %scan3A_34, %mul3A_36 : i32
      %swap3A = arith.index_cast %mul3A_37 : i32 to index
      %swap3A_38 = tpu.vector_load %arg5[%swap3A] {strides = array<i32>} : memref<128xf32, #tpu.memory_space<vmem>>, vector<16xf32>,
      %swap3A_39 = vector.shape_cast %swap3A_38 : vector<16xf32> to vector<16xf32>
      %swap3A_40 = vector.shape_cast %broadcast_in_dim3A_35 : vector<16xf32> to vector<16xf32>
      tpu.vector_store %arg5[%swap3A], %swap3A_40 {strides = array<i32>} : memref<128xf32, #tpu.memory_space<vmem>>, vector<16xf32>,
    }
    %scan3A_14 = arith.constant 8 : i32
    %mul3A_15 = arith.constant 640 : i32
    %mul3A_16 = arith.muli %arg1, %mul3A_15 : i32
    "tpu.region"() ({
      %run_scoped3A = tpu.sem_alloc : memref<!tpu.dma_semaphore, #tpu.memory_space<semaphore_mem>>
      %dma_start3A_34 = tpu.memref_slice %arg7[%mul3A_16] : memref<10240xf32, #tpu.memory_space<vmem_shared>> -> memref<640xf32, #tpu.memory_space<vmem_shared>>
      %dma_start3A_35 = tpu.memref_slice %arg7[%mul3A_16] : memref<10240xf32, #tpu.memory_space<vmem_shared>> -> memref<640xf32, #tpu.memory_space<vmem_shared>>
      tpu.enqueue_dma source(%arg6 : memref<640xf32, #tpu.memory_space<vmem>>) target(%dma_start3A_35 : memref<640xf32, #tpu.memory_space<vmem_shared>>) target_semaphore(%run_scoped3A : memref<!tpu.dma_semaphore, #tpu.memory_space<semaphore_mem>>)
      %dma_wait3A_36 = tpu.memref_slice %arg7[%mul3A_16] : memref<10240xf32, #tpu.memory_space<vmem_shared>> -> memref<640xf32, #tpu.memory_space<vmem_shared>>
      %dma_wait3A_37 = tpu.memref_slice %arg7[%mul3A_16] : memref<10240xf32, #tpu.memory_space<vmem_shared>> -> memref<640xf32, #tpu.memory_space<vmem_shared>>
      tpu.wait_dma2 semaphore(%run_scoped3A : memref<!tpu.dma_semaphore, #tpu.memory_space<semaphore_mem>>) src(%arg6 : memref<640xf32, #tpu.memory_space<vmem>>) dst(%dma_wait3A_37 : memref<640xf32, #tpu.memory_space<vmem_shared>>)
      tpu.yield
    }) : () -> ()
    %dma_wait3A = arith.constant 0 : i32
    %dma_wait3A_17 = tpu.memref_slice %arg2[%dma_wait3A] : memref<320000xi32, #tpu.memory_space<hbm>> -> memref<10000xi32, #tpu.memory_space<hbm>>
    %dma_wait3A_18 = arith.constant 0 : i32
    %dma_wait3A_19 = tpu.memref_slice %arg2[%dma_wait3A_18] : memref<320000xi32, #tpu.memory_space<hbm>> -> memref<10000xi32, #tpu.memory_space<hbm>>
    tpu.wait_dma2 semaphore(%arg8 : memref<!tpu.dma_semaphore, #tpu.memory_space<semaphore_mem>>) src(%dma_wait3A_19 : memref<10000xi32, #tpu.memory_space<hbm>>) dst(%arg4 : memref<10000xi32, #tpu.memory_space<vmem>>)
    %barrier3A = arith.constant 0 : index
    tpu.barrier barrier_id(%barrier3A)
    %scan3A_20 = arith.constant 0 : i32
    %scan3A_21 = arith.constant 0 : i32
    %scan3A_22 = arith.constant 78 : i32
    %scan3A_23 = arith.addi %scan3A_21, %scan3A_22 : i32
    %scan3A_24 = arith.constant 1 : i32
    scf.for %scan3A_34 = %scan3A_21 to %scan3A_23 step %scan3A_24  : i32 {
      %mul3A_35 = arith.constant 128 : i32
      %mul3A_36 = arith.muli %scan3A_34, %mul3A_35 : i32
      "tpu.region"() ({
        %run_scoped3A = tpu.sem_alloc : memref<!tpu.dma_semaphore, #tpu.memory_space<semaphore_mem>>
        %dma_start3A_37 = tpu.memref_slice %arg4[%mul3A_36] : memref<10000xi32, #tpu.memory_space<vmem>> -> memref<128xi32, #tpu.memory_space<vmem>>
        %dma_start3A_38 = arith.constant 0 : i32
        %dma_start3A_39 = tpu.memref_slice %arg7[%dma_start3A_38] : memref<10240xf32, #tpu.memory_space<vmem_shared>> -> memref<10240xf32, #tpu.memory_space<vmem_shared>>
        tpu.enqueue_indirect_dma source(%arg5 : memref<128xf32, #tpu.memory_space<vmem>>) target(%dma_start3A_39 : memref<10240xf32, #tpu.memory_space<vmem_shared>>) offsets(%dma_start3A_37 : memref<128xi32, #tpu.memory_space<vmem>>) semaphore(%run_scoped3A : memref<!tpu.dma_semaphore, #tpu.memory_space<semaphore_mem>>) {add = true}
        %dma_wait3A_40 = tpu.memref_slice %arg4[%mul3A_36] : memref<10000xi32, #tpu.memory_space<vmem>> -> memref<128xi32, #tpu.memory_space<vmem>>
        %dma_wait3A_41 = arith.constant 0 : i32
        %dma_wait3A_42 = tpu.memref_slice %arg7[%dma_wait3A_41] : memref<10240xf32, #tpu.memory_space<vmem_shared>> -> memref<10240xf32, #tpu.memory_space<vmem_shared>>
        tpu.wait_indirect_dma semaphore(%run_scoped3A : memref<!tpu.dma_semaphore, #tpu.memory_space<semaphore_mem>>) src(%arg5 : memref<128xf32, #tpu.memory_space<vmem>>) dst(%dma_wait3A_42 : memref<10240xf32, #tpu.memory_space<vmem_shared>>)
        tpu.yield
      }) : () -> ()
    }
    %scan3A_25 = arith.constant 78 : i32
    "tpu.region"() ({
      %run_scoped3A = tpu.sem_alloc : memref<!tpu.dma_semaphore, #tpu.memory_space<semaphore_mem>>
      %dma_start3A_34 = arith.constant 0 : i32
      %dma_start3A_35 = tpu.memref_slice %arg5[%dma_start3A_34] : memref<128xf32, #tpu.memory_space<vmem>> -> memref<16xf32, #tpu.memory_space<vmem>>
      %dma_start3A_36 = arith.constant 9984 : i32
      %dma_start3A_37 = tpu.memref_slice %arg4[%dma_start3A_36] : memref<10000xi32, #tpu.memory_space<vmem>> -> memref<16xi32, #tpu.memory_space<vmem>>
      %dma_start3A_38 = arith.constant 0 : i32
      %dma_start3A_39 = tpu.memref_slice %arg7[%dma_start3A_38] : memref<10240xf32, #tpu.memory_space<vmem_shared>> -> memref<10240xf32, #tpu.memory_space<vmem_shared>>
      tpu.enqueue_indirect_dma source(%dma_start3A_35 : memref<16xf32, #tpu.memory_space<vmem>>) target(%dma_start3A_39 : memref<10240xf32, #tpu.memory_space<vmem_shared>>) offsets(%dma_start3A_37 : memref<16xi32, #tpu.memory_space<vmem>>) semaphore(%run_scoped3A : memref<!tpu.dma_semaphore, #tpu.memory_space<semaphore_mem>>) {add = true}
      %dma_wait3A_40 = arith.constant 0 : i32
      %dma_wait3A_41 = tpu.memref_slice %arg5[%dma_wait3A_40] : memref<128xf32, #tpu.memory_space<vmem>> -> memref<16xf32, #tpu.memory_space<vmem>>
      %dma_wait3A_42 = arith.constant 9984 : i32
      %dma_wait3A_43 = tpu.memref_slice %arg4[%dma_wait3A_42] : memref<10000xi32, #tpu.memory_space<vmem>> -> memref<16xi32, #tpu.memory_space<vmem>>
      %dma_wait3A_44 = arith.constant 0 : i32
      %dma_wait3A_45 = tpu.memref_slice %arg7[%dma_wait3A_44] : memref<10240xf32, #tpu.memory_space<vmem_shared>> -> memref<10240xf32, #tpu.memory_space<vmem_shared>>
      tpu.wait_indirect_dma semaphore(%run_scoped3A : memref<!tpu.dma_semaphore, #tpu.memory_space<semaphore_mem>>) src(%dma_wait3A_41 : memref<16xf32, #tpu.memory_space<vmem>>) dst(%dma_wait3A_45 : memref<10240xf32, #tpu.memory_space<vmem_shared>>)
      tpu.yield
    }) : () -> ()
    %barrier3A_26 = arith.constant 0 : index
    tpu.barrier barrier_id(%barrier3A_26)
    %mul3A_27 = arith.constant 640 : i32
    %mul3A_28 = arith.muli %arg1, %mul3A_27 : i32
    %mul3A_29 = arith.constant 10240 : i32
    %mul3A_30 = arith.muli %arg0, %mul3A_29 : i32
    %mul3A_31 = arith.constant 640 : i32
    %mul3A_32 = arith.muli %arg1, %mul3A_31 : i32
    %add3A_33 = arith.addi %mul3A_30, %mul3A_32 : i32
    "tpu.region"() ({
      %run_scoped3A = tpu.sem_alloc : memref<!tpu.dma_semaphore, #tpu.memory_space<semaphore_mem>>
      %dma_start3A_34 = tpu.memref_slice %arg3[%add3A_33] : memref<20480xf32, #tpu.memory_space<hbm>> -> memref<640xf32, #tpu.memory_space<hbm>>
      %dma_start3A_35 = tpu.memref_slice %arg7[%mul3A_28] : memref<10240xf32, #tpu.memory_space<vmem_shared>> -> memref<640xf32, #tpu.memory_space<vmem_shared>>
      tpu.enqueue_dma source(%dma_start3A_35 : memref<640xf32, #tpu.memory_space<vmem_shared>>) target(%dma_start3A_34 : memref<640xf32, #tpu.memory_space<hbm>>) target_semaphore(%run_scoped3A : memref<!tpu.dma_semaphore, #tpu.memory_space<semaphore_mem>>)
      %dma_wait3A_36 = tpu.memref_slice %arg3[%add3A_33] : memref<20480xf32, #tpu.memory_space<hbm>> -> memref<640xf32, #tpu.memory_space<hbm>>
      %dma_wait3A_37 = tpu.memref_slice %arg7[%mul3A_28] : memref<10240xf32, #tpu.memory_space<vmem_shared>> -> memref<640xf32, #tpu.memory_space<vmem_shared>>
      tpu.wait_dma2 semaphore(%run_scoped3A : memref<!tpu.dma_semaphore, #tpu.memory_space<semaphore_mem>>) src(%dma_wait3A_37 : memref<640xf32, #tpu.memory_space<vmem_shared>>) dst(%dma_wait3A_36 : memref<640xf32, #tpu.memory_space<hbm>>)
      tpu.yield
    }) : () -> ()
    return
  }
}

module attributes {stable_mosaic.version = 14 : i64} {
  func.func @_tc1_body(%arg0: memref<10000x128xf32, #tpu.memory_space<vmem>>, %arg1: memref<128x128xf32, #tpu.memory_space<vmem>>, %arg2: memref<10000x1xf32, #tpu.memory_space<vmem>>, %arg3: memref<10000x128xf32, #tpu.memory_space<vmem>>) attributes {dimension_semantics = [], scalar_prefetch = 0 : i64, scratch_operands = 0 : i64, tpu.core_type = #tpu.core_type<tc>} {
    %get3A = arith.constant 0 : index
    %get3A_0 = arith.constant 0 : index
    %get3A_1 = vector.load %arg0[%get3A, %get3A_0] : memref<10000x128xf32, #tpu.memory_space<vmem>>, vector<10000x128xf32>
    %get3A_2 = arith.constant 0 : index
    %get3A_3 = arith.constant 0 : index
    %get3A_4 = vector.load %arg1[%get3A_2, %get3A_3] : memref<128x128xf32, #tpu.memory_space<vmem>>, vector<128x128xf32>
    %dot_general3A = arith.constant dense<0.000000e+00> : vector<10000x128xf32>
    %dot_general3A_5 = tpu.matmul %get3A_1, %get3A_4, %dot_general3A {dimension_numbers = #tpu.dot_dimension_numbers<[1], [0], [0], [1], [0, 0, 1, 1], [], []>, transpose_lhs_hint = false} : vector<10000x128xf32>, vector<128x128xf32>, vector<10000x128xf32> -> vector<10000x128xf32>
    %get3A_6 = arith.constant 0 : index
    %get3A_7 = arith.constant 0 : index
    %get3A_8 = vector.load %arg2[%get3A_6, %get3A_7] : memref<10000x1xf32, #tpu.memory_space<vmem>>, vector<10000x1xf32>
    %add3A = arith.constant 1.000000e+00 : f32
    %add3A_9 = vector.broadcast %add3A : f32 to vector<10000x1xf32>
    %add3A_10 = arith.addf %get3A_8, %add3A_9 : vector<10000x1xf32>
    %rsqrt3A = math.rsqrt %add3A_10 : vector<10000x1xf32>
    %mul3A = vector.broadcast %rsqrt3A : vector<10000x1xf32> to vector<10000x128xf32>
    %mul3A_11 = arith.mulf %dot_general3A_5, %mul3A : vector<10000x128xf32>
    %swap3A = arith.constant 0 : index
    %swap3A_12 = arith.constant 0 : index
    %swap3A_13 = vector.load %arg3[%swap3A, %swap3A_12] : memref<10000x128xf32, #tpu.memory_space<vmem>>, vector<10000x128xf32>
    tpu.vector_store %arg3[%swap3A, %swap3A_12], %mul3A_11 {strides = array<i32>} : memref<10000x128xf32, #tpu.memory_space<vmem>>, vector<10000x128xf32>,
    return
  }
}

module attributes {stable_mosaic.version = 14 : i64} {
  func.func @_tc2_body(%arg0: memref<2x10240x128xf32, #tpu.memory_space<vmem>>, %arg1: memref<10000x128xf32, #tpu.memory_space<vmem>>, %arg2: memref<10000x1xf32, #tpu.memory_space<vmem>>, %arg3: memref<128x128xf32, #tpu.memory_space<vmem>>, %arg4: memref<1x128xf32, #tpu.memory_space<vmem>>, %arg5: memref<10000x128xf32, #tpu.memory_space<vmem>>) attributes {dimension_semantics = [], scalar_prefetch = 0 : i64, scratch_operands = 0 : i64, tpu.core_type = #tpu.core_type<tc>} {
    %get3A = arith.constant 0 : index
    %get3A_0 = arith.constant 0 : index
    %get3A_1 = vector.load %arg2[%get3A, %get3A_0] : memref<10000x1xf32, #tpu.memory_space<vmem>>, vector<10000x1xf32>
    %add3A = arith.constant 1.000000e+00 : f32
    %add3A_2 = vector.broadcast %add3A : f32 to vector<10000x1xf32>
    %add3A_3 = arith.addf %get3A_1, %add3A_2 : vector<10000x1xf32>
    %rsqrt3A = math.rsqrt %add3A_3 : vector<10000x1xf32>
    %get3A_4 = arith.constant 0 : index
    %get3A_5 = arith.constant 0 : index
    %get3A_6 = arith.constant 0 : index
    %get3A_7 = vector.load %arg0[%get3A_4, %get3A_5, %get3A_6] : memref<2x10240x128xf32, #tpu.memory_space<vmem>>, vector<1x10000x128xf32>
    %get3A_8 = vector.shape_cast %get3A_7 : vector<1x10000x128xf32> to vector<10000x128xf32>
    %get3A_9 = arith.constant 1 : index
    %get3A_10 = arith.constant 0 : index
    %get3A_11 = arith.constant 0 : index
    %get3A_12 = vector.load %arg0[%get3A_9, %get3A_10, %get3A_11] : memref<2x10240x128xf32, #tpu.memory_space<vmem>>, vector<1x10000x128xf32>
    %get3A_13 = vector.shape_cast %get3A_12 : vector<1x10000x128xf32> to vector<10000x128xf32>
    %add3A_14 = arith.addf %get3A_8, %get3A_13 : vector<10000x128xf32>
    %get3A_15 = arith.constant 0 : index
    %get3A_16 = arith.constant 0 : index
    %get3A_17 = vector.load %arg1[%get3A_15, %get3A_16] : memref<10000x128xf32, #tpu.memory_space<vmem>>, vector<10000x128xf32>
    %add3A_18 = arith.addf %add3A_14, %get3A_17 : vector<10000x128xf32>
    %mul3A = vector.broadcast %rsqrt3A : vector<10000x1xf32> to vector<10000x128xf32>
    %mul3A_19 = arith.mulf %add3A_18, %mul3A : vector<10000x128xf32>
    %get3A_20 = arith.constant 0 : index
    %get3A_21 = arith.constant 0 : index
    %get3A_22 = vector.load %arg4[%get3A_20, %get3A_21] : memref<1x128xf32, #tpu.memory_space<vmem>>, vector<1x128xf32>
    %add3A_23 = vector.broadcast %get3A_22 : vector<1x128xf32> to vector<10000x128xf32>
    %add3A_24 = arith.addf %mul3A_19, %add3A_23 : vector<10000x128xf32>
    %max3A = arith.constant 0.000000e+00 : f32
    %max3A_25 = vector.broadcast %max3A : f32 to vector<10000x128xf32>
    %max3A_26 = arith.maximumf %add3A_24, %max3A_25 : vector<10000x128xf32>
    %get3A_27 = arith.constant 0 : index
    %get3A_28 = arith.constant 0 : index
    %get3A_29 = vector.load %arg3[%get3A_27, %get3A_28] : memref<128x128xf32, #tpu.memory_space<vmem>>, vector<128x128xf32>
    %dot_general3A = arith.constant dense<0.000000e+00> : vector<10000x128xf32>
    %dot_general3A_30 = tpu.matmul %max3A_26, %get3A_29, %dot_general3A {dimension_numbers = #tpu.dot_dimension_numbers<[1], [0], [0], [1], [0, 0, 1, 1], [], []>, transpose_lhs_hint = false} : vector<10000x128xf32>, vector<128x128xf32>, vector<10000x128xf32> -> vector<10000x128xf32>
    %mul3A_31 = vector.broadcast %rsqrt3A : vector<10000x1xf32> to vector<10000x128xf32>
    %mul3A_32 = arith.mulf %dot_general3A_30, %mul3A_31 : vector<10000x128xf32>
    %swap3A = arith.constant 0 : index
    %swap3A_33 = arith.constant 0 : index
    %swap3A_34 = vector.load %arg5[%swap3A, %swap3A_33] : memref<10000x128xf32, #tpu.memory_space<vmem>>, vector<10000x128xf32>
    tpu.vector_store %arg5[%swap3A, %swap3A_33], %mul3A_32 {strides = array<i32>} : memref<10000x128xf32, #tpu.memory_space<vmem>>, vector<10000x128xf32>,
    return
  }
}

module attributes {stable_mosaic.version = 14 : i64} {
  func.func @_tc3_body(%arg0: memref<2x10240x128xf32, #tpu.memory_space<vmem>>, %arg1: memref<10000x128xf32, #tpu.memory_space<vmem>>, %arg2: memref<10000x1xf32, #tpu.memory_space<vmem>>, %arg3: memref<1x128xf32, #tpu.memory_space<vmem>>, %arg4: memref<1x10000xi32, #tpu.memory_space<vmem>>, %arg5: memref<64x64xf32, #tpu.memory_space<vmem>>, %arg6: memref<64x128xf32, #tpu.memory_space<vmem>>, %arg7: memref<1x128xf32, #tpu.memory_space<vmem>>, %arg8: memref<256x1024xf32, #tpu.memory_space<vmem>>, %arg9: memref<1x1024xf32, #tpu.memory_space<vmem>>, %arg10: memref<256x128xf32, #tpu.memory_space<vmem>>, %arg11: memref<1x128xf32, #tpu.memory_space<vmem>>, %arg12: memref<64x1024xf32, #tpu.memory_space<vmem>>, %arg13: memref<64x128xf32, #tpu.memory_space<vmem>>) attributes {dimension_semantics = [], scalar_prefetch = 0 : i64, scratch_operands = 0 : i64, tpu.core_type = #tpu.core_type<tc>} {
    %get3A = arith.constant 0 : index
    %get3A_0 = arith.constant 0 : index
    %get3A_1 = vector.load %arg2[%get3A, %get3A_0] : memref<10000x1xf32, #tpu.memory_space<vmem>>, vector<10000x1xf32>
    %add3A = arith.constant 1.000000e+00 : f32
    %add3A_2 = vector.broadcast %add3A : f32 to vector<10000x1xf32>
    %add3A_3 = arith.addf %get3A_1, %add3A_2 : vector<10000x1xf32>
    %rsqrt3A = math.rsqrt %add3A_3 : vector<10000x1xf32>
    %get3A_4 = arith.constant 0 : index
    %get3A_5 = arith.constant 0 : index
    %get3A_6 = arith.constant 0 : index
    %get3A_7 = vector.load %arg0[%get3A_4, %get3A_5, %get3A_6] : memref<2x10240x128xf32, #tpu.memory_space<vmem>>, vector<1x10000x128xf32>
    %get3A_8 = vector.shape_cast %get3A_7 : vector<1x10000x128xf32> to vector<10000x128xf32>
    %get3A_9 = arith.constant 1 : index
    %get3A_10 = arith.constant 0 : index
    %get3A_11 = arith.constant 0 : index
    %get3A_12 = vector.load %arg0[%get3A_9, %get3A_10, %get3A_11] : memref<2x10240x128xf32, #tpu.memory_space<vmem>>, vector<1x10000x128xf32>
    %get3A_13 = vector.shape_cast %get3A_12 : vector<1x10000x128xf32> to vector<10000x128xf32>
    %add3A_14 = arith.addf %get3A_8, %get3A_13 : vector<10000x128xf32>
    %get3A_15 = arith.constant 0 : index
    %get3A_16 = arith.constant 0 : index
    %get3A_17 = vector.load %arg1[%get3A_15, %get3A_16] : memref<10000x128xf32, #tpu.memory_space<vmem>>, vector<10000x128xf32>
    %add3A_18 = arith.addf %add3A_14, %get3A_17 : vector<10000x128xf32>
    %mul3A = vector.broadcast %rsqrt3A : vector<10000x1xf32> to vector<10000x128xf32>
    %mul3A_19 = arith.mulf %add3A_18, %mul3A : vector<10000x128xf32>
    %get3A_20 = arith.constant 0 : index
    %get3A_21 = arith.constant 0 : index
    %get3A_22 = vector.load %arg3[%get3A_20, %get3A_21] : memref<1x128xf32, #tpu.memory_space<vmem>>, vector<1x128xf32>
    %add3A_23 = vector.broadcast %get3A_22 : vector<1x128xf32> to vector<10000x128xf32>
    %add3A_24 = arith.addf %mul3A_19, %add3A_23 : vector<10000x128xf32>
    %iota3A = tpu.iota {dimensions = array<i32: 0>} : vector<64x10000xi32>
    %get3A_25 = arith.constant 0 : index
    %get3A_26 = arith.constant 0 : index
    %get3A_27 = vector.load %arg4[%get3A_25, %get3A_26] : memref<1x10000xi32, #tpu.memory_space<vmem>>, vector<1x10000xi32>
    %eq3A = vector.broadcast %get3A_27 : vector<1x10000xi32> to vector<64x10000xi32>
    %eq3A_28 = arith.cmpi eq, %eq3A, %iota3A : vector<64x10000xi32>
    %jit3A = arith.constant 1.000000e+00 : f32
    %jit3A_29 = arith.constant 0.000000e+00 : f32
    %broadcast_in_dim3A = vector.broadcast %jit3A : f32 to vector<64x10000xf32>
    %broadcast_in_dim3A_30 = vector.broadcast %jit3A_29 : f32 to vector<64x10000xf32>
    %select_n3A = arith.select %eq3A_28, %broadcast_in_dim3A, %broadcast_in_dim3A_30 : vector<64x10000xi1>, vector<64x10000xf32>
    %dot_general3A = arith.constant dense<0.000000e+00> : vector<64x128xf32>
    %dot_general3A_31 = tpu.matmul %select_n3A, %add3A_24, %dot_general3A {dimension_numbers = #tpu.dot_dimension_numbers<[1], [0], [0], [1], [0, 0, 1, 1], [], []>, transpose_lhs_hint = false} : vector<64x10000xf32>, vector<10000x128xf32>, vector<64x128xf32> -> vector<64x128xf32>
    %reduce_sum3A = arith.constant dense<0.000000e+00> : vector<64xf32>
    %reduce_sum3A_32 = vector.multi_reduction <add>, %select_n3A, %reduce_sum3A [1] : vector<64x10000xf32> to vector<64xf32>
    %broadcast_in_dim3A_33 = vector.shape_cast %reduce_sum3A_32 : vector<64xf32> to vector<64x1xf32>
    %max3A = arith.constant 1.000000e+00 : f32
    %max3A_34 = vector.broadcast %max3A : f32 to vector<64x1xf32>
    %max3A_35 = arith.maximumf %broadcast_in_dim3A_33, %max3A_34 : vector<64x1xf32>
    %div3A = vector.broadcast %max3A_35 : vector<64x1xf32> to vector<64x128xf32>
    %div3A_36 = arith.divf %dot_general3A_31, %div3A : vector<64x128xf32>
    %get3A_37 = arith.constant 0 : index
    %get3A_38 = arith.constant 0 : index
    %get3A_39 = vector.load %arg5[%get3A_37, %get3A_38] : memref<64x64xf32, #tpu.memory_space<vmem>>, vector<64x64xf32>
    %get3A_40 = arith.constant 0 : index
    %get3A_41 = arith.constant 0 : index
    %get3A_42 = vector.load %arg6[%get3A_40, %get3A_41] : memref<64x128xf32, #tpu.memory_space<vmem>>, vector<64x128xf32>
    %dot_general3A_43 = arith.constant dense<0.000000e+00> : vector<64x128xf32>
    %dot_general3A_44 = tpu.matmul %get3A_39, %get3A_42, %dot_general3A_43 {dimension_numbers = #tpu.dot_dimension_numbers<[1], [0], [0], [1], [0, 0, 1, 1], [], []>, transpose_lhs_hint = false} : vector<64x64xf32>, vector<64x128xf32>, vector<64x128xf32> -> vector<64x128xf32>
    %get3A_45 = arith.constant 0 : index
    %get3A_46 = arith.constant 0 : index
    %get3A_47 = vector.load %arg7[%get3A_45, %get3A_46] : memref<1x128xf32, #tpu.memory_space<vmem>>, vector<1x128xf32>
    %add3A_48 = vector.broadcast %get3A_47 : vector<1x128xf32> to vector<64x128xf32>
    %add3A_49 = arith.addf %dot_general3A_44, %add3A_48 : vector<64x128xf32>
    %concatenate3A = tpu.concatenate %div3A_36, %add3A_49 in 1 : vector<64x128xf32>, vector<64x128xf32> -> vector<64x256xf32>
    %get3A_50 = arith.constant 0 : index
    %get3A_51 = arith.constant 0 : index
    %get3A_52 = vector.load %arg8[%get3A_50, %get3A_51] : memref<256x1024xf32, #tpu.memory_space<vmem>>, vector<256x1024xf32>
    %dot_general3A_53 = arith.constant dense<0.000000e+00> : vector<64x1024xf32>
    %dot_general3A_54 = tpu.matmul %concatenate3A, %get3A_52, %dot_general3A_53 {dimension_numbers = #tpu.dot_dimension_numbers<[1], [0], [0], [1], [0, 0, 1, 1], [], []>, transpose_lhs_hint = false} : vector<64x256xf32>, vector<256x1024xf32>, vector<64x1024xf32> -> vector<64x1024xf32>
    %get3A_55 = arith.constant 0 : index
    %get3A_56 = arith.constant 0 : index
    %get3A_57 = vector.load %arg9[%get3A_55, %get3A_56] : memref<1x1024xf32, #tpu.memory_space<vmem>>, vector<1x1024xf32>
    %add3A_58 = vector.broadcast %get3A_57 : vector<1x1024xf32> to vector<64x1024xf32>
    %add3A_59 = arith.addf %dot_general3A_54, %add3A_58 : vector<64x1024xf32>
    %swap3A = arith.constant 0 : index
    %swap3A_60 = arith.constant 0 : index
    %swap3A_61 = vector.load %arg12[%swap3A, %swap3A_60] : memref<64x1024xf32, #tpu.memory_space<vmem>>, vector<64x1024xf32>
    tpu.vector_store %arg12[%swap3A, %swap3A_60], %add3A_59 {strides = array<i32>} : memref<64x1024xf32, #tpu.memory_space<vmem>>, vector<64x1024xf32>,
    %get3A_62 = arith.constant 0 : index
    %get3A_63 = arith.constant 0 : index
    %get3A_64 = vector.load %arg10[%get3A_62, %get3A_63] : memref<256x128xf32, #tpu.memory_space<vmem>>, vector<256x128xf32>
    %dot_general3A_65 = arith.constant dense<0.000000e+00> : vector<64x128xf32>
    %dot_general3A_66 = tpu.matmul %concatenate3A, %get3A_64, %dot_general3A_65 {dimension_numbers = #tpu.dot_dimension_numbers<[1], [0], [0], [1], [0, 0, 1, 1], [], []>, transpose_lhs_hint = false} : vector<64x256xf32>, vector<256x128xf32>, vector<64x128xf32> -> vector<64x128xf32>
    %get3A_67 = arith.constant 0 : index
    %get3A_68 = arith.constant 0 : index
    %get3A_69 = vector.load %arg11[%get3A_67, %get3A_68] : memref<1x128xf32, #tpu.memory_space<vmem>>, vector<1x128xf32>
    %add3A_70 = vector.broadcast %get3A_69 : vector<1x128xf32> to vector<64x128xf32>
    %add3A_71 = arith.addf %dot_general3A_66, %add3A_70 : vector<64x128xf32>
    %swap3A_72 = arith.constant 0 : index
    %swap3A_73 = arith.constant 0 : index
    %swap3A_74 = vector.load %arg13[%swap3A_72, %swap3A_73] : memref<64x128xf32, #tpu.memory_space<vmem>>, vector<64x128xf32>
    tpu.vector_store %arg13[%swap3A_72, %swap3A_73], %add3A_71 {strides = array<i32>} : memref<64x128xf32, #tpu.memory_space<vmem>>, vector<64x128xf32>,
    return
  }
}

</mosaic_0001>

<sc_bundles>
// kernel: kernel.11.cloned.1.call-start
scs
__scs_entry_jumppad:
0x0: {  	(pc) =	sbr.rel $0x88, $3  }
0x1: {  	(tag) =	ssettag $0x0;
	lr =	simm.s32 $0x1  }
0x2: {  	[smem:$0x3F93] =	sst lr;
	_ =	strace $0xD0000000  }
0x3: {  	_ = 	snop  }
0x4: {  	_ = 	snop  }
0x5: {  	_ = 	snop  }
0x6: {  	_ = 	snop  }
0x7: {  	_ = 	snop  }
__scs_overlays_trampoline_lowered:
0x8: {  	[smem:$0x3FA2] =	sst s0  }
0x9: {  	[smem:$0x3FA3] =	sst s1  }
0xa: {  	[smem:$0x3FA4] =	sst s2  }
0xb: {  	[smem:$0x3FA5] =	sst s3  }
0xc: {  	[smem:$0x3FA6] =	sst s4  }
0xd: {  	[smem:$0x3FA7] =	sst s5  }
0xe: {  	[smem:$0x3FA8] =	sst s6  }
0xf: {  	[smem:$0x3FA9] =	sst s7  }
0x10: {  	[smem:$0x3FAA] =	sst s8  }
0x11: {  	[smem:$0x3FAB] =	sst s9;
	s0 =	simm.s32 @!p0 $0x0  }
0x12: {  	s1 =	sld [smem:$0x3F91];
	s0 =	simm.s32 @p0 $0x1  }
0x13: {  	[smem:$0x3FAC] =	sst s0;
	s0 =	simm.s32 @!p1 $0x0  }
0x14: {  	s2 =	sld [smem:$0x3F90];
	s0 =	simm.s32 @p1 $0x1  }
0x15: {  	[smem:$0x3FAD] =	sst s0;
	s0 =	simm.s32 @!p2 $0x0  }
0x16: {  	s3 =	sld [smem:$0x3FDB];
	s0 =	simm.s32 @p2 $0x1  }
0x17: {  	s4 =	simm.s32 $0x1BF5;
	[smem:$0x3FAF] =	sst s0  }
0x18: {  	s0 =	sld [smem:$0x3F92];
	_ =	swait.ge [sflag:s4], $0x0  }
0x19: {  	s7 =	sld [smem:$0x3F93]  }
0x1a: {  	s8 =	sadd.s32 $0xFFFFE003, lr  }
0x1b: {  	s9 =	sadd.s32 $0xFFFFFEF7, lr;
	s5 =	simm.s32 $0xFFFFFFFF;
	p2 =	slt.u32 s8, $0xFFFFF086  }
0x1c: {  	p1 =	slt.u32 s9, $0xF7A;
	s5 =	simm.s32 @!p2 $0x0  }
0x1d: {  	s5 =	simm.s32 @p1 $0x1;
	p0 =	seq.s32 s7, s2  }
0x1e: {  	s7 =	smul.u32 @!p0 $0xF7A, s2;
	p2 =	seq.s32 @!p0 s5, $0x0  }
0x1f: {  	s9 =	smul.u32 $0xF7A, s1;
	s8 =	simm.s32 @!p0 $0x1BF5;
	p2 =	por !p2, p0  }
0x20: {  	[sflag:s8] =	ssyncset.s32 @!p0 $0xFFFFF086;
	s6 =	sadd.s32 @!p0 s3, s7;
	s7 =	simm.s32 @!p0 $0x108  }
0x21: {  	s3 =	sadd.s32 s3, s9;
	s6 =	sadd.s32 @!p0 $0x88, s6;
	s7 =	simm.s32 @p2 $0x1082  }
0x22: {  	[simem:s7], [sflag:s8] =	dma.local @!p0 [hbm:s6], $0xF7A  }
0x23: {  	s9 =	sor.u32 $0xD0000000, s2;
	s6 =	simm.s32 $0x108;
	_ =	swait.ge @!p0 [sflag:s8], $0x0  }
0x24: {  	s3 =	sadd.s32 $0x88, s3;
	s6 =	simm.s32 @!p1 $0x1082;
	[sflag:s4] =	ssyncset.s32 $0xFFFFF086  }
0x25: {  	[simem:s6], [sflag:s4] =	dma.local [hbm:s3], $0xF7A  }
0x26: {  	[smem:$0x3F93] =	sst s1;
	(tag) =	ssettag s2;
	_ =	strace s9  }
0x27: {  	s1 =	sld [smem:$0x3FA3]  }
0x28: {  	s2 =	sld [smem:$0x3FA4]  }
0x29: {  	s4 =	sld [smem:$0x3FA6]  }
0x2a: {  	p0 =	seq.s32 s5, $0x0;
	s5 =	sld [smem:$0x3FA7]  }
0x2b: {  	s6 =	sld [smem:$0x3FA8]  }
0x2c: {  	s7 =	sld [smem:$0x3FA9]  }
0x2d: {  	s3 =	simm.s32 $0x108;
	s8 =	sld [smem:$0x3FAA]  }
0x2e: {  	s3 =	simm.s32 @!p0 $0x1082;
	s9 =	sld [smem:$0x3FAB]  }
0x2f: {  	lr =	sadd.s32 s0, s3;
	s0 =	sld [smem:$0x3FA2]  }
0x30: {  	s3 =	sld [smem:$0x3FA5]  }
0x31: {  	[smem:$0x3FAE] =	sst s10  }
0x32: {  	s10 =	sld [smem:$0x3FAC];
	_ =	sdelay $0x3  }
0x33: {  	p0 =	seq.s32 s10, $0x1;
	s10 =	sld [smem:$0x3FAE];
	_ =	sdelay $0x3  }
0x34: {  	[smem:$0x3FAE] =	sst s10  }
0x35: {  	s10 =	sld [smem:$0x3FAD];
	_ =	sdelay $0x3  }
0x36: {  	p1 =	seq.s32 s10, $0x1;
	s10 =	sld [smem:$0x3FAE];
	_ =	sdelay $0x3  }
0x37: {  	[smem:$0x3FAE] =	sst s10  }
0x38: {  	s10 =	sld [smem:$0x3FAF]  }
0x39: {  	_ = 	snop;
	(pc) =	sbr.ind lr, $3  }
0x3a: {  	_ = 	snop  }
0x3b: {  	_ = 	snop  }
0x3c: {  	p2 =	seq.s32 s10, $0x1;
	s10 =	sld [smem:$0x3FAE]  }
0x3d: {  	_ =	shalt  }
0x3e: {  	_ =	shalt  }
0x3f: {  	_ =	shalt  }
0x40: {  	_ =	shalt  }
0x41: {  	_ =	shalt  }
0x42: {  	_ =	shalt  }
0x43: {  	_ =	shalt  }
0x44: {  	_ =	shalt  }
0x45: {  	_ =	shalt  }
0x46: {  	_ =	shalt  }
0x47: {  	_ =	shalt  }
0x48: {  	_ =	shalt  }
0x49: {  	_ =	shalt  }
0x4a: {  	_ =	shalt  }
0x4b: {  	_ =	shalt  }
0x4c: {  	_ =	shalt  }
0x4d: {  	_ =	shalt  }
0x4e: {  	_ =	shalt  }
0x4f: {  	_ =	shalt  }
0x50: {  	_ =	shalt  }
0x51: {  	_ =	shalt  }
0x52: {  	_ =	shalt  }
0x53: {  	_ =	shalt  }
0x54: {  	_ =	shalt  }
0x55: {  	_ =	shalt  }
0x56: {  	_ =	shalt  }
0x57: {  	_ =	shalt  }
0x58: {  	_ =	shalt  }
0x59: {  	_ =	shalt  }
0x5a: {  	_ =	shalt  }
0x5b: {  	_ =	shalt  }
0x5c: {  	_ =	shalt  }
0x5d: {  	_ =	shalt  }
0x5e: {  	_ =	shalt  }
0x5f: {  	_ =	shalt  }
0x60: {  	_ =	shalt  }
0x61: {  	_ =	shalt  }
0x62: {  	_ =	shalt  }
0x63: {  	_ =	shalt  }
0x64: {  	_ =	shalt  }
0x65: {  	_ =	shalt  }
0x66: {  	_ =	shalt  }
0x67: {  	_ =	shalt  }
0x68: {  	_ =	shalt  }
0x69: {  	_ =	shalt  }
0x6a: {  	_ =	shalt  }
0x6b: {  	_ =	shalt  }
0x6c: {  	_ =	shalt  }
0x6d: {  	_ =	shalt  }
0x6e: {  	_ =	shalt  }
0x6f: {  	_ =	shalt  }
0x70: {  	_ =	shalt  }
0x71: {  	_ =	shalt  }
0x72: {  	_ =	shalt  }
0x73: {  	_ =	shalt  }
0x74: {  	_ =	shalt  }
0x75: {  	_ =	shalt  }
0x76: {  	_ =	shalt  }
0x77: {  	_ =	shalt  }
0x78: {  	_ =	shalt  }
0x79: {  	_ =	shalt  }
0x7a: {  	_ =	shalt  }
0x7b: {  	_ =	shalt  }
0x7c: {  	_ =	shalt  }
0x7d: {  	_ =	shalt  }
0x7e: {  	_ =	shalt  }
0x7f: {  	_ =	shalt  }
0x80: {  	_ =	shalt  }
0x81: {  	_ =	shalt  }
0x82: {  	_ =	shalt  }
0x83: {  	_ =	shalt  }
0x84: {  	_ =	shalt  }
0x85: {  	_ =	shalt  }
0x86: {  	_ =	shalt  }
0x87: {  	_ =	shalt  }
.Lfunc_end0:
.L_simem_size_0:
called_computation.1_lowered:
.L_overlay_start_0:
0x88: {  	s2 =	sld [smem:$0x3FD9]  }
0x89: {  	s3 =	sld [smem:$0x3FFE];
	_ =	sdelay $0x1  }
0x8a: {  	s1 =	srdreg.scid  }
0x8b: {  	s0 =	sand.u32 $0x1, s1  }
0x8c: {  	s16 =	sshll.u32 s0, $0xA;
	s2 =	sadd.s32 s3, s2  }
0x8d: {  	s2 =	sadd.s32 s2, s16  }
0x8e: {  	[smem:$0x3FBA] =	sst s2  }
0x8f: {  	_ = 	snop  }
0x90: {  	(tm) =	ssettm $0x1  }
0x91: {  	s17 =	sld [smem:$0x3FFB];
	_ =	sdelay $0x3  }
0x92: {  	_ =	strace s17  }
0x93: {  	s2 =	sld [smem:$0x3FFC];
	_ =	sdelay $0x3  }
0x94: {  	_ =	strace s2  }
0x95: {  	s2 =	sld [smem:$0x3FFD];
	_ =	sdelay $0x3  }
0x96: {  	_ =	strace s2  }
0x97: {  	_ =	strace $0x8FFFFFFF  }
0x98: {  	s18 =	sld [smem:$0x3FDB];
	_ =	sdelay $0x1  }
0x99: {  	s19 =	simm.s32 $_scs_section_size  }
0x9a: {  	s4 =	simm.s32 $_size__tile_overlayer_lowered;
	s5 =	simm.s32 $_tile_overlayer_lowered  }
0x9b: {  	s22 =	simm.s32 $0x1BFF;
	s21 =	sshll.u32 s5, $0x1;
	s2 =	sadd.s32 s19, s18  }
0x9c: {  	s6 =	simm.s32 $0x0;
	s20 =	sshll.u32 s4, $0x1;
	s4 =	sadd.s32 s21, s2  }
0x9d: {  	[timem:s6], [sflag:s22] =	dma.local [hbm:s4], s20  }
0x9e: {  	_ =	swait.ge [sflag:s22], s20  }
0x9f: {  	s3 =	ssub.s32 $0x0, s20;
	[sflag:s22] =	ssyncset.done $0x0  }
0xa0: {  	[sflag:s22] =	ssyncadd.s32 s3;
	_ =	sdelay $0x1  }
0xa1: {  	s23 =	simm.s32 $0x1B8B  }
0xa2: {  	_ =	swait.ge [sflag:s23], $0x1  }
0xa3: {  	[sflag:s23] =	ssyncset.done $0x0  }
0xa4: {  	s25 =	simm.s32 $0x1B8E;
	s24 =	sld [smem:$0x3FFE];
	[sflag:s23] =	ssyncadd.s32 $0xFFFFFFFF  }
0xa5: {  	s26 =	simm.s32 $execute0_lowered;
	[smem:$0x3FD2] =	sst s25  }
0xa6: {  	s4 =	sshll.u32 s26, $0x1;
	_ =	strace $0x80000049;
	[dreg:$0x1] =	wrdreg $0xFFFFFFFF  }
0xa7: {  	s28 =	simm.s32 $_size_execute0_lowered;
	s2 =	sadd.s32 s2, s4;
	[dreg:$0x0] =	wrdreg $0x0  }
0xa8: {  	s4 =	sshll.u32 s28, $0x1;
	[dreg:$0x2] =	wrdreg s2  }
0xa9: {  	[dreg:$0x3] =	wrdreg s4  }
0xaa: {  	[dreg:$0x4] =	wrdreg $0xC0  }
0xab: {  	_ =	task [dreg:s6], $0x5FFFF  }
0xac: {  	[dreg:$0x1] =	wrdreg $0xFFFFFFFF  }
0xad: {  	[dreg:$0x0] =	wrdreg $0x60  }
0xae: {  	[dreg:$0x2] =	wrdreg s24  }
0xaf: {  	[dreg:$0x3] =	wrdreg $0xB9000  }
0xb0: {  	[dreg:$0x4] =	wrdreg $0x9  }
0xb1: {  	_ =	task.clear_ibuf [dreg:s6], $0x5FFFF;
	_ =	strace $0x90000049  }
0xb2: {  	s29 =	simm.s32 $0x9;
	_ =	strace $0x8000004B  }
0xb3: {  	_ =	swait.ge [sflag:s29], $0x1  }
0xb4: {  	[sflag:s29] =	ssyncadd.s32 $0xFFFFFFFF  }
0xb5: {  	_ =	strace $0x9000004B  }
0xb6: {  	_ =	sfence  }
0xb7: {  	s30 =	sld [smem:$0x0];
	_ =	sdelay $0x2  }
0xb8: {  	s31 =	sshll.u32 s1, $0xD;
	s1 =	sshrl.u32 s1, $0x2  }
0xb9: {  	s3 =	sand.u32 $0x4000, s31;
	s1 =	sadd.s32 s1, s30  }
0xba: {  	s0 =	sor.u32 s3, s0;
	s1 =	sshll.u32 s1, $0x11  }
0xbb: {  	s0 =	sor.u32 s1, s0  }
0xbc: {  	s0 =	sadd.s32 $0x8F2B, s0  }
0xbd: {  	[sflag:s0] =	ssyncadd.remote.s32 $0x1  }
0xbe: {  	_ =	sfence.sel $0xFFFF  }
0xbf: {  	[dreg:$0x0] =	wrdreg $0xFFFFFFFF;
	(pc) =	sbr.abs _section_cstart, $3  }
0xc0: {  	[dreg:$0x1] =	wrdreg $0xFFFFFFFF  }
0xc1: {  	_ =	task.clear_ibuf [dreg:s6], $0x2FFFF;
	_ =	strace $0x9FFFFFFF  }
0xc2: {  	(tm) =	ssettm $0x7FFFFFFF  }
0xc3: {  	_ =	shalt  }
tec
execute0_lowered:
.L_overlay_start_1:
0x0: {  	(tag) =	ssettag $0x1  }
0x1: {  	s0 =	srdreg.scid  }
0x2: {  	s11 =	stileid.u32;
	s6 =	rddreg [dreg:$0x0]  }
0x3: {  	s2 =	rddreg [dreg:$0x1];
	s0 =	sand.u32 $0x1, s0;
	s7 =	smul.u32 $0x14000, s11  }
0x4: {  	s3 =	simm.s32 $0x0;
	s10 =	smul.u32 $0x50000, s11;
	s1 =	sshll.u32 s0, $0x4  }
0x5: {  	[smem:$0x7FF] =	sst s3;
	s5 =	smul.u32 $0x140000, s0;
	s1 =	sor.u32 s11, s1  }
0x6: {  	s4 =	sadd.s32 $0xD000, s6;
	s9 =	ssub.s32 $0x2, s0;
	s1 =	smul.u32 $0x2710, s1  }
0x7: {  	_ =	strace $0x8000004A;
	s19 =	sshrl.u32 s9, $0x1;
	s5 =	sadd.s32 s7, s5  }
0x8: {  	s20 =	sshrl.u32 s10, $0x2;
	s7 =	sshrl.u32 s5, $0x3;
	s1 =	sshrl.u32 s1, $0x3  }
0x9: {  	s5 =	sadd.s32 $0x16E00, s6;
	s8 =	sadd.s32 s1, s6;
	s6 =	sadd.s32 s7, s6  }
0xa: {  	s7 =	ssub.s32 s9, s19;
	s12 =	sadd.s32 s4, s1;
	s8 =	sadd.s32 $0x3200, s8  }
0xb: {  	s9 =	sadd.s32 s20, s2;
	s21 =	sadd.s32 $0x10, s12;
	[dreg:$0x3] =	wrdreg s8  }
0xc: {  	s1 =	sadd.s32 $0x800, s9;
	[dreg:$0x4] =	wrdreg s21  }
0xd: {  	s22 =	sadd.s32 $0x1000, s9;
	[dreg:$0x5] =	wrdreg s1  }
0xe: {  	s23 =	sadd.s32 $0x1800, s9;
	[dreg:$0x6] =	wrdreg s22  }
0xf: {  	s24 =	sadd.s32 $0x2000, s9;
	[dreg:$0x7] =	wrdreg s23  }
0x10: {  	s26 =	sadd.s32 $0x2800, s9;
	[dreg:$0x8] =	wrdreg s24  }
0x11: {  	s10 =	sadd.s32 $0x3000, s9;
	[dreg:$0x9] =	wrdreg s26  }
0x12: {  	s25 =	smul.u32 $0x2710, s11;
	s11 =	sadd.s32 $0x3800, s9;
	[dreg:$0xa] =	wrdreg s10  }
0x13: {  	s13 =	sadd.s32 $0x4000, s9;
	[dreg:$0xb] =	wrdreg s11  }
0x14: {  	s14 =	sadd.s32 $0x4800, s9;
	[dreg:$0xc] =	wrdreg s13  }
0x15: {  	s15 =	sadd.s32 $0x5000, s9;
	[dreg:$0xd] =	wrdreg s14  }
0x16: {  	s16 =	sadd.s32 $0x5800, s9;
	[dreg:$0xe] =	wrdreg s15  }
0x17: {  	s18 =	sadd.s32 $0x6000, s9;
	[dreg:$0xf] =	wrdreg s16  }
0x18: {  	s6 =	sadd.s32 $0x3E000, s6;
	[dreg:$0x10] =	wrdreg s18  }
0x19: {  	s19 =	smax.u32 s7, $0x1;
	[dreg:$0x11] =	wrdreg s6  }
0x1a: {  	s20 =	sadd.s32 $0x6800, s9;
	[dreg:$0x12] =	wrdreg s19  }
0x1b: {  	s7 =	sadd.s32 $0xA000, s9;
	[dreg:$0x13] =	wrdreg s20  }
0x1c: {  	s21 =	sadd.s32 $0x7000, s9;
	[dreg:$0x1a] =	wrdreg s7  }
0x1d: {  	s22 =	sadd.s32 $0x7800, s9;
	[dreg:$0x14] =	wrdreg s21  }
0x1e: {  	s23 =	sadd.s32 $0x8000, s9;
	[dreg:$0x15] =	wrdreg s22  }
0x1f: {  	s0 =	smul.u32 $0x27100, s0;
	s26 =	sadd.s32 $0x8800, s9;
	[dreg:$0x16] =	wrdreg s23  }
0x20: {  	s6 =	sadd.s32 $0x9800, s9;
	[dreg:$0x17] =	wrdreg s26  }
0x21: {  	s0 =	sadd.s32 s25, s0;
	s8 =	sadd.s32 $0xA800, s9;
	[dreg:$0x19] =	wrdreg s6  }
0x22: {  	s17 =	sadd.s32 $0x180, s0;
	s10 =	sadd.s32 $0xB000, s9;
	[dreg:$0x1b] =	wrdreg s8  }
0x23: {  	s25 =	sadd.s32 $0x100, s0;
	s11 =	sadd.s32 $0xB800, s9;
	[dreg:$0x1c] =	wrdreg s10  }
0x24: {  	s0 =	simm.s32 $0x5;
	s13 =	sadd.s32 $0xC000, s9;
	[dreg:$0x1d] =	wrdreg s11  }
0x25: {  	s28 =	sadd.s32 $0x12800, s9;
	s14 =	sadd.s32 $0xC800, s9;
	[dreg:$0x1e] =	wrdreg s13  }
0x26: {  	s29 =	sadd.s32 $0x13000, s9;
	s15 =	sadd.s32 $0xD000, s9;
	[dreg:$0x1f] =	wrdreg s14  }
0x27: {  	s30 =	sadd.s32 $0x13800, s9;
	s16 =	sadd.s32 $0xD800, s9;
	[smem:$0x7F4] =	sst s15  }
0x28: {  	s1 =	sshrl.u32 s17, $0x3;
	s17 =	sadd.s32 $0xE000, s9;
	[smem:$0x7F5] =	sst s16  }
0x29: {  	s31 =	sadd.s32 $0x4E0, s12;
	s18 =	sadd.s32 $0xE800, s9;
	[smem:$0x7F6] =	sst s17  }
0x2a: {  	s19 =	sadd.s32 $0xF000, s9;
	s20 =	sadd.s32 $0xF800, s9;
	[smem:$0x7F7] =	sst s18  }
0x2b: {  	s7 =	simm.s32 $0x1;
	s24 =	sadd.s32 s1, s4;
	[smem:$0x7F8] =	sst s19  }
0x2c: {  	s1 =	sadd.s32 $0x9000, s9;
	[smem:$0x7F9] =	sst s20;
	s21 =	sadd.s32 $0x10000, s9  }
0x2d: {  	s22 =	sadd.s32 $0x10800, s9;
	s23 =	sadd.s32 $0x11000, s9;
	s26 =	sadd.s32 $0x11800, s9  }
0x2e: {  	s6 =	simm.s32 $0x80;
	s8 =	simm.s32 $0x2900;
	[dreg:$0x18] =	wrdreg s1  }
0x2f: {  	s10 =	simm.s32 $0x2;
	s11 =	simm.s32 $0x6900;
	[smem:$0x7FA] =	sst s21  }
0x30: {  	s13 =	simm.s32 $0x4;
	s14 =	simm.s32 $0x100;
	[smem:$0x7FB] =	sst s22  }
0x31: {  	s15 =	simm.s32 $0x10;
	s16 =	simm.s32 $0xA900;
	[smem:$0x7FC] =	sst s23  }
0x32: {  	s17 =	simm.s32 $0x0;
	[smem:$0x7FD] =	sst s26;
	s26 =	sadd.s32 $0x12000, s9  }
0x33: {  	v0 =	vimm.f32 $0.0e+00;
	s23 =	smov.u32 s12;
	s1 =	simm.s32 $0xB100;
	s12 =	simm.s32 $0x3  }
.LBB2_1:
0x34: {  	s18 =	rddreg [dreg:$0x3];
	s19 =	simm.s32 $0x180  }
0x35: {  	[tilespmem:s19], [sflag:$0x1] =	stream.linear.gather [hbm4b:s18+s3], $0x2710, $0x38;
	[tilespmem:$0x1F900] =	vst v63  }
0x36: {  	_ = 	snop  }
0x37: {  	[tilespmem:s3], [sflag:$0x1] =	stream.linear.gather [hbm4b:s23+s3], $0x80, $0x38;
	[tilespmem:$0x1F900] =	vst v63  }
0x38: {  	s20 =	rddreg [dreg:$0x4]  }
0x39: {  	[tilespmem:s6], [sflag:$0x2] =	stream.linear.gather [hbm4b:s20+s3], $0x80, $0x38;
	[tilespmem:$0x1F900] =	vst v63  }
0x3a: {  	[tilespmem:$0xB100] =	vst v0  }
0x3b: {  	[tilespmem:$0xB110] =	vst v0  }
0x3c: {  	[tilespmem:$0xB120] =	vst v0  }
0x3d: {  	[tilespmem:$0xB130] =	vst v0  }
0x3e: {  	[tilespmem:$0xB140] =	vst v0  }
0x3f: {  	[tilespmem:$0xB150] =	vst v0  }
0x40: {  	[tilespmem:$0xB160] =	vst v0  }
0x41: {  	[tilespmem:$0xB170] =	vst v0  }
0x42: {  	[tilespmem:$0xB180] =	vst v0  }
0x43: {  	[tilespmem:$0xB190] =	vst v0  }
0x44: {  	[tilespmem:$0xB1A0] =	vst v0  }
0x45: {  	[tilespmem:$0xB1B0] =	vst v0  }
0x46: {  	[tilespmem:$0xB1C0] =	vst v0  }
0x47: {  	[tilespmem:$0xB1D0] =	vst v0  }
0x48: {  	[tilespmem:$0xB1E0] =	vst v0  }
0x49: {  	[tilespmem:$0xB1F0] =	vst v0  }
0x4a: {  	[tilespmem:$0xB200] =	vst v0  }
0x4b: {  	[tilespmem:$0xB210] =	vst v0  }
0x4c: {  	[tilespmem:$0xB220] =	vst v0  }
0x4d: {  	[tilespmem:$0xB230] =	vst v0  }
0x4e: {  	[tilespmem:$0xB240] =	vst v0  }
0x4f: {  	[tilespmem:$0xB250] =	vst v0  }
0x50: {  	[tilespmem:$0xB260] =	vst v0  }
0x51: {  	[tilespmem:$0xB270] =	vst v0  }
0x52: {  	[tilespmem:$0xB280] =	vst v0  }
0x53: {  	[tilespmem:$0xB290] =	vst v0  }
0x54: {  	[tilespmem:$0xB2A0] =	vst v0  }
0x55: {  	[tilespmem:$0xB2B0] =	vst v0  }
0x56: {  	[tilespmem:$0xB2C0] =	vst v0  }
0x57: {  	[tilespmem:$0xB2D0] =	vst v0  }
0x58: {  	[tilespmem:$0xB2E0] =	vst v0  }
0x59: {  	[tilespmem:$0xB2F0] =	vst v0  }
0x5a: {  	[tilespmem:$0xB300] =	vst v0  }
0x5b: {  	[tilespmem:$0xB310] =	vst v0  }
0x5c: {  	[tilespmem:$0xB320] =	vst v0  }
0x5d: {  	[tilespmem:$0xB330] =	vst v0  }
0x5e: {  	[tilespmem:$0xB340] =	vst v0  }
0x5f: {  	[tilespmem:$0xB350] =	vst v0  }
0x60: {  	[tilespmem:$0xB360] =	vst v0  }
0x61: {  	[tilespmem:$0xB370] =	vst v0  }
0x62: {  	[tilespmem:$0xB380] =	vst v0  }
0x63: {  	[tilespmem:$0xB390] =	vst v0  }
0x64: {  	[tilespmem:$0xB3A0] =	vst v0  }
0x65: {  	[tilespmem:$0xB3B0] =	vst v0  }
0x66: {  	[tilespmem:$0xB3C0] =	vst v0  }
0x67: {  	[tilespmem:$0xB3D0] =	vst v0  }
0x68: {  	[tilespmem:$0xB3E0] =	vst v0  }
0x69: {  	[tilespmem:$0xB3F0] =	vst v0  }
0x6a: {  	[tilespmem:$0xB400] =	vst v0  }
0x6b: {  	[tilespmem:$0xB410] =	vst v0  }
0x6c: {  	[tilespmem:$0xB420] =	vst v0  }
0x6d: {  	[tilespmem:$0xB430] =	vst v0  }
0x6e: {  	[tilespmem:$0xB440] =	vst v0  }
0x6f: {  	[tilespmem:$0xB450] =	vst v0  }
0x70: {  	[tilespmem:$0xB460] =	vst v0  }
0x71: {  	[tilespmem:$0xB470] =	vst v0  }
0x72: {  	[tilespmem:$0xB480] =	vst v0  }
0x73: {  	[tilespmem:$0xB490] =	vst v0  }
0x74: {  	[tilespmem:$0xB4A0] =	vst v0  }
0x75: {  	[tilespmem:$0xB4B0] =	vst v0  }
0x76: {  	[tilespmem:$0xB4C0] =	vst v0  }
0x77: {  	[tilespmem:$0xB4D0] =	vst v0  }
0x78: {  	[tilespmem:$0xB4E0] =	vst v0  }
0x79: {  	[tilespmem:$0xB4F0] =	vst v0  }
0x7a: {  	[tilespmem:$0xB500] =	vst v0  }
0x7b: {  	[tilespmem:$0xB510] =	vst v0  }
0x7c: {  	[tilespmem:$0xB520] =	vst v0  }
0x7d: {  	[tilespmem:$0xB530] =	vst v0  }
0x7e: {  	[tilespmem:$0xB540] =	vst v0  }
0x7f: {  	[tilespmem:$0xB550] =	vst v0  }
0x80: {  	[tilespmem:$0xB560] =	vst v0  }
0x81: {  	[tilespmem:$0xB570] =	vst v0  }
0x82: {  	[tilespmem:$0xB580] =	vst v0  }
0x83: {  	[tilespmem:$0xB590] =	vst v0  }
0x84: {  	[tilespmem:$0xB5A0] =	vst v0  }
0x85: {  	[tilespmem:$0xB5B0] =	vst v0  }
0x86: {  	[tilespmem:$0xB5C0] =	vst v0  }
0x87: {  	[tilespmem:$0xB5D0] =	vst v0  }
0x88: {  	[tilespmem:$0xB5E0] =	vst v0  }
0x89: {  	[tilespmem:$0xB5F0] =	vst v0  }
0x8a: {  	[tilespmem:$0xB600] =	vst v0  }
0x8b: {  	[tilespmem:$0xB610] =	vst v0  }
0x8c: {  	[tilespmem:$0xB620] =	vst v0  }
0x8d: {  	[tilespmem:$0xB630] =	vst v0  }
0x8e: {  	[tilespmem:$0xB640] =	vst v0  }
0x8f: {  	[tilespmem:$0xB650] =	vst v0  }
0x90: {  	[tilespmem:$0xB660] =	vst v0  }
0x91: {  	[tilespmem:$0xB670] =	vst v0  }
0x92: {  	[tilespmem:$0xB680] =	vst v0  }
0x93: {  	[tilespmem:$0xB690] =	vst v0  }
0x94: {  	[tilespmem:$0xB6A0] =	vst v0  }
0x95: {  	[tilespmem:$0xB6B0] =	vst v0  }
0x96: {  	[tilespmem:$0xB6C0] =	vst v0  }
0x97: {  	[tilespmem:$0xB6D0] =	vst v0  }
0x98: {  	[tilespmem:$0xB6E0] =	vst v0  }
0x99: {  	[tilespmem:$0xB6F0] =	vst v0  }
0x9a: {  	[tilespmem:$0xB700] =	vst v0  }
0x9b: {  	[tilespmem:$0xB710] =	vst v0  }
0x9c: {  	[tilespmem:$0xB720] =	vst v0  }
0x9d: {  	[tilespmem:$0xB730] =	vst v0  }
0x9e: {  	[tilespmem:$0xB740] =	vst v0  }
0x9f: {  	[tilespmem:$0xB750] =	vst v0  }
0xa0: {  	[tilespmem:$0xB760] =	vst v0  }
0xa1: {  	[tilespmem:$0xB770] =	vst v0  }
0xa2: {  	[tilespmem:$0xB780] =	vst v0  }
0xa3: {  	[tilespmem:$0xB790] =	vst v0  }
0xa4: {  	[tilespmem:$0xB7A0] =	vst v0  }
0xa5: {  	[tilespmem:$0xB7B0] =	vst v0  }
0xa6: {  	[tilespmem:$0xB7C0] =	vst v0  }
0xa7: {  	[tilespmem:$0xB7D0] =	vst v0  }
0xa8: {  	[tilespmem:$0xB7E0] =	vst v0  }
0xa9: {  	[tilespmem:$0xB7F0] =	vst v0  }
0xaa: {  	[tilespmem:$0xB800] =	vst v0  }
0xab: {  	[tilespmem:$0xB810] =	vst v0  }
0xac: {  	[tilespmem:$0xB820] =	vst v0  }
0xad: {  	[tilespmem:$0xB830] =	vst v0  }
0xae: {  	[tilespmem:$0xB840] =	vst v0  }
0xaf: {  	[tilespmem:$0xB850] =	vst v0  }
0xb0: {  	[tilespmem:$0xB860] =	vst v0  }
0xb1: {  	[tilespmem:$0xB870] =	vst v0  }
0xb2: {  	[tilespmem:$0xB880] =	vst v0  }
0xb3: {  	[tilespmem:$0xB890] =	vst v0  }
0xb4: {  	[tilespmem:$0xB8A0] =	vst v0  }
0xb5: {  	[tilespmem:$0xB8B0] =	vst v0  }
0xb6: {  	[tilespmem:$0xB8C0] =	vst v0  }
0xb7: {  	[tilespmem:$0xB8D0] =	vst v0  }
0xb8: {  	[tilespmem:$0xB8E0] =	vst v0  }
0xb9: {  	[tilespmem:$0xB8F0] =	vst v0  }
0xba: {  	[spmem:s9] =	stream.linear.scatter [tilespmem:s1], [sflag:$0x5], $0x800, $0x38;
	[tilespmem:$0x1F900] =	vst v63  }
0xbb: {  	_ =	swait.ge [sflag:s0], $0x800  }
0xbc: {  	[sflag:s0] =	ssyncset.done $0x0  }
0xbd: {  	s21 =	rddreg [dreg:$0x5];
	[sflag:s0] =	ssyncadd.s32 $0xFFFFF800  }
0xbe: {  	[spmem:s21] =	stream.linear.scatter [tilespmem:s1], [sflag:$0x5], $0x800, $0x38;
	[tilespmem:$0x1F900] =	vst v63  }
0xbf: {  	_ =	swait.ge [sflag:s0], $0x800  }
0xc0: {  	[sflag:s0] =	ssyncset.done $0x0  }
0xc1: {  	s22 =	rddreg [dreg:$0x6];
	[sflag:s0] =	ssyncadd.s32 $0xFFFFF800  }
0xc2: {  	[spmem:s22] =	stream.linear.scatter [tilespmem:s1], [sflag:$0x5], $0x800, $0x38;
	[tilespmem:$0x1F900] =	vst v63  }
0xc3: {  	_ =	swait.ge [sflag:s0], $0x800  }
0xc4: {  	[sflag:s0] =	ssyncset.done $0x0  }
0xc5: {  	s19 =	rddreg [dreg:$0x7];
	[sflag:s0] =	ssyncadd.s32 $0xFFFFF800  }
0xc6: {  	[spmem:s19] =	stream.linear.scatter [tilespmem:s1], [sflag:$0x5], $0x800, $0x38;
	[tilespmem:$0x1F900] =	vst v63  }
0xc7: {  	_ =	swait.ge [sflag:s0], $0x800  }
0xc8: {  	[sflag:s0] =	ssyncset.done $0x0  }
0xc9: {  	s20 =	rddreg [dreg:$0x8];
	[sflag:s0] =	ssyncadd.s32 $0xFFFFF800  }
0xca: {  	[spmem:s20] =	stream.linear.scatter [tilespmem:s1], [sflag:$0x5], $0x800, $0x38;
	[tilespmem:$0x1F900] =	vst v63  }
0xcb: {  	_ =	swait.ge [sflag:s0], $0x800  }
0xcc: {  	[sflag:s0] =	ssyncset.done $0x0  }
0xcd: {  	s21 =	rddreg [dreg:$0x9];
	[sflag:s0] =	ssyncadd.s32 $0xFFFFF800  }
0xce: {  	[spmem:s21] =	stream.linear.scatter [tilespmem:s1], [sflag:$0x5], $0x800, $0x38;
	[tilespmem:$0x1F900] =	vst v63  }
0xcf: {  	_ =	swait.ge [sflag:s0], $0x800  }
0xd0: {  	[sflag:s0] =	ssyncset.done $0x0  }
0xd1: {  	s22 =	rddreg [dreg:$0xa];
	[sflag:s0] =	ssyncadd.s32 $0xFFFFF800  }
0xd2: {  	[spmem:s22] =	stream.linear.scatter [tilespmem:s1], [sflag:$0x5], $0x800, $0x38;
	[tilespmem:$0x1F900] =	vst v63  }
0xd3: {  	_ =	swait.ge [sflag:s0], $0x800  }
0xd4: {  	[sflag:s0] =	ssyncset.done $0x0  }
0xd5: {  	s19 =	rddreg [dreg:$0xb];
	[sflag:s0] =	ssyncadd.s32 $0xFFFFF800  }
0xd6: {  	[spmem:s19] =	stream.linear.scatter [tilespmem:s1], [sflag:$0x5], $0x800, $0x38;
	[tilespmem:$0x1F900] =	vst v63  }
0xd7: {  	_ =	swait.ge [sflag:s0], $0x800  }
0xd8: {  	[sflag:s0] =	ssyncset.done $0x0  }
0xd9: {  	s20 =	rddreg [dreg:$0xc];
	[sflag:s0] =	ssyncadd.s32 $0xFFFFF800  }
0xda: {  	[spmem:s20] =	stream.linear.scatter [tilespmem:s1], [sflag:$0x5], $0x800, $0x38;
	[tilespmem:$0x1F900] =	vst v63  }
0xdb: {  	_ =	swait.ge [sflag:s0], $0x800  }
0xdc: {  	[sflag:s0] =	ssyncset.done $0x0  }
0xdd: {  	s21 =	rddreg [dreg:$0xd];
	[sflag:s0] =	ssyncadd.s32 $0xFFFFF800  }
0xde: {  	[spmem:s21] =	stream.linear.scatter [tilespmem:s1], [sflag:$0x5], $0x800, $0x38;
	[tilespmem:$0x1F900] =	vst v63  }
0xdf: {  	_ =	swait.ge [sflag:s0], $0x800  }
0xe0: {  	[sflag:s0] =	ssyncset.done $0x0  }
0xe1: {  	s22 =	rddreg [dreg:$0xe];
	[sflag:s0] =	ssyncadd.s32 $0xFFFFF800  }
0xe2: {  	[spmem:s22] =	stream.linear.scatter [tilespmem:s1], [sflag:$0x5], $0x800, $0x38;
	[tilespmem:$0x1F900] =	vst v63  }
0xe3: {  	_ =	swait.ge [sflag:s0], $0x800  }
0xe4: {  	[sflag:s0] =	ssyncset.done $0x0  }
0xe5: {  	s19 =	rddreg [dreg:$0xf];
	[sflag:s0] =	ssyncadd.s32 $0xFFFFF800  }
0xe6: {  	[spmem:s19] =	stream.linear.scatter [tilespmem:s1], [sflag:$0x5], $0x800, $0x38;
	[tilespmem:$0x1F900] =	vst v63  }
0xe7: {  	_ =	swait.ge [sflag:s0], $0x800  }
0xe8: {  	[sflag:s0] =	ssyncset.done $0x0  }
0xe9: {  	s20 =	rddreg [dreg:$0x10];
	[sflag:s0] =	ssyncadd.s32 $0xFFFFF800  }
0xea: {  	[spmem:s20] =	stream.linear.scatter [tilespmem:s1], [sflag:$0x5], $0x800, $0x38;
	[tilespmem:$0x1F900] =	vst v63  }
0xeb: {  	_ =	swait.ge [sflag:s0], $0x800  }
0xec: {  	[sflag:s0] =	ssyncset.done $0x0  }
0xed: {  	s21 =	rddreg [dreg:$0x13];
	[sflag:s0] =	ssyncadd.s32 $0xFFFFF800  }
0xee: {  	[spmem:s21] =	stream.linear.scatter [tilespmem:s1], [sflag:$0x5], $0x800, $0x38;
	[tilespmem:$0x1F900] =	vst v63  }
0xef: {  	_ =	swait.ge [sflag:s0], $0x800  }
0xf0: {  	[sflag:s0] =	ssyncset.done $0x0  }
0xf1: {  	s22 =	rddreg [dreg:$0x14];
	[sflag:s0] =	ssyncadd.s32 $0xFFFFF800  }
0xf2: {  	[spmem:s22] =	stream.linear.scatter [tilespmem:s1], [sflag:$0x5], $0x800, $0x38;
	[tilespmem:$0x1F900] =	vst v63  }
0xf3: {  	_ =	swait.ge [sflag:s0], $0x800  }
0xf4: {  	[sflag:s0] =	ssyncset.done $0x0  }
0xf5: {  	s19 =	rddreg [dreg:$0x15];
	[sflag:s0] =	ssyncadd.s32 $0xFFFFF800  }
0xf6: {  	[spmem:s19] =	stream.linear.scatter [tilespmem:s1], [sflag:$0x5], $0x800, $0x38;
	[tilespmem:$0x1F900] =	vst v63  }
0xf7: {  	_ =	swait.ge [sflag:s0], $0x800  }
0xf8: {  	[sflag:s0] =	ssyncset.done $0x0  }
0xf9: {  	s20 =	rddreg [dreg:$0x16];
	[sflag:s0] =	ssyncadd.s32 $0xFFFFF800  }
0xfa: {  	[spmem:s20] =	stream.linear.scatter [tilespmem:s1], [sflag:$0x5], $0x800, $0x38;
	[tilespmem:$0x1F900] =	vst v63  }
0xfb: {  	_ =	swait.ge [sflag:s0], $0x800  }
0xfc: {  	[sflag:s0] =	ssyncset.done $0x0  }
0xfd: {  	s21 =	rddreg [dreg:$0x17];
	[sflag:s0] =	ssyncadd.s32 $0xFFFFF800  }
0xfe: {  	[spmem:s21] =	stream.linear.scatter [tilespmem:s1], [sflag:$0x5], $0x800, $0x38;
	[tilespmem:$0x1F900] =	vst v63  }
0xff: {  	_ =	swait.ge [sflag:s0], $0x800  }
0x100: {  	[sflag:s0] =	ssyncset.done $0x0  }
0x101: {  	s22 =	rddreg [dreg:$0x18];
	[sflag:s0] =	ssyncadd.s32 $0xFFFFF800  }
0x102: {  	[spmem:s22] =	stream.linear.scatter [tilespmem:s1], [sflag:$0x5], $0x800, $0x38;
	[tilespmem:$0x1F900] =	vst v63  }
0x103: {  	_ =	swait.ge [sflag:s0], $0x800  }
0x104: {  	[sflag:s0] =	ssyncset.done $0x0  }
0x105: {  	s19 =	rddreg [dreg:$0x19];
	[sflag:s0] =	ssyncadd.s32 $0xFFFFF800  }
0x106: {  	[spmem:s19] =	stream.linear.scatter [tilespmem:s1], [sflag:$0x5], $0x800, $0x38;
	[tilespmem:$0x1F900] =	vst v63  }
0x107: {  	_ =	swait.ge [sflag:s0], $0x800  }
0x108: {  	[sflag:s0] =	ssyncset.done $0x0  }
0x109: {  	s20 =	rddreg [dreg:$0x1a];
	[sflag:s0] =	ssyncadd.s32 $0xFFFFF800  }
0x10a: {  	[spmem:s20] =	stream.linear.scatter [tilespmem:s1], [sflag:$0x5], $0x800, $0x38;
	[tilespmem:$0x1F900] =	vst v63  }
0x10b: {  	_ =	swait.ge [sflag:s0], $0x800  }
0x10c: {  	[sflag:s0] =	ssyncset.done $0x0  }
0x10d: {  	s21 =	rddreg [dreg:$0x1b];
	[sflag:s0] =	ssyncadd.s32 $0xFFFFF800  }
0x10e: {  	[spmem:s21] =	stream.linear.scatter [tilespmem:s1], [sflag:$0x5], $0x800, $0x38;
	[tilespmem:$0x1F900] =	vst v63  }
0x10f: {  	_ =	swait.ge [sflag:s0], $0x800  }
0x110: {  	[sflag:s0] =	ssyncset.done $0x0  }
0x111: {  	s22 =	rddreg [dreg:$0x1c];
	[sflag:s0] =	ssyncadd.s32 $0xFFFFF800  }
0x112: {  	[spmem:s22] =	stream.linear.scatter [tilespmem:s1], [sflag:$0x5], $0x800, $0x38;
	[tilespmem:$0x1F900] =	vst v63  }
0x113: {  	_ =	swait.ge [sflag:s0], $0x800  }
0x114: {  	[sflag:s0] =	ssyncset.done $0x0  }
0x115: {  	s19 =	rddreg [dreg:$0x1d];
	[sflag:s0] =	ssyncadd.s32 $0xFFFFF800  }
0x116: {  	[spmem:s19] =	stream.linear.scatter [tilespmem:s1], [sflag:$0x5], $0x800, $0x38;
	[tilespmem:$0x1F900] =	vst v63  }
0x117: {  	_ =	swait.ge [sflag:s0], $0x800  }
0x118: {  	[sflag:s0] =	ssyncset.done $0x0  }
0x119: {  	s20 =	rddreg [dreg:$0x1e];
	[sflag:s0] =	ssyncadd.s32 $0xFFFFF800  }
0x11a: {  	[spmem:s20] =	stream.linear.scatter [tilespmem:s1], [sflag:$0x5], $0x800, $0x38;
	[tilespmem:$0x1F900] =	vst v63  }
0x11b: {  	_ =	swait.ge [sflag:s0], $0x800  }
0x11c: {  	[sflag:s0] =	ssyncset.done $0x0  }
0x11d: {  	s21 =	rddreg [dreg:$0x1f];
	[sflag:s0] =	ssyncadd.s32 $0xFFFFF800  }
0x11e: {  	[spmem:s21] =	stream.linear.scatter [tilespmem:s1], [sflag:$0x5], $0x800, $0x38;
	[tilespmem:$0x1F900] =	vst v63  }
0x11f: {  	_ =	swait.ge [sflag:s0], $0x800  }
0x120: {  	s22 =	sld [smem:$0x7F4]  }
0x121: {  	[sflag:s0] =	ssyncset.done $0x0  }
0x122: {  	[sflag:s0] =	ssyncadd.s32 $0xFFFFF800  }
0x123: {  	[spmem:s22] =	stream.linear.scatter [tilespmem:s1], [sflag:$0x5], $0x800, $0x38;
	[tilespmem:$0x1F900] =	vst v63  }
0x124: {  	_ =	swait.ge [sflag:s0], $0x800  }
0x125: {  	s19 =	sld [smem:$0x7F5]  }
0x126: {  	[sflag:s0] =	ssyncset.done $0x0  }
0x127: {  	[sflag:s0] =	ssyncadd.s32 $0xFFFFF800  }
0x128: {  	[spmem:s19] =	stream.linear.scatter [tilespmem:s1], [sflag:$0x5], $0x800, $0x38;
	[tilespmem:$0x1F900] =	vst v63  }
0x129: {  	_ =	swait.ge [sflag:s0], $0x800  }
0x12a: {  	s20 =	sld [smem:$0x7F6]  }
0x12b: {  	[sflag:s0] =	ssyncset.done $0x0  }
0x12c: {  	[sflag:s0] =	ssyncadd.s32 $0xFFFFF800  }
0x12d: {  	[spmem:s20] =	stream.linear.scatter [tilespmem:s1], [sflag:$0x5], $0x800, $0x38;
	[tilespmem:$0x1F900] =	vst v63  }
0x12e: {  	_ =	swait.ge [sflag:s0], $0x800  }
0x12f: {  	s21 =	sld [smem:$0x7F7]  }
0x130: {  	[sflag:s0] =	ssyncset.done $0x0  }
0x131: {  	[sflag:s0] =	ssyncadd.s32 $0xFFFFF800  }
0x132: {  	[spmem:s21] =	stream.linear.scatter [tilespmem:s1], [sflag:$0x5], $0x800, $0x38;
	[tilespmem:$0x1F900] =	vst v63  }
0x133: {  	_ =	swait.ge [sflag:s0], $0x800  }
0x134: {  	s22 =	sld [smem:$0x7F8]  }
0x135: {  	[sflag:s0] =	ssyncset.done $0x0  }
0x136: {  	[sflag:s0] =	ssyncadd.s32 $0xFFFFF800  }
0x137: {  	[spmem:s22] =	stream.linear.scatter [tilespmem:s1], [sflag:$0x5], $0x800, $0x38;
	[tilespmem:$0x1F900] =	vst v63  }
0x138: {  	_ =	swait.ge [sflag:s0], $0x800  }
0x139: {  	s19 =	sld [smem:$0x7F9]  }
0x13a: {  	[sflag:s0] =	ssyncset.done $0x0  }
0x13b: {  	[sflag:s0] =	ssyncadd.s32 $0xFFFFF800  }
0x13c: {  	[spmem:s19] =	stream.linear.scatter [tilespmem:s1], [sflag:$0x5], $0x800, $0x38;
	[tilespmem:$0x1F900] =	vst v63  }
0x13d: {  	_ =	swait.ge [sflag:s0], $0x800  }
0x13e: {  	s20 =	sld [smem:$0x7FA]  }
0x13f: {  	[sflag:s0] =	ssyncset.done $0x0  }
0x140: {  	[sflag:s0] =	ssyncadd.s32 $0xFFFFF800  }
0x141: {  	[spmem:s20] =	stream.linear.scatter [tilespmem:s1], [sflag:$0x5], $0x800, $0x38;
	[tilespmem:$0x1F900] =	vst v63  }
0x142: {  	_ =	swait.ge [sflag:s0], $0x800  }
0x143: {  	s21 =	sld [smem:$0x7FB]  }
0x144: {  	[sflag:s0] =	ssyncset.done $0x0  }
0x145: {  	[sflag:s0] =	ssyncadd.s32 $0xFFFFF800  }
0x146: {  	[spmem:s21] =	stream.linear.scatter [tilespmem:s1], [sflag:$0x5], $0x800, $0x38;
	[tilespmem:$0x1F900] =	vst v63  }
0x147: {  	_ =	swait.ge [sflag:s0], $0x800  }
0x148: {  	s22 =	sld [smem:$0x7FC]  }
0x149: {  	[sflag:s0] =	ssyncset.done $0x0  }
0x14a: {  	[sflag:s0] =	ssyncadd.s32 $0xFFFFF800  }
0x14b: {  	[spmem:s22] =	stream.linear.scatter [tilespmem:s1], [sflag:$0x5], $0x800, $0x38;
	[tilespmem:$0x1F900] =	vst v63  }
0x14c: {  	_ =	swait.ge [sflag:s0], $0x800  }
0x14d: {  	s19 =	sld [smem:$0x7FD]  }
0x14e: {  	[sflag:s0] =	ssyncset.done $0x0  }
0x14f: {  	[sflag:s0] =	ssyncadd.s32 $0xFFFFF800  }
0x150: {  	[spmem:s19] =	stream.linear.scatter [tilespmem:s1], [sflag:$0x5], $0x800, $0x38;
	[tilespmem:$0x1F900] =	vst v63  }
0x151: {  	_ =	swait.ge [sflag:s0], $0x800  }
0x152: {  	[sflag:s0] =	ssyncset.done $0x0  }
0x153: {  	[sflag:s0] =	ssyncadd.s32 $0xFFFFF800  }
0x154: {  	[spmem:s26] =	stream.linear.scatter [tilespmem:s1], [sflag:$0x5], $0x800, $0x38;
	[tilespmem:$0x1F900] =	vst v63  }
0x155: {  	_ =	swait.ge [sflag:s0], $0x800  }
0x156: {  	[sflag:s0] =	ssyncset.done $0x0  }
0x157: {  	[sflag:s0] =	ssyncadd.s32 $0xFFFFF800  }
0x158: {  	[spmem:s28] =	stream.linear.scatter [tilespmem:s1], [sflag:$0x5], $0x800, $0x38;
	[tilespmem:$0x1F900] =	vst v63  }
0x159: {  	_ =	swait.ge [sflag:s0], $0x800  }
0x15a: {  	[sflag:s0] =	ssyncset.done $0x0  }
0x15b: {  	[sflag:s0] =	ssyncadd.s32 $0xFFFFF800  }
0x15c: {  	[spmem:s29] =	stream.linear.scatter [tilespmem:s1], [sflag:$0x5], $0x800, $0x38;
	[tilespmem:$0x1F900] =	vst v63  }
0x15d: {  	_ =	swait.ge [sflag:s0], $0x800  }
0x15e: {  	[sflag:s0] =	ssyncset.done $0x0  }
0x15f: {  	[sflag:s0] =	ssyncadd.s32 $0xFFFFF800  }
0x160: {  	[spmem:s30] =	stream.linear.scatter [tilespmem:s1], [sflag:$0x5], $0x800, $0x38;
	[tilespmem:$0x1F900] =	vst v63  }
0x161: {  	_ =	swait.ge [sflag:s0], $0x800  }
0x162: {  	[sflag:s0] =	ssyncset.done $0x0  }
0x163: {  	[sflag:s0] =	ssyncadd.s32 $0xFFFFF800  }
0x164: {  	_ =	swait.ge [sflag:s7], $0x2710  }
0x165: {  	[sflag:s7] =	ssyncset.done $0x0  }
0x166: {  	[sflag:s7] =	ssyncadd.s32 $0xFFFFD8F0  }
0x167: {  	_ =	swait.ge [sflag:s7], $0x80  }
0x168: {  	[sflag:s7] =	ssyncset.done $0x0  }
0x169: {  	[sflag:s7] =	ssyncadd.s32 $0xFFFFFF80  }
0x16a: {  	[bflag:$0x0] =	sbarrier.arrive $0xFFFF  }
0x16b: {  	[tilespmem:s8], [sflag:$0x3] =	stream.indirect.gather [hbm4b:s5+s6], $0x80, s3, s6, $0xb8;
	[tilespmem:$0x1F900] =	vst v63  }
0x16c: {  	_ =	swait.ge [sflag:s10], $0x80  }
0x16d: {  	[sflag:s10] =	ssyncset.done $0x0  }
0x16e: {  	[sflag:s10] =	ssyncadd.s32 $0xFFFFFF80  }
0x16f: {  	[tilespmem:s11], [sflag:$0x4] =	stream.indirect.gather [hbm4b:s5+s6], $0x80, s6, s6, $0xb8;
	[tilespmem:$0x1F900] =	vst v63  }
0x170: {  	_ =	swait.ge [sflag:s12], $0x4000  }
0x171: {  	[sflag:s12] =	ssyncset.done $0x0  }
0x172: {  	s20 =	simm.s32 $0x180;
	[sflag:s12] =	ssyncadd.s32 $0xFFFFC000  }
0x173: {  	[spmem:s2] =	stream.indirect.scatter.add.f32 [tilespmem:s8], [sflag:$0x5], $0x80, s20, s6, $0xb8;
	[tilespmem:$0x1F900] =	vst v63  }
0x174: {  	_ =	swait.ge [sflag:s0], $0x4000  }
0x175: {  	s21 =	sshrl.u32 s25, $0x3;
	[sflag:s0] =	ssyncset.done $0x0  }
0x176: {  	s18 =	sadd.s32 s4, s21;
	[sflag:s0] =	ssyncadd.s32 $0xFFFFC000  }
0x177: {  	[tilespmem:s3], [sflag:$0x1] =	stream.linear.gather [hbm4b:s18+s3], $0x80, $0x38;
	[tilespmem:$0x1F900] =	vst v63  }
0x178: {  	_ =	swait.ge [sflag:s7], $0x80  }
0x179: {  	[sflag:s7] =	ssyncset.done $0x0  }
0x17a: {  	[sflag:s7] =	ssyncadd.s32 $0xFFFFFF80  }
0x17b: {  	[tilespmem:s8], [sflag:$0x3] =	stream.indirect.gather [hbm4b:s5+s6], $0x80, s3, s6, $0xb8;
	[tilespmem:$0x1F900] =	vst v63  }
0x17c: {  	_ =	swait.ge [sflag:s13], $0x4000  }
0x17d: {  	[sflag:s13] =	ssyncset.done $0x0  }
0x17e: {  	s22 =	simm.s32 $0x200;
	[sflag:s13] =	ssyncadd.s32 $0xFFFFC000  }
0x17f: {  	[spmem:s2] =	stream.indirect.scatter.add.f32 [tilespmem:s11], [sflag:$0x5], $0x80, s22, s6, $0xb8;
	[tilespmem:$0x1F900] =	vst v63  }
0x180: {  	_ =	swait.ge [sflag:s0], $0x4000  }
0x181: {  	s21 =	sadd.s32 $0x0, s24;
	s19 =	simm.s32 $0x300;
	[sflag:s0] =	ssyncset.done $0x0  }
0x182: {  	s20 =	sadd.s32 $0x100, s25;
	s18 =	simm.s32 $0x20;
	[sflag:s0] =	ssyncadd.s32 $0xFFFFC000  }
.LBB2_2:
0x183: {  	[tilespmem:s6], [sflag:$0x2] =	stream.linear.gather [hbm4b:s21+s3], $0x80, $0x38;
	[tilespmem:$0x1F900] =	vst v63  }
0x184: {  	s21 =	smov.u32 s18  }
0x185: {  	p0 =	sne.s32 s18, $0x4A0;
	s18 =	sadd.s32 $0x20, s18;
	_ =	swait.ge [sflag:s10], $0x80  }
0x186: {  	[sflag:s10] =	ssyncset.done $0x0  }
0x187: {  	[sflag:s10] =	ssyncadd.s32 $0xFFFFFF80  }
0x188: {  	[tilespmem:s11], [sflag:$0x4] =	stream.indirect.gather [hbm4b:s5+s6], $0x80, s6, s6, $0xb8;
	[tilespmem:$0x1F900] =	vst v63  }
0x189: {  	_ =	swait.ge [sflag:s12], $0x4000  }
0x18a: {  	[sflag:s12] =	ssyncset.done $0x0  }
0x18b: {  	s22 =	sadd.s32 $0xFFFFFF80, s19;
	[sflag:s12] =	ssyncadd.s32 $0xFFFFC000  }
0x18c: {  	[spmem:s2] =	stream.indirect.scatter.add.f32 [tilespmem:s8], [sflag:$0x5], $0x80, s22, s6, $0xb8;
	[tilespmem:$0x1F900] =	vst v63  }
0x18d: {  	_ =	swait.ge [sflag:s0], $0x4000  }
0x18e: {  	s22 =	sshrl.u32 s20, $0x3;
	[sflag:s0] =	ssyncset.done $0x0  }
0x18f: {  	s22 =	sadd.s32 s4, s22;
	[sflag:s0] =	ssyncadd.s32 $0xFFFFC000  }
0x190: {  	[tilespmem:s3], [sflag:$0x1] =	stream.linear.gather [hbm4b:s22+s3], $0x80, $0x38;
	[tilespmem:$0x1F900] =	vst v63  }
0x191: {  	_ =	swait.ge [sflag:s7], $0x80  }
0x192: {  	[sflag:s7] =	ssyncset.done $0x0  }
0x193: {  	[sflag:s7] =	ssyncadd.s32 $0xFFFFFF80  }
0x194: {  	[tilespmem:s8], [sflag:$0x3] =	stream.indirect.gather [hbm4b:s5+s6], $0x80, s3, s6, $0xb8;
	[tilespmem:$0x1F900] =	vst v63  }
0x195: {  	_ =	swait.ge [sflag:s13], $0x4000  }
0x196: {  	[sflag:s13] =	ssyncset.done $0x0  }
.Ltmp0:
0x197: {  	[sflag:s13] =	ssyncadd.s32 $0xFFFFC000;
	(pc) =	sbr.rel @p0 .LBB2_2-.Ltmp0, $4  }
0x198: {  	[spmem:s2] =	stream.indirect.scatter.add.f32 [tilespmem:s11], [sflag:$0x5], $0x80, s19, s6, $0xb8;
	[tilespmem:$0x1F900] =	vst v63  }
0x199: {  	_ =	swait.ge [sflag:s0], $0x4000  }
0x19a: {  	s19 =	sadd.s32 $0x100, s19;
	[sflag:s0] =	ssyncset.done $0x0  }
0x19b: {  	s21 =	sadd.s32 s21, s24;
	s20 =	sadd.s32 $0x100, s20;
	[sflag:s0] =	ssyncadd.s32 $0xFFFFC000  }
0x19c: {  	[tilespmem:s6], [sflag:$0x2] =	stream.linear.gather [hbm4b:s21+s3], $0x80, $0x38;
	[tilespmem:$0x1F900] =	vst v63  }
0x19d: {  	_ =	swait.ge [sflag:s10], $0x80  }
0x19e: {  	[sflag:s10] =	ssyncset.done $0x0  }
0x19f: {  	[sflag:s10] =	ssyncadd.s32 $0xFFFFFF80  }
0x1a0: {  	[tilespmem:s11], [sflag:$0x4] =	stream.indirect.gather [hbm4b:s5+s6], $0x80, s6, s6, $0xb8;
	[tilespmem:$0x1F900] =	vst v63  }
0x1a1: {  	_ = 	snop  }
0x1a2: {  	[tilespmem:s14], [sflag:$0x1] =	stream.linear.gather [hbm4b:s31+s3], $0x10, $0x38;
	[tilespmem:$0x1F900] =	vst v63  }
0x1a3: {  	_ =	swait.ge [sflag:s12], $0x4000  }
0x1a4: {  	[sflag:s12] =	ssyncset.done $0x0  }
0x1a5: {  	s18 =	simm.s32 $0x2780;
	[sflag:s12] =	ssyncadd.s32 $0xFFFFC000  }
0x1a6: {  	[spmem:s2] =	stream.indirect.scatter.add.f32 [tilespmem:s8], [sflag:$0x5], $0x80, s18, s6, $0xb8;
	[tilespmem:$0x1F900] =	vst v63  }
0x1a7: {  	_ =	swait.ge [sflag:s0], $0x4000  }
0x1a8: {  	[sflag:s0] =	ssyncset.done $0x0  }
0x1a9: {  	[sflag:s0] =	ssyncadd.s32 $0xFFFFC000  }
0x1aa: {  	_ =	swait.ge [sflag:s7], $0x10  }
0x1ab: {  	[sflag:s7] =	ssyncset.done $0x0  }
0x1ac: {  	[sflag:s7] =	ssyncadd.s32 $0xFFFFFFF0  }
0x1ad: {  	[tilespmem:s16], [sflag:$0x3] =	stream.indirect.gather [hbm4b:s5+s15], $0x80, s14, s15, $0xb8;
	[tilespmem:$0x1F900] =	vst v63  }
0x1ae: {  	_ =	swait.ge [sflag:s13], $0x4000  }
0x1af: {  	[sflag:s13] =	ssyncset.done $0x0  }
0x1b0: {  	s19 =	simm.s32 $0x2800;
	[sflag:s13] =	ssyncadd.s32 $0xFFFFC000  }
0x1b1: {  	[spmem:s2] =	stream.indirect.scatter.add.f32 [tilespmem:s11], [sflag:$0x5], $0x80, s19, s6, $0xb8;
	[tilespmem:$0x1F900] =	vst v63  }
0x1b2: {  	_ =	swait.ge [sflag:s0], $0x4000  }
0x1b3: {  	[sflag:s0] =	ssyncset.done $0x0  }
0x1b4: {  	[sflag:s0] =	ssyncadd.s32 $0xFFFFC000  }
0x1b5: {  	_ =	swait.ge [sflag:s12], $0x800  }
0x1b6: {  	[sflag:s12] =	ssyncset.done $0x0  }
0x1b7: {  	s20 =	simm.s32 $0x2880;
	[sflag:s12] =	ssyncadd.s32 $0xFFFFF800  }
0x1b8: {  	[spmem:s2] =	stream.indirect.scatter.add.f32 [tilespmem:s16], [sflag:$0x5], $0x80, s20, s15, $0xb8;
	[tilespmem:$0x1F900] =	vst v63  }
0x1b9: {  	_ =	swait.ge [sflag:s0], $0x800  }
0x1ba: {  	[sflag:s0] =	ssyncset.done $0x0  }
0x1bb: {  	s21 =	stileid.u32;
	[sflag:s0] =	ssyncadd.s32 $0xFFFFF800  }
0x1bc: {  	s18 =	sshll.u32 s21, $0x6;
	[bflag:$0x0] =	sbarrier.arrive $0xFFFF  }
0x1bd: {  	s18 =	sor.u32 $0x1C05, s18;
	s19 =	sshrl.u32 s9, $0x3;
	s20 =	rddreg [dreg:$0x11]  }
0x1be: {  	[hbm:s20], [sflag:s18] =	dma.local [spmem:s19], $0x2800  }
0x1bf: {  	_ =	swait.ge [sflag:s0], $0x2800  }
0x1c0: {  	s17 =	sadd.s32 $0x1, s17;
	s22 =	rddreg [dreg:$0x12]  }
0x1c1: {  	p0 =	sne.s32 s17, s22  }
.Ltmp1:
0x1c2: {  	_ = 	snop;
	(pc) =	sbr.rel @p0 .LBB2_1-.Ltmp1, $3  }
0x1c3: {  	_ =	sdelay $0x1  }
0x1c4: {  	[sflag:s0] =	ssyncset.done $0x0  }
0x1c5: {  	[sflag:s0] =	ssyncadd.s32 $0xFFFFD800  }
0x1c6: {  	_ =	sfence.sel $0x180000  }
0x1c7: {  	[bflag:$0x0] =	sbarrier.arrive $0xFFFF  }
0x1c8: {  	_ =	strace $0x9000004A  }
0x1c9: {  	s0 =	stileid.u32;
	[bflag:$0x2] =	sbarrier.arrive $0xFFFF  }
0x1ca: {  	p0 =	sne.s32 s0, $0x0;
	s0 =	rddreg [dreg:$0x2]  }
0x1cb: {  	s0 =	sadd.s32 @!p0 $0x100000, s0  }
0x1cc: {  	[sflag:s0] =	ssyncadd.tile.s32 @!p0 $0x1;
	_ =	shalt  }
.Lfunc_end2:
_tile_overlayer_lowered:
.L_overlay_start_2:
0x1cd: {  	(tag) =	ssettag $0x2  }
0x1ce: {  	s0 =	rddreg [dreg:$0x0];
	s2 =	stileid.u32  }
0x1cf: {  	s1 =	rddreg [dreg:$0x1];
	p0 =	sne.s32 s2, $0x0  }
0x1d0: {  	s3 =	rddreg [dreg:$0x2];
	[bflag:$0x3] =	sbarrier.arrive $0xFFFF;
	s2 =	simm.s32 @!p0 $0x1C05  }
0x1d1: {  	[timem:s3], [sflag:s2] =	dma.local @!p0 [hbm:s0], s1  }
0x1d2: {  	s0 =	simm.s32 @!p0 $0x5  }
0x1d3: {  	_ =	swait.ge @!p0 [sflag:s0], s1  }
0x1d4: {  	s1 =	ssub.s32 @!p0 $0x0, s1;
	[sflag:s0] =	ssyncset.done @!p0 $0x0  }
0x1d5: {  	[sflag:s0] =	ssyncadd.s32 @!p0 s1  }
0x1d6: {  	[bflag:$0x3] =	sbarrier.arrive $0xFFFF  }
0x1d7: {  	_ =	shalt  }

// kernel: kernel.14.cloned.1.call-start
scs
__scs_entry_jumppad:
0x0: {  	(pc) =	sbr.rel $0x88, $3  }
0x1: {  	(tag) =	ssettag $0x0;
	lr =	simm.s32 $0x1  }
0x2: {  	[smem:$0x3F93] =	sst lr;
	_ =	strace $0xD0000000  }
0x3: {  	_ = 	snop  }
0x4: {  	_ = 	snop  }
0x5: {  	_ = 	snop  }
0x6: {  	_ = 	snop  }
0x7: {  	_ = 	snop  }
__scs_overlays_trampoline_lowered:
0x8: {  	[smem:$0x3FA2] =	sst s0  }
0x9: {  	[smem:$0x3FA3] =	sst s1  }
0xa: {  	[smem:$0x3FA4] =	sst s2  }
0xb: {  	[smem:$0x3FA5] =	sst s3  }
0xc: {  	[smem:$0x3FA6] =	sst s4  }
0xd: {  	[smem:$0x3FA7] =	sst s5  }
0xe: {  	[smem:$0x3FA8] =	sst s6  }
0xf: {  	[smem:$0x3FA9] =	sst s7  }
0x10: {  	[smem:$0x3FAA] =	sst s8  }
0x11: {  	[smem:$0x3FAB] =	sst s9;
	s0 =	simm.s32 @!p0 $0x0  }
0x12: {  	s1 =	sld [smem:$0x3F91];
	s0 =	simm.s32 @p0 $0x1  }
0x13: {  	[smem:$0x3FAC] =	sst s0;
	s0 =	simm.s32 @!p1 $0x0  }
0x14: {  	s2 =	sld [smem:$0x3F90];
	s0 =	simm.s32 @p1 $0x1  }
0x15: {  	[smem:$0x3FAD] =	sst s0;
	s0 =	simm.s32 @!p2 $0x0  }
0x16: {  	s3 =	sld [smem:$0x3FDB];
	s0 =	simm.s32 @p2 $0x1  }
0x17: {  	s4 =	simm.s32 $0x1BF5;
	[smem:$0x3FAF] =	sst s0  }
0x18: {  	s0 =	sld [smem:$0x3F92];
	_ =	swait.ge [sflag:s4], $0x0  }
0x19: {  	s7 =	sld [smem:$0x3F93]  }
0x1a: {  	s8 =	sadd.s32 $0xFFFFE003, lr  }
0x1b: {  	s9 =	sadd.s32 $0xFFFFFEF7, lr;
	s5 =	simm.s32 $0xFFFFFFFF;
	p2 =	slt.u32 s8, $0xFFFFF086  }
0x1c: {  	p1 =	slt.u32 s9, $0xF7A;
	s5 =	simm.s32 @!p2 $0x0  }
0x1d: {  	s5 =	simm.s32 @p1 $0x1;
	p0 =	seq.s32 s7, s2  }
0x1e: {  	s7 =	smul.u32 @!p0 $0xF7A, s2;
	p2 =	seq.s32 @!p0 s5, $0x0  }
0x1f: {  	s9 =	smul.u32 $0xF7A, s1;
	s8 =	simm.s32 @!p0 $0x1BF5;
	p2 =	por !p2, p0  }
0x20: {  	[sflag:s8] =	ssyncset.s32 @!p0 $0xFFFFF086;
	s6 =	sadd.s32 @!p0 s3, s7;
	s7 =	simm.s32 @!p0 $0x108  }
0x21: {  	s3 =	sadd.s32 s3, s9;
	s6 =	sadd.s32 @!p0 $0x88, s6;
	s7 =	simm.s32 @p2 $0x1082  }
0x22: {  	[simem:s7], [sflag:s8] =	dma.local @!p0 [hbm:s6], $0xF7A  }
0x23: {  	s9 =	sor.u32 $0xD0000000, s2;
	s6 =	simm.s32 $0x108;
	_ =	swait.ge @!p0 [sflag:s8], $0x0  }
0x24: {  	s3 =	sadd.s32 $0x88, s3;
	s6 =	simm.s32 @!p1 $0x1082;
	[sflag:s4] =	ssyncset.s32 $0xFFFFF086  }
0x25: {  	[simem:s6], [sflag:s4] =	dma.local [hbm:s3], $0xF7A  }
0x26: {  	[smem:$0x3F93] =	sst s1;
	(tag) =	ssettag s2;
	_ =	strace s9  }
0x27: {  	s1 =	sld [smem:$0x3FA3]  }
0x28: {  	s2 =	sld [smem:$0x3FA4]  }
0x29: {  	s4 =	sld [smem:$0x3FA6]  }
0x2a: {  	p0 =	seq.s32 s5, $0x0;
	s5 =	sld [smem:$0x3FA7]  }
0x2b: {  	s6 =	sld [smem:$0x3FA8]  }
0x2c: {  	s7 =	sld [smem:$0x3FA9]  }
0x2d: {  	s3 =	simm.s32 $0x108;
	s8 =	sld [smem:$0x3FAA]  }
0x2e: {  	s3 =	simm.s32 @!p0 $0x1082;
	s9 =	sld [smem:$0x3FAB]  }
0x2f: {  	lr =	sadd.s32 s0, s3;
	s0 =	sld [smem:$0x3FA2]  }
0x30: {  	s3 =	sld [smem:$0x3FA5]  }
0x31: {  	[smem:$0x3FAE] =	sst s10  }
0x32: {  	s10 =	sld [smem:$0x3FAC];
	_ =	sdelay $0x3  }
0x33: {  	p0 =	seq.s32 s10, $0x1;
	s10 =	sld [smem:$0x3FAE];
	_ =	sdelay $0x3  }
0x34: {  	[smem:$0x3FAE] =	sst s10  }
0x35: {  	s10 =	sld [smem:$0x3FAD];
	_ =	sdelay $0x3  }
0x36: {  	p1 =	seq.s32 s10, $0x1;
	s10 =	sld [smem:$0x3FAE];
	_ =	sdelay $0x3  }
0x37: {  	[smem:$0x3FAE] =	sst s10  }
0x38: {  	s10 =	sld [smem:$0x3FAF]  }
0x39: {  	_ = 	snop;
	(pc) =	sbr.ind lr, $3  }
0x3a: {  	_ = 	snop  }
0x3b: {  	_ = 	snop  }
0x3c: {  	p2 =	seq.s32 s10, $0x1;
	s10 =	sld [smem:$0x3FAE]  }
0x3d: {  	_ =	shalt  }
0x3e: {  	_ =	shalt  }
0x3f: {  	_ =	shalt  }
0x40: {  	_ =	shalt  }
0x41: {  	_ =	shalt  }
0x42: {  	_ =	shalt  }
0x43: {  	_ =	shalt  }
0x44: {  	_ =	shalt  }
0x45: {  	_ =	shalt  }
0x46: {  	_ =	shalt  }
0x47: {  	_ =	shalt  }
0x48: {  	_ =	shalt  }
0x49: {  	_ =	shalt  }
0x4a: {  	_ =	shalt  }
0x4b: {  	_ =	shalt  }
0x4c: {  	_ =	shalt  }
0x4d: {  	_ =	shalt  }
0x4e: {  	_ =	shalt  }
0x4f: {  	_ =	shalt  }
0x50: {  	_ =	shalt  }
0x51: {  	_ =	shalt  }
0x52: {  	_ =	shalt  }
0x53: {  	_ =	shalt  }
0x54: {  	_ =	shalt  }
0x55: {  	_ =	shalt  }
0x56: {  	_ =	shalt  }
0x57: {  	_ =	shalt  }
0x58: {  	_ =	shalt  }
0x59: {  	_ =	shalt  }
0x5a: {  	_ =	shalt  }
0x5b: {  	_ =	shalt  }
0x5c: {  	_ =	shalt  }
0x5d: {  	_ =	shalt  }
0x5e: {  	_ =	shalt  }
0x5f: {  	_ =	shalt  }
0x60: {  	_ =	shalt  }
0x61: {  	_ =	shalt  }
0x62: {  	_ =	shalt  }
0x63: {  	_ =	shalt  }
0x64: {  	_ =	shalt  }
0x65: {  	_ =	shalt  }
0x66: {  	_ =	shalt  }
0x67: {  	_ =	shalt  }
0x68: {  	_ =	shalt  }
0x69: {  	_ =	shalt  }
0x6a: {  	_ =	shalt  }
0x6b: {  	_ =	shalt  }
0x6c: {  	_ =	shalt  }
0x6d: {  	_ =	shalt  }
0x6e: {  	_ =	shalt  }
0x6f: {  	_ =	shalt  }
0x70: {  	_ =	shalt  }
0x71: {  	_ =	shalt  }
0x72: {  	_ =	shalt  }
0x73: {  	_ =	shalt  }
0x74: {  	_ =	shalt  }
0x75: {  	_ =	shalt  }
0x76: {  	_ =	shalt  }
0x77: {  	_ =	shalt  }
0x78: {  	_ =	shalt  }
0x79: {  	_ =	shalt  }
0x7a: {  	_ =	shalt  }
0x7b: {  	_ =	shalt  }
0x7c: {  	_ =	shalt  }
0x7d: {  	_ =	shalt  }
0x7e: {  	_ =	shalt  }
0x7f: {  	_ =	shalt  }
0x80: {  	_ =	shalt  }
0x81: {  	_ =	shalt  }
0x82: {  	_ =	shalt  }
0x83: {  	_ =	shalt  }
0x84: {  	_ =	shalt  }
0x85: {  	_ =	shalt  }
0x86: {  	_ =	shalt  }
0x87: {  	_ =	shalt  }
.Lfunc_end0:
.L_simem_size_0:
called_computation.2_lowered:
.L_overlay_start_0:
0x88: {  	s2 =	sld [smem:$0x3FD9]  }
0x89: {  	s3 =	sld [smem:$0x3FFE];
	_ =	sdelay $0x1  }
0x8a: {  	s1 =	srdreg.scid  }
0x8b: {  	s0 =	sand.u32 $0x1, s1  }
0x8c: {  	s16 =	sshll.u32 s0, $0xA;
	s2 =	sadd.s32 s3, s2  }
0x8d: {  	s2 =	sadd.s32 s2, s16  }
0x8e: {  	[smem:$0x3FBA] =	sst s2  }
0x8f: {  	_ = 	snop  }
0x90: {  	(tm) =	ssettm $0x1  }
0x91: {  	s17 =	sld [smem:$0x3FFB];
	_ =	sdelay $0x3  }
0x92: {  	_ =	strace s17  }
0x93: {  	s2 =	sld [smem:$0x3FFC];
	_ =	sdelay $0x3  }
0x94: {  	_ =	strace s2  }
0x95: {  	s2 =	sld [smem:$0x3FFD];
	_ =	sdelay $0x3  }
0x96: {  	_ =	strace s2  }
0x97: {  	_ =	strace $0x8FFFFFFF  }
0x98: {  	s18 =	sld [smem:$0x3FDB];
	_ =	sdelay $0x1  }
0x99: {  	s19 =	simm.s32 $_scs_section_size  }
0x9a: {  	s4 =	simm.s32 $_size__tile_overlayer_lowered;
	s5 =	simm.s32 $_tile_overlayer_lowered  }
0x9b: {  	s22 =	simm.s32 $0x1BFF;
	s21 =	sshll.u32 s5, $0x1;
	s2 =	sadd.s32 s19, s18  }
0x9c: {  	s6 =	simm.s32 $0x0;
	s20 =	sshll.u32 s4, $0x1;
	s4 =	sadd.s32 s21, s2  }
0x9d: {  	[timem:s6], [sflag:s22] =	dma.local [hbm:s4], s20  }
0x9e: {  	_ =	swait.ge [sflag:s22], s20  }
0x9f: {  	s3 =	ssub.s32 $0x0, s20;
	[sflag:s22] =	ssyncset.done $0x0  }
0xa0: {  	[sflag:s22] =	ssyncadd.s32 s3;
	_ =	sdelay $0x1  }
0xa1: {  	s23 =	simm.s32 $0x1B8B  }
0xa2: {  	_ =	swait.ge [sflag:s23], $0x1  }
0xa3: {  	[sflag:s23] =	ssyncset.done $0x0  }
0xa4: {  	s25 =	simm.s32 $0x1B8E;
	s24 =	sld [smem:$0x3FFE];
	[sflag:s23] =	ssyncadd.s32 $0xFFFFFFFF  }
0xa5: {  	s26 =	simm.s32 $execute0_lowered;
	[smem:$0x3FD2] =	sst s25  }
0xa6: {  	s4 =	sshll.u32 s26, $0x1;
	_ =	strace $0x8000004C;
	[dreg:$0x1] =	wrdreg $0xFFFFFFFF  }
0xa7: {  	s28 =	simm.s32 $_size_execute0_lowered;
	s2 =	sadd.s32 s2, s4;
	[dreg:$0x0] =	wrdreg $0x0  }
0xa8: {  	s4 =	sshll.u32 s28, $0x1;
	[dreg:$0x2] =	wrdreg s2  }
0xa9: {  	[dreg:$0x3] =	wrdreg s4  }
0xaa: {  	[dreg:$0x4] =	wrdreg $0xC0  }
0xab: {  	_ =	task [dreg:s6], $0x5FFFF  }
0xac: {  	[dreg:$0x1] =	wrdreg $0xFFFFFFFF  }
0xad: {  	[dreg:$0x0] =	wrdreg $0x60  }
0xae: {  	[dreg:$0x2] =	wrdreg s24  }
0xaf: {  	[dreg:$0x3] =	wrdreg $0xB9000  }
0xb0: {  	[dreg:$0x4] =	wrdreg $0x9  }
0xb1: {  	_ =	task.clear_ibuf [dreg:s6], $0x5FFFF;
	_ =	strace $0x9000004C  }
0xb2: {  	s29 =	simm.s32 $0x9;
	_ =	strace $0x8000004E  }
0xb3: {  	_ =	swait.ge [sflag:s29], $0x1  }
0xb4: {  	[sflag:s29] =	ssyncadd.s32 $0xFFFFFFFF  }
0xb5: {  	_ =	strace $0x9000004E  }
0xb6: {  	_ =	sfence  }
0xb7: {  	s30 =	sld [smem:$0x0];
	_ =	sdelay $0x2  }
0xb8: {  	s31 =	sshll.u32 s1, $0xD;
	s1 =	sshrl.u32 s1, $0x2  }
0xb9: {  	s3 =	sand.u32 $0x4000, s31;
	s1 =	sadd.s32 s1, s30  }
0xba: {  	s0 =	sor.u32 s3, s0;
	s1 =	sshll.u32 s1, $0x11  }
0xbb: {  	s0 =	sor.u32 s1, s0  }
0xbc: {  	s0 =	sadd.s32 $0x8F2B, s0  }
0xbd: {  	[sflag:s0] =	ssyncadd.remote.s32 $0x1  }
0xbe: {  	_ =	sfence.sel $0xFFFF  }
0xbf: {  	[dreg:$0x0] =	wrdreg $0xFFFFFFFF;
	(pc) =	sbr.abs _section_cstart, $3  }
0xc0: {  	[dreg:$0x1] =	wrdreg $0xFFFFFFFF  }
0xc1: {  	_ =	task.clear_ibuf [dreg:s6], $0x2FFFF;
	_ =	strace $0x9FFFFFFF  }
0xc2: {  	(tm) =	ssettm $0x7FFFFFFF  }
0xc3: {  	_ =	shalt  }
tec
execute0_lowered:
.L_overlay_start_1:
0x0: {  	(tag) =	ssettag $0x1  }
0x1: {  	s0 =	srdreg.scid  }
0x2: {  	s11 =	stileid.u32;
	s6 =	rddreg [dreg:$0x0]  }
0x3: {  	s2 =	rddreg [dreg:$0x1];
	s0 =	sand.u32 $0x1, s0;
	s7 =	smul.u32 $0x14000, s11  }
0x4: {  	s3 =	simm.s32 $0x0;
	s10 =	smul.u32 $0x50000, s11;
	s1 =	sshll.u32 s0, $0x4  }
0x5: {  	[smem:$0x7FF] =	sst s3;
	s5 =	smul.u32 $0x140000, s0;
	s1 =	sor.u32 s11, s1  }
0x6: {  	s4 =	sadd.s32 $0xD000, s6;
	s9 =	ssub.s32 $0x2, s0;
	s1 =	smul.u32 $0x2710, s1  }
0x7: {  	_ =	strace $0x8000004D;
	s19 =	sshrl.u32 s9, $0x1;
	s5 =	sadd.s32 s7, s5  }
0x8: {  	s20 =	sshrl.u32 s10, $0x2;
	s7 =	sshrl.u32 s5, $0x3;
	s1 =	sshrl.u32 s1, $0x3  }
0x9: {  	s5 =	sadd.s32 $0x16E00, s6;
	s8 =	sadd.s32 s1, s6;
	s6 =	sadd.s32 s7, s6  }
0xa: {  	s7 =	ssub.s32 s9, s19;
	s12 =	sadd.s32 s4, s1;
	s8 =	sadd.s32 $0x3200, s8  }
0xb: {  	s9 =	sadd.s32 s20, s2;
	s21 =	sadd.s32 $0x10, s12;
	[dreg:$0x3] =	wrdreg s8  }
0xc: {  	s1 =	sadd.s32 $0x800, s9;
	[dreg:$0x4] =	wrdreg s21  }
0xd: {  	s22 =	sadd.s32 $0x1000, s9;
	[dreg:$0x5] =	wrdreg s1  }
0xe: {  	s23 =	sadd.s32 $0x1800, s9;
	[dreg:$0x6] =	wrdreg s22  }
0xf: {  	s24 =	sadd.s32 $0x2000, s9;
	[dreg:$0x7] =	wrdreg s23  }
0x10: {  	s26 =	sadd.s32 $0x2800, s9;
	[dreg:$0x8] =	wrdreg s24  }
0x11: {  	s10 =	sadd.s32 $0x3000, s9;
	[dreg:$0x9] =	wrdreg s26  }
0x12: {  	s25 =	smul.u32 $0x2710, s11;
	s11 =	sadd.s32 $0x3800, s9;
	[dreg:$0xa] =	wrdreg s10  }
0x13: {  	s13 =	sadd.s32 $0x4000, s9;
	[dreg:$0xb] =	wrdreg s11  }
0x14: {  	s14 =	sadd.s32 $0x4800, s9;
	[dreg:$0xc] =	wrdreg s13  }
0x15: {  	s15 =	sadd.s32 $0x5000, s9;
	[dreg:$0xd] =	wrdreg s14  }
0x16: {  	s16 =	sadd.s32 $0x5800, s9;
	[dreg:$0xe] =	wrdreg s15  }
0x17: {  	s18 =	sadd.s32 $0x6000, s9;
	[dreg:$0xf] =	wrdreg s16  }
0x18: {  	s6 =	sadd.s32 $0x3E000, s6;
	[dreg:$0x10] =	wrdreg s18  }
0x19: {  	s19 =	smax.u32 s7, $0x1;
	[dreg:$0x11] =	wrdreg s6  }
0x1a: {  	s20 =	sadd.s32 $0x6800, s9;
	[dreg:$0x12] =	wrdreg s19  }
0x1b: {  	s7 =	sadd.s32 $0xA000, s9;
	[dreg:$0x13] =	wrdreg s20  }
0x1c: {  	s21 =	sadd.s32 $0x7000, s9;
	[dreg:$0x1a] =	wrdreg s7  }
0x1d: {  	s22 =	sadd.s32 $0x7800, s9;
	[dreg:$0x14] =	wrdreg s21  }
0x1e: {  	s23 =	sadd.s32 $0x8000, s9;
	[dreg:$0x15] =	wrdreg s22  }
0x1f: {  	s0 =	smul.u32 $0x27100, s0;
	s26 =	sadd.s32 $0x8800, s9;
	[dreg:$0x16] =	wrdreg s23  }
0x20: {  	s6 =	sadd.s32 $0x9800, s9;
	[dreg:$0x17] =	wrdreg s26  }
0x21: {  	s0 =	sadd.s32 s25, s0;
	s8 =	sadd.s32 $0xA800, s9;
	[dreg:$0x19] =	wrdreg s6  }
0x22: {  	s17 =	sadd.s32 $0x180, s0;
	s10 =	sadd.s32 $0xB000, s9;
	[dreg:$0x1b] =	wrdreg s8  }
0x23: {  	s25 =	sadd.s32 $0x100, s0;
	s11 =	sadd.s32 $0xB800, s9;
	[dreg:$0x1c] =	wrdreg s10  }
0x24: {  	s0 =	simm.s32 $0x5;
	s13 =	sadd.s32 $0xC000, s9;
	[dreg:$0x1d] =	wrdreg s11  }
0x25: {  	s28 =	sadd.s32 $0x12800, s9;
	s14 =	sadd.s32 $0xC800, s9;
	[dreg:$0x1e] =	wrdreg s13  }
0x26: {  	s29 =	sadd.s32 $0x13000, s9;
	s15 =	sadd.s32 $0xD000, s9;
	[dreg:$0x1f] =	wrdreg s14  }
0x27: {  	s30 =	sadd.s32 $0x13800, s9;
	s16 =	sadd.s32 $0xD800, s9;
	[smem:$0x7F4] =	sst s15  }
0x28: {  	s1 =	sshrl.u32 s17, $0x3;
	s17 =	sadd.s32 $0xE000, s9;
	[smem:$0x7F5] =	sst s16  }
0x29: {  	s31 =	sadd.s32 $0x4E0, s12;
	s18 =	sadd.s32 $0xE800, s9;
	[smem:$0x7F6] =	sst s17  }
0x2a: {  	s19 =	sadd.s32 $0xF000, s9;
	s20 =	sadd.s32 $0xF800, s9;
	[smem:$0x7F7] =	sst s18  }
0x2b: {  	s7 =	simm.s32 $0x1;
	s24 =	sadd.s32 s1, s4;
	[smem:$0x7F8] =	sst s19  }
0x2c: {  	s1 =	sadd.s32 $0x9000, s9;
	[smem:$0x7F9] =	sst s20;
	s21 =	sadd.s32 $0x10000, s9  }
0x2d: {  	s22 =	sadd.s32 $0x10800, s9;
	s23 =	sadd.s32 $0x11000, s9;
	s26 =	sadd.s32 $0x11800, s9  }
0x2e: {  	s6 =	simm.s32 $0x80;
	s8 =	simm.s32 $0x2900;
	[dreg:$0x18] =	wrdreg s1  }
0x2f: {  	s10 =	simm.s32 $0x2;
	s11 =	simm.s32 $0x6900;
	[smem:$0x7FA] =	sst s21  }
0x30: {  	s13 =	simm.s32 $0x4;
	s14 =	simm.s32 $0x100;
	[smem:$0x7FB] =	sst s22  }
0x31: {  	s15 =	simm.s32 $0x10;
	s16 =	simm.s32 $0xA900;
	[smem:$0x7FC] =	sst s23  }
0x32: {  	s17 =	simm.s32 $0x0;
	[smem:$0x7FD] =	sst s26;
	s26 =	sadd.s32 $0x12000, s9  }
0x33: {  	v0 =	vimm.f32 $0.0e+00;
	s23 =	smov.u32 s12;
	s1 =	simm.s32 $0xB100;
	s12 =	simm.s32 $0x3  }
.LBB2_1:
0x34: {  	s18 =	rddreg [dreg:$0x3];
	s19 =	simm.s32 $0x180  }
0x35: {  	[tilespmem:s19], [sflag:$0x1] =	stream.linear.gather [hbm4b:s18+s3], $0x2710, $0x38;
	[tilespmem:$0x1F900] =	vst v63  }
0x36: {  	_ = 	snop  }
0x37: {  	[tilespmem:s3], [sflag:$0x1] =	stream.linear.gather [hbm4b:s23+s3], $0x80, $0x38;
	[tilespmem:$0x1F900] =	vst v63  }
0x38: {  	s20 =	rddreg [dreg:$0x4]  }
0x39: {  	[tilespmem:s6], [sflag:$0x2] =	stream.linear.gather [hbm4b:s20+s3], $0x80, $0x38;
	[tilespmem:$0x1F900] =	vst v63  }
0x3a: {  	[tilespmem:$0xB100] =	vst v0  }
0x3b: {  	[tilespmem:$0xB110] =	vst v0  }
0x3c: {  	[tilespmem:$0xB120] =	vst v0  }
0x3d: {  	[tilespmem:$0xB130] =	vst v0  }
0x3e: {  	[tilespmem:$0xB140] =	vst v0  }
0x3f: {  	[tilespmem:$0xB150] =	vst v0  }
0x40: {  	[tilespmem:$0xB160] =	vst v0  }
0x41: {  	[tilespmem:$0xB170] =	vst v0  }
0x42: {  	[tilespmem:$0xB180] =	vst v0  }
0x43: {  	[tilespmem:$0xB190] =	vst v0  }
0x44: {  	[tilespmem:$0xB1A0] =	vst v0  }
0x45: {  	[tilespmem:$0xB1B0] =	vst v0  }
0x46: {  	[tilespmem:$0xB1C0] =	vst v0  }
0x47: {  	[tilespmem:$0xB1D0] =	vst v0  }
0x48: {  	[tilespmem:$0xB1E0] =	vst v0  }
0x49: {  	[tilespmem:$0xB1F0] =	vst v0  }
0x4a: {  	[tilespmem:$0xB200] =	vst v0  }
0x4b: {  	[tilespmem:$0xB210] =	vst v0  }
0x4c: {  	[tilespmem:$0xB220] =	vst v0  }
0x4d: {  	[tilespmem:$0xB230] =	vst v0  }
0x4e: {  	[tilespmem:$0xB240] =	vst v0  }
0x4f: {  	[tilespmem:$0xB250] =	vst v0  }
0x50: {  	[tilespmem:$0xB260] =	vst v0  }
0x51: {  	[tilespmem:$0xB270] =	vst v0  }
0x52: {  	[tilespmem:$0xB280] =	vst v0  }
0x53: {  	[tilespmem:$0xB290] =	vst v0  }
0x54: {  	[tilespmem:$0xB2A0] =	vst v0  }
0x55: {  	[tilespmem:$0xB2B0] =	vst v0  }
0x56: {  	[tilespmem:$0xB2C0] =	vst v0  }
0x57: {  	[tilespmem:$0xB2D0] =	vst v0  }
0x58: {  	[tilespmem:$0xB2E0] =	vst v0  }
0x59: {  	[tilespmem:$0xB2F0] =	vst v0  }
0x5a: {  	[tilespmem:$0xB300] =	vst v0  }
0x5b: {  	[tilespmem:$0xB310] =	vst v0  }
0x5c: {  	[tilespmem:$0xB320] =	vst v0  }
0x5d: {  	[tilespmem:$0xB330] =	vst v0  }
0x5e: {  	[tilespmem:$0xB340] =	vst v0  }
0x5f: {  	[tilespmem:$0xB350] =	vst v0  }
0x60: {  	[tilespmem:$0xB360] =	vst v0  }
0x61: {  	[tilespmem:$0xB370] =	vst v0  }
0x62: {  	[tilespmem:$0xB380] =	vst v0  }
0x63: {  	[tilespmem:$0xB390] =	vst v0  }
0x64: {  	[tilespmem:$0xB3A0] =	vst v0  }
0x65: {  	[tilespmem:$0xB3B0] =	vst v0  }
0x66: {  	[tilespmem:$0xB3C0] =	vst v0  }
0x67: {  	[tilespmem:$0xB3D0] =	vst v0  }
0x68: {  	[tilespmem:$0xB3E0] =	vst v0  }
0x69: {  	[tilespmem:$0xB3F0] =	vst v0  }
0x6a: {  	[tilespmem:$0xB400] =	vst v0  }
0x6b: {  	[tilespmem:$0xB410] =	vst v0  }
0x6c: {  	[tilespmem:$0xB420] =	vst v0  }
0x6d: {  	[tilespmem:$0xB430] =	vst v0  }
0x6e: {  	[tilespmem:$0xB440] =	vst v0  }
0x6f: {  	[tilespmem:$0xB450] =	vst v0  }
0x70: {  	[tilespmem:$0xB460] =	vst v0  }
0x71: {  	[tilespmem:$0xB470] =	vst v0  }
0x72: {  	[tilespmem:$0xB480] =	vst v0  }
0x73: {  	[tilespmem:$0xB490] =	vst v0  }
0x74: {  	[tilespmem:$0xB4A0] =	vst v0  }
0x75: {  	[tilespmem:$0xB4B0] =	vst v0  }
0x76: {  	[tilespmem:$0xB4C0] =	vst v0  }
0x77: {  	[tilespmem:$0xB4D0] =	vst v0  }
0x78: {  	[tilespmem:$0xB4E0] =	vst v0  }
0x79: {  	[tilespmem:$0xB4F0] =	vst v0  }
0x7a: {  	[tilespmem:$0xB500] =	vst v0  }
0x7b: {  	[tilespmem:$0xB510] =	vst v0  }
0x7c: {  	[tilespmem:$0xB520] =	vst v0  }
0x7d: {  	[tilespmem:$0xB530] =	vst v0  }
0x7e: {  	[tilespmem:$0xB540] =	vst v0  }
0x7f: {  	[tilespmem:$0xB550] =	vst v0  }
0x80: {  	[tilespmem:$0xB560] =	vst v0  }
0x81: {  	[tilespmem:$0xB570] =	vst v0  }
0x82: {  	[tilespmem:$0xB580] =	vst v0  }
0x83: {  	[tilespmem:$0xB590] =	vst v0  }
0x84: {  	[tilespmem:$0xB5A0] =	vst v0  }
0x85: {  	[tilespmem:$0xB5B0] =	vst v0  }
0x86: {  	[tilespmem:$0xB5C0] =	vst v0  }
0x87: {  	[tilespmem:$0xB5D0] =	vst v0  }
0x88: {  	[tilespmem:$0xB5E0] =	vst v0  }
0x89: {  	[tilespmem:$0xB5F0] =	vst v0  }
0x8a: {  	[tilespmem:$0xB600] =	vst v0  }
0x8b: {  	[tilespmem:$0xB610] =	vst v0  }
0x8c: {  	[tilespmem:$0xB620] =	vst v0  }
0x8d: {  	[tilespmem:$0xB630] =	vst v0  }
0x8e: {  	[tilespmem:$0xB640] =	vst v0  }
0x8f: {  	[tilespmem:$0xB650] =	vst v0  }
0x90: {  	[tilespmem:$0xB660] =	vst v0  }
0x91: {  	[tilespmem:$0xB670] =	vst v0  }
0x92: {  	[tilespmem:$0xB680] =	vst v0  }
0x93: {  	[tilespmem:$0xB690] =	vst v0  }
0x94: {  	[tilespmem:$0xB6A0] =	vst v0  }
0x95: {  	[tilespmem:$0xB6B0] =	vst v0  }
0x96: {  	[tilespmem:$0xB6C0] =	vst v0  }
0x97: {  	[tilespmem:$0xB6D0] =	vst v0  }
0x98: {  	[tilespmem:$0xB6E0] =	vst v0  }
0x99: {  	[tilespmem:$0xB6F0] =	vst v0  }
0x9a: {  	[tilespmem:$0xB700] =	vst v0  }
0x9b: {  	[tilespmem:$0xB710] =	vst v0  }
0x9c: {  	[tilespmem:$0xB720] =	vst v0  }
0x9d: {  	[tilespmem:$0xB730] =	vst v0  }
0x9e: {  	[tilespmem:$0xB740] =	vst v0  }
0x9f: {  	[tilespmem:$0xB750] =	vst v0  }
0xa0: {  	[tilespmem:$0xB760] =	vst v0  }
0xa1: {  	[tilespmem:$0xB770] =	vst v0  }
0xa2: {  	[tilespmem:$0xB780] =	vst v0  }
0xa3: {  	[tilespmem:$0xB790] =	vst v0  }
0xa4: {  	[tilespmem:$0xB7A0] =	vst v0  }
0xa5: {  	[tilespmem:$0xB7B0] =	vst v0  }
0xa6: {  	[tilespmem:$0xB7C0] =	vst v0  }
0xa7: {  	[tilespmem:$0xB7D0] =	vst v0  }
0xa8: {  	[tilespmem:$0xB7E0] =	vst v0  }
0xa9: {  	[tilespmem:$0xB7F0] =	vst v0  }
0xaa: {  	[tilespmem:$0xB800] =	vst v0  }
0xab: {  	[tilespmem:$0xB810] =	vst v0  }
0xac: {  	[tilespmem:$0xB820] =	vst v0  }
0xad: {  	[tilespmem:$0xB830] =	vst v0  }
0xae: {  	[tilespmem:$0xB840] =	vst v0  }
0xaf: {  	[tilespmem:$0xB850] =	vst v0  }
0xb0: {  	[tilespmem:$0xB860] =	vst v0  }
0xb1: {  	[tilespmem:$0xB870] =	vst v0  }
0xb2: {  	[tilespmem:$0xB880] =	vst v0  }
0xb3: {  	[tilespmem:$0xB890] =	vst v0  }
0xb4: {  	[tilespmem:$0xB8A0] =	vst v0  }
0xb5: {  	[tilespmem:$0xB8B0] =	vst v0  }
0xb6: {  	[tilespmem:$0xB8C0] =	vst v0  }
0xb7: {  	[tilespmem:$0xB8D0] =	vst v0  }
0xb8: {  	[tilespmem:$0xB8E0] =	vst v0  }
0xb9: {  	[tilespmem:$0xB8F0] =	vst v0  }
0xba: {  	[spmem:s9] =	stream.linear.scatter [tilespmem:s1], [sflag:$0x5], $0x800, $0x38;
	[tilespmem:$0x1F900] =	vst v63  }
0xbb: {  	_ =	swait.ge [sflag:s0], $0x800  }
0xbc: {  	[sflag:s0] =	ssyncset.done $0x0  }
0xbd: {  	s21 =	rddreg [dreg:$0x5];
	[sflag:s0] =	ssyncadd.s32 $0xFFFFF800  }
0xbe: {  	[spmem:s21] =	stream.linear.scatter [tilespmem:s1], [sflag:$0x5], $0x800, $0x38;
	[tilespmem:$0x1F900] =	vst v63  }
0xbf: {  	_ =	swait.ge [sflag:s0], $0x800  }
0xc0: {  	[sflag:s0] =	ssyncset.done $0x0  }
0xc1: {  	s22 =	rddreg [dreg:$0x6];
	[sflag:s0] =	ssyncadd.s32 $0xFFFFF800  }
0xc2: {  	[spmem:s22] =	stream.linear.scatter [tilespmem:s1], [sflag:$0x5], $0x800, $0x38;
	[tilespmem:$0x1F900] =	vst v63  }
0xc3: {  	_ =	swait.ge [sflag:s0], $0x800  }
0xc4: {  	[sflag:s0] =	ssyncset.done $0x0  }
0xc5: {  	s19 =	rddreg [dreg:$0x7];
	[sflag:s0] =	ssyncadd.s32 $0xFFFFF800  }
0xc6: {  	[spmem:s19] =	stream.linear.scatter [tilespmem:s1], [sflag:$0x5], $0x800, $0x38;
	[tilespmem:$0x1F900] =	vst v63  }
0xc7: {  	_ =	swait.ge [sflag:s0], $0x800  }
0xc8: {  	[sflag:s0] =	ssyncset.done $0x0  }
0xc9: {  	s20 =	rddreg [dreg:$0x8];
	[sflag:s0] =	ssyncadd.s32 $0xFFFFF800  }
0xca: {  	[spmem:s20] =	stream.linear.scatter [tilespmem:s1], [sflag:$0x5], $0x800, $0x38;
	[tilespmem:$0x1F900] =	vst v63  }
0xcb: {  	_ =	swait.ge [sflag:s0], $0x800  }
0xcc: {  	[sflag:s0] =	ssyncset.done $0x0  }
0xcd: {  	s21 =	rddreg [dreg:$0x9];
	[sflag:s0] =	ssyncadd.s32 $0xFFFFF800  }
0xce: {  	[spmem:s21] =	stream.linear.scatter [tilespmem:s1], [sflag:$0x5], $0x800, $0x38;
	[tilespmem:$0x1F900] =	vst v63  }
0xcf: {  	_ =	swait.ge [sflag:s0], $0x800  }
0xd0: {  	[sflag:s0] =	ssyncset.done $0x0  }
0xd1: {  	s22 =	rddreg [dreg:$0xa];
	[sflag:s0] =	ssyncadd.s32 $0xFFFFF800  }
0xd2: {  	[spmem:s22] =	stream.linear.scatter [tilespmem:s1], [sflag:$0x5], $0x800, $0x38;
	[tilespmem:$0x1F900] =	vst v63  }
0xd3: {  	_ =	swait.ge [sflag:s0], $0x800  }
0xd4: {  	[sflag:s0] =	ssyncset.done $0x0  }
0xd5: {  	s19 =	rddreg [dreg:$0xb];
	[sflag:s0] =	ssyncadd.s32 $0xFFFFF800  }
0xd6: {  	[spmem:s19] =	stream.linear.scatter [tilespmem:s1], [sflag:$0x5], $0x800, $0x38;
	[tilespmem:$0x1F900] =	vst v63  }
0xd7: {  	_ =	swait.ge [sflag:s0], $0x800  }
0xd8: {  	[sflag:s0] =	ssyncset.done $0x0  }
0xd9: {  	s20 =	rddreg [dreg:$0xc];
	[sflag:s0] =	ssyncadd.s32 $0xFFFFF800  }
0xda: {  	[spmem:s20] =	stream.linear.scatter [tilespmem:s1], [sflag:$0x5], $0x800, $0x38;
	[tilespmem:$0x1F900] =	vst v63  }
0xdb: {  	_ =	swait.ge [sflag:s0], $0x800  }
0xdc: {  	[sflag:s0] =	ssyncset.done $0x0  }
0xdd: {  	s21 =	rddreg [dreg:$0xd];
	[sflag:s0] =	ssyncadd.s32 $0xFFFFF800  }
0xde: {  	[spmem:s21] =	stream.linear.scatter [tilespmem:s1], [sflag:$0x5], $0x800, $0x38;
	[tilespmem:$0x1F900] =	vst v63  }
0xdf: {  	_ =	swait.ge [sflag:s0], $0x800  }
0xe0: {  	[sflag:s0] =	ssyncset.done $0x0  }
0xe1: {  	s22 =	rddreg [dreg:$0xe];
	[sflag:s0] =	ssyncadd.s32 $0xFFFFF800  }
0xe2: {  	[spmem:s22] =	stream.linear.scatter [tilespmem:s1], [sflag:$0x5], $0x800, $0x38;
	[tilespmem:$0x1F900] =	vst v63  }
0xe3: {  	_ =	swait.ge [sflag:s0], $0x800  }
0xe4: {  	[sflag:s0] =	ssyncset.done $0x0  }
0xe5: {  	s19 =	rddreg [dreg:$0xf];
	[sflag:s0] =	ssyncadd.s32 $0xFFFFF800  }
0xe6: {  	[spmem:s19] =	stream.linear.scatter [tilespmem:s1], [sflag:$0x5], $0x800, $0x38;
	[tilespmem:$0x1F900] =	vst v63  }
0xe7: {  	_ =	swait.ge [sflag:s0], $0x800  }
0xe8: {  	[sflag:s0] =	ssyncset.done $0x0  }
0xe9: {  	s20 =	rddreg [dreg:$0x10];
	[sflag:s0] =	ssyncadd.s32 $0xFFFFF800  }
0xea: {  	[spmem:s20] =	stream.linear.scatter [tilespmem:s1], [sflag:$0x5], $0x800, $0x38;
	[tilespmem:$0x1F900] =	vst v63  }
0xeb: {  	_ =	swait.ge [sflag:s0], $0x800  }
0xec: {  	[sflag:s0] =	ssyncset.done $0x0  }
0xed: {  	s21 =	rddreg [dreg:$0x13];
	[sflag:s0] =	ssyncadd.s32 $0xFFFFF800  }
0xee: {  	[spmem:s21] =	stream.linear.scatter [tilespmem:s1], [sflag:$0x5], $0x800, $0x38;
	[tilespmem:$0x1F900] =	vst v63  }
0xef: {  	_ =	swait.ge [sflag:s0], $0x800  }
0xf0: {  	[sflag:s0] =	ssyncset.done $0x0  }
0xf1: {  	s22 =	rddreg [dreg:$0x14];
	[sflag:s0] =	ssyncadd.s32 $0xFFFFF800  }
0xf2: {  	[spmem:s22] =	stream.linear.scatter [tilespmem:s1], [sflag:$0x5], $0x800, $0x38;
	[tilespmem:$0x1F900] =	vst v63  }
0xf3: {  	_ =	swait.ge [sflag:s0], $0x800  }
0xf4: {  	[sflag:s0] =	ssyncset.done $0x0  }
0xf5: {  	s19 =	rddreg [dreg:$0x15];
	[sflag:s0] =	ssyncadd.s32 $0xFFFFF800  }
0xf6: {  	[spmem:s19] =	stream.linear.scatter [tilespmem:s1], [sflag:$0x5], $0x800, $0x38;
	[tilespmem:$0x1F900] =	vst v63  }
0xf7: {  	_ =	swait.ge [sflag:s0], $0x800  }
0xf8: {  	[sflag:s0] =	ssyncset.done $0x0  }
0xf9: {  	s20 =	rddreg [dreg:$0x16];
	[sflag:s0] =	ssyncadd.s32 $0xFFFFF800  }
0xfa: {  	[spmem:s20] =	stream.linear.scatter [tilespmem:s1], [sflag:$0x5], $0x800, $0x38;
	[tilespmem:$0x1F900] =	vst v63  }
0xfb: {  	_ =	swait.ge [sflag:s0], $0x800  }
0xfc: {  	[sflag:s0] =	ssyncset.done $0x0  }
0xfd: {  	s21 =	rddreg [dreg:$0x17];
	[sflag:s0] =	ssyncadd.s32 $0xFFFFF800  }
0xfe: {  	[spmem:s21] =	stream.linear.scatter [tilespmem:s1], [sflag:$0x5], $0x800, $0x38;
	[tilespmem:$0x1F900] =	vst v63  }
0xff: {  	_ =	swait.ge [sflag:s0], $0x800  }
0x100: {  	[sflag:s0] =	ssyncset.done $0x0  }
0x101: {  	s22 =	rddreg [dreg:$0x18];
	[sflag:s0] =	ssyncadd.s32 $0xFFFFF800  }
0x102: {  	[spmem:s22] =	stream.linear.scatter [tilespmem:s1], [sflag:$0x5], $0x800, $0x38;
	[tilespmem:$0x1F900] =	vst v63  }
0x103: {  	_ =	swait.ge [sflag:s0], $0x800  }
0x104: {  	[sflag:s0] =	ssyncset.done $0x0  }
0x105: {  	s19 =	rddreg [dreg:$0x19];
	[sflag:s0] =	ssyncadd.s32 $0xFFFFF800  }
0x106: {  	[spmem:s19] =	stream.linear.scatter [tilespmem:s1], [sflag:$0x5], $0x800, $0x38;
	[tilespmem:$0x1F900] =	vst v63  }
0x107: {  	_ =	swait.ge [sflag:s0], $0x800  }
0x108: {  	[sflag:s0] =	ssyncset.done $0x0  }
0x109: {  	s20 =	rddreg [dreg:$0x1a];
	[sflag:s0] =	ssyncadd.s32 $0xFFFFF800  }
0x10a: {  	[spmem:s20] =	stream.linear.scatter [tilespmem:s1], [sflag:$0x5], $0x800, $0x38;
	[tilespmem:$0x1F900] =	vst v63  }
0x10b: {  	_ =	swait.ge [sflag:s0], $0x800  }
0x10c: {  	[sflag:s0] =	ssyncset.done $0x0  }
0x10d: {  	s21 =	rddreg [dreg:$0x1b];
	[sflag:s0] =	ssyncadd.s32 $0xFFFFF800  }
0x10e: {  	[spmem:s21] =	stream.linear.scatter [tilespmem:s1], [sflag:$0x5], $0x800, $0x38;
	[tilespmem:$0x1F900] =	vst v63  }
0x10f: {  	_ =	swait.ge [sflag:s0], $0x800  }
0x110: {  	[sflag:s0] =	ssyncset.done $0x0  }
0x111: {  	s22 =	rddreg [dreg:$0x1c];
	[sflag:s0] =	ssyncadd.s32 $0xFFFFF800  }
0x112: {  	[spmem:s22] =	stream.linear.scatter [tilespmem:s1], [sflag:$0x5], $0x800, $0x38;
	[tilespmem:$0x1F900] =	vst v63  }
0x113: {  	_ =	swait.ge [sflag:s0], $0x800  }
0x114: {  	[sflag:s0] =	ssyncset.done $0x0  }
0x115: {  	s19 =	rddreg [dreg:$0x1d];
	[sflag:s0] =	ssyncadd.s32 $0xFFFFF800  }
0x116: {  	[spmem:s19] =	stream.linear.scatter [tilespmem:s1], [sflag:$0x5], $0x800, $0x38;
	[tilespmem:$0x1F900] =	vst v63  }
0x117: {  	_ =	swait.ge [sflag:s0], $0x800  }
0x118: {  	[sflag:s0] =	ssyncset.done $0x0  }
0x119: {  	s20 =	rddreg [dreg:$0x1e];
	[sflag:s0] =	ssyncadd.s32 $0xFFFFF800  }
0x11a: {  	[spmem:s20] =	stream.linear.scatter [tilespmem:s1], [sflag:$0x5], $0x800, $0x38;
	[tilespmem:$0x1F900] =	vst v63  }
0x11b: {  	_ =	swait.ge [sflag:s0], $0x800  }
0x11c: {  	[sflag:s0] =	ssyncset.done $0x0  }
0x11d: {  	s21 =	rddreg [dreg:$0x1f];
	[sflag:s0] =	ssyncadd.s32 $0xFFFFF800  }
0x11e: {  	[spmem:s21] =	stream.linear.scatter [tilespmem:s1], [sflag:$0x5], $0x800, $0x38;
	[tilespmem:$0x1F900] =	vst v63  }
0x11f: {  	_ =	swait.ge [sflag:s0], $0x800  }
0x120: {  	s22 =	sld [smem:$0x7F4]  }
0x121: {  	[sflag:s0] =	ssyncset.done $0x0  }
0x122: {  	[sflag:s0] =	ssyncadd.s32 $0xFFFFF800  }
0x123: {  	[spmem:s22] =	stream.linear.scatter [tilespmem:s1], [sflag:$0x5], $0x800, $0x38;
	[tilespmem:$0x1F900] =	vst v63  }
0x124: {  	_ =	swait.ge [sflag:s0], $0x800  }
0x125: {  	s19 =	sld [smem:$0x7F5]  }
0x126: {  	[sflag:s0] =	ssyncset.done $0x0  }
0x127: {  	[sflag:s0] =	ssyncadd.s32 $0xFFFFF800  }
0x128: {  	[spmem:s19] =	stream.linear.scatter [tilespmem:s1], [sflag:$0x5], $0x800, $0x38;
	[tilespmem:$0x1F900] =	vst v63  }
0x129: {  	_ =	swait.ge [sflag:s0], $0x800  }
0x12a: {  	s20 =	sld [smem:$0x7F6]  }
0x12b: {  	[sflag:s0] =	ssyncset.done $0x0  }
0x12c: {  	[sflag:s0] =	ssyncadd.s32 $0xFFFFF800  }
0x12d: {  	[spmem:s20] =	stream.linear.scatter [tilespmem:s1], [sflag:$0x5], $0x800, $0x38;
	[tilespmem:$0x1F900] =	vst v63  }
0x12e: {  	_ =	swait.ge [sflag:s0], $0x800  }
0x12f: {  	s21 =	sld [smem:$0x7F7]  }
0x130: {  	[sflag:s0] =	ssyncset.done $0x0  }
0x131: {  	[sflag:s0] =	ssyncadd.s32 $0xFFFFF800  }
0x132: {  	[spmem:s21] =	stream.linear.scatter [tilespmem:s1], [sflag:$0x5], $0x800, $0x38;
	[tilespmem:$0x1F900] =	vst v63  }
0x133: {  	_ =	swait.ge [sflag:s0], $0x800  }
0x134: {  	s22 =	sld [smem:$0x7F8]  }
0x135: {  	[sflag:s0] =	ssyncset.done $0x0  }
0x136: {  	[sflag:s0] =	ssyncadd.s32 $0xFFFFF800  }
0x137: {  	[spmem:s22] =	stream.linear.scatter [tilespmem:s1], [sflag:$0x5], $0x800, $0x38;
	[tilespmem:$0x1F900] =	vst v63  }
0x138: {  	_ =	swait.ge [sflag:s0], $0x800  }
0x139: {  	s19 =	sld [smem:$0x7F9]  }
0x13a: {  	[sflag:s0] =	ssyncset.done $0x0  }
0x13b: {  	[sflag:s0] =	ssyncadd.s32 $0xFFFFF800  }
0x13c: {  	[spmem:s19] =	stream.linear.scatter [tilespmem:s1], [sflag:$0x5], $0x800, $0x38;
	[tilespmem:$0x1F900] =	vst v63  }
0x13d: {  	_ =	swait.ge [sflag:s0], $0x800  }
0x13e: {  	s20 =	sld [smem:$0x7FA]  }
0x13f: {  	[sflag:s0] =	ssyncset.done $0x0  }
0x140: {  	[sflag:s0] =	ssyncadd.s32 $0xFFFFF800  }
0x141: {  	[spmem:s20] =	stream.linear.scatter [tilespmem:s1], [sflag:$0x5], $0x800, $0x38;
	[tilespmem:$0x1F900] =	vst v63  }
0x142: {  	_ =	swait.ge [sflag:s0], $0x800  }
0x143: {  	s21 =	sld [smem:$0x7FB]  }
0x144: {  	[sflag:s0] =	ssyncset.done $0x0  }
0x145: {  	[sflag:s0] =	ssyncadd.s32 $0xFFFFF800  }
0x146: {  	[spmem:s21] =	stream.linear.scatter [tilespmem:s1], [sflag:$0x5], $0x800, $0x38;
	[tilespmem:$0x1F900] =	vst v63  }
0x147: {  	_ =	swait.ge [sflag:s0], $0x800  }
0x148: {  	s22 =	sld [smem:$0x7FC]  }
0x149: {  	[sflag:s0] =	ssyncset.done $0x0  }
0x14a: {  	[sflag:s0] =	ssyncadd.s32 $0xFFFFF800  }
0x14b: {  	[spmem:s22] =	stream.linear.scatter [tilespmem:s1], [sflag:$0x5], $0x800, $0x38;
	[tilespmem:$0x1F900] =	vst v63  }
0x14c: {  	_ =	swait.ge [sflag:s0], $0x800  }
0x14d: {  	s19 =	sld [smem:$0x7FD]  }
0x14e: {  	[sflag:s0] =	ssyncset.done $0x0  }
0x14f: {  	[sflag:s0] =	ssyncadd.s32 $0xFFFFF800  }
0x150: {  	[spmem:s19] =	stream.linear.scatter [tilespmem:s1], [sflag:$0x5], $0x800, $0x38;
	[tilespmem:$0x1F900] =	vst v63  }
0x151: {  	_ =	swait.ge [sflag:s0], $0x800  }
0x152: {  	[sflag:s0] =	ssyncset.done $0x0  }
0x153: {  	[sflag:s0] =	ssyncadd.s32 $0xFFFFF800  }
0x154: {  	[spmem:s26] =	stream.linear.scatter [tilespmem:s1], [sflag:$0x5], $0x800, $0x38;
	[tilespmem:$0x1F900] =	vst v63  }
0x155: {  	_ =	swait.ge [sflag:s0], $0x800  }
0x156: {  	[sflag:s0] =	ssyncset.done $0x0  }
0x157: {  	[sflag:s0] =	ssyncadd.s32 $0xFFFFF800  }
0x158: {  	[spmem:s28] =	stream.linear.scatter [tilespmem:s1], [sflag:$0x5], $0x800, $0x38;
	[tilespmem:$0x1F900] =	vst v63  }
0x159: {  	_ =	swait.ge [sflag:s0], $0x800  }
0x15a: {  	[sflag:s0] =	ssyncset.done $0x0  }
0x15b: {  	[sflag:s0] =	ssyncadd.s32 $0xFFFFF800  }
0x15c: {  	[spmem:s29] =	stream.linear.scatter [tilespmem:s1], [sflag:$0x5], $0x800, $0x38;
	[tilespmem:$0x1F900] =	vst v63  }
0x15d: {  	_ =	swait.ge [sflag:s0], $0x800  }
0x15e: {  	[sflag:s0] =	ssyncset.done $0x0  }
0x15f: {  	[sflag:s0] =	ssyncadd.s32 $0xFFFFF800  }
0x160: {  	[spmem:s30] =	stream.linear.scatter [tilespmem:s1], [sflag:$0x5], $0x800, $0x38;
	[tilespmem:$0x1F900] =	vst v63  }
0x161: {  	_ =	swait.ge [sflag:s0], $0x800  }
0x162: {  	[sflag:s0] =	ssyncset.done $0x0  }
0x163: {  	[sflag:s0] =	ssyncadd.s32 $0xFFFFF800  }
0x164: {  	_ =	swait.ge [sflag:s7], $0x2710  }
0x165: {  	[sflag:s7] =	ssyncset.done $0x0  }
0x166: {  	[sflag:s7] =	ssyncadd.s32 $0xFFFFD8F0  }
0x167: {  	_ =	swait.ge [sflag:s7], $0x80  }
0x168: {  	[sflag:s7] =	ssyncset.done $0x0  }
0x169: {  	[sflag:s7] =	ssyncadd.s32 $0xFFFFFF80  }
0x16a: {  	[bflag:$0x0] =	sbarrier.arrive $0xFFFF  }
0x16b: {  	[tilespmem:s8], [sflag:$0x3] =	stream.indirect.gather [hbm4b:s5+s6], $0x80, s3, s6, $0xb8;
	[tilespmem:$0x1F900] =	vst v63  }
0x16c: {  	_ =	swait.ge [sflag:s10], $0x80  }
0x16d: {  	[sflag:s10] =	ssyncset.done $0x0  }
0x16e: {  	[sflag:s10] =	ssyncadd.s32 $0xFFFFFF80  }
0x16f: {  	[tilespmem:s11], [sflag:$0x4] =	stream.indirect.gather [hbm4b:s5+s6], $0x80, s6, s6, $0xb8;
	[tilespmem:$0x1F900] =	vst v63  }
0x170: {  	_ =	swait.ge [sflag:s12], $0x4000  }
0x171: {  	[sflag:s12] =	ssyncset.done $0x0  }
0x172: {  	s20 =	simm.s32 $0x180;
	[sflag:s12] =	ssyncadd.s32 $0xFFFFC000  }
0x173: {  	[spmem:s2] =	stream.indirect.scatter.add.f32 [tilespmem:s8], [sflag:$0x5], $0x80, s20, s6, $0xb8;
	[tilespmem:$0x1F900] =	vst v63  }
0x174: {  	_ =	swait.ge [sflag:s0], $0x4000  }
0x175: {  	s21 =	sshrl.u32 s25, $0x3;
	[sflag:s0] =	ssyncset.done $0x0  }
0x176: {  	s18 =	sadd.s32 s4, s21;
	[sflag:s0] =	ssyncadd.s32 $0xFFFFC000  }
0x177: {  	[tilespmem:s3], [sflag:$0x1] =	stream.linear.gather [hbm4b:s18+s3], $0x80, $0x38;
	[tilespmem:$0x1F900] =	vst v63  }
0x178: {  	_ =	swait.ge [sflag:s7], $0x80  }
0x179: {  	[sflag:s7] =	ssyncset.done $0x0  }
0x17a: {  	[sflag:s7] =	ssyncadd.s32 $0xFFFFFF80  }
0x17b: {  	[tilespmem:s8], [sflag:$0x3] =	stream.indirect.gather [hbm4b:s5+s6], $0x80, s3, s6, $0xb8;
	[tilespmem:$0x1F900] =	vst v63  }
0x17c: {  	_ =	swait.ge [sflag:s13], $0x4000  }
0x17d: {  	[sflag:s13] =	ssyncset.done $0x0  }
0x17e: {  	s22 =	simm.s32 $0x200;
	[sflag:s13] =	ssyncadd.s32 $0xFFFFC000  }
0x17f: {  	[spmem:s2] =	stream.indirect.scatter.add.f32 [tilespmem:s11], [sflag:$0x5], $0x80, s22, s6, $0xb8;
	[tilespmem:$0x1F900] =	vst v63  }
0x180: {  	_ =	swait.ge [sflag:s0], $0x4000  }
0x181: {  	s21 =	sadd.s32 $0x0, s24;
	s19 =	simm.s32 $0x300;
	[sflag:s0] =	ssyncset.done $0x0  }
0x182: {  	s20 =	sadd.s32 $0x100, s25;
	s18 =	simm.s32 $0x20;
	[sflag:s0] =	ssyncadd.s32 $0xFFFFC000  }
.LBB2_2:
0x183: {  	[tilespmem:s6], [sflag:$0x2] =	stream.linear.gather [hbm4b:s21+s3], $0x80, $0x38;
	[tilespmem:$0x1F900] =	vst v63  }
0x184: {  	s21 =	smov.u32 s18  }
0x185: {  	p0 =	sne.s32 s18, $0x4A0;
	s18 =	sadd.s32 $0x20, s18;
	_ =	swait.ge [sflag:s10], $0x80  }
0x186: {  	[sflag:s10] =	ssyncset.done $0x0  }
0x187: {  	[sflag:s10] =	ssyncadd.s32 $0xFFFFFF80  }
0x188: {  	[tilespmem:s11], [sflag:$0x4] =	stream.indirect.gather [hbm4b:s5+s6], $0x80, s6, s6, $0xb8;
	[tilespmem:$0x1F900] =	vst v63  }
0x189: {  	_ =	swait.ge [sflag:s12], $0x4000  }
0x18a: {  	[sflag:s12] =	ssyncset.done $0x0  }
0x18b: {  	s22 =	sadd.s32 $0xFFFFFF80, s19;
	[sflag:s12] =	ssyncadd.s32 $0xFFFFC000  }
0x18c: {  	[spmem:s2] =	stream.indirect.scatter.add.f32 [tilespmem:s8], [sflag:$0x5], $0x80, s22, s6, $0xb8;
	[tilespmem:$0x1F900] =	vst v63  }
0x18d: {  	_ =	swait.ge [sflag:s0], $0x4000  }
0x18e: {  	s22 =	sshrl.u32 s20, $0x3;
	[sflag:s0] =	ssyncset.done $0x0  }
0x18f: {  	s22 =	sadd.s32 s4, s22;
	[sflag:s0] =	ssyncadd.s32 $0xFFFFC000  }
0x190: {  	[tilespmem:s3], [sflag:$0x1] =	stream.linear.gather [hbm4b:s22+s3], $0x80, $0x38;
	[tilespmem:$0x1F900] =	vst v63  }
0x191: {  	_ =	swait.ge [sflag:s7], $0x80  }
0x192: {  	[sflag:s7] =	ssyncset.done $0x0  }
0x193: {  	[sflag:s7] =	ssyncadd.s32 $0xFFFFFF80  }
0x194: {  	[tilespmem:s8], [sflag:$0x3] =	stream.indirect.gather [hbm4b:s5+s6], $0x80, s3, s6, $0xb8;
	[tilespmem:$0x1F900] =	vst v63  }
0x195: {  	_ =	swait.ge [sflag:s13], $0x4000  }
0x196: {  	[sflag:s13] =	ssyncset.done $0x0  }
.Ltmp0:
0x197: {  	[sflag:s13] =	ssyncadd.s32 $0xFFFFC000;
	(pc) =	sbr.rel @p0 .LBB2_2-.Ltmp0, $4  }
0x198: {  	[spmem:s2] =	stream.indirect.scatter.add.f32 [tilespmem:s11], [sflag:$0x5], $0x80, s19, s6, $0xb8;
	[tilespmem:$0x1F900] =	vst v63  }
0x199: {  	_ =	swait.ge [sflag:s0], $0x4000  }
0x19a: {  	s19 =	sadd.s32 $0x100, s19;
	[sflag:s0] =	ssyncset.done $0x0  }
0x19b: {  	s21 =	sadd.s32 s21, s24;
	s20 =	sadd.s32 $0x100, s20;
	[sflag:s0] =	ssyncadd.s32 $0xFFFFC000  }
0x19c: {  	[tilespmem:s6], [sflag:$0x2] =	stream.linear.gather [hbm4b:s21+s3], $0x80, $0x38;
	[tilespmem:$0x1F900] =	vst v63  }
0x19d: {  	_ =	swait.ge [sflag:s10], $0x80  }
0x19e: {  	[sflag:s10] =	ssyncset.done $0x0  }
0x19f: {  	[sflag:s10] =	ssyncadd.s32 $0xFFFFFF80  }
0x1a0: {  	[tilespmem:s11], [sflag:$0x4] =	stream.indirect.gather [hbm4b:s5+s6], $0x80, s6, s6, $0xb8;
	[tilespmem:$0x1F900] =	vst v63  }
0x1a1: {  	_ = 	snop  }
0x1a2: {  	[tilespmem:s14], [sflag:$0x1] =	stream.linear.gather [hbm4b:s31+s3], $0x10, $0x38;
	[tilespmem:$0x1F900] =	vst v63  }
0x1a3: {  	_ =	swait.ge [sflag:s12], $0x4000  }
0x1a4: {  	[sflag:s12] =	ssyncset.done $0x0  }
0x1a5: {  	s18 =	simm.s32 $0x2780;
	[sflag:s12] =	ssyncadd.s32 $0xFFFFC000  }
0x1a6: {  	[spmem:s2] =	stream.indirect.scatter.add.f32 [tilespmem:s8], [sflag:$0x5], $0x80, s18, s6, $0xb8;
	[tilespmem:$0x1F900] =	vst v63  }
0x1a7: {  	_ =	swait.ge [sflag:s0], $0x4000  }
0x1a8: {  	[sflag:s0] =	ssyncset.done $0x0  }
0x1a9: {  	[sflag:s0] =	ssyncadd.s32 $0xFFFFC000  }
0x1aa: {  	_ =	swait.ge [sflag:s7], $0x10  }
0x1ab: {  	[sflag:s7] =	ssyncset.done $0x0  }
0x1ac: {  	[sflag:s7] =	ssyncadd.s32 $0xFFFFFFF0  }
0x1ad: {  	[tilespmem:s16], [sflag:$0x3] =	stream.indirect.gather [hbm4b:s5+s15], $0x80, s14, s15, $0xb8;
	[tilespmem:$0x1F900] =	vst v63  }
0x1ae: {  	_ =	swait.ge [sflag:s13], $0x4000  }
0x1af: {  	[sflag:s13] =	ssyncset.done $0x0  }
0x1b0: {  	s19 =	simm.s32 $0x2800;
	[sflag:s13] =	ssyncadd.s32 $0xFFFFC000  }
0x1b1: {  	[spmem:s2] =	stream.indirect.scatter.add.f32 [tilespmem:s11], [sflag:$0x5], $0x80, s19, s6, $0xb8;
	[tilespmem:$0x1F900] =	vst v63  }
0x1b2: {  	_ =	swait.ge [sflag:s0], $0x4000  }
0x1b3: {  	[sflag:s0] =	ssyncset.done $0x0  }
0x1b4: {  	[sflag:s0] =	ssyncadd.s32 $0xFFFFC000  }
0x1b5: {  	_ =	swait.ge [sflag:s12], $0x800  }
0x1b6: {  	[sflag:s12] =	ssyncset.done $0x0  }
0x1b7: {  	s20 =	simm.s32 $0x2880;
	[sflag:s12] =	ssyncadd.s32 $0xFFFFF800  }
0x1b8: {  	[spmem:s2] =	stream.indirect.scatter.add.f32 [tilespmem:s16], [sflag:$0x5], $0x80, s20, s15, $0xb8;
	[tilespmem:$0x1F900] =	vst v63  }
0x1b9: {  	_ =	swait.ge [sflag:s0], $0x800  }
0x1ba: {  	[sflag:s0] =	ssyncset.done $0x0  }
0x1bb: {  	s21 =	stileid.u32;
	[sflag:s0] =	ssyncadd.s32 $0xFFFFF800  }
0x1bc: {  	s18 =	sshll.u32 s21, $0x6;
	[bflag:$0x0] =	sbarrier.arrive $0xFFFF  }
0x1bd: {  	s18 =	sor.u32 $0x1C05, s18;
	s19 =	sshrl.u32 s9, $0x3;
	s20 =	rddreg [dreg:$0x11]  }
0x1be: {  	[hbm:s20], [sflag:s18] =	dma.local [spmem:s19], $0x2800  }
0x1bf: {  	_ =	swait.ge [sflag:s0], $0x2800  }
0x1c0: {  	s17 =	sadd.s32 $0x1, s17;
	s22 =	rddreg [dreg:$0x12]  }
0x1c1: {  	p0 =	sne.s32 s17, s22  }
.Ltmp1:
0x1c2: {  	_ = 	snop;
	(pc) =	sbr.rel @p0 .LBB2_1-.Ltmp1, $3  }
0x1c3: {  	_ =	sdelay $0x1  }
0x1c4: {  	[sflag:s0] =	ssyncset.done $0x0  }
0x1c5: {  	[sflag:s0] =	ssyncadd.s32 $0xFFFFD800  }
0x1c6: {  	_ =	sfence.sel $0x180000  }
0x1c7: {  	[bflag:$0x0] =	sbarrier.arrive $0xFFFF  }
0x1c8: {  	_ =	strace $0x9000004D  }
0x1c9: {  	s0 =	stileid.u32;
	[bflag:$0x2] =	sbarrier.arrive $0xFFFF  }
0x1ca: {  	p0 =	sne.s32 s0, $0x0;
	s0 =	rddreg [dreg:$0x2]  }
0x1cb: {  	s0 =	sadd.s32 @!p0 $0x100000, s0  }
0x1cc: {  	[sflag:s0] =	ssyncadd.tile.s32 @!p0 $0x1;
	_ =	shalt  }
.Lfunc_end2:
_tile_overlayer_lowered:
.L_overlay_start_2:
0x1cd: {  	(tag) =	ssettag $0x2  }
0x1ce: {  	s0 =	rddreg [dreg:$0x0];
	s2 =	stileid.u32  }
0x1cf: {  	s1 =	rddreg [dreg:$0x1];
	p0 =	sne.s32 s2, $0x0  }
0x1d0: {  	s3 =	rddreg [dreg:$0x2];
	[bflag:$0x3] =	sbarrier.arrive $0xFFFF;
	s2 =	simm.s32 @!p0 $0x1C05  }
0x1d1: {  	[timem:s3], [sflag:s2] =	dma.local @!p0 [hbm:s0], s1  }
0x1d2: {  	s0 =	simm.s32 @!p0 $0x5  }
0x1d3: {  	_ =	swait.ge @!p0 [sflag:s0], s1  }
0x1d4: {  	s1 =	ssub.s32 @!p0 $0x0, s1;
	[sflag:s0] =	ssyncset.done @!p0 $0x0  }
0x1d5: {  	[sflag:s0] =	ssyncadd.s32 @!p0 s1  }
0x1d6: {  	[bflag:$0x3] =	sbarrier.arrive $0xFFFF  }
0x1d7: {  	_ =	shalt  }

// kernel: kernel.8.cloned.1.call-start
scs
__scs_entry_jumppad:
0x0: {  	(pc) =	sbr.rel $0x88, $3  }
0x1: {  	(tag) =	ssettag $0x0;
	lr =	simm.s32 $0x1  }
0x2: {  	[smem:$0x3F93] =	sst lr;
	_ =	strace $0xD0000000  }
0x3: {  	_ = 	snop  }
0x4: {  	_ = 	snop  }
0x5: {  	_ = 	snop  }
0x6: {  	_ = 	snop  }
0x7: {  	_ = 	snop  }
__scs_overlays_trampoline_lowered:
0x8: {  	[smem:$0x3FA2] =	sst s0  }
0x9: {  	[smem:$0x3FA3] =	sst s1  }
0xa: {  	[smem:$0x3FA4] =	sst s2  }
0xb: {  	[smem:$0x3FA5] =	sst s3  }
0xc: {  	[smem:$0x3FA6] =	sst s4  }
0xd: {  	[smem:$0x3FA7] =	sst s5  }
0xe: {  	[smem:$0x3FA8] =	sst s6  }
0xf: {  	[smem:$0x3FA9] =	sst s7  }
0x10: {  	[smem:$0x3FAA] =	sst s8  }
0x11: {  	[smem:$0x3FAB] =	sst s9;
	s0 =	simm.s32 @!p0 $0x0  }
0x12: {  	s1 =	sld [smem:$0x3F91];
	s0 =	simm.s32 @p0 $0x1  }
0x13: {  	[smem:$0x3FAC] =	sst s0;
	s0 =	simm.s32 @!p1 $0x0  }
0x14: {  	s2 =	sld [smem:$0x3F90];
	s0 =	simm.s32 @p1 $0x1  }
0x15: {  	[smem:$0x3FAD] =	sst s0;
	s0 =	simm.s32 @!p2 $0x0  }
0x16: {  	s3 =	sld [smem:$0x3FDB];
	s0 =	simm.s32 @p2 $0x1  }
0x17: {  	s4 =	simm.s32 $0x1BF5;
	[smem:$0x3FAF] =	sst s0  }
0x18: {  	s0 =	sld [smem:$0x3F92];
	_ =	swait.ge [sflag:s4], $0x0  }
0x19: {  	s7 =	sld [smem:$0x3F93]  }
0x1a: {  	s8 =	sadd.s32 $0xFFFFE003, lr  }
0x1b: {  	s9 =	sadd.s32 $0xFFFFFEF7, lr;
	s5 =	simm.s32 $0xFFFFFFFF;
	p2 =	slt.u32 s8, $0xFFFFF086  }
0x1c: {  	p1 =	slt.u32 s9, $0xF7A;
	s5 =	simm.s32 @!p2 $0x0  }
0x1d: {  	s5 =	simm.s32 @p1 $0x1;
	p0 =	seq.s32 s7, s2  }
0x1e: {  	s7 =	smul.u32 @!p0 $0xF7A, s2;
	p2 =	seq.s32 @!p0 s5, $0x0  }
0x1f: {  	s9 =	smul.u32 $0xF7A, s1;
	s8 =	simm.s32 @!p0 $0x1BF5;
	p2 =	por !p2, p0  }
0x20: {  	[sflag:s8] =	ssyncset.s32 @!p0 $0xFFFFF086;
	s6 =	sadd.s32 @!p0 s3, s7;
	s7 =	simm.s32 @!p0 $0x108  }
0x21: {  	s3 =	sadd.s32 s3, s9;
	s6 =	sadd.s32 @!p0 $0x88, s6;
	s7 =	simm.s32 @p2 $0x1082  }
0x22: {  	[simem:s7], [sflag:s8] =	dma.local @!p0 [hbm:s6], $0xF7A  }
0x23: {  	s9 =	sor.u32 $0xD0000000, s2;
	s6 =	simm.s32 $0x108;
	_ =	swait.ge @!p0 [sflag:s8], $0x0  }
0x24: {  	s3 =	sadd.s32 $0x88, s3;
	s6 =	simm.s32 @!p1 $0x1082;
	[sflag:s4] =	ssyncset.s32 $0xFFFFF086  }
0x25: {  	[simem:s6], [sflag:s4] =	dma.local [hbm:s3], $0xF7A  }
0x26: {  	[smem:$0x3F93] =	sst s1;
	(tag) =	ssettag s2;
	_ =	strace s9  }
0x27: {  	s1 =	sld [smem:$0x3FA3]  }
0x28: {  	s2 =	sld [smem:$0x3FA4]  }
0x29: {  	s4 =	sld [smem:$0x3FA6]  }
0x2a: {  	p0 =	seq.s32 s5, $0x0;
	s5 =	sld [smem:$0x3FA7]  }
0x2b: {  	s6 =	sld [smem:$0x3FA8]  }
0x2c: {  	s7 =	sld [smem:$0x3FA9]  }
0x2d: {  	s3 =	simm.s32 $0x108;
	s8 =	sld [smem:$0x3FAA]  }
0x2e: {  	s3 =	simm.s32 @!p0 $0x1082;
	s9 =	sld [smem:$0x3FAB]  }
0x2f: {  	lr =	sadd.s32 s0, s3;
	s0 =	sld [smem:$0x3FA2]  }
0x30: {  	s3 =	sld [smem:$0x3FA5]  }
0x31: {  	[smem:$0x3FAE] =	sst s10  }
0x32: {  	s10 =	sld [smem:$0x3FAC];
	_ =	sdelay $0x3  }
0x33: {  	p0 =	seq.s32 s10, $0x1;
	s10 =	sld [smem:$0x3FAE];
	_ =	sdelay $0x3  }
0x34: {  	[smem:$0x3FAE] =	sst s10  }
0x35: {  	s10 =	sld [smem:$0x3FAD];
	_ =	sdelay $0x3  }
0x36: {  	p1 =	seq.s32 s10, $0x1;
	s10 =	sld [smem:$0x3FAE];
	_ =	sdelay $0x3  }
0x37: {  	[smem:$0x3FAE] =	sst s10  }
0x38: {  	s10 =	sld [smem:$0x3FAF]  }
0x39: {  	_ = 	snop;
	(pc) =	sbr.ind lr, $3  }
0x3a: {  	_ = 	snop  }
0x3b: {  	_ = 	snop  }
0x3c: {  	p2 =	seq.s32 s10, $0x1;
	s10 =	sld [smem:$0x3FAE]  }
0x3d: {  	_ =	shalt  }
0x3e: {  	_ =	shalt  }
0x3f: {  	_ =	shalt  }
0x40: {  	_ =	shalt  }
0x41: {  	_ =	shalt  }
0x42: {  	_ =	shalt  }
0x43: {  	_ =	shalt  }
0x44: {  	_ =	shalt  }
0x45: {  	_ =	shalt  }
0x46: {  	_ =	shalt  }
0x47: {  	_ =	shalt  }
0x48: {  	_ =	shalt  }
0x49: {  	_ =	shalt  }
0x4a: {  	_ =	shalt  }
0x4b: {  	_ =	shalt  }
0x4c: {  	_ =	shalt  }
0x4d: {  	_ =	shalt  }
0x4e: {  	_ =	shalt  }
0x4f: {  	_ =	shalt  }
0x50: {  	_ =	shalt  }
0x51: {  	_ =	shalt  }
0x52: {  	_ =	shalt  }
0x53: {  	_ =	shalt  }
0x54: {  	_ =	shalt  }
0x55: {  	_ =	shalt  }
0x56: {  	_ =	shalt  }
0x57: {  	_ =	shalt  }
0x58: {  	_ =	shalt  }
0x59: {  	_ =	shalt  }
0x5a: {  	_ =	shalt  }
0x5b: {  	_ =	shalt  }
0x5c: {  	_ =	shalt  }
0x5d: {  	_ =	shalt  }
0x5e: {  	_ =	shalt  }
0x5f: {  	_ =	shalt  }
0x60: {  	_ =	shalt  }
0x61: {  	_ =	shalt  }
0x62: {  	_ =	shalt  }
0x63: {  	_ =	shalt  }
0x64: {  	_ =	shalt  }
0x65: {  	_ =	shalt  }
0x66: {  	_ =	shalt  }
0x67: {  	_ =	shalt  }
0x68: {  	_ =	shalt  }
0x69: {  	_ =	shalt  }
0x6a: {  	_ =	shalt  }
0x6b: {  	_ =	shalt  }
0x6c: {  	_ =	shalt  }
0x6d: {  	_ =	shalt  }
0x6e: {  	_ =	shalt  }
0x6f: {  	_ =	shalt  }
0x70: {  	_ =	shalt  }
0x71: {  	_ =	shalt  }
0x72: {  	_ =	shalt  }
0x73: {  	_ =	shalt  }
0x74: {  	_ =	shalt  }
0x75: {  	_ =	shalt  }
0x76: {  	_ =	shalt  }
0x77: {  	_ =	shalt  }
0x78: {  	_ =	shalt  }
0x79: {  	_ =	shalt  }
0x7a: {  	_ =	shalt  }
0x7b: {  	_ =	shalt  }
0x7c: {  	_ =	shalt  }
0x7d: {  	_ =	shalt  }
0x7e: {  	_ =	shalt  }
0x7f: {  	_ =	shalt  }
0x80: {  	_ =	shalt  }
0x81: {  	_ =	shalt  }
0x82: {  	_ =	shalt  }
0x83: {  	_ =	shalt  }
0x84: {  	_ =	shalt  }
0x85: {  	_ =	shalt  }
0x86: {  	_ =	shalt  }
0x87: {  	_ =	shalt  }
.Lfunc_end0:
.L_simem_size_0:
called_computation_lowered:
.L_overlay_start_0:
0x88: {  	s2 =	sld [smem:$0x3FD9]  }
0x89: {  	s3 =	sld [smem:$0x3FFE];
	_ =	sdelay $0x1  }
0x8a: {  	s1 =	srdreg.scid  }
0x8b: {  	s0 =	sand.u32 $0x1, s1  }
0x8c: {  	s14 =	sshll.u32 s0, $0xA;
	s2 =	sadd.s32 s3, s2  }
0x8d: {  	s2 =	sadd.s32 s2, s14  }
0x8e: {  	[smem:$0x3FBA] =	sst s2  }
0x8f: {  	_ = 	snop  }
0x90: {  	s2 =	sld [smem:$0x3FD0];
	_ =	sdelay $0x2  }
0x91: {  	s15 =	simm.s32 $0xA;
	s4 =	simm.s32 $0x10  }
0x92: {  	[smem:s4], [sflag:s15] =	dma.local [hbm:s2], $0x1  }
0x93: {  	_ =	swait.eq [sflag:s15], $0x1  }
0x94: {  	[sflag:s15] =	ssyncset.done $0x0  }
0x95: {  	[sflag:s15] =	ssyncadd.s32 $0xFFFFFFFF  }
0x96: {  	s16 =	sld [smem:$0x10];
	(tm) =	ssettm $0x1  }
0x97: {  	s17 =	sld [smem:$0x3FFB];
	_ =	sdelay $0x3  }
0x98: {  	_ =	strace s17  }
0x99: {  	s3 =	sld [smem:$0x3FFC];
	_ =	sdelay $0x3  }
0x9a: {  	_ =	strace s3  }
0x9b: {  	s3 =	sld [smem:$0x3FFD];
	_ =	sdelay $0x3  }
0x9c: {  	_ =	strace s3  }
0x9d: {  	_ =	strace $0x8FFFFFFF  }
0x9e: {  	s18 =	sld [smem:$0x3FDB];
	_ =	sdelay $0x1  }
0x9f: {  	s19 =	simm.s32 $_scs_section_size  }
0xa0: {  	s5 =	simm.s32 $_size__tile_overlayer_lowered;
	s6 =	simm.s32 $_tile_overlayer_lowered  }
0xa1: {  	s22 =	simm.s32 $0x1BFF;
	s21 =	sshll.u32 s6, $0x1;
	s3 =	sadd.s32 s19, s18  }
0xa2: {  	s7 =	simm.s32 $0x0;
	s20 =	sshll.u32 s5, $0x1;
	s5 =	sadd.s32 s21, s3  }
0xa3: {  	[timem:s7], [sflag:s22] =	dma.local [hbm:s5], s20  }
0xa4: {  	_ =	swait.ge [sflag:s22], s20  }
0xa5: {  	s4 =	ssub.s32 $0x0, s20;
	[sflag:s22] =	ssyncset.done $0x0  }
0xa6: {  	[sflag:s22] =	ssyncadd.s32 s4;
	_ =	sdelay $0x1  }
0xa7: {  	s23 =	simm.s32 $0x1B8B  }
0xa8: {  	_ =	swait.ge [sflag:s23], $0x1  }
0xa9: {  	[sflag:s23] =	ssyncset.done $0x0  }
0xaa: {  	s25 =	simm.s32 $0x1B8E;
	s24 =	sld [smem:$0x3FFE];
	[sflag:s23] =	ssyncadd.s32 $0xFFFFFFFF  }
0xab: {  	s26 =	simm.s32 $execute0_lowered;
	[smem:$0x3FD2] =	sst s25  }
0xac: {  	s5 =	sshll.u32 s26, $0x1;
	_ =	strace $0x80000046;
	[dreg:$0x1] =	wrdreg $0xFFFFFFFF  }
0xad: {  	s28 =	simm.s32 $_size_execute0_lowered;
	s3 =	sadd.s32 s3, s5;
	[dreg:$0x0] =	wrdreg $0x0  }
0xae: {  	s5 =	sshll.u32 s28, $0x1;
	[dreg:$0x2] =	wrdreg s3  }
0xaf: {  	[dreg:$0x3] =	wrdreg s5  }
0xb0: {  	[dreg:$0x4] =	wrdreg $0xC0  }
0xb1: {  	_ =	task [dreg:s7], $0x5FFFF  }
0xb2: {  	[dreg:$0x1] =	wrdreg $0xFFFFFFFF  }
0xb3: {  	[dreg:$0x0] =	wrdreg $0x60  }
0xb4: {  	[dreg:$0x2] =	wrdreg s24  }
0xb5: {  	[dreg:$0x3] =	wrdreg s16  }
0xb6: {  	[dreg:$0x4] =	wrdreg $0x2A800  }
0xb7: {  	[dreg:$0x5] =	wrdreg $0x9  }
0xb8: {  	_ =	task.clear_ibuf [dreg:s7], $0x6FFFF;
	_ =	strace $0x90000046  }
0xb9: {  	s29 =	simm.s32 $0x9;
	_ =	strace $0x80000048  }
0xba: {  	_ =	swait.ge [sflag:s29], $0x1  }
0xbb: {  	[sflag:s29] =	ssyncadd.s32 $0xFFFFFFFF  }
0xbc: {  	_ =	strace $0x90000048  }
0xbd: {  	_ =	sfence  }
0xbe: {  	s30 =	sld [smem:$0x0];
	_ =	sdelay $0x2  }
0xbf: {  	s31 =	sshll.u32 s1, $0xD;
	s1 =	sshrl.u32 s1, $0x2  }
0xc0: {  	s3 =	sand.u32 $0x4000, s31;
	s1 =	sadd.s32 s1, s30  }
0xc1: {  	s0 =	sor.u32 s3, s0;
	s1 =	sshll.u32 s1, $0x11  }
0xc2: {  	s0 =	sor.u32 s1, s0  }
0xc3: {  	s0 =	sadd.s32 $0x8F2B, s0  }
0xc4: {  	[sflag:s0] =	ssyncadd.remote.s32 $0x1  }
0xc5: {  	_ =	sfence.sel $0xFFFF  }
0xc6: {  	[dreg:$0x0] =	wrdreg $0xFFFFFFFF;
	(pc) =	sbr.abs _section_cstart, $3  }
0xc7: {  	[dreg:$0x1] =	wrdreg $0xFFFFFFFF  }
0xc8: {  	_ =	task.clear_ibuf [dreg:s7], $0x2FFFF;
	_ =	strace $0x9FFFFFFF  }
0xc9: {  	(tm) =	ssettm $0x7FFFFFFF  }
tec
execute0_lowered:
.L_overlay_start_1:
0x0: {  	(tag) =	ssettag $0x1  }
0x1: {  	s4 =	rddreg [dreg:$0x0]  }
0x2: {  	s6 =	rddreg [dreg:$0x1];
	s0 =	srdreg.scid  }
0x3: {  	s2 =	rddreg [dreg:$0x2];
	s1 =	stileid.u32;
	s3 =	simm.s32 $0x0  }
0x4: {  	s11 =	simm.s32 $0x80;
	s12 =	simm.s32 $0x2780;
	s13 =	simm.s32 $0x10  }
0x5: {  	s14 =	simm.s32 $0x2700;
	s5 =	sand.u32 $0x1, s0;
	s0 =	rddreg [dreg:$0x3]  }
0x6: {  	s17 =	simm.s32 $0x0;
	s8 =	smul.u32 $0x280, s1;
	[smem:$0x7FF] =	sst s3  }
0x7: {  	s15 =	sshll.u32 s1, $0x6;
	s7 =	sshll.u32 s5, $0x4;
	s9 =	smul.u32 $0x2800, s5  }
0x8: {  	s5 =	ssub.s32 $0x2, s5;
	_ =	strace $0x80000047;
	s7 =	sor.u32 s1, s7  }
0x9: {  	s15 =	sor.u32 $0x1C02, s15;
	s10 =	sshrl.u32 s5, $0x1;
	s7 =	smul.u32 $0x4E2, s7  }
0xa: {  	s9 =	sadd.s32 s8, s9;
	s31 =	ssub.s32 s5, s10;
	s5 =	sadd.s32 s8, s2  }
0xb: {  	s8 =	simm.s32 $0x2800;
	s10 =	simm.s32 $0x1;
	s9 =	sshrl.u32 s9, $0x3  }
0xc: {  	s16 =	sshrl.u32 s5, $0x3;
	s4 =	sadd.s32 s7, s4;
	s6 =	sadd.s32 s6, s9  }
0xd: {  	v0 =	vimm.f32 $0.0e+00;
	v1 =	vimm.f32 $1.000000000e+00;
	s7 =	smax.u32 s31, $0x1;
	s9 =	simm.s32 $0x2;
	s4 =	sadd.s32 $0x3200, s4  }
.LBB2_1:
0xe: {  	[tilespmem:s3], [sflag:$0x1] =	stream.linear.gather [hbm4b:s4+s3], $0x2710, $0x38;
	[tilespmem:$0x2D00] =	vst v63  }
0xf: {  	[tilespmem:$0x2800] =	vst v0  }
0x10: {  	[tilespmem:$0x2810] =	vst v0  }
0x11: {  	[tilespmem:$0x2820] =	vst v0  }
0x12: {  	[tilespmem:$0x2830] =	vst v0  }
0x13: {  	[tilespmem:$0x2840] =	vst v0  }
0x14: {  	[tilespmem:$0x2850] =	vst v0  }
0x15: {  	[tilespmem:$0x2860] =	vst v0  }
0x16: {  	[tilespmem:$0x2870] =	vst v0  }
0x17: {  	[tilespmem:$0x2880] =	vst v0  }
0x18: {  	[tilespmem:$0x2890] =	vst v0  }
0x19: {  	[tilespmem:$0x28A0] =	vst v0  }
0x1a: {  	[tilespmem:$0x28B0] =	vst v0  }
0x1b: {  	[tilespmem:$0x28C0] =	vst v0  }
0x1c: {  	[tilespmem:$0x28D0] =	vst v0  }
0x1d: {  	[tilespmem:$0x28E0] =	vst v0  }
0x1e: {  	[tilespmem:$0x28F0] =	vst v0  }
0x1f: {  	[tilespmem:$0x2900] =	vst v0  }
0x20: {  	[tilespmem:$0x2910] =	vst v0  }
0x21: {  	[tilespmem:$0x2920] =	vst v0  }
0x22: {  	[tilespmem:$0x2930] =	vst v0  }
0x23: {  	[tilespmem:$0x2940] =	vst v0  }
0x24: {  	[tilespmem:$0x2950] =	vst v0  }
0x25: {  	[tilespmem:$0x2960] =	vst v0  }
0x26: {  	[tilespmem:$0x2970] =	vst v0  }
0x27: {  	[tilespmem:$0x2980] =	vst v0  }
0x28: {  	[tilespmem:$0x2990] =	vst v0  }
0x29: {  	[tilespmem:$0x29A0] =	vst v0  }
0x2a: {  	[tilespmem:$0x29B0] =	vst v0  }
0x2b: {  	[tilespmem:$0x29C0] =	vst v0  }
0x2c: {  	[tilespmem:$0x29D0] =	vst v0  }
0x2d: {  	[tilespmem:$0x29E0] =	vst v0  }
0x2e: {  	[tilespmem:$0x29F0] =	vst v0  }
0x2f: {  	[tilespmem:$0x2A00] =	vst v0  }
0x30: {  	[tilespmem:$0x2A10] =	vst v0  }
0x31: {  	[tilespmem:$0x2A20] =	vst v0  }
0x32: {  	[tilespmem:$0x2A30] =	vst v0  }
0x33: {  	[tilespmem:$0x2A40] =	vst v0  }
0x34: {  	[tilespmem:$0x2A50] =	vst v0  }
0x35: {  	[tilespmem:$0x2A60] =	vst v0  }
0x36: {  	[tilespmem:$0x2A70] =	vst v0  }
0x37: {  	[tilespmem:$0x2780] =	vst v1  }
0x38: {  	[tilespmem:$0x2790] =	vst v1  }
0x39: {  	[tilespmem:$0x27A0] =	vst v1  }
0x3a: {  	[tilespmem:$0x27B0] =	vst v1  }
0x3b: {  	[tilespmem:$0x27C0] =	vst v1  }
0x3c: {  	[tilespmem:$0x27D0] =	vst v1  }
0x3d: {  	[tilespmem:$0x27E0] =	vst v1  }
0x3e: {  	[tilespmem:$0x27F0] =	vst v1  }
0x3f: {  	[spmem:s5] =	stream.linear.scatter [tilespmem:s8], [sflag:$0x2], $0x280, $0x38;
	[tilespmem:$0x2D00] =	vst v63  }
0x40: {  	_ =	swait.ge [sflag:s9], $0x280  }
0x41: {  	[sflag:s9] =	ssyncset.done $0x0  }
0x42: {  	[sflag:s9] =	ssyncadd.s32 $0xFFFFFD80  }
0x43: {  	_ =	swait.ge [sflag:s10], $0x2710  }
0x44: {  	[sflag:s10] =	ssyncset.done $0x0  }
0x45: {  	[sflag:s10] =	ssyncadd.s32 $0xFFFFD8F0  }
0x46: {  	s18 =	simm.s32 $0x0;
	[bflag:$0x0] =	sbarrier.arrive $0xFFFF  }
0x47: {  	[spmem:s2] =	stream.indirect.scatter.add.f32 [tilespmem:s12], [sflag:$0x2], $0x1, s18, s11, $0xb8;
	[tilespmem:$0x2D00] =	vst v63  }
0x48: {  	_ =	swait.ge [sflag:s9], $0x80  }
0x49: {  	s18 =	simm.s32 $0x200;
	[sflag:s9] =	ssyncset.done $0x0  }
.LBB2_2:
0x4a: {  	s19 =	sshra.s32 s18, $0x2;
	[sflag:s9] =	ssyncadd.s32 $0xFFFFFF80;
	p0 =	sne.s32 s18, $0x9A00  }
0x4b: {  	[spmem:s2] =	stream.indirect.scatter.add.f32 [tilespmem:s12], [sflag:$0x2], $0x1, s19, s11, $0xb8;
	[tilespmem:$0x2D00] =	vst v63  }
.Ltmp0:
0x4c: {  	_ = 	snop;
	(pc) =	sbr.rel @p0 .LBB2_2-.Ltmp0, $4  }
0x4d: {  	_ = 	snop  }
0x4e: {  	s18 =	sadd.s32 $0x200, s18  }
0x4f: {  	_ =	swait.ge [sflag:s9], $0x80  }
0x50: {  	[sflag:s9] =	ssyncset.done $0x0  }
0x51: {  	[sflag:s9] =	ssyncadd.s32 $0xFFFFFF80  }
0x52: {  	[spmem:s2] =	stream.indirect.scatter.add.f32 [tilespmem:s12], [sflag:$0x2], $0x1, s14, s13, $0xb8;
	[tilespmem:$0x2D00] =	vst v63  }
0x53: {  	_ =	swait.ge [sflag:s9], $0x10  }
0x54: {  	s17 =	sadd.s32 $0x1, s17;
	[sflag:s9] =	ssyncset.done $0x0  }
0x55: {  	p0 =	sne.s32 s17, s7;
	[sflag:s9] =	ssyncadd.s32 $0xFFFFFFF0  }
.Ltmp1:
0x56: {  	[bflag:$0x0] =	sbarrier.arrive $0xFFFF;
	(pc) =	sbr.rel @p0 .LBB2_1-.Ltmp1, $4  }
0x57: {  	[hbm:s6], [sflag:s15] =	dma.local [spmem:s16], $0x50  }
0x58: {  	_ =	swait.ge [sflag:s9], $0x50  }
0x59: {  	[sflag:s9] =	ssyncset.done $0x0  }
0x5a: {  	[sflag:s9] =	ssyncadd.s32 $0xFFFFFFB0  }
0x5b: {  	_ =	sfence.sel $0x180000  }
0x5c: {  	[bflag:$0x0] =	sbarrier.arrive $0xFFFF  }
0x5d: {  	p0 =	sne.s32 s1, $0x0;
	_ =	strace $0x90000047  }
0x5e: {  	s0 =	sadd.s32 @!p0 $0x100000, s0;
	[bflag:$0x2] =	sbarrier.arrive $0xFFFF  }
0x5f: {  	[sflag:s0] =	ssyncadd.tile.s32 @!p0 $0x1;
	_ =	shalt  }
.Lfunc_end2:
_tile_overlayer_lowered:
.L_overlay_start_2:
0x60: {  	(tag) =	ssettag $0x2  }
0x61: {  	s0 =	rddreg [dreg:$0x0];
	s2 =	stileid.u32  }
0x62: {  	s1 =	rddreg [dreg:$0x1];
	p0 =	sne.s32 s2, $0x0  }
0x63: {  	s3 =	rddreg [dreg:$0x2];
	[bflag:$0x3] =	sbarrier.arrive $0xFFFF;
	s2 =	simm.s32 @!p0 $0x1C02  }
0x64: {  	[timem:s3], [sflag:s2] =	dma.local @!p0 [hbm:s0], s1  }
0x65: {  	s0 =	simm.s32 @!p0 $0x2  }
0x66: {  	_ =	swait.ge @!p0 [sflag:s0], s1  }
0x67: {  	s1 =	ssub.s32 @!p0 $0x0, s1;
	[sflag:s0] =	ssyncset.done @!p0 $0x0  }
0x68: {  	[sflag:s0] =	ssyncadd.s32 @!p0 s1  }
0x69: {  	[bflag:$0x3] =	sbarrier.arrive $0xFFFF  }
0x6a: {  	_ =	shalt  }

</sc_bundles>
